<compile_context>
chip_gen: v7x
topology: tpu7x:2x2x1
jax: 0.10.2.dev20260603
libtpu: 0.0.44.dev20260713+nightly
codegen_flags: <defaults>
</compile_context>

<pallas_src>
import functools

import jax
import jax.numpy as jnp
from jax import lax
from jax.experimental import pallas as pl
from jax.experimental.pallas import tpu as pltpu
from jax.experimental.pallas import tpu_sc as plsc

V, F, P = 4096, 8192, 8192
NW = 32
FPW = F // NW
L = 16

PSC = 1536
PTC = P - PSC

PB = 512
FB = 512
NPB = PTC // PB
NFB = F // FB

PPW = PSC // NW
INT_MAX = 2**31 - 1


def _safe_div(n, d):
    return n / jnp.where(jnp.abs(d) < 1e-12, 1.0, d)


def _tri_sq(px, py, pz, ax, ay, az, bx, by, bz, cx, cy, cz):
    abx = bx - ax
    aby = by - ay
    abz = bz - az
    acx = cx - ax
    acy = cy - ay
    acz = cz - az

    apx = px - ax
    apy = py - ay
    apz = pz - az
    d1 = abx * apx + aby * apy + abz * apz
    d2 = acx * apx + acy * apy + acz * apz
    bpx = px - bx
    bpy = py - by
    bpz = pz - bz
    d3 = abx * bpx + aby * bpy + abz * bpz
    d4 = acx * bpx + acy * bpy + acz * bpz
    cpx = px - cx
    cpy = py - cy
    cpz = pz - cz
    d5 = abx * cpx + aby * cpy + abz * cpz
    d6 = acx * cpx + acy * cpy + acz * cpz

    vc = d1 * d4 - d3 * d2
    vb = d5 * d2 - d1 * d6
    va = d3 * d6 - d5 * d4
    v_ab = _safe_div(d1, d1 - d3)
    w_ac = _safe_div(d2, d2 - d6)
    d43 = d4 - d3
    d56 = d5 - d6
    w_bc = _safe_div(d43, d43 + d56)
    denom = _safe_div(jnp.ones_like(va), va + vb + vc)
    v_in = vb * denom
    w_in = vc * denom

    clx = ax + abx * v_in + acx * w_in
    cly = ay + aby * v_in + acy * w_in
    clz = az + abz * v_in + acz * w_in

    m_bc = (va <= 0) & (d43 >= 0) & (d56 >= 0)
    clx = jnp.where(m_bc, bx + (cx - bx) * w_bc, clx)
    cly = jnp.where(m_bc, by + (cy - by) * w_bc, cly)
    clz = jnp.where(m_bc, bz + (cz - bz) * w_bc, clz)
    m_ac = (vb <= 0) & (d2 >= 0) & (d6 <= 0)
    clx = jnp.where(m_ac, ax + acx * w_ac, clx)
    cly = jnp.where(m_ac, ay + acy * w_ac, cly)
    clz = jnp.where(m_ac, az + acz * w_ac, clz)
    m_ab = (vc <= 0) & (d1 >= 0) & (d3 <= 0)
    clx = jnp.where(m_ab, ax + abx * v_ab, clx)
    cly = jnp.where(m_ab, ay + aby * v_ab, cly)
    clz = jnp.where(m_ab, az + abz * v_ab, clz)
    m_c = (d6 >= 0) & (d5 <= d6)
    clx = jnp.where(m_c, cx, clx)
    cly = jnp.where(m_c, cy, cly)
    clz = jnp.where(m_c, cz, clz)
    m_b = (d3 >= 0) & (d4 <= d3)
    clx = jnp.where(m_b, bx, clx)
    cly = jnp.where(m_b, by, cly)
    clz = jnp.where(m_b, bz, clz)
    m_a = (d1 <= 0) & (d2 <= 0)
    clx = jnp.where(m_a, ax, clx)
    cly = jnp.where(m_a, ay, cly)
    clz = jnp.where(m_a, az, clz)

    dx = px - clx
    dy = py - cly
    dz = pz - clz
    return dx * dx + dy * dy + dz * dz


def _sc_gather_body(verts_hbm, faces_hbm, out_hbm, verts_v, fidx_v, out_v):
    c = lax.axis_index("c")
    s = lax.axis_index("s")
    w = s * 2 + c
    base = w * FPW
    pltpu.sync_copy(verts_hbm, verts_v)
    pltpu.sync_copy(faces_hbm.at[pl.ds(3 * base, 3 * FPW)], fidx_v)
    iota3 = lax.iota(jnp.int32, L) * 3
    for i in range(FPW // L):
        for slot in range(3):
            r = plsc.load_gather(fidx_v, [iota3 + (48 * i + slot)])
            fi = r * 3
            for k in range(3):
                val = plsc.load_gather(verts_v, [fi + k])
                out_v[pl.ds((3 * slot + k) * FPW + i * L, L)] = val
    for row in range(9):
        pltpu.sync_copy(out_v.at[pl.ds(row * FPW, FPW)],
                        out_hbm.at[pl.ds(row * F + base, FPW)])


def _sc_gather(verts_flat, faces_flat):
    mesh = plsc.VectorSubcoreMesh(core_axis_name="c", subcore_axis_name="s")
    fn = pl.kernel(
        _sc_gather_body,
        out_type=jax.ShapeDtypeStruct((9 * F,), jnp.float32),
        mesh=mesh,
        compiler_params=pltpu.CompilerParams(needs_layout_passes=False),
        scratch_types=[
            pltpu.VMEM((3 * V,), jnp.float32),
            pltpu.VMEM((3 * FPW,), jnp.int32),
            pltpu.VMEM((9 * FPW,), jnp.float32),
        ],
    )
    return fn(verts_flat, faces_flat)


def _sc_sweep_body(abc_hbm, pts_hbm, dist_hbm, idx_hbm,
                   abc_v, pts_v, dist_v, idx_v):
    c = lax.axis_index("c")
    s = lax.axis_index("s")
    w = s * 2 + c
    pltpu.sync_copy(abc_hbm, abc_v)
    pltpu.sync_copy(pts_hbm.at[pl.ds(w * PPW * 3, PPW * 3)], pts_v)

    iota3 = lax.iota(jnp.int32, L) * 3

    def point_body(g, _):
        pbase = g * (L * 3)
        px = plsc.load_gather(pts_v, [iota3 + (pbase + 0)])
        py = plsc.load_gather(pts_v, [iota3 + (pbase + 1)])
        pz = plsc.load_gather(pts_v, [iota3 + (pbase + 2)])

        NACC = 4
        rmin0 = tuple(jnp.full((L,), jnp.inf, jnp.float32)
                      for _ in range(NACC))
        ridx0 = tuple(jnp.zeros((L,), jnp.int32) for _ in range(NACC))
        bvec0 = jnp.zeros((L,), jnp.int32)

        def blk_body(fb, carry):
            del fb
            rmins, ridxs, bvec = carry
            rmins = list(rmins)
            ridxs = list(ridxs)
            for j in range(NACC):
                comps = [plsc.load_gather(abc_v, [bvec + (r * F + j)])
                         for r in range(9)]
                sq = _tri_sq(px, py, pz, *comps)
                better = sq < rmins[j]
                rmins[j] = jnp.where(better, sq, rmins[j])
                ridxs[j] = jnp.where(better, bvec + j, ridxs[j])
            return tuple(rmins), tuple(ridxs), bvec + NACC

        rmins, ridxs, _ = lax.fori_loop(0, F // NACC, blk_body,
                                        (rmin0, ridx0, bvec0))

        def merge(m1, i1, m2, i2):
            take2 = (m2 < m1) | ((m2 == m1) & (i2 < i1))
            return jnp.where(take2, m2, m1), jnp.where(take2, i2, i1)

        m01, i01 = merge(rmins[0], ridxs[0], rmins[1], ridxs[1])
        m23, i23 = merge(rmins[2], ridxs[2], rmins[3], ridxs[3])
        rmin, ridx = merge(m01, i01, m23, i23)
        dist_v[pl.ds(g * L, L)] = rmin
        idx_v[pl.ds(g * L, L)] = ridx
        return 0

    lax.fori_loop(0, PPW // L, point_body, 0)

    pltpu.sync_copy(dist_v, dist_hbm.at[pl.ds(w * PPW, PPW)])
    pltpu.sync_copy(idx_v, idx_hbm.at[pl.ds(w * PPW, PPW)])


def _sc_sweep(abc_flat, pts_sc_flat):
    mesh = plsc.VectorSubcoreMesh(core_axis_name="c", subcore_axis_name="s")
    fn = pl.kernel(
        _sc_sweep_body,
        out_type=(jax.ShapeDtypeStruct((PSC,), jnp.float32),
                  jax.ShapeDtypeStruct((PSC,), jnp.int32)),
        mesh=mesh,
        compiler_params=pltpu.CompilerParams(needs_layout_passes=False),
        scratch_types=[
            pltpu.VMEM((9 * F,), jnp.float32),
            pltpu.VMEM((PPW * 3,), jnp.float32),
            pltpu.VMEM((PPW,), jnp.float32),
            pltpu.VMEM((PPW,), jnp.int32),
        ],
    )
    return fn(abc_flat, pts_sc_flat)


def _tc_body(pts_ref, abc_ref, dist_ref, assoc_ref, sum_ref,
             rmin_ref, ridx_ref, acc_ref):
    pi = pl.program_id(0)
    fj = pl.program_id(1)

    @pl.when(fj == 0)
    def _():
        rmin_ref[...] = jnp.full((PB, 1), jnp.inf, jnp.float32)
        ridx_ref[...] = jnp.zeros((PB, 1), jnp.int32)

    pts = pts_ref[...]
    px = pts[:, 0:1]
    py = pts[:, 1:2]
    pz = pts[:, 2:3]

    comps = [abc_ref[r:r + 1, :] for r in range(9)]
    sq = _tri_sq(px, py, pz, *comps)

    bmin = jnp.min(sq, axis=1, keepdims=True)
    lane = lax.broadcasted_iota(jnp.int32, (PB, FB), 1) + fj * FB
    cand = jnp.min(jnp.where(sq == bmin, lane, jnp.int32(INT_MAX)),
                   axis=1, keepdims=True)
    better = bmin < rmin_ref[...]
    rmin_ref[...] = jnp.where(better, bmin, rmin_ref[...])
    ridx_ref[...] = jnp.where(better, cand, ridx_ref[...])

    @pl.when(fj == NFB - 1)
    def _():
        dist_ref[...] = rmin_ref[...]
        assoc_ref[...] = ridx_ref[...]

        @pl.when(pi == 0)
        def _():
            acc_ref[0] = 0.0

        acc_ref[0] += jnp.sum(rmin_ref[...])

        @pl.when(pi == NPB - 1)
        def _():
            sum_ref[0, 0] = acc_ref[0]


def _tc_sweep(points_tc, abc9, interpret=False):
    return pl.pallas_call(
        _tc_body,
        grid=(NPB, NFB),
        in_specs=[
            pl.BlockSpec((PB, 3), lambda i, j: (i, 0)),
            pl.BlockSpec((9, FB), lambda i, j: (0, j)),
        ],
        out_specs=[
            pl.BlockSpec((PB, 1), lambda i, j: (i, 0)),
            pl.BlockSpec((PB, 1), lambda i, j: (i, 0)),
            pl.BlockSpec(memory_space=pltpu.SMEM),
        ],
        out_shape=[
            jax.ShapeDtypeStruct((PTC, 1), jnp.float32),
            jax.ShapeDtypeStruct((PTC, 1), jnp.int32),
            jax.ShapeDtypeStruct((1, 1), jnp.float32),
        ],
        scratch_shapes=[
            pltpu.VMEM((PB, 1), jnp.float32),
            pltpu.VMEM((PB, 1), jnp.int32),
            pltpu.SMEM((1,), jnp.float32),
        ],
        compiler_params=pltpu.CompilerParams(
            dimension_semantics=("arbitrary", "arbitrary"),
        ),
        interpret=interpret,
    )(points_tc, abc9)


def kernel(verts, faces, points):
    abc_flat = _sc_gather(verts.reshape(-1), faces.reshape(-1))
    abc9 = abc_flat.reshape(9, F)
    dist_sc, assoc_sc = _sc_sweep(abc_flat, points[:PSC].reshape(-1))
    dist2, assoc2, sum2 = _tc_sweep(points[PSC:], abc9)
    dist = jnp.concatenate([dist_sc, dist2.reshape(-1)])
    assoc = jnp.concatenate([assoc_sc, assoc2.reshape(-1)])
    loss = (sum2[0, 0] + jnp.sum(dist_sc)) * (1.0 / P)
    return loss, dist, assoc

# --- scband reference (transcript-rebuilt; emitter-appended) ---
"""Pipeline reference for scband-mesh-sdfloss-84705345012280 (READ-ONLY COPY).

The authoritative reference and input builder live on the scoring server;
editing this copy changes nothing except your own understanding.
"""

import jax, jax.numpy as jnp
import numpy as np

V, F, P, CHUNK = 4096, 8192, 8192, 128


def _safe_div(n, d):
    return n / jnp.where(jnp.abs(d) < 1e-12, 1.0, d)


def _tri_sqdist(p, a, b, c):
    # p: [C,1,3]; a,b,c: [1,F,3] -> squared dist [C,F]
    # Ericson 'closest point on triangle' with branchless jnp.where selection.
    ab = b - a
    ac = c - a
    ap = p - a
    d1 = jnp.sum(ab * ap, -1)
    d2 = jnp.sum(ac * ap, -1)
    bp = p - b
    d3 = jnp.sum(ab * bp, -1)
    d4 = jnp.sum(ac * bp, -1)
    cp = p - c
    d5 = jnp.sum(ab * cp, -1)
    d6 = jnp.sum(ac * cp, -1)
    vc = d1 * d4 - d3 * d2
    vb = d5 * d2 - d1 * d6
    va = d3 * d6 - d5 * d4
    v_ab = _safe_div(d1, d1 - d3)
    w_ac = _safe_div(d2, d2 - d6)
    w_bc = _safe_div(d4 - d3, (d4 - d3) + (d5 - d6))
    denom = _safe_div(jnp.ones_like(va), va + vb + vc)
    v_in = vb * denom
    w_in = vc * denom
    cl = a + ab * v_in[..., None] + ac * w_in[..., None]  # interior
    m_bc = (va <= 0) & ((d4 - d3) >= 0) & ((d5 - d6) >= 0)
    cl = jnp.where(m_bc[..., None], b + (c - b) * w_bc[..., None], cl)
    m_ac = (vb <= 0) & (d2 >= 0) & (d6 <= 0)
    cl = jnp.where(m_ac[..., None], a + ac * w_ac[..., None], cl)
    m_ab = (vc <= 0) & (d1 >= 0) & (d3 <= 0)
    cl = jnp.where(m_ab[..., None], a + ab * v_ab[..., None], cl)
    m_c = (d6 >= 0) & (d5 <= d6)
    cl = jnp.where(m_c[..., None], jnp.broadcast_to(c, cl.shape), cl)
    m_b = (d3 >= 0) & (d4 <= d3)
    cl = jnp.where(m_b[..., None], jnp.broadcast_to(b, cl.shape), cl)
    m_a = (d1 <= 0) & (d2 <= 0)
    cl = jnp.where(m_a[..., None], jnp.broadcast_to(a, cl.shape), cl)
    d = p - cl
    return jnp.sum(d * d, -1)


def _mesh_dist(verts, faces, points):
    # gather triangle vertices (SparseCore gather)
    a = jnp.take(verts, faces[:, 0], axis=0)
    b = jnp.take(verts, faces[:, 1], axis=0)
    c = jnp.take(verts, faces[:, 2], axis=0)
    pts = points.reshape(-1, CHUNK, 3)

    def body(pc):
        sq = _tri_sqdist(pc[:, None, :], a[None], b[None], c[None])
        return jnp.min(sq, axis=1), jnp.argmin(sq, axis=1)

    d, assoc = jax.lax.map(body, pts)
    return d.reshape(-1), assoc.reshape(-1)


def setup_inputs(seed: int = 0) -> dict:
    key = jax.random.key(seed)
    k1, k2, k3 = jax.random.split(key, 3)
    verts = jax.random.normal(k1, (V, 3), dtype=jnp.float32)
    faces = jax.random.randint(k2, (F, 3), 0, V)
    points = jax.random.normal(k3, (P, 3), dtype=jnp.float32)
    return {"verts": verts, "faces": faces, "points": points}


def reference(verts, faces, points):
    dist, assoc = _mesh_dist(verts, faces, points)
    loss = jnp.mean(dist)
    return loss, dist, assoc

if __name__ == "__main__":
    import jax
    _d = setup_inputs()
    print(jax.jit(kernel)(*tuple(_d.values())))

</pallas_src>

<mosaic_0001>
#map = affine_map<(d0, d1) -> (0)>
module attributes {stable_mosaic.version = 14 : i64} {
  func.func @_sc_sweep_body(%arg0: i32, %arg1: i32, %arg2: memref<73728xf32, #tpu.memory_space<hbm>>, %arg3: memref<4608xf32, #tpu.memory_space<hbm>>, %arg4: memref<1536xf32, #tpu.memory_space<hbm>>, %arg5: memref<1536xi32, #tpu.memory_space<hbm>>, %arg6: memref<73728xf32, #tpu.memory_space<vmem>>, %arg7: memref<144xf32, #tpu.memory_space<vmem>>, %arg8: memref<48xf32, #tpu.memory_space<vmem>>, %arg9: memref<48xi32, #tpu.memory_space<vmem>>) attributes {dimension_semantics = [#tpu.dimension_semantics<core_parallel>, #tpu.dimension_semantics<subcore_parallel>], iteration_bounds = array<i64: 2, 16>, scalar_prefetch = 0 : i64, scratch_operands = 4 : i64, tpu.core_type = #tpu.core_type<sc_vector_subcore>, window_params = [{transform_indices = #map}, {transform_indices = #map}, {transform_indices = #map}, {transform_indices = #map}]} {
    %mul3A = arith.constant 2 : i32
    %mul3A_0 = arith.muli %arg1, %mul3A : i32
    %add3A = arith.addi %mul3A_0, %arg0 : i32
    "tpu.region"() ({
      %run_scoped3A = tpu.sem_alloc : memref<!tpu.dma_semaphore, #tpu.memory_space<semaphore_mem>>
      tpu.enqueue_dma source(%arg2 : memref<73728xf32, #tpu.memory_space<hbm>>) target(%arg6 : memref<73728xf32, #tpu.memory_space<vmem>>) target_semaphore(%run_scoped3A : memref<!tpu.dma_semaphore, #tpu.memory_space<semaphore_mem>>)
      tpu.wait_dma2 semaphore(%run_scoped3A : memref<!tpu.dma_semaphore, #tpu.memory_space<semaphore_mem>>) src(%arg2 : memref<73728xf32, #tpu.memory_space<hbm>>) dst(%arg6 : memref<73728xf32, #tpu.memory_space<vmem>>)
      tpu.yield
    }) : () -> ()
    %mul3A_1 = arith.constant 48 : i32
    %mul3A_2 = arith.muli %add3A, %mul3A_1 : i32
    %mul3A_3 = arith.constant 3 : i32
    %mul3A_4 = arith.muli %mul3A_2, %mul3A_3 : i32
    "tpu.region"() ({
      %run_scoped3A = tpu.sem_alloc : memref<!tpu.dma_semaphore, #tpu.memory_space<semaphore_mem>>
      %dma_start3A = tpu.memref_slice %arg3[%mul3A_4] : memref<4608xf32, #tpu.memory_space<hbm>> -> memref<144xf32, #tpu.memory_space<hbm>>
      %dma_start3A_18 = tpu.memref_slice %arg3[%mul3A_4] : memref<4608xf32, #tpu.memory_space<hbm>> -> memref<144xf32, #tpu.memory_space<hbm>>
      tpu.enqueue_dma source(%dma_start3A_18 : memref<144xf32, #tpu.memory_space<hbm>>) target(%arg7 : memref<144xf32, #tpu.memory_space<vmem>>) target_semaphore(%run_scoped3A : memref<!tpu.dma_semaphore, #tpu.memory_space<semaphore_mem>>)
      %dma_wait3A = tpu.memref_slice %arg3[%mul3A_4] : memref<4608xf32, #tpu.memory_space<hbm>> -> memref<144xf32, #tpu.memory_space<hbm>>
      %dma_wait3A_19 = tpu.memref_slice %arg3[%mul3A_4] : memref<4608xf32, #tpu.memory_space<hbm>> -> memref<144xf32, #tpu.memory_space<hbm>>
      tpu.wait_dma2 semaphore(%run_scoped3A : memref<!tpu.dma_semaphore, #tpu.memory_space<semaphore_mem>>) src(%dma_wait3A_19 : memref<144xf32, #tpu.memory_space<hbm>>) dst(%arg7 : memref<144xf32, #tpu.memory_space<vmem>>)
      tpu.yield
    }) : () -> ()
    %iota3A = tpu.iota {dimensions = array<i32: 0>} : vector<16xi32>
    %mul3A_5 = arith.constant 3 : i32
    %mul3A_6 = vector.broadcast %mul3A_5 : i32 to vector<16xi32>
    %mul3A_7 = arith.muli %iota3A, %mul3A_6 : vector<16xi32>
    %scan3A = arith.constant 0 : i32
    %scan3A_8 = arith.constant 0 : i32
    %scan3A_9 = arith.constant 3 : i32
    %scan3A_10 = arith.addi %scan3A_8, %scan3A_9 : i32
    %scan3A_11 = arith.constant 1 : i32
    %scan3A_12 = scf.for %scan3A_18 = %scan3A_8 to %scan3A_10 step %scan3A_11 iter_args(%scan3A_19 = %scan3A) -> (i32)  : i32 {
      %mul3A_20 = arith.constant 48 : i32
      %mul3A_21 = arith.muli %scan3A_18, %mul3A_20 : i32
      %add3A_22 = arith.constant 0 : i32
      %add3A_23 = arith.addi %mul3A_21, %add3A_22 : i32
      %add3A_24 = vector.broadcast %add3A_23 : i32 to vector<16xi32>
      %add3A_25 = arith.addi %mul3A_7, %add3A_24 : vector<16xi32>
      %gather3A = tpu.vector_load_idx %arg7[%add3A_25] : memref<144xf32, #tpu.memory_space<vmem>>[vector<16xi32>], vector<16xf32>,
      %add3A_26 = arith.constant 1 : i32
      %add3A_27 = arith.addi %mul3A_21, %add3A_26 : i32
      %add3A_28 = vector.broadcast %add3A_27 : i32 to vector<16xi32>
      %add3A_29 = arith.addi %mul3A_7, %add3A_28 : vector<16xi32>
      %gather3A_30 = tpu.vector_load_idx %arg7[%add3A_29] : memref<144xf32, #tpu.memory_space<vmem>>[vector<16xi32>], vector<16xf32>,
      %add3A_31 = arith.constant 2 : i32
      %add3A_32 = arith.addi %mul3A_21, %add3A_31 : i32
      %add3A_33 = vector.broadcast %add3A_32 : i32 to vector<16xi32>
      %add3A_34 = arith.addi %mul3A_7, %add3A_33 : vector<16xi32>
      %gather3A_35 = tpu.vector_load_idx %arg7[%add3A_34] : memref<144xf32, #tpu.memory_space<vmem>>[vector<16xi32>], vector<16xf32>,
      %broadcast_in_dim3A = arith.constant 0x7F800000 : f32
      %broadcast_in_dim3A_36 = vector.broadcast %broadcast_in_dim3A : f32 to vector<16xf32>
      %broadcast_in_dim3A_37 = arith.constant 0x7F800000 : f32
      %broadcast_in_dim3A_38 = vector.broadcast %broadcast_in_dim3A_37 : f32 to vector<16xf32>
      %broadcast_in_dim3A_39 = arith.constant 0x7F800000 : f32
      %broadcast_in_dim3A_40 = vector.broadcast %broadcast_in_dim3A_39 : f32 to vector<16xf32>
      %broadcast_in_dim3A_41 = arith.constant 0x7F800000 : f32
      %broadcast_in_dim3A_42 = vector.broadcast %broadcast_in_dim3A_41 : f32 to vector<16xf32>
      %broadcast_in_dim3A_43 = arith.constant 0 : i32
      %broadcast_in_dim3A_44 = vector.broadcast %broadcast_in_dim3A_43 : i32 to vector<16xi32>
      %broadcast_in_dim3A_45 = arith.constant 0 : i32
      %broadcast_in_dim3A_46 = vector.broadcast %broadcast_in_dim3A_45 : i32 to vector<16xi32>
      %broadcast_in_dim3A_47 = arith.constant 0 : i32
      %broadcast_in_dim3A_48 = vector.broadcast %broadcast_in_dim3A_47 : i32 to vector<16xi32>
      %broadcast_in_dim3A_49 = arith.constant 0 : i32
      %broadcast_in_dim3A_50 = vector.broadcast %broadcast_in_dim3A_49 : i32 to vector<16xi32>
      %broadcast_in_dim3A_51 = arith.constant 0 : i32
      %broadcast_in_dim3A_52 = vector.broadcast %broadcast_in_dim3A_51 : i32 to vector<16xi32>
      %scan3A_53 = arith.constant 0 : i32
      %scan3A_54 = arith.constant 2048 : i32
      %scan3A_55 = arith.addi %scan3A_53, %scan3A_54 : i32
      %scan3A_56 = arith.constant 1 : i32
      %scan3A_57:9 = scf.for %scan3A_83 = %scan3A_53 to %scan3A_55 step %scan3A_56 iter_args(%scan3A_84 = %broadcast_in_dim3A_36, %scan3A_85 = %broadcast_in_dim3A_38, %scan3A_86 = %broadcast_in_dim3A_40, %scan3A_87 = %broadcast_in_dim3A_42, %scan3A_88 = %broadcast_in_dim3A_44, %scan3A_89 = %broadcast_in_dim3A_46, %scan3A_90 = %broadcast_in_dim3A_48, %scan3A_91 = %broadcast_in_dim3A_50, %scan3A_92 = %broadcast_in_dim3A_52) -> (vector<16xf32>, vector<16xf32>, vector<16xf32>, vector<16xf32>, vector<16xi32>, vector<16xi32>, vector<16xi32>, vector<16xi32>, vector<16xi32>)  : i32 {
        %add3A_93 = arith.constant 0 : i32
        %add3A_94 = vector.broadcast %add3A_93 : i32 to vector<16xi32>
        %add3A_95 = arith.addi %scan3A_92, %add3A_94 : vector<16xi32>
        %gather3A_96 = tpu.vector_load_idx %arg6[%add3A_95] : memref<73728xf32, #tpu.memory_space<vmem>>[vector<16xi32>], vector<16xf32>,
        %add3A_97 = arith.constant 8192 : i32
        %add3A_98 = vector.broadcast %add3A_97 : i32 to vector<16xi32>
        %add3A_99 = arith.addi %scan3A_92, %add3A_98 : vector<16xi32>
        %gather3A_100 = tpu.vector_load_idx %arg6[%add3A_99] : memref<73728xf32, #tpu.memory_space<vmem>>[vector<16xi32>], vector<16xf32>,
        %add3A_101 = arith.constant 16384 : i32
        %add3A_102 = vector.broadcast %add3A_101 : i32 to vector<16xi32>
        %add3A_103 = arith.addi %scan3A_92, %add3A_102 : vector<16xi32>
        %gather3A_104 = tpu.vector_load_idx %arg6[%add3A_103] : memref<73728xf32, #tpu.memory_space<vmem>>[vector<16xi32>], vector<16xf32>,
        %add3A_105 = arith.constant 24576 : i32
        %add3A_106 = vector.broadcast %add3A_105 : i32 to vector<16xi32>
        %add3A_107 = arith.addi %scan3A_92, %add3A_106 : vector<16xi32>
        %gather3A_108 = tpu.vector_load_idx %arg6[%add3A_107] : memref<73728xf32, #tpu.memory_space<vmem>>[vector<16xi32>], vector<16xf32>,
        %add3A_109 = arith.constant 32768 : i32
        %add3A_110 = vector.broadcast %add3A_109 : i32 to vector<16xi32>
        %add3A_111 = arith.addi %scan3A_92, %add3A_110 : vector<16xi32>
        %gather3A_112 = tpu.vector_load_idx %arg6[%add3A_111] : memref<73728xf32, #tpu.memory_space<vmem>>[vector<16xi32>], vector<16xf32>,
        %add3A_113 = arith.constant 40960 : i32
        %add3A_114 = vector.broadcast %add3A_113 : i32 to vector<16xi32>
        %add3A_115 = arith.addi %scan3A_92, %add3A_114 : vector<16xi32>
        %gather3A_116 = tpu.vector_load_idx %arg6[%add3A_115] : memref<73728xf32, #tpu.memory_space<vmem>>[vector<16xi32>], vector<16xf32>,
        %add3A_117 = arith.constant 49152 : i32
        %add3A_118 = vector.broadcast %add3A_117 : i32 to vector<16xi32>
        %add3A_119 = arith.addi %scan3A_92, %add3A_118 : vector<16xi32>
        %gather3A_120 = tpu.vector_load_idx %arg6[%add3A_119] : memref<73728xf32, #tpu.memory_space<vmem>>[vector<16xi32>], vector<16xf32>,
        %add3A_121 = arith.constant 57344 : i32
        %add3A_122 = vector.broadcast %add3A_121 : i32 to vector<16xi32>
        %add3A_123 = arith.addi %scan3A_92, %add3A_122 : vector<16xi32>
        %gather3A_124 = tpu.vector_load_idx %arg6[%add3A_123] : memref<73728xf32, #tpu.memory_space<vmem>>[vector<16xi32>], vector<16xf32>,
        %add3A_125 = arith.constant 65536 : i32
        %add3A_126 = vector.broadcast %add3A_125 : i32 to vector<16xi32>
        %add3A_127 = arith.addi %scan3A_92, %add3A_126 : vector<16xi32>
        %gather3A_128 = tpu.vector_load_idx %arg6[%add3A_127] : memref<73728xf32, #tpu.memory_space<vmem>>[vector<16xi32>], vector<16xf32>,
        %sub3A = arith.subf %gather3A_108, %gather3A_96 : vector<16xf32>
        %sub3A_129 = arith.subf %gather3A_112, %gather3A_100 : vector<16xf32>
        %sub3A_130 = arith.subf %gather3A_116, %gather3A_104 : vector<16xf32>
        %sub3A_131 = arith.subf %gather3A_120, %gather3A_96 : vector<16xf32>
        %sub3A_132 = arith.subf %gather3A_124, %gather3A_100 : vector<16xf32>
        %sub3A_133 = arith.subf %gather3A_128, %gather3A_104 : vector<16xf32>
        %sub3A_134 = arith.subf %gather3A, %gather3A_96 : vector<16xf32>
        %sub3A_135 = arith.subf %gather3A_30, %gather3A_100 : vector<16xf32>
        %sub3A_136 = arith.subf %gather3A_35, %gather3A_104 : vector<16xf32>
        %mul3A_137 = arith.mulf %sub3A, %sub3A_134 : vector<16xf32>
        %mul3A_138 = arith.mulf %sub3A_129, %sub3A_135 : vector<16xf32>
        %add3A_139 = arith.addf %mul3A_137, %mul3A_138 : vector<16xf32>
        %mul3A_140 = arith.mulf %sub3A_130, %sub3A_136 : vector<16xf32>
        %add3A_141 = arith.addf %add3A_139, %mul3A_140 : vector<16xf32>
        %mul3A_142 = arith.mulf %sub3A_131, %sub3A_134 : vector<16xf32>
        %mul3A_143 = arith.mulf %sub3A_132, %sub3A_135 : vector<16xf32>
        %add3A_144 = arith.addf %mul3A_142, %mul3A_143 : vector<16xf32>
        %mul3A_145 = arith.mulf %sub3A_133, %sub3A_136 : vector<16xf32>
        %add3A_146 = arith.addf %add3A_144, %mul3A_145 : vector<16xf32>
        %sub3A_147 = arith.subf %gather3A, %gather3A_108 : vector<16xf32>
        %sub3A_148 = arith.subf %gather3A_30, %gather3A_112 : vector<16xf32>
        %sub3A_149 = arith.subf %gather3A_35, %gather3A_116 : vector<16xf32>
        %mul3A_150 = arith.mulf %sub3A, %sub3A_147 : vector<16xf32>
        %mul3A_151 = arith.mulf %sub3A_129, %sub3A_148 : vector<16xf32>
        %add3A_152 = arith.addf %mul3A_150, %mul3A_151 : vector<16xf32>
        %mul3A_153 = arith.mulf %sub3A_130, %sub3A_149 : vector<16xf32>
        %add3A_154 = arith.addf %add3A_152, %mul3A_153 : vector<16xf32>
        %mul3A_155 = arith.mulf %sub3A_131, %sub3A_147 : vector<16xf32>
        %mul3A_156 = arith.mulf %sub3A_132, %sub3A_148 : vector<16xf32>
        %add3A_157 = arith.addf %mul3A_155, %mul3A_156 : vector<16xf32>
        %mul3A_158 = arith.mulf %sub3A_133, %sub3A_149 : vector<16xf32>
        %add3A_159 = arith.addf %add3A_157, %mul3A_158 : vector<16xf32>
        %sub3A_160 = arith.subf %gather3A, %gather3A_120 : vector<16xf32>
        %sub3A_161 = arith.subf %gather3A_30, %gather3A_124 : vector<16xf32>
        %sub3A_162 = arith.subf %gather3A_35, %gather3A_128 : vector<16xf32>
        %mul3A_163 = arith.mulf %sub3A, %sub3A_160 : vector<16xf32>
        %mul3A_164 = arith.mulf %sub3A_129, %sub3A_161 : vector<16xf32>
        %add3A_165 = arith.addf %mul3A_163, %mul3A_164 : vector<16xf32>
        %mul3A_166 = arith.mulf %sub3A_130, %sub3A_162 : vector<16xf32>
        %add3A_167 = arith.addf %add3A_165, %mul3A_166 : vector<16xf32>
        %mul3A_168 = arith.mulf %sub3A_131, %sub3A_160 : vector<16xf32>
        %mul3A_169 = arith.mulf %sub3A_132, %sub3A_161 : vector<16xf32>
        %add3A_170 = arith.addf %mul3A_168, %mul3A_169 : vector<16xf32>
        %mul3A_171 = arith.mulf %sub3A_133, %sub3A_162 : vector<16xf32>
        %add3A_172 = arith.addf %add3A_170, %mul3A_171 : vector<16xf32>
        %mul3A_173 = arith.mulf %add3A_141, %add3A_159 : vector<16xf32>
        %mul3A_174 = arith.mulf %add3A_154, %add3A_146 : vector<16xf32>
        %sub3A_175 = arith.subf %mul3A_173, %mul3A_174 : vector<16xf32>
        %mul3A_176 = arith.mulf %add3A_167, %add3A_146 : vector<16xf32>
        %mul3A_177 = arith.mulf %add3A_141, %add3A_172 : vector<16xf32>
        %sub3A_178 = arith.subf %mul3A_176, %mul3A_177 : vector<16xf32>
        %mul3A_179 = arith.mulf %add3A_154, %add3A_172 : vector<16xf32>
        %mul3A_180 = arith.mulf %add3A_167, %add3A_159 : vector<16xf32>
        %sub3A_181 = arith.subf %mul3A_179, %mul3A_180 : vector<16xf32>
        %sub3A_182 = arith.subf %add3A_141, %add3A_154 : vector<16xf32>
        %abs3A = math.absf %sub3A_182 : vector<16xf32>
        %lt3A_183 = arith.constant 9.99999996E-13 : f32
        %lt3A_184 = vector.broadcast %lt3A_183 : f32 to vector<16xf32>
        %lt3A_185 = arith.cmpf olt, %abs3A, %lt3A_184 : vector<16xf32>
        %jit3A = arith.constant 1.000000e+00 : f32
        %broadcast_in_dim3A_186 = vector.broadcast %jit3A : f32 to vector<16xf32>
        %select_n3A_187 = arith.select %lt3A_185, %broadcast_in_dim3A_186, %sub3A_182 : vector<16xi1>, vector<16xf32>
        %div3A = arith.divf %add3A_141, %select_n3A_187 : vector<16xf32>
        %sub3A_188 = arith.subf %add3A_146, %add3A_172 : vector<16xf32>
        %abs3A_189 = math.absf %sub3A_188 : vector<16xf32>
        %lt3A_190 = arith.constant 9.99999996E-13 : f32
        %lt3A_191 = vector.broadcast %lt3A_190 : f32 to vector<16xf32>
        %lt3A_192 = arith.cmpf olt, %abs3A_189, %lt3A_191 : vector<16xf32>
        %jit3A_193 = arith.constant 1.000000e+00 : f32
        %broadcast_in_dim3A_194 = vector.broadcast %jit3A_193 : f32 to vector<16xf32>
        %select_n3A_195 = arith.select %lt3A_192, %broadcast_in_dim3A_194, %sub3A_188 : vector<16xi1>, vector<16xf32>
        %div3A_196 = arith.divf %add3A_146, %select_n3A_195 : vector<16xf32>
        %sub3A_197 = arith.subf %add3A_159, %add3A_154 : vector<16xf32>
        %sub3A_198 = arith.subf %add3A_167, %add3A_172 : vector<16xf32>
        %add3A_199 = arith.addf %sub3A_197, %sub3A_198 : vector<16xf32>
        %abs3A_200 = math.absf %add3A_199 : vector<16xf32>
        %lt3A_201 = arith.constant 9.99999996E-13 : f32
        %lt3A_202 = vector.broadcast %lt3A_201 : f32 to vector<16xf32>
        %lt3A_203 = arith.cmpf olt, %abs3A_200, %lt3A_202 : vector<16xf32>
        %jit3A_204 = arith.constant 1.000000e+00 : f32
        %broadcast_in_dim3A_205 = vector.broadcast %jit3A_204 : f32 to vector<16xf32>
        %select_n3A_206 = arith.select %lt3A_203, %broadcast_in_dim3A_205, %add3A_199 : vector<16xi1>, vector<16xf32>
        %div3A_207 = arith.divf %sub3A_197, %select_n3A_206 : vector<16xf32>
        %broadcast_in_dim3A_208 = arith.constant 1.000000e+00 : f32
        %broadcast_in_dim3A_209 = vector.broadcast %broadcast_in_dim3A_208 : f32 to vector<16xf32>
        %add3A_210 = arith.addf %sub3A_181, %sub3A_178 : vector<16xf32>
        %add3A_211 = arith.addf %add3A_210, %sub3A_175 : vector<16xf32>
        %abs3A_212 = math.absf %add3A_211 : vector<16xf32>
        %lt3A_213 = arith.constant 9.99999996E-13 : f32
        %lt3A_214 = vector.broadcast %lt3A_213 : f32 to vector<16xf32>
        %lt3A_215 = arith.cmpf olt, %abs3A_212, %lt3A_214 : vector<16xf32>
        %jit3A_216 = arith.constant 1.000000e+00 : f32
        %broadcast_in_dim3A_217 = vector.broadcast %jit3A_216 : f32 to vector<16xf32>
        %select_n3A_218 = arith.select %lt3A_215, %broadcast_in_dim3A_217, %add3A_211 : vector<16xi1>, vector<16xf32>
        %div3A_219 = arith.divf %broadcast_in_dim3A_209, %select_n3A_218 : vector<16xf32>
        %mul3A_220 = arith.mulf %sub3A_178, %div3A_219 : vector<16xf32>
        %mul3A_221 = arith.mulf %sub3A_175, %div3A_219 : vector<16xf32>
        %mul3A_222 = arith.mulf %sub3A, %mul3A_220 : vector<16xf32>
        %add3A_223 = arith.addf %gather3A_96, %mul3A_222 : vector<16xf32>
        %mul3A_224 = arith.mulf %sub3A_131, %mul3A_221 : vector<16xf32>
        %add3A_225 = arith.addf %add3A_223, %mul3A_224 : vector<16xf32>
        %mul3A_226 = arith.mulf %sub3A_129, %mul3A_220 : vector<16xf32>
        %add3A_227 = arith.addf %gather3A_100, %mul3A_226 : vector<16xf32>
        %mul3A_228 = arith.mulf %sub3A_132, %mul3A_221 : vector<16xf32>
        %add3A_229 = arith.addf %add3A_227, %mul3A_228 : vector<16xf32>
        %mul3A_230 = arith.mulf %sub3A_130, %mul3A_220 : vector<16xf32>
        %add3A_231 = arith.addf %gather3A_104, %mul3A_230 : vector<16xf32>
        %mul3A_232 = arith.mulf %sub3A_133, %mul3A_221 : vector<16xf32>
        %add3A_233 = arith.addf %add3A_231, %mul3A_232 : vector<16xf32>
        %le3A = arith.constant 0.000000e+00 : f32
        %le3A_234 = vector.broadcast %le3A : f32 to vector<16xf32>
        %le3A_235 = arith.cmpf ole, %sub3A_181, %le3A_234 : vector<16xf32>
        %ge3A = arith.constant 0.000000e+00 : f32
        %ge3A_236 = vector.broadcast %ge3A : f32 to vector<16xf32>
        %ge3A_237 = arith.cmpf oge, %sub3A_197, %ge3A_236 : vector<16xf32>
        %and3A_238 = arith.andi %le3A_235, %ge3A_237 : vector<16xi1>
        %ge3A_239 = arith.constant 0.000000e+00 : f32
        %ge3A_240 = vector.broadcast %ge3A_239 : f32 to vector<16xf32>
        %ge3A_241 = arith.cmpf oge, %sub3A_198, %ge3A_240 : vector<16xf32>
        %and3A_242 = arith.andi %and3A_238, %ge3A_241 : vector<16xi1>
        %sub3A_243 = arith.subf %gather3A_120, %gather3A_108 : vector<16xf32>
        %mul3A_244 = arith.mulf %sub3A_243, %div3A_207 : vector<16xf32>
        %add3A_245 = arith.addf %gather3A_108, %mul3A_244 : vector<16xf32>
        %select_n3A_246 = arith.select %and3A_242, %add3A_245, %add3A_225 : vector<16xi1>, vector<16xf32>
        %sub3A_247 = arith.subf %gather3A_124, %gather3A_112 : vector<16xf32>
        %mul3A_248 = arith.mulf %sub3A_247, %div3A_207 : vector<16xf32>
        %add3A_249 = arith.addf %gather3A_112, %mul3A_248 : vector<16xf32>
        %select_n3A_250 = arith.select %and3A_242, %add3A_249, %add3A_229 : vector<16xi1>, vector<16xf32>
        %sub3A_251 = arith.subf %gather3A_128, %gather3A_116 : vector<16xf32>
        %mul3A_252 = arith.mulf %sub3A_251, %div3A_207 : vector<16xf32>
        %add3A_253 = arith.addf %gather3A_116, %mul3A_252 : vector<16xf32>
        %select_n3A_254 = arith.select %and3A_242, %add3A_253, %add3A_233 : vector<16xi1>, vector<16xf32>
        %le3A_255 = arith.constant 0.000000e+00 : f32
        %le3A_256 = vector.broadcast %le3A_255 : f32 to vector<16xf32>
        %le3A_257 = arith.cmpf ole, %sub3A_178, %le3A_256 : vector<16xf32>
        %ge3A_258 = arith.constant 0.000000e+00 : f32
        %ge3A_259 = vector.broadcast %ge3A_258 : f32 to vector<16xf32>
        %ge3A_260 = arith.cmpf oge, %add3A_146, %ge3A_259 : vector<16xf32>
        %and3A_261 = arith.andi %le3A_257, %ge3A_260 : vector<16xi1>
        %le3A_262 = arith.constant 0.000000e+00 : f32
        %le3A_263 = vector.broadcast %le3A_262 : f32 to vector<16xf32>
        %le3A_264 = arith.cmpf ole, %add3A_172, %le3A_263 : vector<16xf32>
        %and3A_265 = arith.andi %and3A_261, %le3A_264 : vector<16xi1>
        %mul3A_266 = arith.mulf %sub3A_131, %div3A_196 : vector<16xf32>
        %add3A_267 = arith.addf %gather3A_96, %mul3A_266 : vector<16xf32>
        %select_n3A_268 = arith.select %and3A_265, %add3A_267, %select_n3A_246 : vector<16xi1>, vector<16xf32>
        %mul3A_269 = arith.mulf %sub3A_132, %div3A_196 : vector<16xf32>
        %add3A_270 = arith.addf %gather3A_100, %mul3A_269 : vector<16xf32>
        %select_n3A_271 = arith.select %and3A_265, %add3A_270, %select_n3A_250 : vector<16xi1>, vector<16xf32>
        %mul3A_272 = arith.mulf %sub3A_133, %div3A_196 : vector<16xf32>
        %add3A_273 = arith.addf %gather3A_104, %mul3A_272 : vector<16xf32>
        %select_n3A_274 = arith.select %and3A_265, %add3A_273, %select_n3A_254 : vector<16xi1>, vector<16xf32>
        %le3A_275 = arith.constant 0.000000e+00 : f32
        %le3A_276 = vector.broadcast %le3A_275 : f32 to vector<16xf32>
        %le3A_277 = arith.cmpf ole, %sub3A_175, %le3A_276 : vector<16xf32>
        %ge3A_278 = arith.constant 0.000000e+00 : f32
        %ge3A_279 = vector.broadcast %ge3A_278 : f32 to vector<16xf32>
        %ge3A_280 = arith.cmpf oge, %add3A_141, %ge3A_279 : vector<16xf32>
        %and3A_281 = arith.andi %le3A_277, %ge3A_280 : vector<16xi1>
        %le3A_282 = arith.constant 0.000000e+00 : f32
        %le3A_283 = vector.broadcast %le3A_282 : f32 to vector<16xf32>
        %le3A_284 = arith.cmpf ole, %add3A_154, %le3A_283 : vector<16xf32>
        %and3A_285 = arith.andi %and3A_281, %le3A_284 : vector<16xi1>
        %mul3A_286 = arith.mulf %sub3A, %div3A : vector<16xf32>
        %add3A_287 = arith.addf %gather3A_96, %mul3A_286 : vector<16xf32>
        %select_n3A_288 = arith.select %and3A_285, %add3A_287, %select_n3A_268 : vector<16xi1>, vector<16xf32>
        %mul3A_289 = arith.mulf %sub3A_129, %div3A : vector<16xf32>
        %add3A_290 = arith.addf %gather3A_100, %mul3A_289 : vector<16xf32>
        %select_n3A_291 = arith.select %and3A_285, %add3A_290, %select_n3A_271 : vector<16xi1>, vector<16xf32>
        %mul3A_292 = arith.mulf %sub3A_130, %div3A : vector<16xf32>
        %add3A_293 = arith.addf %gather3A_104, %mul3A_292 : vector<16xf32>
        %select_n3A_294 = arith.select %and3A_285, %add3A_293, %select_n3A_274 : vector<16xi1>, vector<16xf32>
        %ge3A_295 = arith.constant 0.000000e+00 : f32
        %ge3A_296 = vector.broadcast %ge3A_295 : f32 to vector<16xf32>
        %ge3A_297 = arith.cmpf oge, %add3A_172, %ge3A_296 : vector<16xf32>
        %le3A_298 = arith.cmpf ole, %add3A_167, %add3A_172 : vector<16xf32>
        %and3A_299 = arith.andi %ge3A_297, %le3A_298 : vector<16xi1>
        %select_n3A_300 = arith.select %and3A_299, %gather3A_120, %select_n3A_288 : vector<16xi1>, vector<16xf32>
        %select_n3A_301 = arith.select %and3A_299, %gather3A_124, %select_n3A_291 : vector<16xi1>, vector<16xf32>
        %select_n3A_302 = arith.select %and3A_299, %gather3A_128, %select_n3A_294 : vector<16xi1>, vector<16xf32>
        %ge3A_303 = arith.constant 0.000000e+00 : f32
        %ge3A_304 = vector.broadcast %ge3A_303 : f32 to vector<16xf32>
        %ge3A_305 = arith.cmpf oge, %add3A_154, %ge3A_304 : vector<16xf32>
        %le3A_306 = arith.cmpf ole, %add3A_159, %add3A_154 : vector<16xf32>
        %and3A_307 = arith.andi %ge3A_305, %le3A_306 : vector<16xi1>
        %select_n3A_308 = arith.select %and3A_307, %gather3A_108, %select_n3A_300 : vector<16xi1>, vector<16xf32>
        %select_n3A_309 = arith.select %and3A_307, %gather3A_112, %select_n3A_301 : vector<16xi1>, vector<16xf32>
        %select_n3A_310 = arith.select %and3A_307, %gather3A_116, %select_n3A_302 : vector<16xi1>, vector<16xf32>
        %le3A_311 = arith.constant 0.000000e+00 : f32
        %le3A_312 = vector.broadcast %le3A_311 : f32 to vector<16xf32>
        %le3A_313 = arith.cmpf ole, %add3A_141, %le3A_312 : vector<16xf32>
        %le3A_314 = arith.constant 0.000000e+00 : f32
        %le3A_315 = vector.broadcast %le3A_314 : f32 to vector<16xf32>
        %le3A_316 = arith.cmpf ole, %add3A_146, %le3A_315 : vector<16xf32>
        %and3A_317 = arith.andi %le3A_313, %le3A_316 : vector<16xi1>
        %select_n3A_318 = arith.select %and3A_317, %gather3A_96, %select_n3A_308 : vector<16xi1>, vector<16xf32>
        %select_n3A_319 = arith.select %and3A_317, %gather3A_100, %select_n3A_309 : vector<16xi1>, vector<16xf32>
        %select_n3A_320 = arith.select %and3A_317, %gather3A_104, %select_n3A_310 : vector<16xi1>, vector<16xf32>
        %sub3A_321 = arith.subf %gather3A, %select_n3A_318 : vector<16xf32>
        %sub3A_322 = arith.subf %gather3A_30, %select_n3A_319 : vector<16xf32>
        %sub3A_323 = arith.subf %gather3A_35, %select_n3A_320 : vector<16xf32>
        %mul3A_324 = arith.mulf %sub3A_321, %sub3A_321 : vector<16xf32>
        %mul3A_325 = arith.mulf %sub3A_322, %sub3A_322 : vector<16xf32>
        %add3A_326 = arith.addf %mul3A_324, %mul3A_325 : vector<16xf32>
        %mul3A_327 = arith.mulf %sub3A_323, %sub3A_323 : vector<16xf32>
        %add3A_328 = arith.addf %add3A_326, %mul3A_327 : vector<16xf32>
        %lt3A_329 = arith.cmpf olt, %add3A_328, %scan3A_84 : vector<16xf32>
        %select_n3A_330 = arith.select %lt3A_329, %add3A_328, %scan3A_84 : vector<16xi1>, vector<16xf32>
        %add3A_331 = arith.constant 0 : i32
        %add3A_332 = vector.broadcast %add3A_331 : i32 to vector<16xi32>
        %add3A_333 = arith.addi %scan3A_92, %add3A_332 : vector<16xi32>
        %select_n3A_334 = arith.select %lt3A_329, %add3A_333, %scan3A_88 : vector<16xi1>, vector<16xi32>
        %add3A_335 = arith.constant 1 : i32
        %add3A_336 = vector.broadcast %add3A_335 : i32 to vector<16xi32>
        %add3A_337 = arith.addi %scan3A_92, %add3A_336 : vector<16xi32>
        %gather3A_338 = tpu.vector_load_idx %arg6[%add3A_337] : memref<73728xf32, #tpu.memory_space<vmem>>[vector<16xi32>], vector<16xf32>,
        %add3A_339 = arith.constant 8193 : i32
        %add3A_340 = vector.broadcast %add3A_339 : i32 to vector<16xi32>
        %add3A_341 = arith.addi %scan3A_92, %add3A_340 : vector<16xi32>
        %gather3A_342 = tpu.vector_load_idx %arg6[%add3A_341] : memref<73728xf32, #tpu.memory_space<vmem>>[vector<16xi32>], vector<16xf32>,
        %add3A_343 = arith.constant 16385 : i32
        %add3A_344 = vector.broadcast %add3A_343 : i32 to vector<16xi32>
        %add3A_345 = arith.addi %scan3A_92, %add3A_344 : vector<16xi32>
        %gather3A_346 = tpu.vector_load_idx %arg6[%add3A_345] : memref<73728xf32, #tpu.memory_space<vmem>>[vector<16xi32>], vector<16xf32>,
        %add3A_347 = arith.constant 24577 : i32
        %add3A_348 = vector.broadcast %add3A_347 : i32 to vector<16xi32>
        %add3A_349 = arith.addi %scan3A_92, %add3A_348 : vector<16xi32>
        %gather3A_350 = tpu.vector_load_idx %arg6[%add3A_349] : memref<73728xf32, #tpu.memory_space<vmem>>[vector<16xi32>], vector<16xf32>,
        %add3A_351 = arith.constant 32769 : i32
        %add3A_352 = vector.broadcast %add3A_351 : i32 to vector<16xi32>
        %add3A_353 = arith.addi %scan3A_92, %add3A_352 : vector<16xi32>
        %gather3A_354 = tpu.vector_load_idx %arg6[%add3A_353] : memref<73728xf32, #tpu.memory_space<vmem>>[vector<16xi32>], vector<16xf32>,
        %add3A_355 = arith.constant 40961 : i32
        %add3A_356 = vector.broadcast %add3A_355 : i32 to vector<16xi32>
        %add3A_357 = arith.addi %scan3A_92, %add3A_356 : vector<16xi32>
        %gather3A_358 = tpu.vector_load_idx %arg6[%add3A_357] : memref<73728xf32, #tpu.memory_space<vmem>>[vector<16xi32>], vector<16xf32>,
        %add3A_359 = arith.constant 49153 : i32
        %add3A_360 = vector.broadcast %add3A_359 : i32 to vector<16xi32>
        %add3A_361 = arith.addi %scan3A_92, %add3A_360 : vector<16xi32>
        %gather3A_362 = tpu.vector_load_idx %arg6[%add3A_361] : memref<73728xf32, #tpu.memory_space<vmem>>[vector<16xi32>], vector<16xf32>,
        %add3A_363 = arith.constant 57345 : i32
        %add3A_364 = vector.broadcast %add3A_363 : i32 to vector<16xi32>
        %add3A_365 = arith.addi %scan3A_92, %add3A_364 : vector<16xi32>
        %gather3A_366 = tpu.vector_load_idx %arg6[%add3A_365] : memref<73728xf32, #tpu.memory_space<vmem>>[vector<16xi32>], vector<16xf32>,
        %add3A_367 = arith.constant 65537 : i32
        %add3A_368 = vector.broadcast %add3A_367 : i32 to vector<16xi32>
        %add3A_369 = arith.addi %scan3A_92, %add3A_368 : vector<16xi32>
        %gather3A_370 = tpu.vector_load_idx %arg6[%add3A_369] : memref<73728xf32, #tpu.memory_space<vmem>>[vector<16xi32>], vector<16xf32>,
        %sub3A_371 = arith.subf %gather3A_350, %gather3A_338 : vector<16xf32>
        %sub3A_372 = arith.subf %gather3A_354, %gather3A_342 : vector<16xf32>
        %sub3A_373 = arith.subf %gather3A_358, %gather3A_346 : vector<16xf32>
        %sub3A_374 = arith.subf %gather3A_362, %gather3A_338 : vector<16xf32>
        %sub3A_375 = arith.subf %gather3A_366, %gather3A_342 : vector<16xf32>
        %sub3A_376 = arith.subf %gather3A_370, %gather3A_346 : vector<16xf32>
        %sub3A_377 = arith.subf %gather3A, %gather3A_338 : vector<16xf32>
        %sub3A_378 = arith.subf %gather3A_30, %gather3A_342 : vector<16xf32>
        %sub3A_379 = arith.subf %gather3A_35, %gather3A_346 : vector<16xf32>
        %mul3A_380 = arith.mulf %sub3A_371, %sub3A_377 : vector<16xf32>
        %mul3A_381 = arith.mulf %sub3A_372, %sub3A_378 : vector<16xf32>
        %add3A_382 = arith.addf %mul3A_380, %mul3A_381 : vector<16xf32>
        %mul3A_383 = arith.mulf %sub3A_373, %sub3A_379 : vector<16xf32>
        %add3A_384 = arith.addf %add3A_382, %mul3A_383 : vector<16xf32>
        %mul3A_385 = arith.mulf %sub3A_374, %sub3A_377 : vector<16xf32>
        %mul3A_386 = arith.mulf %sub3A_375, %sub3A_378 : vector<16xf32>
        %add3A_387 = arith.addf %mul3A_385, %mul3A_386 : vector<16xf32>
        %mul3A_388 = arith.mulf %sub3A_376, %sub3A_379 : vector<16xf32>
        %add3A_389 = arith.addf %add3A_387, %mul3A_388 : vector<16xf32>
        %sub3A_390 = arith.subf %gather3A, %gather3A_350 : vector<16xf32>
        %sub3A_391 = arith.subf %gather3A_30, %gather3A_354 : vector<16xf32>
        %sub3A_392 = arith.subf %gather3A_35, %gather3A_358 : vector<16xf32>
        %mul3A_393 = arith.mulf %sub3A_371, %sub3A_390 : vector<16xf32>
        %mul3A_394 = arith.mulf %sub3A_372, %sub3A_391 : vector<16xf32>
        %add3A_395 = arith.addf %mul3A_393, %mul3A_394 : vector<16xf32>
        %mul3A_396 = arith.mulf %sub3A_373, %sub3A_392 : vector<16xf32>
        %add3A_397 = arith.addf %add3A_395, %mul3A_396 : vector<16xf32>
        %mul3A_398 = arith.mulf %sub3A_374, %sub3A_390 : vector<16xf32>
        %mul3A_399 = arith.mulf %sub3A_375, %sub3A_391 : vector<16xf32>
        %add3A_400 = arith.addf %mul3A_398, %mul3A_399 : vector<16xf32>
        %mul3A_401 = arith.mulf %sub3A_376, %sub3A_392 : vector<16xf32>
        %add3A_402 = arith.addf %add3A_400, %mul3A_401 : vector<16xf32>
        %sub3A_403 = arith.subf %gather3A, %gather3A_362 : vector<16xf32>
        %sub3A_404 = arith.subf %gather3A_30, %gather3A_366 : vector<16xf32>
        %sub3A_405 = arith.subf %gather3A_35, %gather3A_370 : vector<16xf32>
        %mul3A_406 = arith.mulf %sub3A_371, %sub3A_403 : vector<16xf32>
        %mul3A_407 = arith.mulf %sub3A_372, %sub3A_404 : vector<16xf32>
        %add3A_408 = arith.addf %mul3A_406, %mul3A_407 : vector<16xf32>
        %mul3A_409 = arith.mulf %sub3A_373, %sub3A_405 : vector<16xf32>
        %add3A_410 = arith.addf %add3A_408, %mul3A_409 : vector<16xf32>
        %mul3A_411 = arith.mulf %sub3A_374, %sub3A_403 : vector<16xf32>
        %mul3A_412 = arith.mulf %sub3A_375, %sub3A_404 : vector<16xf32>
        %add3A_413 = arith.addf %mul3A_411, %mul3A_412 : vector<16xf32>
        %mul3A_414 = arith.mulf %sub3A_376, %sub3A_405 : vector<16xf32>
        %add3A_415 = arith.addf %add3A_413, %mul3A_414 : vector<16xf32>
        %mul3A_416 = arith.mulf %add3A_384, %add3A_402 : vector<16xf32>
        %mul3A_417 = arith.mulf %add3A_397, %add3A_389 : vector<16xf32>
        %sub3A_418 = arith.subf %mul3A_416, %mul3A_417 : vector<16xf32>
        %mul3A_419 = arith.mulf %add3A_410, %add3A_389 : vector<16xf32>
        %mul3A_420 = arith.mulf %add3A_384, %add3A_415 : vector<16xf32>
        %sub3A_421 = arith.subf %mul3A_419, %mul3A_420 : vector<16xf32>
        %mul3A_422 = arith.mulf %add3A_397, %add3A_415 : vector<16xf32>
        %mul3A_423 = arith.mulf %add3A_410, %add3A_402 : vector<16xf32>
        %sub3A_424 = arith.subf %mul3A_422, %mul3A_423 : vector<16xf32>
        %sub3A_425 = arith.subf %add3A_384, %add3A_397 : vector<16xf32>
        %abs3A_426 = math.absf %sub3A_425 : vector<16xf32>
        %lt3A_427 = arith.constant 9.99999996E-13 : f32
        %lt3A_428 = vector.broadcast %lt3A_427 : f32 to vector<16xf32>
        %lt3A_429 = arith.cmpf olt, %abs3A_426, %lt3A_428 : vector<16xf32>
        %jit3A_430 = arith.constant 1.000000e+00 : f32
        %broadcast_in_dim3A_431 = vector.broadcast %jit3A_430 : f32 to vector<16xf32>
        %select_n3A_432 = arith.select %lt3A_429, %broadcast_in_dim3A_431, %sub3A_425 : vector<16xi1>, vector<16xf32>
        %div3A_433 = arith.divf %add3A_384, %select_n3A_432 : vector<16xf32>
        %sub3A_434 = arith.subf %add3A_389, %add3A_415 : vector<16xf32>
        %abs3A_435 = math.absf %sub3A_434 : vector<16xf32>
        %lt3A_436 = arith.constant 9.99999996E-13 : f32
        %lt3A_437 = vector.broadcast %lt3A_436 : f32 to vector<16xf32>
        %lt3A_438 = arith.cmpf olt, %abs3A_435, %lt3A_437 : vector<16xf32>
        %jit3A_439 = arith.constant 1.000000e+00 : f32
        %broadcast_in_dim3A_440 = vector.broadcast %jit3A_439 : f32 to vector<16xf32>
        %select_n3A_441 = arith.select %lt3A_438, %broadcast_in_dim3A_440, %sub3A_434 : vector<16xi1>, vector<16xf32>
        %div3A_442 = arith.divf %add3A_389, %select_n3A_441 : vector<16xf32>
        %sub3A_443 = arith.subf %add3A_402, %add3A_397 : vector<16xf32>
        %sub3A_444 = arith.subf %add3A_410, %add3A_415 : vector<16xf32>
        %add3A_445 = arith.addf %sub3A_443, %sub3A_444 : vector<16xf32>
        %abs3A_446 = math.absf %add3A_445 : vector<16xf32>
        %lt3A_447 = arith.constant 9.99999996E-13 : f32
        %lt3A_448 = vector.broadcast %lt3A_447 : f32 to vector<16xf32>
        %lt3A_449 = arith.cmpf olt, %abs3A_446, %lt3A_448 : vector<16xf32>
        %jit3A_450 = arith.constant 1.000000e+00 : f32
        %broadcast_in_dim3A_451 = vector.broadcast %jit3A_450 : f32 to vector<16xf32>
        %select_n3A_452 = arith.select %lt3A_449, %broadcast_in_dim3A_451, %add3A_445 : vector<16xi1>, vector<16xf32>
        %div3A_453 = arith.divf %sub3A_443, %select_n3A_452 : vector<16xf32>
        %broadcast_in_dim3A_454 = arith.constant 1.000000e+00 : f32
        %broadcast_in_dim3A_455 = vector.broadcast %broadcast_in_dim3A_454 : f32 to vector<16xf32>
        %add3A_456 = arith.addf %sub3A_424, %sub3A_421 : vector<16xf32>
        %add3A_457 = arith.addf %add3A_456, %sub3A_418 : vector<16xf32>
        %abs3A_458 = math.absf %add3A_457 : vector<16xf32>
        %lt3A_459 = arith.constant 9.99999996E-13 : f32
        %lt3A_460 = vector.broadcast %lt3A_459 : f32 to vector<16xf32>
        %lt3A_461 = arith.cmpf olt, %abs3A_458, %lt3A_460 : vector<16xf32>
        %jit3A_462 = arith.constant 1.000000e+00 : f32
        %broadcast_in_dim3A_463 = vector.broadcast %jit3A_462 : f32 to vector<16xf32>
        %select_n3A_464 = arith.select %lt3A_461, %broadcast_in_dim3A_463, %add3A_457 : vector<16xi1>, vector<16xf32>
        %div3A_465 = arith.divf %broadcast_in_dim3A_455, %select_n3A_464 : vector<16xf32>
        %mul3A_466 = arith.mulf %sub3A_421, %div3A_465 : vector<16xf32>
        %mul3A_467 = arith.mulf %sub3A_418, %div3A_465 : vector<16xf32>
        %mul3A_468 = arith.mulf %sub3A_371, %mul3A_466 : vector<16xf32>
        %add3A_469 = arith.addf %gather3A_338, %mul3A_468 : vector<16xf32>
        %mul3A_470 = arith.mulf %sub3A_374, %mul3A_467 : vector<16xf32>
        %add3A_471 = arith.addf %add3A_469, %mul3A_470 : vector<16xf32>
        %mul3A_472 = arith.mulf %sub3A_372, %mul3A_466 : vector<16xf32>
        %add3A_473 = arith.addf %gather3A_342, %mul3A_472 : vector<16xf32>
        %mul3A_474 = arith.mulf %sub3A_375, %mul3A_467 : vector<16xf32>
        %add3A_475 = arith.addf %add3A_473, %mul3A_474 : vector<16xf32>
        %mul3A_476 = arith.mulf %sub3A_373, %mul3A_466 : vector<16xf32>
        %add3A_477 = arith.addf %gather3A_346, %mul3A_476 : vector<16xf32>
        %mul3A_478 = arith.mulf %sub3A_376, %mul3A_467 : vector<16xf32>
        %add3A_479 = arith.addf %add3A_477, %mul3A_478 : vector<16xf32>
        %le3A_480 = arith.constant 0.000000e+00 : f32
        %le3A_481 = vector.broadcast %le3A_480 : f32 to vector<16xf32>
        %le3A_482 = arith.cmpf ole, %sub3A_424, %le3A_481 : vector<16xf32>
        %ge3A_483 = arith.constant 0.000000e+00 : f32
        %ge3A_484 = vector.broadcast %ge3A_483 : f32 to vector<16xf32>
        %ge3A_485 = arith.cmpf oge, %sub3A_443, %ge3A_484 : vector<16xf32>
        %and3A_486 = arith.andi %le3A_482, %ge3A_485 : vector<16xi1>
        %ge3A_487 = arith.constant 0.000000e+00 : f32
        %ge3A_488 = vector.broadcast %ge3A_487 : f32 to vector<16xf32>
        %ge3A_489 = arith.cmpf oge, %sub3A_444, %ge3A_488 : vector<16xf32>
        %and3A_490 = arith.andi %and3A_486, %ge3A_489 : vector<16xi1>
        %sub3A_491 = arith.subf %gather3A_362, %gather3A_350 : vector<16xf32>
        %mul3A_492 = arith.mulf %sub3A_491, %div3A_453 : vector<16xf32>
        %add3A_493 = arith.addf %gather3A_350, %mul3A_492 : vector<16xf32>
        %select_n3A_494 = arith.select %and3A_490, %add3A_493, %add3A_471 : vector<16xi1>, vector<16xf32>
        %sub3A_495 = arith.subf %gather3A_366, %gather3A_354 : vector<16xf32>
        %mul3A_496 = arith.mulf %sub3A_495, %div3A_453 : vector<16xf32>
        %add3A_497 = arith.addf %gather3A_354, %mul3A_496 : vector<16xf32>
        %select_n3A_498 = arith.select %and3A_490, %add3A_497, %add3A_475 : vector<16xi1>, vector<16xf32>
        %sub3A_499 = arith.subf %gather3A_370, %gather3A_358 : vector<16xf32>
        %mul3A_500 = arith.mulf %sub3A_499, %div3A_453 : vector<16xf32>
        %add3A_501 = arith.addf %gather3A_358, %mul3A_500 : vector<16xf32>
        %select_n3A_502 = arith.select %and3A_490, %add3A_501, %add3A_479 : vector<16xi1>, vector<16xf32>
        %le3A_503 = arith.constant 0.000000e+00 : f32
        %le3A_504 = vector.broadcast %le3A_503 : f32 to vector<16xf32>
        %le3A_505 = arith.cmpf ole, %sub3A_421, %le3A_504 : vector<16xf32>
        %ge3A_506 = arith.constant 0.000000e+00 : f32
        %ge3A_507 = vector.broadcast %ge3A_506 : f32 to vector<16xf32>
        %ge3A_508 = arith.cmpf oge, %add3A_389, %ge3A_507 : vector<16xf32>
        %and3A_509 = arith.andi %le3A_505, %ge3A_508 : vector<16xi1>
        %le3A_510 = arith.constant 0.000000e+00 : f32
        %le3A_511 = vector.broadcast %le3A_510 : f32 to vector<16xf32>
        %le3A_512 = arith.cmpf ole, %add3A_415, %le3A_511 : vector<16xf32>
        %and3A_513 = arith.andi %and3A_509, %le3A_512 : vector<16xi1>
        %mul3A_514 = arith.mulf %sub3A_374, %div3A_442 : vector<16xf32>
        %add3A_515 = arith.addf %gather3A_338, %mul3A_514 : vector<16xf32>
        %select_n3A_516 = arith.select %and3A_513, %add3A_515, %select_n3A_494 : vector<16xi1>, vector<16xf32>
        %mul3A_517 = arith.mulf %sub3A_375, %div3A_442 : vector<16xf32>
        %add3A_518 = arith.addf %gather3A_342, %mul3A_517 : vector<16xf32>
        %select_n3A_519 = arith.select %and3A_513, %add3A_518, %select_n3A_498 : vector<16xi1>, vector<16xf32>
        %mul3A_520 = arith.mulf %sub3A_376, %div3A_442 : vector<16xf32>
        %add3A_521 = arith.addf %gather3A_346, %mul3A_520 : vector<16xf32>
        %select_n3A_522 = arith.select %and3A_513, %add3A_521, %select_n3A_502 : vector<16xi1>, vector<16xf32>
        %le3A_523 = arith.constant 0.000000e+00 : f32
        %le3A_524 = vector.broadcast %le3A_523 : f32 to vector<16xf32>
        %le3A_525 = arith.cmpf ole, %sub3A_418, %le3A_524 : vector<16xf32>
        %ge3A_526 = arith.constant 0.000000e+00 : f32
        %ge3A_527 = vector.broadcast %ge3A_526 : f32 to vector<16xf32>
        %ge3A_528 = arith.cmpf oge, %add3A_384, %ge3A_527 : vector<16xf32>
        %and3A_529 = arith.andi %le3A_525, %ge3A_528 : vector<16xi1>
        %le3A_530 = arith.constant 0.000000e+00 : f32
        %le3A_531 = vector.broadcast %le3A_530 : f32 to vector<16xf32>
        %le3A_532 = arith.cmpf ole, %add3A_397, %le3A_531 : vector<16xf32>
        %and3A_533 = arith.andi %and3A_529, %le3A_532 : vector<16xi1>
        %mul3A_534 = arith.mulf %sub3A_371, %div3A_433 : vector<16xf32>
        %add3A_535 = arith.addf %gather3A_338, %mul3A_534 : vector<16xf32>
        %select_n3A_536 = arith.select %and3A_533, %add3A_535, %select_n3A_516 : vector<16xi1>, vector<16xf32>
        %mul3A_537 = arith.mulf %sub3A_372, %div3A_433 : vector<16xf32>
        %add3A_538 = arith.addf %gather3A_342, %mul3A_537 : vector<16xf32>
        %select_n3A_539 = arith.select %and3A_533, %add3A_538, %select_n3A_519 : vector<16xi1>, vector<16xf32>
        %mul3A_540 = arith.mulf %sub3A_373, %div3A_433 : vector<16xf32>
        %add3A_541 = arith.addf %gather3A_346, %mul3A_540 : vector<16xf32>
        %select_n3A_542 = arith.select %and3A_533, %add3A_541, %select_n3A_522 : vector<16xi1>, vector<16xf32>
        %ge3A_543 = arith.constant 0.000000e+00 : f32
        %ge3A_544 = vector.broadcast %ge3A_543 : f32 to vector<16xf32>
        %ge3A_545 = arith.cmpf oge, %add3A_415, %ge3A_544 : vector<16xf32>
        %le3A_546 = arith.cmpf ole, %add3A_410, %add3A_415 : vector<16xf32>
        %and3A_547 = arith.andi %ge3A_545, %le3A_546 : vector<16xi1>
        %select_n3A_548 = arith.select %and3A_547, %gather3A_362, %select_n3A_536 : vector<16xi1>, vector<16xf32>
        %select_n3A_549 = arith.select %and3A_547, %gather3A_366, %select_n3A_539 : vector<16xi1>, vector<16xf32>
        %select_n3A_550 = arith.select %and3A_547, %gather3A_370, %select_n3A_542 : vector<16xi1>, vector<16xf32>
        %ge3A_551 = arith.constant 0.000000e+00 : f32
        %ge3A_552 = vector.broadcast %ge3A_551 : f32 to vector<16xf32>
        %ge3A_553 = arith.cmpf oge, %add3A_397, %ge3A_552 : vector<16xf32>
        %le3A_554 = arith.cmpf ole, %add3A_402, %add3A_397 : vector<16xf32>
        %and3A_555 = arith.andi %ge3A_553, %le3A_554 : vector<16xi1>
        %select_n3A_556 = arith.select %and3A_555, %gather3A_350, %select_n3A_548 : vector<16xi1>, vector<16xf32>
        %select_n3A_557 = arith.select %and3A_555, %gather3A_354, %select_n3A_549 : vector<16xi1>, vector<16xf32>
        %select_n3A_558 = arith.select %and3A_555, %gather3A_358, %select_n3A_550 : vector<16xi1>, vector<16xf32>
        %le3A_559 = arith.constant 0.000000e+00 : f32
        %le3A_560 = vector.broadcast %le3A_559 : f32 to vector<16xf32>
        %le3A_561 = arith.cmpf ole, %add3A_384, %le3A_560 : vector<16xf32>
        %le3A_562 = arith.constant 0.000000e+00 : f32
        %le3A_563 = vector.broadcast %le3A_562 : f32 to vector<16xf32>
        %le3A_564 = arith.cmpf ole, %add3A_389, %le3A_563 : vector<16xf32>
        %and3A_565 = arith.andi %le3A_561, %le3A_564 : vector<16xi1>
        %select_n3A_566 = arith.select %and3A_565, %gather3A_338, %select_n3A_556 : vector<16xi1>, vector<16xf32>
        %select_n3A_567 = arith.select %and3A_565, %gather3A_342, %select_n3A_557 : vector<16xi1>, vector<16xf32>
        %select_n3A_568 = arith.select %and3A_565, %gather3A_346, %select_n3A_558 : vector<16xi1>, vector<16xf32>
        %sub3A_569 = arith.subf %gather3A, %select_n3A_566 : vector<16xf32>
        %sub3A_570 = arith.subf %gather3A_30, %select_n3A_567 : vector<16xf32>
        %sub3A_571 = arith.subf %gather3A_35, %select_n3A_568 : vector<16xf32>
        %mul3A_572 = arith.mulf %sub3A_569, %sub3A_569 : vector<16xf32>
        %mul3A_573 = arith.mulf %sub3A_570, %sub3A_570 : vector<16xf32>
        %add3A_574 = arith.addf %mul3A_572, %mul3A_573 : vector<16xf32>
        %mul3A_575 = arith.mulf %sub3A_571, %sub3A_571 : vector<16xf32>
        %add3A_576 = arith.addf %add3A_574, %mul3A_575 : vector<16xf32>
        %lt3A_577 = arith.cmpf olt, %add3A_576, %scan3A_85 : vector<16xf32>
        %select_n3A_578 = arith.select %lt3A_577, %add3A_576, %scan3A_85 : vector<16xi1>, vector<16xf32>
        %add3A_579 = arith.constant 1 : i32
        %add3A_580 = vector.broadcast %add3A_579 : i32 to vector<16xi32>
        %add3A_581 = arith.addi %scan3A_92, %add3A_580 : vector<16xi32>
        %select_n3A_582 = arith.select %lt3A_577, %add3A_581, %scan3A_89 : vector<16xi1>, vector<16xi32>
        %add3A_583 = arith.constant 2 : i32
        %add3A_584 = vector.broadcast %add3A_583 : i32 to vector<16xi32>
        %add3A_585 = arith.addi %scan3A_92, %add3A_584 : vector<16xi32>
        %gather3A_586 = tpu.vector_load_idx %arg6[%add3A_585] : memref<73728xf32, #tpu.memory_space<vmem>>[vector<16xi32>], vector<16xf32>,
        %add3A_587 = arith.constant 8194 : i32
        %add3A_588 = vector.broadcast %add3A_587 : i32 to vector<16xi32>
        %add3A_589 = arith.addi %scan3A_92, %add3A_588 : vector<16xi32>
        %gather3A_590 = tpu.vector_load_idx %arg6[%add3A_589] : memref<73728xf32, #tpu.memory_space<vmem>>[vector<16xi32>], vector<16xf32>,
        %add3A_591 = arith.constant 16386 : i32
        %add3A_592 = vector.broadcast %add3A_591 : i32 to vector<16xi32>
        %add3A_593 = arith.addi %scan3A_92, %add3A_592 : vector<16xi32>
        %gather3A_594 = tpu.vector_load_idx %arg6[%add3A_593] : memref<73728xf32, #tpu.memory_space<vmem>>[vector<16xi32>], vector<16xf32>,
        %add3A_595 = arith.constant 24578 : i32
        %add3A_596 = vector.broadcast %add3A_595 : i32 to vector<16xi32>
        %add3A_597 = arith.addi %scan3A_92, %add3A_596 : vector<16xi32>
        %gather3A_598 = tpu.vector_load_idx %arg6[%add3A_597] : memref<73728xf32, #tpu.memory_space<vmem>>[vector<16xi32>], vector<16xf32>,
        %add3A_599 = arith.constant 32770 : i32
        %add3A_600 = vector.broadcast %add3A_599 : i32 to vector<16xi32>
        %add3A_601 = arith.addi %scan3A_92, %add3A_600 : vector<16xi32>
        %gather3A_602 = tpu.vector_load_idx %arg6[%add3A_601] : memref<73728xf32, #tpu.memory_space<vmem>>[vector<16xi32>], vector<16xf32>,
        %add3A_603 = arith.constant 40962 : i32
        %add3A_604 = vector.broadcast %add3A_603 : i32 to vector<16xi32>
        %add3A_605 = arith.addi %scan3A_92, %add3A_604 : vector<16xi32>
        %gather3A_606 = tpu.vector_load_idx %arg6[%add3A_605] : memref<73728xf32, #tpu.memory_space<vmem>>[vector<16xi32>], vector<16xf32>,
        %add3A_607 = arith.constant 49154 : i32
        %add3A_608 = vector.broadcast %add3A_607 : i32 to vector<16xi32>
        %add3A_609 = arith.addi %scan3A_92, %add3A_608 : vector<16xi32>
        %gather3A_610 = tpu.vector_load_idx %arg6[%add3A_609] : memref<73728xf32, #tpu.memory_space<vmem>>[vector<16xi32>], vector<16xf32>,
        %add3A_611 = arith.constant 57346 : i32
        %add3A_612 = vector.broadcast %add3A_611 : i32 to vector<16xi32>
        %add3A_613 = arith.addi %scan3A_92, %add3A_612 : vector<16xi32>
        %gather3A_614 = tpu.vector_load_idx %arg6[%add3A_613] : memref<73728xf32, #tpu.memory_space<vmem>>[vector<16xi32>], vector<16xf32>,
        %add3A_615 = arith.constant 65538 : i32
        %add3A_616 = vector.broadcast %add3A_615 : i32 to vector<16xi32>
        %add3A_617 = arith.addi %scan3A_92, %add3A_616 : vector<16xi32>
        %gather3A_618 = tpu.vector_load_idx %arg6[%add3A_617] : memref<73728xf32, #tpu.memory_space<vmem>>[vector<16xi32>], vector<16xf32>,
        %sub3A_619 = arith.subf %gather3A_598, %gather3A_586 : vector<16xf32>
        %sub3A_620 = arith.subf %gather3A_602, %gather3A_590 : vector<16xf32>
        %sub3A_621 = arith.subf %gather3A_606, %gather3A_594 : vector<16xf32>
        %sub3A_622 = arith.subf %gather3A_610, %gather3A_586 : vector<16xf32>
        %sub3A_623 = arith.subf %gather3A_614, %gather3A_590 : vector<16xf32>
        %sub3A_624 = arith.subf %gather3A_618, %gather3A_594 : vector<16xf32>
        %sub3A_625 = arith.subf %gather3A, %gather3A_586 : vector<16xf32>
        %sub3A_626 = arith.subf %gather3A_30, %gather3A_590 : vector<16xf32>
        %sub3A_627 = arith.subf %gather3A_35, %gather3A_594 : vector<16xf32>
        %mul3A_628 = arith.mulf %sub3A_619, %sub3A_625 : vector<16xf32>
        %mul3A_629 = arith.mulf %sub3A_620, %sub3A_626 : vector<16xf32>
        %add3A_630 = arith.addf %mul3A_628, %mul3A_629 : vector<16xf32>
        %mul3A_631 = arith.mulf %sub3A_621, %sub3A_627 : vector<16xf32>
        %add3A_632 = arith.addf %add3A_630, %mul3A_631 : vector<16xf32>
        %mul3A_633 = arith.mulf %sub3A_622, %sub3A_625 : vector<16xf32>
        %mul3A_634 = arith.mulf %sub3A_623, %sub3A_626 : vector<16xf32>
        %add3A_635 = arith.addf %mul3A_633, %mul3A_634 : vector<16xf32>
        %mul3A_636 = arith.mulf %sub3A_624, %sub3A_627 : vector<16xf32>
        %add3A_637 = arith.addf %add3A_635, %mul3A_636 : vector<16xf32>
        %sub3A_638 = arith.subf %gather3A, %gather3A_598 : vector<16xf32>
        %sub3A_639 = arith.subf %gather3A_30, %gather3A_602 : vector<16xf32>
        %sub3A_640 = arith.subf %gather3A_35, %gather3A_606 : vector<16xf32>
        %mul3A_641 = arith.mulf %sub3A_619, %sub3A_638 : vector<16xf32>
        %mul3A_642 = arith.mulf %sub3A_620, %sub3A_639 : vector<16xf32>
        %add3A_643 = arith.addf %mul3A_641, %mul3A_642 : vector<16xf32>
        %mul3A_644 = arith.mulf %sub3A_621, %sub3A_640 : vector<16xf32>
        %add3A_645 = arith.addf %add3A_643, %mul3A_644 : vector<16xf32>
        %mul3A_646 = arith.mulf %sub3A_622, %sub3A_638 : vector<16xf32>
        %mul3A_647 = arith.mulf %sub3A_623, %sub3A_639 : vector<16xf32>
        %add3A_648 = arith.addf %mul3A_646, %mul3A_647 : vector<16xf32>
        %mul3A_649 = arith.mulf %sub3A_624, %sub3A_640 : vector<16xf32>
        %add3A_650 = arith.addf %add3A_648, %mul3A_649 : vector<16xf32>
        %sub3A_651 = arith.subf %gather3A, %gather3A_610 : vector<16xf32>
        %sub3A_652 = arith.subf %gather3A_30, %gather3A_614 : vector<16xf32>
        %sub3A_653 = arith.subf %gather3A_35, %gather3A_618 : vector<16xf32>
        %mul3A_654 = arith.mulf %sub3A_619, %sub3A_651 : vector<16xf32>
        %mul3A_655 = arith.mulf %sub3A_620, %sub3A_652 : vector<16xf32>
        %add3A_656 = arith.addf %mul3A_654, %mul3A_655 : vector<16xf32>
        %mul3A_657 = arith.mulf %sub3A_621, %sub3A_653 : vector<16xf32>
        %add3A_658 = arith.addf %add3A_656, %mul3A_657 : vector<16xf32>
        %mul3A_659 = arith.mulf %sub3A_622, %sub3A_651 : vector<16xf32>
        %mul3A_660 = arith.mulf %sub3A_623, %sub3A_652 : vector<16xf32>
        %add3A_661 = arith.addf %mul3A_659, %mul3A_660 : vector<16xf32>
        %mul3A_662 = arith.mulf %sub3A_624, %sub3A_653 : vector<16xf32>
        %add3A_663 = arith.addf %add3A_661, %mul3A_662 : vector<16xf32>
        %mul3A_664 = arith.mulf %add3A_632, %add3A_650 : vector<16xf32>
        %mul3A_665 = arith.mulf %add3A_645, %add3A_637 : vector<16xf32>
        %sub3A_666 = arith.subf %mul3A_664, %mul3A_665 : vector<16xf32>
        %mul3A_667 = arith.mulf %add3A_658, %add3A_637 : vector<16xf32>
        %mul3A_668 = arith.mulf %add3A_632, %add3A_663 : vector<16xf32>
        %sub3A_669 = arith.subf %mul3A_667, %mul3A_668 : vector<16xf32>
        %mul3A_670 = arith.mulf %add3A_645, %add3A_663 : vector<16xf32>
        %mul3A_671 = arith.mulf %add3A_658, %add3A_650 : vector<16xf32>
        %sub3A_672 = arith.subf %mul3A_670, %mul3A_671 : vector<16xf32>
        %sub3A_673 = arith.subf %add3A_632, %add3A_645 : vector<16xf32>
        %abs3A_674 = math.absf %sub3A_673 : vector<16xf32>
        %lt3A_675 = arith.constant 9.99999996E-13 : f32
        %lt3A_676 = vector.broadcast %lt3A_675 : f32 to vector<16xf32>
        %lt3A_677 = arith.cmpf olt, %abs3A_674, %lt3A_676 : vector<16xf32>
        %jit3A_678 = arith.constant 1.000000e+00 : f32
        %broadcast_in_dim3A_679 = vector.broadcast %jit3A_678 : f32 to vector<16xf32>
        %select_n3A_680 = arith.select %lt3A_677, %broadcast_in_dim3A_679, %sub3A_673 : vector<16xi1>, vector<16xf32>
        %div3A_681 = arith.divf %add3A_632, %select_n3A_680 : vector<16xf32>
        %sub3A_682 = arith.subf %add3A_637, %add3A_663 : vector<16xf32>
        %abs3A_683 = math.absf %sub3A_682 : vector<16xf32>
        %lt3A_684 = arith.constant 9.99999996E-13 : f32
        %lt3A_685 = vector.broadcast %lt3A_684 : f32 to vector<16xf32>
        %lt3A_686 = arith.cmpf olt, %abs3A_683, %lt3A_685 : vector<16xf32>
        %jit3A_687 = arith.constant 1.000000e+00 : f32
        %broadcast_in_dim3A_688 = vector.broadcast %jit3A_687 : f32 to vector<16xf32>
        %select_n3A_689 = arith.select %lt3A_686, %broadcast_in_dim3A_688, %sub3A_682 : vector<16xi1>, vector<16xf32>
        %div3A_690 = arith.divf %add3A_637, %select_n3A_689 : vector<16xf32>
        %sub3A_691 = arith.subf %add3A_650, %add3A_645 : vector<16xf32>
        %sub3A_692 = arith.subf %add3A_658, %add3A_663 : vector<16xf32>
        %add3A_693 = arith.addf %sub3A_691, %sub3A_692 : vector<16xf32>
        %abs3A_694 = math.absf %add3A_693 : vector<16xf32>
        %lt3A_695 = arith.constant 9.99999996E-13 : f32
        %lt3A_696 = vector.broadcast %lt3A_695 : f32 to vector<16xf32>
        %lt3A_697 = arith.cmpf olt, %abs3A_694, %lt3A_696 : vector<16xf32>
        %jit3A_698 = arith.constant 1.000000e+00 : f32
        %broadcast_in_dim3A_699 = vector.broadcast %jit3A_698 : f32 to vector<16xf32>
        %select_n3A_700 = arith.select %lt3A_697, %broadcast_in_dim3A_699, %add3A_693 : vector<16xi1>, vector<16xf32>
        %div3A_701 = arith.divf %sub3A_691, %select_n3A_700 : vector<16xf32>
        %broadcast_in_dim3A_702 = arith.constant 1.000000e+00 : f32
        %broadcast_in_dim3A_703 = vector.broadcast %broadcast_in_dim3A_702 : f32 to vector<16xf32>
        %add3A_704 = arith.addf %sub3A_672, %sub3A_669 : vector<16xf32>
        %add3A_705 = arith.addf %add3A_704, %sub3A_666 : vector<16xf32>
        %abs3A_706 = math.absf %add3A_705 : vector<16xf32>
        %lt3A_707 = arith.constant 9.99999996E-13 : f32
        %lt3A_708 = vector.broadcast %lt3A_707 : f32 to vector<16xf32>
        %lt3A_709 = arith.cmpf olt, %abs3A_706, %lt3A_708 : vector<16xf32>
        %jit3A_710 = arith.constant 1.000000e+00 : f32
        %broadcast_in_dim3A_711 = vector.broadcast %jit3A_710 : f32 to vector<16xf32>
        %select_n3A_712 = arith.select %lt3A_709, %broadcast_in_dim3A_711, %add3A_705 : vector<16xi1>, vector<16xf32>
        %div3A_713 = arith.divf %broadcast_in_dim3A_703, %select_n3A_712 : vector<16xf32>
        %mul3A_714 = arith.mulf %sub3A_669, %div3A_713 : vector<16xf32>
        %mul3A_715 = arith.mulf %sub3A_666, %div3A_713 : vector<16xf32>
        %mul3A_716 = arith.mulf %sub3A_619, %mul3A_714 : vector<16xf32>
        %add3A_717 = arith.addf %gather3A_586, %mul3A_716 : vector<16xf32>
        %mul3A_718 = arith.mulf %sub3A_622, %mul3A_715 : vector<16xf32>
        %add3A_719 = arith.addf %add3A_717, %mul3A_718 : vector<16xf32>
        %mul3A_720 = arith.mulf %sub3A_620, %mul3A_714 : vector<16xf32>
        %add3A_721 = arith.addf %gather3A_590, %mul3A_720 : vector<16xf32>
        %mul3A_722 = arith.mulf %sub3A_623, %mul3A_715 : vector<16xf32>
        %add3A_723 = arith.addf %add3A_721, %mul3A_722 : vector<16xf32>
        %mul3A_724 = arith.mulf %sub3A_621, %mul3A_714 : vector<16xf32>
        %add3A_725 = arith.addf %gather3A_594, %mul3A_724 : vector<16xf32>
        %mul3A_726 = arith.mulf %sub3A_624, %mul3A_715 : vector<16xf32>
        %add3A_727 = arith.addf %add3A_725, %mul3A_726 : vector<16xf32>
        %le3A_728 = arith.constant 0.000000e+00 : f32
        %le3A_729 = vector.broadcast %le3A_728 : f32 to vector<16xf32>
        %le3A_730 = arith.cmpf ole, %sub3A_672, %le3A_729 : vector<16xf32>
        %ge3A_731 = arith.constant 0.000000e+00 : f32
        %ge3A_732 = vector.broadcast %ge3A_731 : f32 to vector<16xf32>
        %ge3A_733 = arith.cmpf oge, %sub3A_691, %ge3A_732 : vector<16xf32>
        %and3A_734 = arith.andi %le3A_730, %ge3A_733 : vector<16xi1>
        %ge3A_735 = arith.constant 0.000000e+00 : f32
        %ge3A_736 = vector.broadcast %ge3A_735 : f32 to vector<16xf32>
        %ge3A_737 = arith.cmpf oge, %sub3A_692, %ge3A_736 : vector<16xf32>
        %and3A_738 = arith.andi %and3A_734, %ge3A_737 : vector<16xi1>
        %sub3A_739 = arith.subf %gather3A_610, %gather3A_598 : vector<16xf32>
        %mul3A_740 = arith.mulf %sub3A_739, %div3A_701 : vector<16xf32>
        %add3A_741 = arith.addf %gather3A_598, %mul3A_740 : vector<16xf32>
        %select_n3A_742 = arith.select %and3A_738, %add3A_741, %add3A_719 : vector<16xi1>, vector<16xf32>
        %sub3A_743 = arith.subf %gather3A_614, %gather3A_602 : vector<16xf32>
        %mul3A_744 = arith.mulf %sub3A_743, %div3A_701 : vector<16xf32>
        %add3A_745 = arith.addf %gather3A_602, %mul3A_744 : vector<16xf32>
        %select_n3A_746 = arith.select %and3A_738, %add3A_745, %add3A_723 : vector<16xi1>, vector<16xf32>
        %sub3A_747 = arith.subf %gather3A_618, %gather3A_606 : vector<16xf32>
        %mul3A_748 = arith.mulf %sub3A_747, %div3A_701 : vector<16xf32>
        %add3A_749 = arith.addf %gather3A_606, %mul3A_748 : vector<16xf32>
        %select_n3A_750 = arith.select %and3A_738, %add3A_749, %add3A_727 : vector<16xi1>, vector<16xf32>
        %le3A_751 = arith.constant 0.000000e+00 : f32
        %le3A_752 = vector.broadcast %le3A_751 : f32 to vector<16xf32>
        %le3A_753 = arith.cmpf ole, %sub3A_669, %le3A_752 : vector<16xf32>
        %ge3A_754 = arith.constant 0.000000e+00 : f32
        %ge3A_755 = vector.broadcast %ge3A_754 : f32 to vector<16xf32>
        %ge3A_756 = arith.cmpf oge, %add3A_637, %ge3A_755 : vector<16xf32>
        %and3A_757 = arith.andi %le3A_753, %ge3A_756 : vector<16xi1>
        %le3A_758 = arith.constant 0.000000e+00 : f32
        %le3A_759 = vector.broadcast %le3A_758 : f32 to vector<16xf32>
        %le3A_760 = arith.cmpf ole, %add3A_663, %le3A_759 : vector<16xf32>
        %and3A_761 = arith.andi %and3A_757, %le3A_760 : vector<16xi1>
        %mul3A_762 = arith.mulf %sub3A_622, %div3A_690 : vector<16xf32>
        %add3A_763 = arith.addf %gather3A_586, %mul3A_762 : vector<16xf32>
        %select_n3A_764 = arith.select %and3A_761, %add3A_763, %select_n3A_742 : vector<16xi1>, vector<16xf32>
        %mul3A_765 = arith.mulf %sub3A_623, %div3A_690 : vector<16xf32>
        %add3A_766 = arith.addf %gather3A_590, %mul3A_765 : vector<16xf32>
        %select_n3A_767 = arith.select %and3A_761, %add3A_766, %select_n3A_746 : vector<16xi1>, vector<16xf32>
        %mul3A_768 = arith.mulf %sub3A_624, %div3A_690 : vector<16xf32>
        %add3A_769 = arith.addf %gather3A_594, %mul3A_768 : vector<16xf32>
        %select_n3A_770 = arith.select %and3A_761, %add3A_769, %select_n3A_750 : vector<16xi1>, vector<16xf32>
        %le3A_771 = arith.constant 0.000000e+00 : f32
        %le3A_772 = vector.broadcast %le3A_771 : f32 to vector<16xf32>
        %le3A_773 = arith.cmpf ole, %sub3A_666, %le3A_772 : vector<16xf32>
        %ge3A_774 = arith.constant 0.000000e+00 : f32
        %ge3A_775 = vector.broadcast %ge3A_774 : f32 to vector<16xf32>
        %ge3A_776 = arith.cmpf oge, %add3A_632, %ge3A_775 : vector<16xf32>
        %and3A_777 = arith.andi %le3A_773, %ge3A_776 : vector<16xi1>
        %le3A_778 = arith.constant 0.000000e+00 : f32
        %le3A_779 = vector.broadcast %le3A_778 : f32 to vector<16xf32>
        %le3A_780 = arith.cmpf ole, %add3A_645, %le3A_779 : vector<16xf32>
        %and3A_781 = arith.andi %and3A_777, %le3A_780 : vector<16xi1>
        %mul3A_782 = arith.mulf %sub3A_619, %div3A_681 : vector<16xf32>
        %add3A_783 = arith.addf %gather3A_586, %mul3A_782 : vector<16xf32>
        %select_n3A_784 = arith.select %and3A_781, %add3A_783, %select_n3A_764 : vector<16xi1>, vector<16xf32>
        %mul3A_785 = arith.mulf %sub3A_620, %div3A_681 : vector<16xf32>
        %add3A_786 = arith.addf %gather3A_590, %mul3A_785 : vector<16xf32>
        %select_n3A_787 = arith.select %and3A_781, %add3A_786, %select_n3A_767 : vector<16xi1>, vector<16xf32>
        %mul3A_788 = arith.mulf %sub3A_621, %div3A_681 : vector<16xf32>
        %add3A_789 = arith.addf %gather3A_594, %mul3A_788 : vector<16xf32>
        %select_n3A_790 = arith.select %and3A_781, %add3A_789, %select_n3A_770 : vector<16xi1>, vector<16xf32>
        %ge3A_791 = arith.constant 0.000000e+00 : f32
        %ge3A_792 = vector.broadcast %ge3A_791 : f32 to vector<16xf32>
        %ge3A_793 = arith.cmpf oge, %add3A_663, %ge3A_792 : vector<16xf32>
        %le3A_794 = arith.cmpf ole, %add3A_658, %add3A_663 : vector<16xf32>
        %and3A_795 = arith.andi %ge3A_793, %le3A_794 : vector<16xi1>
        %select_n3A_796 = arith.select %and3A_795, %gather3A_610, %select_n3A_784 : vector<16xi1>, vector<16xf32>
        %select_n3A_797 = arith.select %and3A_795, %gather3A_614, %select_n3A_787 : vector<16xi1>, vector<16xf32>
        %select_n3A_798 = arith.select %and3A_795, %gather3A_618, %select_n3A_790 : vector<16xi1>, vector<16xf32>
        %ge3A_799 = arith.constant 0.000000e+00 : f32
        %ge3A_800 = vector.broadcast %ge3A_799 : f32 to vector<16xf32>
        %ge3A_801 = arith.cmpf oge, %add3A_645, %ge3A_800 : vector<16xf32>
        %le3A_802 = arith.cmpf ole, %add3A_650, %add3A_645 : vector<16xf32>
        %and3A_803 = arith.andi %ge3A_801, %le3A_802 : vector<16xi1>
        %select_n3A_804 = arith.select %and3A_803, %gather3A_598, %select_n3A_796 : vector<16xi1>, vector<16xf32>
        %select_n3A_805 = arith.select %and3A_803, %gather3A_602, %select_n3A_797 : vector<16xi1>, vector<16xf32>
        %select_n3A_806 = arith.select %and3A_803, %gather3A_606, %select_n3A_798 : vector<16xi1>, vector<16xf32>
        %le3A_807 = arith.constant 0.000000e+00 : f32
        %le3A_808 = vector.broadcast %le3A_807 : f32 to vector<16xf32>
        %le3A_809 = arith.cmpf ole, %add3A_632, %le3A_808 : vector<16xf32>
        %le3A_810 = arith.constant 0.000000e+00 : f32
        %le3A_811 = vector.broadcast %le3A_810 : f32 to vector<16xf32>
        %le3A_812 = arith.cmpf ole, %add3A_637, %le3A_811 : vector<16xf32>
        %and3A_813 = arith.andi %le3A_809, %le3A_812 : vector<16xi1>
        %select_n3A_814 = arith.select %and3A_813, %gather3A_586, %select_n3A_804 : vector<16xi1>, vector<16xf32>
        %select_n3A_815 = arith.select %and3A_813, %gather3A_590, %select_n3A_805 : vector<16xi1>, vector<16xf32>
        %select_n3A_816 = arith.select %and3A_813, %gather3A_594, %select_n3A_806 : vector<16xi1>, vector<16xf32>
        %sub3A_817 = arith.subf %gather3A, %select_n3A_814 : vector<16xf32>
        %sub3A_818 = arith.subf %gather3A_30, %select_n3A_815 : vector<16xf32>
        %sub3A_819 = arith.subf %gather3A_35, %select_n3A_816 : vector<16xf32>
        %mul3A_820 = arith.mulf %sub3A_817, %sub3A_817 : vector<16xf32>
        %mul3A_821 = arith.mulf %sub3A_818, %sub3A_818 : vector<16xf32>
        %add3A_822 = arith.addf %mul3A_820, %mul3A_821 : vector<16xf32>
        %mul3A_823 = arith.mulf %sub3A_819, %sub3A_819 : vector<16xf32>
        %add3A_824 = arith.addf %add3A_822, %mul3A_823 : vector<16xf32>
        %lt3A_825 = arith.cmpf olt, %add3A_824, %scan3A_86 : vector<16xf32>
        %select_n3A_826 = arith.select %lt3A_825, %add3A_824, %scan3A_86 : vector<16xi1>, vector<16xf32>
        %add3A_827 = arith.constant 2 : i32
        %add3A_828 = vector.broadcast %add3A_827 : i32 to vector<16xi32>
        %add3A_829 = arith.addi %scan3A_92, %add3A_828 : vector<16xi32>
        %select_n3A_830 = arith.select %lt3A_825, %add3A_829, %scan3A_90 : vector<16xi1>, vector<16xi32>
        %add3A_831 = arith.constant 3 : i32
        %add3A_832 = vector.broadcast %add3A_831 : i32 to vector<16xi32>
        %add3A_833 = arith.addi %scan3A_92, %add3A_832 : vector<16xi32>
        %gather3A_834 = tpu.vector_load_idx %arg6[%add3A_833] : memref<73728xf32, #tpu.memory_space<vmem>>[vector<16xi32>], vector<16xf32>,
        %add3A_835 = arith.constant 8195 : i32
        %add3A_836 = vector.broadcast %add3A_835 : i32 to vector<16xi32>
        %add3A_837 = arith.addi %scan3A_92, %add3A_836 : vector<16xi32>
        %gather3A_838 = tpu.vector_load_idx %arg6[%add3A_837] : memref<73728xf32, #tpu.memory_space<vmem>>[vector<16xi32>], vector<16xf32>,
        %add3A_839 = arith.constant 16387 : i32
        %add3A_840 = vector.broadcast %add3A_839 : i32 to vector<16xi32>
        %add3A_841 = arith.addi %scan3A_92, %add3A_840 : vector<16xi32>
        %gather3A_842 = tpu.vector_load_idx %arg6[%add3A_841] : memref<73728xf32, #tpu.memory_space<vmem>>[vector<16xi32>], vector<16xf32>,
        %add3A_843 = arith.constant 24579 : i32
        %add3A_844 = vector.broadcast %add3A_843 : i32 to vector<16xi32>
        %add3A_845 = arith.addi %scan3A_92, %add3A_844 : vector<16xi32>
        %gather3A_846 = tpu.vector_load_idx %arg6[%add3A_845] : memref<73728xf32, #tpu.memory_space<vmem>>[vector<16xi32>], vector<16xf32>,
        %add3A_847 = arith.constant 32771 : i32
        %add3A_848 = vector.broadcast %add3A_847 : i32 to vector<16xi32>
        %add3A_849 = arith.addi %scan3A_92, %add3A_848 : vector<16xi32>
        %gather3A_850 = tpu.vector_load_idx %arg6[%add3A_849] : memref<73728xf32, #tpu.memory_space<vmem>>[vector<16xi32>], vector<16xf32>,
        %add3A_851 = arith.constant 40963 : i32
        %add3A_852 = vector.broadcast %add3A_851 : i32 to vector<16xi32>
        %add3A_853 = arith.addi %scan3A_92, %add3A_852 : vector<16xi32>
        %gather3A_854 = tpu.vector_load_idx %arg6[%add3A_853] : memref<73728xf32, #tpu.memory_space<vmem>>[vector<16xi32>], vector<16xf32>,
        %add3A_855 = arith.constant 49155 : i32
        %add3A_856 = vector.broadcast %add3A_855 : i32 to vector<16xi32>
        %add3A_857 = arith.addi %scan3A_92, %add3A_856 : vector<16xi32>
        %gather3A_858 = tpu.vector_load_idx %arg6[%add3A_857] : memref<73728xf32, #tpu.memory_space<vmem>>[vector<16xi32>], vector<16xf32>,
        %add3A_859 = arith.constant 57347 : i32
        %add3A_860 = vector.broadcast %add3A_859 : i32 to vector<16xi32>
        %add3A_861 = arith.addi %scan3A_92, %add3A_860 : vector<16xi32>
        %gather3A_862 = tpu.vector_load_idx %arg6[%add3A_861] : memref<73728xf32, #tpu.memory_space<vmem>>[vector<16xi32>], vector<16xf32>,
        %add3A_863 = arith.constant 65539 : i32
        %add3A_864 = vector.broadcast %add3A_863 : i32 to vector<16xi32>
        %add3A_865 = arith.addi %scan3A_92, %add3A_864 : vector<16xi32>
        %gather3A_866 = tpu.vector_load_idx %arg6[%add3A_865] : memref<73728xf32, #tpu.memory_space<vmem>>[vector<16xi32>], vector<16xf32>,
        %sub3A_867 = arith.subf %gather3A_846, %gather3A_834 : vector<16xf32>
        %sub3A_868 = arith.subf %gather3A_850, %gather3A_838 : vector<16xf32>
        %sub3A_869 = arith.subf %gather3A_854, %gather3A_842 : vector<16xf32>
        %sub3A_870 = arith.subf %gather3A_858, %gather3A_834 : vector<16xf32>
        %sub3A_871 = arith.subf %gather3A_862, %gather3A_838 : vector<16xf32>
        %sub3A_872 = arith.subf %gather3A_866, %gather3A_842 : vector<16xf32>
        %sub3A_873 = arith.subf %gather3A, %gather3A_834 : vector<16xf32>
        %sub3A_874 = arith.subf %gather3A_30, %gather3A_838 : vector<16xf32>
        %sub3A_875 = arith.subf %gather3A_35, %gather3A_842 : vector<16xf32>
        %mul3A_876 = arith.mulf %sub3A_867, %sub3A_873 : vector<16xf32>
        %mul3A_877 = arith.mulf %sub3A_868, %sub3A_874 : vector<16xf32>
        %add3A_878 = arith.addf %mul3A_876, %mul3A_877 : vector<16xf32>
        %mul3A_879 = arith.mulf %sub3A_869, %sub3A_875 : vector<16xf32>
        %add3A_880 = arith.addf %add3A_878, %mul3A_879 : vector<16xf32>
        %mul3A_881 = arith.mulf %sub3A_870, %sub3A_873 : vector<16xf32>
        %mul3A_882 = arith.mulf %sub3A_871, %sub3A_874 : vector<16xf32>
        %add3A_883 = arith.addf %mul3A_881, %mul3A_882 : vector<16xf32>
        %mul3A_884 = arith.mulf %sub3A_872, %sub3A_875 : vector<16xf32>
        %add3A_885 = arith.addf %add3A_883, %mul3A_884 : vector<16xf32>
        %sub3A_886 = arith.subf %gather3A, %gather3A_846 : vector<16xf32>
        %sub3A_887 = arith.subf %gather3A_30, %gather3A_850 : vector<16xf32>
        %sub3A_888 = arith.subf %gather3A_35, %gather3A_854 : vector<16xf32>
        %mul3A_889 = arith.mulf %sub3A_867, %sub3A_886 : vector<16xf32>
        %mul3A_890 = arith.mulf %sub3A_868, %sub3A_887 : vector<16xf32>
        %add3A_891 = arith.addf %mul3A_889, %mul3A_890 : vector<16xf32>
        %mul3A_892 = arith.mulf %sub3A_869, %sub3A_888 : vector<16xf32>
        %add3A_893 = arith.addf %add3A_891, %mul3A_892 : vector<16xf32>
        %mul3A_894 = arith.mulf %sub3A_870, %sub3A_886 : vector<16xf32>
        %mul3A_895 = arith.mulf %sub3A_871, %sub3A_887 : vector<16xf32>
        %add3A_896 = arith.addf %mul3A_894, %mul3A_895 : vector<16xf32>
        %mul3A_897 = arith.mulf %sub3A_872, %sub3A_888 : vector<16xf32>
        %add3A_898 = arith.addf %add3A_896, %mul3A_897 : vector<16xf32>
        %sub3A_899 = arith.subf %gather3A, %gather3A_858 : vector<16xf32>
        %sub3A_900 = arith.subf %gather3A_30, %gather3A_862 : vector<16xf32>
        %sub3A_901 = arith.subf %gather3A_35, %gather3A_866 : vector<16xf32>
        %mul3A_902 = arith.mulf %sub3A_867, %sub3A_899 : vector<16xf32>
        %mul3A_903 = arith.mulf %sub3A_868, %sub3A_900 : vector<16xf32>
        %add3A_904 = arith.addf %mul3A_902, %mul3A_903 : vector<16xf32>
        %mul3A_905 = arith.mulf %sub3A_869, %sub3A_901 : vector<16xf32>
        %add3A_906 = arith.addf %add3A_904, %mul3A_905 : vector<16xf32>
        %mul3A_907 = arith.mulf %sub3A_870, %sub3A_899 : vector<16xf32>
        %mul3A_908 = arith.mulf %sub3A_871, %sub3A_900 : vector<16xf32>
        %add3A_909 = arith.addf %mul3A_907, %mul3A_908 : vector<16xf32>
        %mul3A_910 = arith.mulf %sub3A_872, %sub3A_901 : vector<16xf32>
        %add3A_911 = arith.addf %add3A_909, %mul3A_910 : vector<16xf32>
        %mul3A_912 = arith.mulf %add3A_880, %add3A_898 : vector<16xf32>
        %mul3A_913 = arith.mulf %add3A_893, %add3A_885 : vector<16xf32>
        %sub3A_914 = arith.subf %mul3A_912, %mul3A_913 : vector<16xf32>
        %mul3A_915 = arith.mulf %add3A_906, %add3A_885 : vector<16xf32>
        %mul3A_916 = arith.mulf %add3A_880, %add3A_911 : vector<16xf32>
        %sub3A_917 = arith.subf %mul3A_915, %mul3A_916 : vector<16xf32>
        %mul3A_918 = arith.mulf %add3A_893, %add3A_911 : vector<16xf32>
        %mul3A_919 = arith.mulf %add3A_906, %add3A_898 : vector<16xf32>
        %sub3A_920 = arith.subf %mul3A_918, %mul3A_919 : vector<16xf32>
        %sub3A_921 = arith.subf %add3A_880, %add3A_893 : vector<16xf32>
        %abs3A_922 = math.absf %sub3A_921 : vector<16xf32>
        %lt3A_923 = arith.constant 9.99999996E-13 : f32
        %lt3A_924 = vector.broadcast %lt3A_923 : f32 to vector<16xf32>
        %lt3A_925 = arith.cmpf olt, %abs3A_922, %lt3A_924 : vector<16xf32>
        %jit3A_926 = arith.constant 1.000000e+00 : f32
        %broadcast_in_dim3A_927 = vector.broadcast %jit3A_926 : f32 to vector<16xf32>
        %select_n3A_928 = arith.select %lt3A_925, %broadcast_in_dim3A_927, %sub3A_921 : vector<16xi1>, vector<16xf32>
        %div3A_929 = arith.divf %add3A_880, %select_n3A_928 : vector<16xf32>
        %sub3A_930 = arith.subf %add3A_885, %add3A_911 : vector<16xf32>
        %abs3A_931 = math.absf %sub3A_930 : vector<16xf32>
        %lt3A_932 = arith.constant 9.99999996E-13 : f32
        %lt3A_933 = vector.broadcast %lt3A_932 : f32 to vector<16xf32>
        %lt3A_934 = arith.cmpf olt, %abs3A_931, %lt3A_933 : vector<16xf32>
        %jit3A_935 = arith.constant 1.000000e+00 : f32
        %broadcast_in_dim3A_936 = vector.broadcast %jit3A_935 : f32 to vector<16xf32>
        %select_n3A_937 = arith.select %lt3A_934, %broadcast_in_dim3A_936, %sub3A_930 : vector<16xi1>, vector<16xf32>
        %div3A_938 = arith.divf %add3A_885, %select_n3A_937 : vector<16xf32>
        %sub3A_939 = arith.subf %add3A_898, %add3A_893 : vector<16xf32>
        %sub3A_940 = arith.subf %add3A_906, %add3A_911 : vector<16xf32>
        %add3A_941 = arith.addf %sub3A_939, %sub3A_940 : vector<16xf32>
        %abs3A_942 = math.absf %add3A_941 : vector<16xf32>
        %lt3A_943 = arith.constant 9.99999996E-13 : f32
        %lt3A_944 = vector.broadcast %lt3A_943 : f32 to vector<16xf32>
        %lt3A_945 = arith.cmpf olt, %abs3A_942, %lt3A_944 : vector<16xf32>
        %jit3A_946 = arith.constant 1.000000e+00 : f32
        %broadcast_in_dim3A_947 = vector.broadcast %jit3A_946 : f32 to vector<16xf32>
        %select_n3A_948 = arith.select %lt3A_945, %broadcast_in_dim3A_947, %add3A_941 : vector<16xi1>, vector<16xf32>
        %div3A_949 = arith.divf %sub3A_939, %select_n3A_948 : vector<16xf32>
        %broadcast_in_dim3A_950 = arith.constant 1.000000e+00 : f32
        %broadcast_in_dim3A_951 = vector.broadcast %broadcast_in_dim3A_950 : f32 to vector<16xf32>
        %add3A_952 = arith.addf %sub3A_920, %sub3A_917 : vector<16xf32>
        %add3A_953 = arith.addf %add3A_952, %sub3A_914 : vector<16xf32>
        %abs3A_954 = math.absf %add3A_953 : vector<16xf32>
        %lt3A_955 = arith.constant 9.99999996E-13 : f32
        %lt3A_956 = vector.broadcast %lt3A_955 : f32 to vector<16xf32>
        %lt3A_957 = arith.cmpf olt, %abs3A_954, %lt3A_956 : vector<16xf32>
        %jit3A_958 = arith.constant 1.000000e+00 : f32
        %broadcast_in_dim3A_959 = vector.broadcast %jit3A_958 : f32 to vector<16xf32>
        %select_n3A_960 = arith.select %lt3A_957, %broadcast_in_dim3A_959, %add3A_953 : vector<16xi1>, vector<16xf32>
        %div3A_961 = arith.divf %broadcast_in_dim3A_951, %select_n3A_960 : vector<16xf32>
        %mul3A_962 = arith.mulf %sub3A_917, %div3A_961 : vector<16xf32>
        %mul3A_963 = arith.mulf %sub3A_914, %div3A_961 : vector<16xf32>
        %mul3A_964 = arith.mulf %sub3A_867, %mul3A_962 : vector<16xf32>
        %add3A_965 = arith.addf %gather3A_834, %mul3A_964 : vector<16xf32>
        %mul3A_966 = arith.mulf %sub3A_870, %mul3A_963 : vector<16xf32>
        %add3A_967 = arith.addf %add3A_965, %mul3A_966 : vector<16xf32>
        %mul3A_968 = arith.mulf %sub3A_868, %mul3A_962 : vector<16xf32>
        %add3A_969 = arith.addf %gather3A_838, %mul3A_968 : vector<16xf32>
        %mul3A_970 = arith.mulf %sub3A_871, %mul3A_963 : vector<16xf32>
        %add3A_971 = arith.addf %add3A_969, %mul3A_970 : vector<16xf32>
        %mul3A_972 = arith.mulf %sub3A_869, %mul3A_962 : vector<16xf32>
        %add3A_973 = arith.addf %gather3A_842, %mul3A_972 : vector<16xf32>
        %mul3A_974 = arith.mulf %sub3A_872, %mul3A_963 : vector<16xf32>
        %add3A_975 = arith.addf %add3A_973, %mul3A_974 : vector<16xf32>
        %le3A_976 = arith.constant 0.000000e+00 : f32
        %le3A_977 = vector.broadcast %le3A_976 : f32 to vector<16xf32>
        %le3A_978 = arith.cmpf ole, %sub3A_920, %le3A_977 : vector<16xf32>
        %ge3A_979 = arith.constant 0.000000e+00 : f32
        %ge3A_980 = vector.broadcast %ge3A_979 : f32 to vector<16xf32>
        %ge3A_981 = arith.cmpf oge, %sub3A_939, %ge3A_980 : vector<16xf32>
        %and3A_982 = arith.andi %le3A_978, %ge3A_981 : vector<16xi1>
        %ge3A_983 = arith.constant 0.000000e+00 : f32
        %ge3A_984 = vector.broadcast %ge3A_983 : f32 to vector<16xf32>
        %ge3A_985 = arith.cmpf oge, %sub3A_940, %ge3A_984 : vector<16xf32>
        %and3A_986 = arith.andi %and3A_982, %ge3A_985 : vector<16xi1>
        %sub3A_987 = arith.subf %gather3A_858, %gather3A_846 : vector<16xf32>
        %mul3A_988 = arith.mulf %sub3A_987, %div3A_949 : vector<16xf32>
        %add3A_989 = arith.addf %gather3A_846, %mul3A_988 : vector<16xf32>
        %select_n3A_990 = arith.select %and3A_986, %add3A_989, %add3A_967 : vector<16xi1>, vector<16xf32>
        %sub3A_991 = arith.subf %gather3A_862, %gather3A_850 : vector<16xf32>
        %mul3A_992 = arith.mulf %sub3A_991, %div3A_949 : vector<16xf32>
        %add3A_993 = arith.addf %gather3A_850, %mul3A_992 : vector<16xf32>
        %select_n3A_994 = arith.select %and3A_986, %add3A_993, %add3A_971 : vector<16xi1>, vector<16xf32>
        %sub3A_995 = arith.subf %gather3A_866, %gather3A_854 : vector<16xf32>
        %mul3A_996 = arith.mulf %sub3A_995, %div3A_949 : vector<16xf32>
        %add3A_997 = arith.addf %gather3A_854, %mul3A_996 : vector<16xf32>
        %select_n3A_998 = arith.select %and3A_986, %add3A_997, %add3A_975 : vector<16xi1>, vector<16xf32>
        %le3A_999 = arith.constant 0.000000e+00 : f32
        %le3A_1000 = vector.broadcast %le3A_999 : f32 to vector<16xf32>
        %le3A_1001 = arith.cmpf ole, %sub3A_917, %le3A_1000 : vector<16xf32>
        %ge3A_1002 = arith.constant 0.000000e+00 : f32
        %ge3A_1003 = vector.broadcast %ge3A_1002 : f32 to vector<16xf32>
        %ge3A_1004 = arith.cmpf oge, %add3A_885, %ge3A_1003 : vector<16xf32>
        %and3A_1005 = arith.andi %le3A_1001, %ge3A_1004 : vector<16xi1>
        %le3A_1006 = arith.constant 0.000000e+00 : f32
        %le3A_1007 = vector.broadcast %le3A_1006 : f32 to vector<16xf32>
        %le3A_1008 = arith.cmpf ole, %add3A_911, %le3A_1007 : vector<16xf32>
        %and3A_1009 = arith.andi %and3A_1005, %le3A_1008 : vector<16xi1>
        %mul3A_1010 = arith.mulf %sub3A_870, %div3A_938 : vector<16xf32>
        %add3A_1011 = arith.addf %gather3A_834, %mul3A_1010 : vector<16xf32>
        %select_n3A_1012 = arith.select %and3A_1009, %add3A_1011, %select_n3A_990 : vector<16xi1>, vector<16xf32>
        %mul3A_1013 = arith.mulf %sub3A_871, %div3A_938 : vector<16xf32>
        %add3A_1014 = arith.addf %gather3A_838, %mul3A_1013 : vector<16xf32>
        %select_n3A_1015 = arith.select %and3A_1009, %add3A_1014, %select_n3A_994 : vector<16xi1>, vector<16xf32>
        %mul3A_1016 = arith.mulf %sub3A_872, %div3A_938 : vector<16xf32>
        %add3A_1017 = arith.addf %gather3A_842, %mul3A_1016 : vector<16xf32>
        %select_n3A_1018 = arith.select %and3A_1009, %add3A_1017, %select_n3A_998 : vector<16xi1>, vector<16xf32>
        %le3A_1019 = arith.constant 0.000000e+00 : f32
        %le3A_1020 = vector.broadcast %le3A_1019 : f32 to vector<16xf32>
        %le3A_1021 = arith.cmpf ole, %sub3A_914, %le3A_1020 : vector<16xf32>
        %ge3A_1022 = arith.constant 0.000000e+00 : f32
        %ge3A_1023 = vector.broadcast %ge3A_1022 : f32 to vector<16xf32>
        %ge3A_1024 = arith.cmpf oge, %add3A_880, %ge3A_1023 : vector<16xf32>
        %and3A_1025 = arith.andi %le3A_1021, %ge3A_1024 : vector<16xi1>
        %le3A_1026 = arith.constant 0.000000e+00 : f32
        %le3A_1027 = vector.broadcast %le3A_1026 : f32 to vector<16xf32>
        %le3A_1028 = arith.cmpf ole, %add3A_893, %le3A_1027 : vector<16xf32>
        %and3A_1029 = arith.andi %and3A_1025, %le3A_1028 : vector<16xi1>
        %mul3A_1030 = arith.mulf %sub3A_867, %div3A_929 : vector<16xf32>
        %add3A_1031 = arith.addf %gather3A_834, %mul3A_1030 : vector<16xf32>
        %select_n3A_1032 = arith.select %and3A_1029, %add3A_1031, %select_n3A_1012 : vector<16xi1>, vector<16xf32>
        %mul3A_1033 = arith.mulf %sub3A_868, %div3A_929 : vector<16xf32>
        %add3A_1034 = arith.addf %gather3A_838, %mul3A_1033 : vector<16xf32>
        %select_n3A_1035 = arith.select %and3A_1029, %add3A_1034, %select_n3A_1015 : vector<16xi1>, vector<16xf32>
        %mul3A_1036 = arith.mulf %sub3A_869, %div3A_929 : vector<16xf32>
        %add3A_1037 = arith.addf %gather3A_842, %mul3A_1036 : vector<16xf32>
        %select_n3A_1038 = arith.select %and3A_1029, %add3A_1037, %select_n3A_1018 : vector<16xi1>, vector<16xf32>
        %ge3A_1039 = arith.constant 0.000000e+00 : f32
        %ge3A_1040 = vector.broadcast %ge3A_1039 : f32 to vector<16xf32>
        %ge3A_1041 = arith.cmpf oge, %add3A_911, %ge3A_1040 : vector<16xf32>
        %le3A_1042 = arith.cmpf ole, %add3A_906, %add3A_911 : vector<16xf32>
        %and3A_1043 = arith.andi %ge3A_1041, %le3A_1042 : vector<16xi1>
        %select_n3A_1044 = arith.select %and3A_1043, %gather3A_858, %select_n3A_1032 : vector<16xi1>, vector<16xf32>
        %select_n3A_1045 = arith.select %and3A_1043, %gather3A_862, %select_n3A_1035 : vector<16xi1>, vector<16xf32>
        %select_n3A_1046 = arith.select %and3A_1043, %gather3A_866, %select_n3A_1038 : vector<16xi1>, vector<16xf32>
        %ge3A_1047 = arith.constant 0.000000e+00 : f32
        %ge3A_1048 = vector.broadcast %ge3A_1047 : f32 to vector<16xf32>
        %ge3A_1049 = arith.cmpf oge, %add3A_893, %ge3A_1048 : vector<16xf32>
        %le3A_1050 = arith.cmpf ole, %add3A_898, %add3A_893 : vector<16xf32>
        %and3A_1051 = arith.andi %ge3A_1049, %le3A_1050 : vector<16xi1>
        %select_n3A_1052 = arith.select %and3A_1051, %gather3A_846, %select_n3A_1044 : vector<16xi1>, vector<16xf32>
        %select_n3A_1053 = arith.select %and3A_1051, %gather3A_850, %select_n3A_1045 : vector<16xi1>, vector<16xf32>
        %select_n3A_1054 = arith.select %and3A_1051, %gather3A_854, %select_n3A_1046 : vector<16xi1>, vector<16xf32>
        %le3A_1055 = arith.constant 0.000000e+00 : f32
        %le3A_1056 = vector.broadcast %le3A_1055 : f32 to vector<16xf32>
        %le3A_1057 = arith.cmpf ole, %add3A_880, %le3A_1056 : vector<16xf32>
        %le3A_1058 = arith.constant 0.000000e+00 : f32
        %le3A_1059 = vector.broadcast %le3A_1058 : f32 to vector<16xf32>
        %le3A_1060 = arith.cmpf ole, %add3A_885, %le3A_1059 : vector<16xf32>
        %and3A_1061 = arith.andi %le3A_1057, %le3A_1060 : vector<16xi1>
        %select_n3A_1062 = arith.select %and3A_1061, %gather3A_834, %select_n3A_1052 : vector<16xi1>, vector<16xf32>
        %select_n3A_1063 = arith.select %and3A_1061, %gather3A_838, %select_n3A_1053 : vector<16xi1>, vector<16xf32>
        %select_n3A_1064 = arith.select %and3A_1061, %gather3A_842, %select_n3A_1054 : vector<16xi1>, vector<16xf32>
        %sub3A_1065 = arith.subf %gather3A, %select_n3A_1062 : vector<16xf32>
        %sub3A_1066 = arith.subf %gather3A_30, %select_n3A_1063 : vector<16xf32>
        %sub3A_1067 = arith.subf %gather3A_35, %select_n3A_1064 : vector<16xf32>
        %mul3A_1068 = arith.mulf %sub3A_1065, %sub3A_1065 : vector<16xf32>
        %mul3A_1069 = arith.mulf %sub3A_1066, %sub3A_1066 : vector<16xf32>
        %add3A_1070 = arith.addf %mul3A_1068, %mul3A_1069 : vector<16xf32>
        %mul3A_1071 = arith.mulf %sub3A_1067, %sub3A_1067 : vector<16xf32>
        %add3A_1072 = arith.addf %add3A_1070, %mul3A_1071 : vector<16xf32>
        %lt3A_1073 = arith.cmpf olt, %add3A_1072, %scan3A_87 : vector<16xf32>
        %select_n3A_1074 = arith.select %lt3A_1073, %add3A_1072, %scan3A_87 : vector<16xi1>, vector<16xf32>
        %add3A_1075 = arith.constant 3 : i32
        %add3A_1076 = vector.broadcast %add3A_1075 : i32 to vector<16xi32>
        %add3A_1077 = arith.addi %scan3A_92, %add3A_1076 : vector<16xi32>
        %select_n3A_1078 = arith.select %lt3A_1073, %add3A_1077, %scan3A_91 : vector<16xi1>, vector<16xi32>
        %add3A_1079 = arith.constant 4 : i32
        %add3A_1080 = vector.broadcast %add3A_1079 : i32 to vector<16xi32>
        %add3A_1081 = arith.addi %scan3A_92, %add3A_1080 : vector<16xi32>
        scf.yield %select_n3A_330, %select_n3A_578, %select_n3A_826, %select_n3A_1074, %select_n3A_334, %select_n3A_582, %select_n3A_830, %select_n3A_1078, %add3A_1081 : vector<16xf32>, vector<16xf32>, vector<16xf32>, vector<16xf32>, vector<16xi32>, vector<16xi32>, vector<16xi32>, vector<16xi32>, vector<16xi32>
      }
      %scan3A_58 = arith.constant 2048 : i32
      %lt3A = arith.cmpf olt, %scan3A_57#1, %scan3A_57#0 : vector<16xf32>
      %eq3A = arith.cmpf oeq, %scan3A_57#1, %scan3A_57#0 : vector<16xf32>
      %lt3A_59 = arith.cmpi slt, %scan3A_57#5, %scan3A_57#4 : vector<16xi32>
      %and3A = arith.andi %eq3A, %lt3A_59 : vector<16xi1>
      %or3A = arith.ori %lt3A, %and3A : vector<16xi1>
      %select_n3A = arith.select %or3A, %scan3A_57#1, %scan3A_57#0 : vector<16xi1>, vector<16xf32>
      %select_n3A_60 = arith.select %or3A, %scan3A_57#5, %scan3A_57#4 : vector<16xi1>, vector<16xi32>
      %lt3A_61 = arith.cmpf olt, %scan3A_57#3, %scan3A_57#2 : vector<16xf32>
      %eq3A_62 = arith.cmpf oeq, %scan3A_57#3, %scan3A_57#2 : vector<16xf32>
      %lt3A_63 = arith.cmpi slt, %scan3A_57#7, %scan3A_57#6 : vector<16xi32>
      %and3A_64 = arith.andi %eq3A_62, %lt3A_63 : vector<16xi1>
      %or3A_65 = arith.ori %lt3A_61, %and3A_64 : vector<16xi1>
      %select_n3A_66 = arith.select %or3A_65, %scan3A_57#3, %scan3A_57#2 : vector<16xi1>, vector<16xf32>
      %select_n3A_67 = arith.select %or3A_65, %scan3A_57#7, %scan3A_57#6 : vector<16xi1>, vector<16xi32>
      %lt3A_68 = arith.cmpf olt, %select_n3A_66, %select_n3A : vector<16xf32>
      %eq3A_69 = arith.cmpf oeq, %select_n3A_66, %select_n3A : vector<16xf32>
      %lt3A_70 = arith.cmpi slt, %select_n3A_67, %select_n3A_60 : vector<16xi32>
      %and3A_71 = arith.andi %eq3A_69, %lt3A_70 : vector<16xi1>
      %or3A_72 = arith.ori %lt3A_68, %and3A_71 : vector<16xi1>
      %select_n3A_73 = arith.select %or3A_72, %select_n3A_66, %select_n3A : vector<16xi1>, vector<16xf32>
      %select_n3A_74 = arith.select %or3A_72, %select_n3A_67, %select_n3A_60 : vector<16xi1>, vector<16xi32>
      %mul3A_75 = arith.constant 16 : i32
      %mul3A_76 = arith.muli %scan3A_18, %mul3A_75 : i32
      %swap3A = arith.index_cast %mul3A_76 : i32 to index
      %swap3A_77 = tpu.vector_load %arg8[%swap3A] {strides = array<i32>} : memref<48xf32, #tpu.memory_space<vmem>>, vector<16xf32>,
      tpu.vector_store %arg8[%swap3A], %select_n3A_73 {strides = array<i32>} : memref<48xf32, #tpu.memory_space<vmem>>, vector<16xf32>,
      %mul3A_78 = arith.constant 16 : i32
      %mul3A_79 = arith.muli %scan3A_18, %mul3A_78 : i32
      %swap3A_80 = arith.index_cast %mul3A_79 : i32 to index
      %swap3A_81 = tpu.vector_load %arg9[%swap3A_80] {strides = array<i32>} : memref<48xi32, #tpu.memory_space<vmem>>, vector<16xi32>,
      tpu.vector_store %arg9[%swap3A_80], %select_n3A_74 {strides = array<i32>} : memref<48xi32, #tpu.memory_space<vmem>>, vector<16xi32>,
      %scan3A_82 = arith.constant 0 : i32
      scf.yield %scan3A_82 : i32
    }
    %scan3A_13 = arith.constant 3 : i32
    %mul3A_14 = arith.constant 48 : i32
    %mul3A_15 = arith.muli %add3A, %mul3A_14 : i32
    "tpu.region"() ({
      %run_scoped3A = tpu.sem_alloc : memref<!tpu.dma_semaphore, #tpu.memory_space<semaphore_mem>>
      %dma_start3A = tpu.memref_slice %arg4[%mul3A_15] : memref<1536xf32, #tpu.memory_space<hbm>> -> memref<48xf32, #tpu.memory_space<hbm>>
      %dma_start3A_18 = tpu.memref_slice %arg4[%mul3A_15] : memref<1536xf32, #tpu.memory_space<hbm>> -> memref<48xf32, #tpu.memory_space<hbm>>
      tpu.enqueue_dma source(%arg8 : memref<48xf32, #tpu.memory_space<vmem>>) target(%dma_start3A_18 : memref<48xf32, #tpu.memory_space<hbm>>) target_semaphore(%run_scoped3A : memref<!tpu.dma_semaphore, #tpu.memory_space<semaphore_mem>>)
      %dma_wait3A = tpu.memref_slice %arg4[%mul3A_15] : memref<1536xf32, #tpu.memory_space<hbm>> -> memref<48xf32, #tpu.memory_space<hbm>>
      %dma_wait3A_19 = tpu.memref_slice %arg4[%mul3A_15] : memref<1536xf32, #tpu.memory_space<hbm>> -> memref<48xf32, #tpu.memory_space<hbm>>
      tpu.wait_dma2 semaphore(%run_scoped3A : memref<!tpu.dma_semaphore, #tpu.memory_space<semaphore_mem>>) src(%arg8 : memref<48xf32, #tpu.memory_space<vmem>>) dst(%dma_wait3A_19 : memref<48xf32, #tpu.memory_space<hbm>>)
      tpu.yield
    }) : () -> ()
    %mul3A_16 = arith.constant 48 : i32
    %mul3A_17 = arith.muli %add3A, %mul3A_16 : i32
    "tpu.region"() ({
      %run_scoped3A = tpu.sem_alloc : memref<!tpu.dma_semaphore, #tpu.memory_space<semaphore_mem>>
      %dma_start3A = tpu.memref_slice %arg5[%mul3A_17] : memref<1536xi32, #tpu.memory_space<hbm>> -> memref<48xi32, #tpu.memory_space<hbm>>
      %dma_start3A_18 = tpu.memref_slice %arg5[%mul3A_17] : memref<1536xi32, #tpu.memory_space<hbm>> -> memref<48xi32, #tpu.memory_space<hbm>>
      tpu.enqueue_dma source(%arg9 : memref<48xi32, #tpu.memory_space<vmem>>) target(%dma_start3A_18 : memref<48xi32, #tpu.memory_space<hbm>>) target_semaphore(%run_scoped3A : memref<!tpu.dma_semaphore, #tpu.memory_space<semaphore_mem>>)
      %dma_wait3A = tpu.memref_slice %arg5[%mul3A_17] : memref<1536xi32, #tpu.memory_space<hbm>> -> memref<48xi32, #tpu.memory_space<hbm>>
      %dma_wait3A_19 = tpu.memref_slice %arg5[%mul3A_17] : memref<1536xi32, #tpu.memory_space<hbm>> -> memref<48xi32, #tpu.memory_space<hbm>>
      tpu.wait_dma2 semaphore(%run_scoped3A : memref<!tpu.dma_semaphore, #tpu.memory_space<semaphore_mem>>) src(%arg9 : memref<48xi32, #tpu.memory_space<vmem>>) dst(%dma_wait3A_19 : memref<48xi32, #tpu.memory_space<hbm>>)
      tpu.yield
    }) : () -> ()
    return
  }
}

#map = affine_map<(d0, d1) -> (0)>
module attributes {stable_mosaic.version = 14 : i64} {
  func.func @_sc_gather_body(%arg0: i32, %arg1: i32, %arg2: memref<12288xf32, #tpu.memory_space<hbm>>, %arg3: memref<24576xi32, #tpu.memory_space<hbm>>, %arg4: memref<73728xf32, #tpu.memory_space<hbm>>, %arg5: memref<12288xf32, #tpu.memory_space<vmem>>, %arg6: memref<768xi32, #tpu.memory_space<vmem>>, %arg7: memref<2304xf32, #tpu.memory_space<vmem>>) attributes {dimension_semantics = [#tpu.dimension_semantics<core_parallel>, #tpu.dimension_semantics<subcore_parallel>], iteration_bounds = array<i64: 2, 16>, scalar_prefetch = 0 : i64, scratch_operands = 3 : i64, tpu.core_type = #tpu.core_type<sc_vector_subcore>, window_params = [{transform_indices = #map}, {transform_indices = #map}, {transform_indices = #map}]} {
    %mul3A = arith.constant 2 : i32
    %mul3A_0 = arith.muli %arg1, %mul3A : i32
    %add3A = arith.addi %mul3A_0, %arg0 : i32
    %mul3A_1 = arith.constant 256 : i32
    %mul3A_2 = arith.muli %add3A, %mul3A_1 : i32
    "tpu.region"() ({
      %run_scoped3A = tpu.sem_alloc : memref<!tpu.dma_semaphore, #tpu.memory_space<semaphore_mem>>
      tpu.enqueue_dma source(%arg2 : memref<12288xf32, #tpu.memory_space<hbm>>) target(%arg5 : memref<12288xf32, #tpu.memory_space<vmem>>) target_semaphore(%run_scoped3A : memref<!tpu.dma_semaphore, #tpu.memory_space<semaphore_mem>>)
      tpu.wait_dma2 semaphore(%run_scoped3A : memref<!tpu.dma_semaphore, #tpu.memory_space<semaphore_mem>>) src(%arg2 : memref<12288xf32, #tpu.memory_space<hbm>>) dst(%arg5 : memref<12288xf32, #tpu.memory_space<vmem>>)
      tpu.yield
    }) : () -> ()
    %mul3A_3 = arith.constant 3 : i32
    %mul3A_4 = arith.muli %mul3A_3, %mul3A_2 : i32
    "tpu.region"() ({
      %run_scoped3A = tpu.sem_alloc : memref<!tpu.dma_semaphore, #tpu.memory_space<semaphore_mem>>
      %dma_start3A = tpu.memref_slice %arg3[%mul3A_4] : memref<24576xi32, #tpu.memory_space<hbm>> -> memref<768xi32, #tpu.memory_space<hbm>>
      %dma_start3A_1224 = tpu.memref_slice %arg3[%mul3A_4] : memref<24576xi32, #tpu.memory_space<hbm>> -> memref<768xi32, #tpu.memory_space<hbm>>
      tpu.enqueue_dma source(%dma_start3A_1224 : memref<768xi32, #tpu.memory_space<hbm>>) target(%arg6 : memref<768xi32, #tpu.memory_space<vmem>>) target_semaphore(%run_scoped3A : memref<!tpu.dma_semaphore, #tpu.memory_space<semaphore_mem>>)
      %dma_wait3A = tpu.memref_slice %arg3[%mul3A_4] : memref<24576xi32, #tpu.memory_space<hbm>> -> memref<768xi32, #tpu.memory_space<hbm>>
      %dma_wait3A_1225 = tpu.memref_slice %arg3[%mul3A_4] : memref<24576xi32, #tpu.memory_space<hbm>> -> memref<768xi32, #tpu.memory_space<hbm>>
      tpu.wait_dma2 semaphore(%run_scoped3A : memref<!tpu.dma_semaphore, #tpu.memory_space<semaphore_mem>>) src(%dma_wait3A_1225 : memref<768xi32, #tpu.memory_space<hbm>>) dst(%arg6 : memref<768xi32, #tpu.memory_space<vmem>>)
      tpu.yield
    }) : () -> ()
    %iota3A = tpu.iota {dimensions = array<i32: 0>} : vector<16xi32>
    %mul3A_5 = arith.constant 3 : i32
    %mul3A_6 = vector.broadcast %mul3A_5 : i32 to vector<16xi32>
    %mul3A_7 = arith.muli %iota3A, %mul3A_6 : vector<16xi32>
    %add3A_8 = arith.constant 0 : i32
    %add3A_9 = vector.broadcast %add3A_8 : i32 to vector<16xi32>
    %add3A_10 = arith.addi %mul3A_7, %add3A_9 : vector<16xi32>
    %gather3A = tpu.vector_load_idx %arg6[%add3A_10] : memref<768xi32, #tpu.memory_space<vmem>>[vector<16xi32>], vector<16xi32>,
    %mul3A_11 = arith.constant 3 : i32
    %mul3A_12 = vector.broadcast %mul3A_11 : i32 to vector<16xi32>
    %mul3A_13 = arith.muli %gather3A, %mul3A_12 : vector<16xi32>
    %add3A_14 = arith.constant 0 : i32
    %add3A_15 = vector.broadcast %add3A_14 : i32 to vector<16xi32>
    %add3A_16 = arith.addi %mul3A_13, %add3A_15 : vector<16xi32>
    %gather3A_17 = tpu.vector_load_idx %arg5[%add3A_16] : memref<12288xf32, #tpu.memory_space<vmem>>[vector<16xi32>], vector<16xf32>,
    %swap3A = arith.constant 0 : index
    %swap3A_18 = tpu.vector_load %arg7[%swap3A] {strides = array<i32>} : memref<2304xf32, #tpu.memory_space<vmem>>, vector<16xf32>,
    tpu.vector_store %arg7[%swap3A], %gather3A_17 {strides = array<i32>} : memref<2304xf32, #tpu.memory_space<vmem>>, vector<16xf32>,
    %add3A_19 = arith.constant 1 : i32
    %add3A_20 = vector.broadcast %add3A_19 : i32 to vector<16xi32>
    %add3A_21 = arith.addi %mul3A_13, %add3A_20 : vector<16xi32>
    %gather3A_22 = tpu.vector_load_idx %arg5[%add3A_21] : memref<12288xf32, #tpu.memory_space<vmem>>[vector<16xi32>], vector<16xf32>,
    %swap3A_23 = arith.constant 256 : index
    %swap3A_24 = tpu.vector_load %arg7[%swap3A_23] {strides = array<i32>} : memref<2304xf32, #tpu.memory_space<vmem>>, vector<16xf32>,
    tpu.vector_store %arg7[%swap3A_23], %gather3A_22 {strides = array<i32>} : memref<2304xf32, #tpu.memory_space<vmem>>, vector<16xf32>,
    %add3A_25 = arith.constant 2 : i32
    %add3A_26 = vector.broadcast %add3A_25 : i32 to vector<16xi32>
    %add3A_27 = arith.addi %mul3A_13, %add3A_26 : vector<16xi32>
    %gather3A_28 = tpu.vector_load_idx %arg5[%add3A_27] : memref<12288xf32, #tpu.memory_space<vmem>>[vector<16xi32>], vector<16xf32>,
    %swap3A_29 = arith.constant 512 : index
    %swap3A_30 = tpu.vector_load %arg7[%swap3A_29] {strides = array<i32>} : memref<2304xf32, #tpu.memory_space<vmem>>, vector<16xf32>,
    tpu.vector_store %arg7[%swap3A_29], %gather3A_28 {strides = array<i32>} : memref<2304xf32, #tpu.memory_space<vmem>>, vector<16xf32>,
    %add3A_31 = arith.constant 1 : i32
    %add3A_32 = vector.broadcast %add3A_31 : i32 to vector<16xi32>
    %add3A_33 = arith.addi %mul3A_7, %add3A_32 : vector<16xi32>
    %gather3A_34 = tpu.vector_load_idx %arg6[%add3A_33] : memref<768xi32, #tpu.memory_space<vmem>>[vector<16xi32>], vector<16xi32>,
    %mul3A_35 = arith.constant 3 : i32
    %mul3A_36 = vector.broadcast %mul3A_35 : i32 to vector<16xi32>
    %mul3A_37 = arith.muli %gather3A_34, %mul3A_36 : vector<16xi32>
    %add3A_38 = arith.constant 0 : i32
    %add3A_39 = vector.broadcast %add3A_38 : i32 to vector<16xi32>
    %add3A_40 = arith.addi %mul3A_37, %add3A_39 : vector<16xi32>
    %gather3A_41 = tpu.vector_load_idx %arg5[%add3A_40] : memref<12288xf32, #tpu.memory_space<vmem>>[vector<16xi32>], vector<16xf32>,
    %swap3A_42 = arith.constant 768 : index
    %swap3A_43 = tpu.vector_load %arg7[%swap3A_42] {strides = array<i32>} : memref<2304xf32, #tpu.memory_space<vmem>>, vector<16xf32>,
    tpu.vector_store %arg7[%swap3A_42], %gather3A_41 {strides = array<i32>} : memref<2304xf32, #tpu.memory_space<vmem>>, vector<16xf32>,
    %add3A_44 = arith.constant 1 : i32
    %add3A_45 = vector.broadcast %add3A_44 : i32 to vector<16xi32>
    %add3A_46 = arith.addi %mul3A_37, %add3A_45 : vector<16xi32>
    %gather3A_47 = tpu.vector_load_idx %arg5[%add3A_46] : memref<12288xf32, #tpu.memory_space<vmem>>[vector<16xi32>], vector<16xf32>,
    %swap3A_48 = arith.constant 1024 : index
    %swap3A_49 = tpu.vector_load %arg7[%swap3A_48] {strides = array<i32>} : memref<2304xf32, #tpu.memory_space<vmem>>, vector<16xf32>,
    tpu.vector_store %arg7[%swap3A_48], %gather3A_47 {strides = array<i32>} : memref<2304xf32, #tpu.memory_space<vmem>>, vector<16xf32>,
    %add3A_50 = arith.constant 2 : i32
    %add3A_51 = vector.broadcast %add3A_50 : i32 to vector<16xi32>
    %add3A_52 = arith.addi %mul3A_37, %add3A_51 : vector<16xi32>
    %gather3A_53 = tpu.vector_load_idx %arg5[%add3A_52] : memref<12288xf32, #tpu.memory_space<vmem>>[vector<16xi32>], vector<16xf32>,
    %swap3A_54 = arith.constant 1280 : index
    %swap3A_55 = tpu.vector_load %arg7[%swap3A_54] {strides = array<i32>} : memref<2304xf32, #tpu.memory_space<vmem>>, vector<16xf32>,
    tpu.vector_store %arg7[%swap3A_54], %gather3A_53 {strides = array<i32>} : memref<2304xf32, #tpu.memory_space<vmem>>, vector<16xf32>,
    %add3A_56 = arith.constant 2 : i32
    %add3A_57 = vector.broadcast %add3A_56 : i32 to vector<16xi32>
    %add3A_58 = arith.addi %mul3A_7, %add3A_57 : vector<16xi32>
    %gather3A_59 = tpu.vector_load_idx %arg6[%add3A_58] : memref<768xi32, #tpu.memory_space<vmem>>[vector<16xi32>], vector<16xi32>,
    %mul3A_60 = arith.constant 3 : i32
    %mul3A_61 = vector.broadcast %mul3A_60 : i32 to vector<16xi32>
    %mul3A_62 = arith.muli %gather3A_59, %mul3A_61 : vector<16xi32>
    %add3A_63 = arith.constant 0 : i32
    %add3A_64 = vector.broadcast %add3A_63 : i32 to vector<16xi32>
    %add3A_65 = arith.addi %mul3A_62, %add3A_64 : vector<16xi32>
    %gather3A_66 = tpu.vector_load_idx %arg5[%add3A_65] : memref<12288xf32, #tpu.memory_space<vmem>>[vector<16xi32>], vector<16xf32>,
    %swap3A_67 = arith.constant 1536 : index
    %swap3A_68 = tpu.vector_load %arg7[%swap3A_67] {strides = array<i32>} : memref<2304xf32, #tpu.memory_space<vmem>>, vector<16xf32>,
    tpu.vector_store %arg7[%swap3A_67], %gather3A_66 {strides = array<i32>} : memref<2304xf32, #tpu.memory_space<vmem>>, vector<16xf32>,
    %add3A_69 = arith.constant 1 : i32
    %add3A_70 = vector.broadcast %add3A_69 : i32 to vector<16xi32>
    %add3A_71 = arith.addi %mul3A_62, %add3A_70 : vector<16xi32>
    %gather3A_72 = tpu.vector_load_idx %arg5[%add3A_71] : memref<12288xf32, #tpu.memory_space<vmem>>[vector<16xi32>], vector<16xf32>,
    %swap3A_73 = arith.constant 1792 : index
    %swap3A_74 = tpu.vector_load %arg7[%swap3A_73] {strides = array<i32>} : memref<2304xf32, #tpu.memory_space<vmem>>, vector<16xf32>,
    tpu.vector_store %arg7[%swap3A_73], %gather3A_72 {strides = array<i32>} : memref<2304xf32, #tpu.memory_space<vmem>>, vector<16xf32>,
    %add3A_75 = arith.constant 2 : i32
    %add3A_76 = vector.broadcast %add3A_75 : i32 to vector<16xi32>
    %add3A_77 = arith.addi %mul3A_62, %add3A_76 : vector<16xi32>
    %gather3A_78 = tpu.vector_load_idx %arg5[%add3A_77] : memref<12288xf32, #tpu.memory_space<vmem>>[vector<16xi32>], vector<16xf32>,
    %swap3A_79 = arith.constant 2048 : index
    %swap3A_80 = tpu.vector_load %arg7[%swap3A_79] {strides = array<i32>} : memref<2304xf32, #tpu.memory_space<vmem>>, vector<16xf32>,
    tpu.vector_store %arg7[%swap3A_79], %gather3A_78 {strides = array<i32>} : memref<2304xf32, #tpu.memory_space<vmem>>, vector<16xf32>,
    %add3A_81 = arith.constant 48 : i32
    %add3A_82 = vector.broadcast %add3A_81 : i32 to vector<16xi32>
    %add3A_83 = arith.addi %mul3A_7, %add3A_82 : vector<16xi32>
    %gather3A_84 = tpu.vector_load_idx %arg6[%add3A_83] : memref<768xi32, #tpu.memory_space<vmem>>[vector<16xi32>], vector<16xi32>,
    %mul3A_85 = arith.constant 3 : i32
    %mul3A_86 = vector.broadcast %mul3A_85 : i32 to vector<16xi32>
    %mul3A_87 = arith.muli %gather3A_84, %mul3A_86 : vector<16xi32>
    %add3A_88 = arith.constant 0 : i32
    %add3A_89 = vector.broadcast %add3A_88 : i32 to vector<16xi32>
    %add3A_90 = arith.addi %mul3A_87, %add3A_89 : vector<16xi32>
    %gather3A_91 = tpu.vector_load_idx %arg5[%add3A_90] : memref<12288xf32, #tpu.memory_space<vmem>>[vector<16xi32>], vector<16xf32>,
    %swap3A_92 = arith.constant 16 : index
    %swap3A_93 = tpu.vector_load %arg7[%swap3A_92] {strides = array<i32>} : memref<2304xf32, #tpu.memory_space<vmem>>, vector<16xf32>,
    tpu.vector_store %arg7[%swap3A_92], %gather3A_91 {strides = array<i32>} : memref<2304xf32, #tpu.memory_space<vmem>>, vector<16xf32>,
    %add3A_94 = arith.constant 1 : i32
    %add3A_95 = vector.broadcast %add3A_94 : i32 to vector<16xi32>
    %add3A_96 = arith.addi %mul3A_87, %add3A_95 : vector<16xi32>
    %gather3A_97 = tpu.vector_load_idx %arg5[%add3A_96] : memref<12288xf32, #tpu.memory_space<vmem>>[vector<16xi32>], vector<16xf32>,
    %swap3A_98 = arith.constant 272 : index
    %swap3A_99 = tpu.vector_load %arg7[%swap3A_98] {strides = array<i32>} : memref<2304xf32, #tpu.memory_space<vmem>>, vector<16xf32>,
    tpu.vector_store %arg7[%swap3A_98], %gather3A_97 {strides = array<i32>} : memref<2304xf32, #tpu.memory_space<vmem>>, vector<16xf32>,
    %add3A_100 = arith.constant 2 : i32
    %add3A_101 = vector.broadcast %add3A_100 : i32 to vector<16xi32>
    %add3A_102 = arith.addi %mul3A_87, %add3A_101 : vector<16xi32>
    %gather3A_103 = tpu.vector_load_idx %arg5[%add3A_102] : memref<12288xf32, #tpu.memory_space<vmem>>[vector<16xi32>], vector<16xf32>,
    %swap3A_104 = arith.constant 528 : index
    %swap3A_105 = tpu.vector_load %arg7[%swap3A_104] {strides = array<i32>} : memref<2304xf32, #tpu.memory_space<vmem>>, vector<16xf32>,
    tpu.vector_store %arg7[%swap3A_104], %gather3A_103 {strides = array<i32>} : memref<2304xf32, #tpu.memory_space<vmem>>, vector<16xf32>,
    %add3A_106 = arith.constant 49 : i32
    %add3A_107 = vector.broadcast %add3A_106 : i32 to vector<16xi32>
    %add3A_108 = arith.addi %mul3A_7, %add3A_107 : vector<16xi32>
    %gather3A_109 = tpu.vector_load_idx %arg6[%add3A_108] : memref<768xi32, #tpu.memory_space<vmem>>[vector<16xi32>], vector<16xi32>,
    %mul3A_110 = arith.constant 3 : i32
    %mul3A_111 = vector.broadcast %mul3A_110 : i32 to vector<16xi32>
    %mul3A_112 = arith.muli %gather3A_109, %mul3A_111 : vector<16xi32>
    %add3A_113 = arith.constant 0 : i32
    %add3A_114 = vector.broadcast %add3A_113 : i32 to vector<16xi32>
    %add3A_115 = arith.addi %mul3A_112, %add3A_114 : vector<16xi32>
    %gather3A_116 = tpu.vector_load_idx %arg5[%add3A_115] : memref<12288xf32, #tpu.memory_space<vmem>>[vector<16xi32>], vector<16xf32>,
    %swap3A_117 = arith.constant 784 : index
    %swap3A_118 = tpu.vector_load %arg7[%swap3A_117] {strides = array<i32>} : memref<2304xf32, #tpu.memory_space<vmem>>, vector<16xf32>,
    tpu.vector_store %arg7[%swap3A_117], %gather3A_116 {strides = array<i32>} : memref<2304xf32, #tpu.memory_space<vmem>>, vector<16xf32>,
    %add3A_119 = arith.constant 1 : i32
    %add3A_120 = vector.broadcast %add3A_119 : i32 to vector<16xi32>
    %add3A_121 = arith.addi %mul3A_112, %add3A_120 : vector<16xi32>
    %gather3A_122 = tpu.vector_load_idx %arg5[%add3A_121] : memref<12288xf32, #tpu.memory_space<vmem>>[vector<16xi32>], vector<16xf32>,
    %swap3A_123 = arith.constant 1040 : index
    %swap3A_124 = tpu.vector_load %arg7[%swap3A_123] {strides = array<i32>} : memref<2304xf32, #tpu.memory_space<vmem>>, vector<16xf32>,
    tpu.vector_store %arg7[%swap3A_123], %gather3A_122 {strides = array<i32>} : memref<2304xf32, #tpu.memory_space<vmem>>, vector<16xf32>,
    %add3A_125 = arith.constant 2 : i32
    %add3A_126 = vector.broadcast %add3A_125 : i32 to vector<16xi32>
    %add3A_127 = arith.addi %mul3A_112, %add3A_126 : vector<16xi32>
    %gather3A_128 = tpu.vector_load_idx %arg5[%add3A_127] : memref<12288xf32, #tpu.memory_space<vmem>>[vector<16xi32>], vector<16xf32>,
    %swap3A_129 = arith.constant 1296 : index
    %swap3A_130 = tpu.vector_load %arg7[%swap3A_129] {strides = array<i32>} : memref<2304xf32, #tpu.memory_space<vmem>>, vector<16xf32>,
    tpu.vector_store %arg7[%swap3A_129], %gather3A_128 {strides = array<i32>} : memref<2304xf32, #tpu.memory_space<vmem>>, vector<16xf32>,
    %add3A_131 = arith.constant 50 : i32
    %add3A_132 = vector.broadcast %add3A_131 : i32 to vector<16xi32>
    %add3A_133 = arith.addi %mul3A_7, %add3A_132 : vector<16xi32>
    %gather3A_134 = tpu.vector_load_idx %arg6[%add3A_133] : memref<768xi32, #tpu.memory_space<vmem>>[vector<16xi32>], vector<16xi32>,
    %mul3A_135 = arith.constant 3 : i32
    %mul3A_136 = vector.broadcast %mul3A_135 : i32 to vector<16xi32>
    %mul3A_137 = arith.muli %gather3A_134, %mul3A_136 : vector<16xi32>
    %add3A_138 = arith.constant 0 : i32
    %add3A_139 = vector.broadcast %add3A_138 : i32 to vector<16xi32>
    %add3A_140 = arith.addi %mul3A_137, %add3A_139 : vector<16xi32>
    %gather3A_141 = tpu.vector_load_idx %arg5[%add3A_140] : memref<12288xf32, #tpu.memory_space<vmem>>[vector<16xi32>], vector<16xf32>,
    %swap3A_142 = arith.constant 1552 : index
    %swap3A_143 = tpu.vector_load %arg7[%swap3A_142] {strides = array<i32>} : memref<2304xf32, #tpu.memory_space<vmem>>, vector<16xf32>,
    tpu.vector_store %arg7[%swap3A_142], %gather3A_141 {strides = array<i32>} : memref<2304xf32, #tpu.memory_space<vmem>>, vector<16xf32>,
    %add3A_144 = arith.constant 1 : i32
    %add3A_145 = vector.broadcast %add3A_144 : i32 to vector<16xi32>
    %add3A_146 = arith.addi %mul3A_137, %add3A_145 : vector<16xi32>
    %gather3A_147 = tpu.vector_load_idx %arg5[%add3A_146] : memref<12288xf32, #tpu.memory_space<vmem>>[vector<16xi32>], vector<16xf32>,
    %swap3A_148 = arith.constant 1808 : index
    %swap3A_149 = tpu.vector_load %arg7[%swap3A_148] {strides = array<i32>} : memref<2304xf32, #tpu.memory_space<vmem>>, vector<16xf32>,
    tpu.vector_store %arg7[%swap3A_148], %gather3A_147 {strides = array<i32>} : memref<2304xf32, #tpu.memory_space<vmem>>, vector<16xf32>,
    %add3A_150 = arith.constant 2 : i32
    %add3A_151 = vector.broadcast %add3A_150 : i32 to vector<16xi32>
    %add3A_152 = arith.addi %mul3A_137, %add3A_151 : vector<16xi32>
    %gather3A_153 = tpu.vector_load_idx %arg5[%add3A_152] : memref<12288xf32, #tpu.memory_space<vmem>>[vector<16xi32>], vector<16xf32>,
    %swap3A_154 = arith.constant 2064 : index
    %swap3A_155 = tpu.vector_load %arg7[%swap3A_154] {strides = array<i32>} : memref<2304xf32, #tpu.memory_space<vmem>>, vector<16xf32>,
    tpu.vector_store %arg7[%swap3A_154], %gather3A_153 {strides = array<i32>} : memref<2304xf32, #tpu.memory_space<vmem>>, vector<16xf32>,
    %add3A_156 = arith.constant 96 : i32
    %add3A_157 = vector.broadcast %add3A_156 : i32 to vector<16xi32>
    %add3A_158 = arith.addi %mul3A_7, %add3A_157 : vector<16xi32>
    %gather3A_159 = tpu.vector_load_idx %arg6[%add3A_158] : memref<768xi32, #tpu.memory_space<vmem>>[vector<16xi32>], vector<16xi32>,
    %mul3A_160 = arith.constant 3 : i32
    %mul3A_161 = vector.broadcast %mul3A_160 : i32 to vector<16xi32>
    %mul3A_162 = arith.muli %gather3A_159, %mul3A_161 : vector<16xi32>
    %add3A_163 = arith.constant 0 : i32
    %add3A_164 = vector.broadcast %add3A_163 : i32 to vector<16xi32>
    %add3A_165 = arith.addi %mul3A_162, %add3A_164 : vector<16xi32>
    %gather3A_166 = tpu.vector_load_idx %arg5[%add3A_165] : memref<12288xf32, #tpu.memory_space<vmem>>[vector<16xi32>], vector<16xf32>,
    %swap3A_167 = arith.constant 32 : index
    %swap3A_168 = tpu.vector_load %arg7[%swap3A_167] {strides = array<i32>} : memref<2304xf32, #tpu.memory_space<vmem>>, vector<16xf32>,
    tpu.vector_store %arg7[%swap3A_167], %gather3A_166 {strides = array<i32>} : memref<2304xf32, #tpu.memory_space<vmem>>, vector<16xf32>,
    %add3A_169 = arith.constant 1 : i32
    %add3A_170 = vector.broadcast %add3A_169 : i32 to vector<16xi32>
    %add3A_171 = arith.addi %mul3A_162, %add3A_170 : vector<16xi32>
    %gather3A_172 = tpu.vector_load_idx %arg5[%add3A_171] : memref<12288xf32, #tpu.memory_space<vmem>>[vector<16xi32>], vector<16xf32>,
    %swap3A_173 = arith.constant 288 : index
    %swap3A_174 = tpu.vector_load %arg7[%swap3A_173] {strides = array<i32>} : memref<2304xf32, #tpu.memory_space<vmem>>, vector<16xf32>,
    tpu.vector_store %arg7[%swap3A_173], %gather3A_172 {strides = array<i32>} : memref<2304xf32, #tpu.memory_space<vmem>>, vector<16xf32>,
    %add3A_175 = arith.constant 2 : i32
    %add3A_176 = vector.broadcast %add3A_175 : i32 to vector<16xi32>
    %add3A_177 = arith.addi %mul3A_162, %add3A_176 : vector<16xi32>
    %gather3A_178 = tpu.vector_load_idx %arg5[%add3A_177] : memref<12288xf32, #tpu.memory_space<vmem>>[vector<16xi32>], vector<16xf32>,
    %swap3A_179 = arith.constant 544 : index
    %swap3A_180 = tpu.vector_load %arg7[%swap3A_179] {strides = array<i32>} : memref<2304xf32, #tpu.memory_space<vmem>>, vector<16xf32>,
    tpu.vector_store %arg7[%swap3A_179], %gather3A_178 {strides = array<i32>} : memref<2304xf32, #tpu.memory_space<vmem>>, vector<16xf32>,
    %add3A_181 = arith.constant 97 : i32
    %add3A_182 = vector.broadcast %add3A_181 : i32 to vector<16xi32>
    %add3A_183 = arith.addi %mul3A_7, %add3A_182 : vector<16xi32>
    %gather3A_184 = tpu.vector_load_idx %arg6[%add3A_183] : memref<768xi32, #tpu.memory_space<vmem>>[vector<16xi32>], vector<16xi32>,
    %mul3A_185 = arith.constant 3 : i32
    %mul3A_186 = vector.broadcast %mul3A_185 : i32 to vector<16xi32>
    %mul3A_187 = arith.muli %gather3A_184, %mul3A_186 : vector<16xi32>
    %add3A_188 = arith.constant 0 : i32
    %add3A_189 = vector.broadcast %add3A_188 : i32 to vector<16xi32>
    %add3A_190 = arith.addi %mul3A_187, %add3A_189 : vector<16xi32>
    %gather3A_191 = tpu.vector_load_idx %arg5[%add3A_190] : memref<12288xf32, #tpu.memory_space<vmem>>[vector<16xi32>], vector<16xf32>,
    %swap3A_192 = arith.constant 800 : index
    %swap3A_193 = tpu.vector_load %arg7[%swap3A_192] {strides = array<i32>} : memref<2304xf32, #tpu.memory_space<vmem>>, vector<16xf32>,
    tpu.vector_store %arg7[%swap3A_192], %gather3A_191 {strides = array<i32>} : memref<2304xf32, #tpu.memory_space<vmem>>, vector<16xf32>,
    %add3A_194 = arith.constant 1 : i32
    %add3A_195 = vector.broadcast %add3A_194 : i32 to vector<16xi32>
    %add3A_196 = arith.addi %mul3A_187, %add3A_195 : vector<16xi32>
    %gather3A_197 = tpu.vector_load_idx %arg5[%add3A_196] : memref<12288xf32, #tpu.memory_space<vmem>>[vector<16xi32>], vector<16xf32>,
    %swap3A_198 = arith.constant 1056 : index
    %swap3A_199 = tpu.vector_load %arg7[%swap3A_198] {strides = array<i32>} : memref<2304xf32, #tpu.memory_space<vmem>>, vector<16xf32>,
    tpu.vector_store %arg7[%swap3A_198], %gather3A_197 {strides = array<i32>} : memref<2304xf32, #tpu.memory_space<vmem>>, vector<16xf32>,
    %add3A_200 = arith.constant 2 : i32
    %add3A_201 = vector.broadcast %add3A_200 : i32 to vector<16xi32>
    %add3A_202 = arith.addi %mul3A_187, %add3A_201 : vector<16xi32>
    %gather3A_203 = tpu.vector_load_idx %arg5[%add3A_202] : memref<12288xf32, #tpu.memory_space<vmem>>[vector<16xi32>], vector<16xf32>,
    %swap3A_204 = arith.constant 1312 : index
    %swap3A_205 = tpu.vector_load %arg7[%swap3A_204] {strides = array<i32>} : memref<2304xf32, #tpu.memory_space<vmem>>, vector<16xf32>,
    tpu.vector_store %arg7[%swap3A_204], %gather3A_203 {strides = array<i32>} : memref<2304xf32, #tpu.memory_space<vmem>>, vector<16xf32>,
    %add3A_206 = arith.constant 98 : i32
    %add3A_207 = vector.broadcast %add3A_206 : i32 to vector<16xi32>
    %add3A_208 = arith.addi %mul3A_7, %add3A_207 : vector<16xi32>
    %gather3A_209 = tpu.vector_load_idx %arg6[%add3A_208] : memref<768xi32, #tpu.memory_space<vmem>>[vector<16xi32>], vector<16xi32>,
    %mul3A_210 = arith.constant 3 : i32
    %mul3A_211 = vector.broadcast %mul3A_210 : i32 to vector<16xi32>
    %mul3A_212 = arith.muli %gather3A_209, %mul3A_211 : vector<16xi32>
    %add3A_213 = arith.constant 0 : i32
    %add3A_214 = vector.broadcast %add3A_213 : i32 to vector<16xi32>
    %add3A_215 = arith.addi %mul3A_212, %add3A_214 : vector<16xi32>
    %gather3A_216 = tpu.vector_load_idx %arg5[%add3A_215] : memref<12288xf32, #tpu.memory_space<vmem>>[vector<16xi32>], vector<16xf32>,
    %swap3A_217 = arith.constant 1568 : index
    %swap3A_218 = tpu.vector_load %arg7[%swap3A_217] {strides = array<i32>} : memref<2304xf32, #tpu.memory_space<vmem>>, vector<16xf32>,
    tpu.vector_store %arg7[%swap3A_217], %gather3A_216 {strides = array<i32>} : memref<2304xf32, #tpu.memory_space<vmem>>, vector<16xf32>,
    %add3A_219 = arith.constant 1 : i32
    %add3A_220 = vector.broadcast %add3A_219 : i32 to vector<16xi32>
    %add3A_221 = arith.addi %mul3A_212, %add3A_220 : vector<16xi32>
    %gather3A_222 = tpu.vector_load_idx %arg5[%add3A_221] : memref<12288xf32, #tpu.memory_space<vmem>>[vector<16xi32>], vector<16xf32>,
    %swap3A_223 = arith.constant 1824 : index
    %swap3A_224 = tpu.vector_load %arg7[%swap3A_223] {strides = array<i32>} : memref<2304xf32, #tpu.memory_space<vmem>>, vector<16xf32>,
    tpu.vector_store %arg7[%swap3A_223], %gather3A_222 {strides = array<i32>} : memref<2304xf32, #tpu.memory_space<vmem>>, vector<16xf32>,
    %add3A_225 = arith.constant 2 : i32
    %add3A_226 = vector.broadcast %add3A_225 : i32 to vector<16xi32>
    %add3A_227 = arith.addi %mul3A_212, %add3A_226 : vector<16xi32>
    %gather3A_228 = tpu.vector_load_idx %arg5[%add3A_227] : memref<12288xf32, #tpu.memory_space<vmem>>[vector<16xi32>], vector<16xf32>,
    %swap3A_229 = arith.constant 2080 : index
    %swap3A_230 = tpu.vector_load %arg7[%swap3A_229] {strides = array<i32>} : memref<2304xf32, #tpu.memory_space<vmem>>, vector<16xf32>,
    tpu.vector_store %arg7[%swap3A_229], %gather3A_228 {strides = array<i32>} : memref<2304xf32, #tpu.memory_space<vmem>>, vector<16xf32>,
    %add3A_231 = arith.constant 144 : i32
    %add3A_232 = vector.broadcast %add3A_231 : i32 to vector<16xi32>
    %add3A_233 = arith.addi %mul3A_7, %add3A_232 : vector<16xi32>
    %gather3A_234 = tpu.vector_load_idx %arg6[%add3A_233] : memref<768xi32, #tpu.memory_space<vmem>>[vector<16xi32>], vector<16xi32>,
    %mul3A_235 = arith.constant 3 : i32
    %mul3A_236 = vector.broadcast %mul3A_235 : i32 to vector<16xi32>
    %mul3A_237 = arith.muli %gather3A_234, %mul3A_236 : vector<16xi32>
    %add3A_238 = arith.constant 0 : i32
    %add3A_239 = vector.broadcast %add3A_238 : i32 to vector<16xi32>
    %add3A_240 = arith.addi %mul3A_237, %add3A_239 : vector<16xi32>
    %gather3A_241 = tpu.vector_load_idx %arg5[%add3A_240] : memref<12288xf32, #tpu.memory_space<vmem>>[vector<16xi32>], vector<16xf32>,
    %swap3A_242 = arith.constant 48 : index
    %swap3A_243 = tpu.vector_load %arg7[%swap3A_242] {strides = array<i32>} : memref<2304xf32, #tpu.memory_space<vmem>>, vector<16xf32>,
    tpu.vector_store %arg7[%swap3A_242], %gather3A_241 {strides = array<i32>} : memref<2304xf32, #tpu.memory_space<vmem>>, vector<16xf32>,
    %add3A_244 = arith.constant 1 : i32
    %add3A_245 = vector.broadcast %add3A_244 : i32 to vector<16xi32>
    %add3A_246 = arith.addi %mul3A_237, %add3A_245 : vector<16xi32>
    %gather3A_247 = tpu.vector_load_idx %arg5[%add3A_246] : memref<12288xf32, #tpu.memory_space<vmem>>[vector<16xi32>], vector<16xf32>,
    %swap3A_248 = arith.constant 304 : index
    %swap3A_249 = tpu.vector_load %arg7[%swap3A_248] {strides = array<i32>} : memref<2304xf32, #tpu.memory_space<vmem>>, vector<16xf32>,
    tpu.vector_store %arg7[%swap3A_248], %gather3A_247 {strides = array<i32>} : memref<2304xf32, #tpu.memory_space<vmem>>, vector<16xf32>,
    %add3A_250 = arith.constant 2 : i32
    %add3A_251 = vector.broadcast %add3A_250 : i32 to vector<16xi32>
    %add3A_252 = arith.addi %mul3A_237, %add3A_251 : vector<16xi32>
    %gather3A_253 = tpu.vector_load_idx %arg5[%add3A_252] : memref<12288xf32, #tpu.memory_space<vmem>>[vector<16xi32>], vector<16xf32>,
    %swap3A_254 = arith.constant 560 : index
    %swap3A_255 = tpu.vector_load %arg7[%swap3A_254] {strides = array<i32>} : memref<2304xf32, #tpu.memory_space<vmem>>, vector<16xf32>,
    tpu.vector_store %arg7[%swap3A_254], %gather3A_253 {strides = array<i32>} : memref<2304xf32, #tpu.memory_space<vmem>>, vector<16xf32>,
    %add3A_256 = arith.constant 145 : i32
    %add3A_257 = vector.broadcast %add3A_256 : i32 to vector<16xi32>
    %add3A_258 = arith.addi %mul3A_7, %add3A_257 : vector<16xi32>
    %gather3A_259 = tpu.vector_load_idx %arg6[%add3A_258] : memref<768xi32, #tpu.memory_space<vmem>>[vector<16xi32>], vector<16xi32>,
    %mul3A_260 = arith.constant 3 : i32
    %mul3A_261 = vector.broadcast %mul3A_260 : i32 to vector<16xi32>
    %mul3A_262 = arith.muli %gather3A_259, %mul3A_261 : vector<16xi32>
    %add3A_263 = arith.constant 0 : i32
    %add3A_264 = vector.broadcast %add3A_263 : i32 to vector<16xi32>
    %add3A_265 = arith.addi %mul3A_262, %add3A_264 : vector<16xi32>
    %gather3A_266 = tpu.vector_load_idx %arg5[%add3A_265] : memref<12288xf32, #tpu.memory_space<vmem>>[vector<16xi32>], vector<16xf32>,
    %swap3A_267 = arith.constant 816 : index
    %swap3A_268 = tpu.vector_load %arg7[%swap3A_267] {strides = array<i32>} : memref<2304xf32, #tpu.memory_space<vmem>>, vector<16xf32>,
    tpu.vector_store %arg7[%swap3A_267], %gather3A_266 {strides = array<i32>} : memref<2304xf32, #tpu.memory_space<vmem>>, vector<16xf32>,
    %add3A_269 = arith.constant 1 : i32
    %add3A_270 = vector.broadcast %add3A_269 : i32 to vector<16xi32>
    %add3A_271 = arith.addi %mul3A_262, %add3A_270 : vector<16xi32>
    %gather3A_272 = tpu.vector_load_idx %arg5[%add3A_271] : memref<12288xf32, #tpu.memory_space<vmem>>[vector<16xi32>], vector<16xf32>,
    %swap3A_273 = arith.constant 1072 : index
    %swap3A_274 = tpu.vector_load %arg7[%swap3A_273] {strides = array<i32>} : memref<2304xf32, #tpu.memory_space<vmem>>, vector<16xf32>,
    tpu.vector_store %arg7[%swap3A_273], %gather3A_272 {strides = array<i32>} : memref<2304xf32, #tpu.memory_space<vmem>>, vector<16xf32>,
    %add3A_275 = arith.constant 2 : i32
    %add3A_276 = vector.broadcast %add3A_275 : i32 to vector<16xi32>
    %add3A_277 = arith.addi %mul3A_262, %add3A_276 : vector<16xi32>
    %gather3A_278 = tpu.vector_load_idx %arg5[%add3A_277] : memref<12288xf32, #tpu.memory_space<vmem>>[vector<16xi32>], vector<16xf32>,
    %swap3A_279 = arith.constant 1328 : index
    %swap3A_280 = tpu.vector_load %arg7[%swap3A_279] {strides = array<i32>} : memref<2304xf32, #tpu.memory_space<vmem>>, vector<16xf32>,
    tpu.vector_store %arg7[%swap3A_279], %gather3A_278 {strides = array<i32>} : memref<2304xf32, #tpu.memory_space<vmem>>, vector<16xf32>,
    %add3A_281 = arith.constant 146 : i32
    %add3A_282 = vector.broadcast %add3A_281 : i32 to vector<16xi32>
    %add3A_283 = arith.addi %mul3A_7, %add3A_282 : vector<16xi32>
    %gather3A_284 = tpu.vector_load_idx %arg6[%add3A_283] : memref<768xi32, #tpu.memory_space<vmem>>[vector<16xi32>], vector<16xi32>,
    %mul3A_285 = arith.constant 3 : i32
    %mul3A_286 = vector.broadcast %mul3A_285 : i32 to vector<16xi32>
    %mul3A_287 = arith.muli %gather3A_284, %mul3A_286 : vector<16xi32>
    %add3A_288 = arith.constant 0 : i32
    %add3A_289 = vector.broadcast %add3A_288 : i32 to vector<16xi32>
    %add3A_290 = arith.addi %mul3A_287, %add3A_289 : vector<16xi32>
    %gather3A_291 = tpu.vector_load_idx %arg5[%add3A_290] : memref<12288xf32, #tpu.memory_space<vmem>>[vector<16xi32>], vector<16xf32>,
    %swap3A_292 = arith.constant 1584 : index
    %swap3A_293 = tpu.vector_load %arg7[%swap3A_292] {strides = array<i32>} : memref<2304xf32, #tpu.memory_space<vmem>>, vector<16xf32>,
    tpu.vector_store %arg7[%swap3A_292], %gather3A_291 {strides = array<i32>} : memref<2304xf32, #tpu.memory_space<vmem>>, vector<16xf32>,
    %add3A_294 = arith.constant 1 : i32
    %add3A_295 = vector.broadcast %add3A_294 : i32 to vector<16xi32>
    %add3A_296 = arith.addi %mul3A_287, %add3A_295 : vector<16xi32>
    %gather3A_297 = tpu.vector_load_idx %arg5[%add3A_296] : memref<12288xf32, #tpu.memory_space<vmem>>[vector<16xi32>], vector<16xf32>,
    %swap3A_298 = arith.constant 1840 : index
    %swap3A_299 = tpu.vector_load %arg7[%swap3A_298] {strides = array<i32>} : memref<2304xf32, #tpu.memory_space<vmem>>, vector<16xf32>,
    tpu.vector_store %arg7[%swap3A_298], %gather3A_297 {strides = array<i32>} : memref<2304xf32, #tpu.memory_space<vmem>>, vector<16xf32>,
    %add3A_300 = arith.constant 2 : i32
    %add3A_301 = vector.broadcast %add3A_300 : i32 to vector<16xi32>
    %add3A_302 = arith.addi %mul3A_287, %add3A_301 : vector<16xi32>
    %gather3A_303 = tpu.vector_load_idx %arg5[%add3A_302] : memref<12288xf32, #tpu.memory_space<vmem>>[vector<16xi32>], vector<16xf32>,
    %swap3A_304 = arith.constant 2096 : index
    %swap3A_305 = tpu.vector_load %arg7[%swap3A_304] {strides = array<i32>} : memref<2304xf32, #tpu.memory_space<vmem>>, vector<16xf32>,
    tpu.vector_store %arg7[%swap3A_304], %gather3A_303 {strides = array<i32>} : memref<2304xf32, #tpu.memory_space<vmem>>, vector<16xf32>,
    %add3A_306 = arith.constant 192 : i32
    %add3A_307 = vector.broadcast %add3A_306 : i32 to vector<16xi32>
    %add3A_308 = arith.addi %mul3A_7, %add3A_307 : vector<16xi32>
    %gather3A_309 = tpu.vector_load_idx %arg6[%add3A_308] : memref<768xi32, #tpu.memory_space<vmem>>[vector<16xi32>], vector<16xi32>,
    %mul3A_310 = arith.constant 3 : i32
    %mul3A_311 = vector.broadcast %mul3A_310 : i32 to vector<16xi32>
    %mul3A_312 = arith.muli %gather3A_309, %mul3A_311 : vector<16xi32>
    %add3A_313 = arith.constant 0 : i32
    %add3A_314 = vector.broadcast %add3A_313 : i32 to vector<16xi32>
    %add3A_315 = arith.addi %mul3A_312, %add3A_314 : vector<16xi32>
    %gather3A_316 = tpu.vector_load_idx %arg5[%add3A_315] : memref<12288xf32, #tpu.memory_space<vmem>>[vector<16xi32>], vector<16xf32>,
    %swap3A_317 = arith.constant 64 : index
    %swap3A_318 = tpu.vector_load %arg7[%swap3A_317] {strides = array<i32>} : memref<2304xf32, #tpu.memory_space<vmem>>, vector<16xf32>,
    tpu.vector_store %arg7[%swap3A_317], %gather3A_316 {strides = array<i32>} : memref<2304xf32, #tpu.memory_space<vmem>>, vector<16xf32>,
    %add3A_319 = arith.constant 1 : i32
    %add3A_320 = vector.broadcast %add3A_319 : i32 to vector<16xi32>
    %add3A_321 = arith.addi %mul3A_312, %add3A_320 : vector<16xi32>
    %gather3A_322 = tpu.vector_load_idx %arg5[%add3A_321] : memref<12288xf32, #tpu.memory_space<vmem>>[vector<16xi32>], vector<16xf32>,
    %swap3A_323 = arith.constant 320 : index
    %swap3A_324 = tpu.vector_load %arg7[%swap3A_323] {strides = array<i32>} : memref<2304xf32, #tpu.memory_space<vmem>>, vector<16xf32>,
    tpu.vector_store %arg7[%swap3A_323], %gather3A_322 {strides = array<i32>} : memref<2304xf32, #tpu.memory_space<vmem>>, vector<16xf32>,
    %add3A_325 = arith.constant 2 : i32
    %add3A_326 = vector.broadcast %add3A_325 : i32 to vector<16xi32>
    %add3A_327 = arith.addi %mul3A_312, %add3A_326 : vector<16xi32>
    %gather3A_328 = tpu.vector_load_idx %arg5[%add3A_327] : memref<12288xf32, #tpu.memory_space<vmem>>[vector<16xi32>], vector<16xf32>,
    %swap3A_329 = arith.constant 576 : index
    %swap3A_330 = tpu.vector_load %arg7[%swap3A_329] {strides = array<i32>} : memref<2304xf32, #tpu.memory_space<vmem>>, vector<16xf32>,
    tpu.vector_store %arg7[%swap3A_329], %gather3A_328 {strides = array<i32>} : memref<2304xf32, #tpu.memory_space<vmem>>, vector<16xf32>,
    %add3A_331 = arith.constant 193 : i32
    %add3A_332 = vector.broadcast %add3A_331 : i32 to vector<16xi32>
    %add3A_333 = arith.addi %mul3A_7, %add3A_332 : vector<16xi32>
    %gather3A_334 = tpu.vector_load_idx %arg6[%add3A_333] : memref<768xi32, #tpu.memory_space<vmem>>[vector<16xi32>], vector<16xi32>,
    %mul3A_335 = arith.constant 3 : i32
    %mul3A_336 = vector.broadcast %mul3A_335 : i32 to vector<16xi32>
    %mul3A_337 = arith.muli %gather3A_334, %mul3A_336 : vector<16xi32>
    %add3A_338 = arith.constant 0 : i32
    %add3A_339 = vector.broadcast %add3A_338 : i32 to vector<16xi32>
    %add3A_340 = arith.addi %mul3A_337, %add3A_339 : vector<16xi32>
    %gather3A_341 = tpu.vector_load_idx %arg5[%add3A_340] : memref<12288xf32, #tpu.memory_space<vmem>>[vector<16xi32>], vector<16xf32>,
    %swap3A_342 = arith.constant 832 : index
    %swap3A_343 = tpu.vector_load %arg7[%swap3A_342] {strides = array<i32>} : memref<2304xf32, #tpu.memory_space<vmem>>, vector<16xf32>,
    tpu.vector_store %arg7[%swap3A_342], %gather3A_341 {strides = array<i32>} : memref<2304xf32, #tpu.memory_space<vmem>>, vector<16xf32>,
    %add3A_344 = arith.constant 1 : i32
    %add3A_345 = vector.broadcast %add3A_344 : i32 to vector<16xi32>
    %add3A_346 = arith.addi %mul3A_337, %add3A_345 : vector<16xi32>
    %gather3A_347 = tpu.vector_load_idx %arg5[%add3A_346] : memref<12288xf32, #tpu.memory_space<vmem>>[vector<16xi32>], vector<16xf32>,
    %swap3A_348 = arith.constant 1088 : index
    %swap3A_349 = tpu.vector_load %arg7[%swap3A_348] {strides = array<i32>} : memref<2304xf32, #tpu.memory_space<vmem>>, vector<16xf32>,
    tpu.vector_store %arg7[%swap3A_348], %gather3A_347 {strides = array<i32>} : memref<2304xf32, #tpu.memory_space<vmem>>, vector<16xf32>,
    %add3A_350 = arith.constant 2 : i32
    %add3A_351 = vector.broadcast %add3A_350 : i32 to vector<16xi32>
    %add3A_352 = arith.addi %mul3A_337, %add3A_351 : vector<16xi32>
    %gather3A_353 = tpu.vector_load_idx %arg5[%add3A_352] : memref<12288xf32, #tpu.memory_space<vmem>>[vector<16xi32>], vector<16xf32>,
    %swap3A_354 = arith.constant 1344 : index
    %swap3A_355 = tpu.vector_load %arg7[%swap3A_354] {strides = array<i32>} : memref<2304xf32, #tpu.memory_space<vmem>>, vector<16xf32>,
    tpu.vector_store %arg7[%swap3A_354], %gather3A_353 {strides = array<i32>} : memref<2304xf32, #tpu.memory_space<vmem>>, vector<16xf32>,
    %add3A_356 = arith.constant 194 : i32
    %add3A_357 = vector.broadcast %add3A_356 : i32 to vector<16xi32>
    %add3A_358 = arith.addi %mul3A_7, %add3A_357 : vector<16xi32>
    %gather3A_359 = tpu.vector_load_idx %arg6[%add3A_358] : memref<768xi32, #tpu.memory_space<vmem>>[vector<16xi32>], vector<16xi32>,
    %mul3A_360 = arith.constant 3 : i32
    %mul3A_361 = vector.broadcast %mul3A_360 : i32 to vector<16xi32>
    %mul3A_362 = arith.muli %gather3A_359, %mul3A_361 : vector<16xi32>
    %add3A_363 = arith.constant 0 : i32
    %add3A_364 = vector.broadcast %add3A_363 : i32 to vector<16xi32>
    %add3A_365 = arith.addi %mul3A_362, %add3A_364 : vector<16xi32>
    %gather3A_366 = tpu.vector_load_idx %arg5[%add3A_365] : memref<12288xf32, #tpu.memory_space<vmem>>[vector<16xi32>], vector<16xf32>,
    %swap3A_367 = arith.constant 1600 : index
    %swap3A_368 = tpu.vector_load %arg7[%swap3A_367] {strides = array<i32>} : memref<2304xf32, #tpu.memory_space<vmem>>, vector<16xf32>,
    tpu.vector_store %arg7[%swap3A_367], %gather3A_366 {strides = array<i32>} : memref<2304xf32, #tpu.memory_space<vmem>>, vector<16xf32>,
    %add3A_369 = arith.constant 1 : i32
    %add3A_370 = vector.broadcast %add3A_369 : i32 to vector<16xi32>
    %add3A_371 = arith.addi %mul3A_362, %add3A_370 : vector<16xi32>
    %gather3A_372 = tpu.vector_load_idx %arg5[%add3A_371] : memref<12288xf32, #tpu.memory_space<vmem>>[vector<16xi32>], vector<16xf32>,
    %swap3A_373 = arith.constant 1856 : index
    %swap3A_374 = tpu.vector_load %arg7[%swap3A_373] {strides = array<i32>} : memref<2304xf32, #tpu.memory_space<vmem>>, vector<16xf32>,
    tpu.vector_store %arg7[%swap3A_373], %gather3A_372 {strides = array<i32>} : memref<2304xf32, #tpu.memory_space<vmem>>, vector<16xf32>,
    %add3A_375 = arith.constant 2 : i32
    %add3A_376 = vector.broadcast %add3A_375 : i32 to vector<16xi32>
    %add3A_377 = arith.addi %mul3A_362, %add3A_376 : vector<16xi32>
    %gather3A_378 = tpu.vector_load_idx %arg5[%add3A_377] : memref<12288xf32, #tpu.memory_space<vmem>>[vector<16xi32>], vector<16xf32>,
    %swap3A_379 = arith.constant 2112 : index
    %swap3A_380 = tpu.vector_load %arg7[%swap3A_379] {strides = array<i32>} : memref<2304xf32, #tpu.memory_space<vmem>>, vector<16xf32>,
    tpu.vector_store %arg7[%swap3A_379], %gather3A_378 {strides = array<i32>} : memref<2304xf32, #tpu.memory_space<vmem>>, vector<16xf32>,
    %add3A_381 = arith.constant 240 : i32
    %add3A_382 = vector.broadcast %add3A_381 : i32 to vector<16xi32>
    %add3A_383 = arith.addi %mul3A_7, %add3A_382 : vector<16xi32>
    %gather3A_384 = tpu.vector_load_idx %arg6[%add3A_383] : memref<768xi32, #tpu.memory_space<vmem>>[vector<16xi32>], vector<16xi32>,
    %mul3A_385 = arith.constant 3 : i32
    %mul3A_386 = vector.broadcast %mul3A_385 : i32 to vector<16xi32>
    %mul3A_387 = arith.muli %gather3A_384, %mul3A_386 : vector<16xi32>
    %add3A_388 = arith.constant 0 : i32
    %add3A_389 = vector.broadcast %add3A_388 : i32 to vector<16xi32>
    %add3A_390 = arith.addi %mul3A_387, %add3A_389 : vector<16xi32>
    %gather3A_391 = tpu.vector_load_idx %arg5[%add3A_390] : memref<12288xf32, #tpu.memory_space<vmem>>[vector<16xi32>], vector<16xf32>,
    %swap3A_392 = arith.constant 80 : index
    %swap3A_393 = tpu.vector_load %arg7[%swap3A_392] {strides = array<i32>} : memref<2304xf32, #tpu.memory_space<vmem>>, vector<16xf32>,
    tpu.vector_store %arg7[%swap3A_392], %gather3A_391 {strides = array<i32>} : memref<2304xf32, #tpu.memory_space<vmem>>, vector<16xf32>,
    %add3A_394 = arith.constant 1 : i32
    %add3A_395 = vector.broadcast %add3A_394 : i32 to vector<16xi32>
    %add3A_396 = arith.addi %mul3A_387, %add3A_395 : vector<16xi32>
    %gather3A_397 = tpu.vector_load_idx %arg5[%add3A_396] : memref<12288xf32, #tpu.memory_space<vmem>>[vector<16xi32>], vector<16xf32>,
    %swap3A_398 = arith.constant 336 : index
    %swap3A_399 = tpu.vector_load %arg7[%swap3A_398] {strides = array<i32>} : memref<2304xf32, #tpu.memory_space<vmem>>, vector<16xf32>,
    tpu.vector_store %arg7[%swap3A_398], %gather3A_397 {strides = array<i32>} : memref<2304xf32, #tpu.memory_space<vmem>>, vector<16xf32>,
    %add3A_400 = arith.constant 2 : i32
    %add3A_401 = vector.broadcast %add3A_400 : i32 to vector<16xi32>
    %add3A_402 = arith.addi %mul3A_387, %add3A_401 : vector<16xi32>
    %gather3A_403 = tpu.vector_load_idx %arg5[%add3A_402] : memref<12288xf32, #tpu.memory_space<vmem>>[vector<16xi32>], vector<16xf32>,
    %swap3A_404 = arith.constant 592 : index
    %swap3A_405 = tpu.vector_load %arg7[%swap3A_404] {strides = array<i32>} : memref<2304xf32, #tpu.memory_space<vmem>>, vector<16xf32>,
    tpu.vector_store %arg7[%swap3A_404], %gather3A_403 {strides = array<i32>} : memref<2304xf32, #tpu.memory_space<vmem>>, vector<16xf32>,
    %add3A_406 = arith.constant 241 : i32
    %add3A_407 = vector.broadcast %add3A_406 : i32 to vector<16xi32>
    %add3A_408 = arith.addi %mul3A_7, %add3A_407 : vector<16xi32>
    %gather3A_409 = tpu.vector_load_idx %arg6[%add3A_408] : memref<768xi32, #tpu.memory_space<vmem>>[vector<16xi32>], vector<16xi32>,
    %mul3A_410 = arith.constant 3 : i32
    %mul3A_411 = vector.broadcast %mul3A_410 : i32 to vector<16xi32>
    %mul3A_412 = arith.muli %gather3A_409, %mul3A_411 : vector<16xi32>
    %add3A_413 = arith.constant 0 : i32
    %add3A_414 = vector.broadcast %add3A_413 : i32 to vector<16xi32>
    %add3A_415 = arith.addi %mul3A_412, %add3A_414 : vector<16xi32>
    %gather3A_416 = tpu.vector_load_idx %arg5[%add3A_415] : memref<12288xf32, #tpu.memory_space<vmem>>[vector<16xi32>], vector<16xf32>,
    %swap3A_417 = arith.constant 848 : index
    %swap3A_418 = tpu.vector_load %arg7[%swap3A_417] {strides = array<i32>} : memref<2304xf32, #tpu.memory_space<vmem>>, vector<16xf32>,
    tpu.vector_store %arg7[%swap3A_417], %gather3A_416 {strides = array<i32>} : memref<2304xf32, #tpu.memory_space<vmem>>, vector<16xf32>,
    %add3A_419 = arith.constant 1 : i32
    %add3A_420 = vector.broadcast %add3A_419 : i32 to vector<16xi32>
    %add3A_421 = arith.addi %mul3A_412, %add3A_420 : vector<16xi32>
    %gather3A_422 = tpu.vector_load_idx %arg5[%add3A_421] : memref<12288xf32, #tpu.memory_space<vmem>>[vector<16xi32>], vector<16xf32>,
    %swap3A_423 = arith.constant 1104 : index
    %swap3A_424 = tpu.vector_load %arg7[%swap3A_423] {strides = array<i32>} : memref<2304xf32, #tpu.memory_space<vmem>>, vector<16xf32>,
    tpu.vector_store %arg7[%swap3A_423], %gather3A_422 {strides = array<i32>} : memref<2304xf32, #tpu.memory_space<vmem>>, vector<16xf32>,
    %add3A_425 = arith.constant 2 : i32
    %add3A_426 = vector.broadcast %add3A_425 : i32 to vector<16xi32>
    %add3A_427 = arith.addi %mul3A_412, %add3A_426 : vector<16xi32>
    %gather3A_428 = tpu.vector_load_idx %arg5[%add3A_427] : memref<12288xf32, #tpu.memory_space<vmem>>[vector<16xi32>], vector<16xf32>,
    %swap3A_429 = arith.constant 1360 : index
    %swap3A_430 = tpu.vector_load %arg7[%swap3A_429] {strides = array<i32>} : memref<2304xf32, #tpu.memory_space<vmem>>, vector<16xf32>,
    tpu.vector_store %arg7[%swap3A_429], %gather3A_428 {strides = array<i32>} : memref<2304xf32, #tpu.memory_space<vmem>>, vector<16xf32>,
    %add3A_431 = arith.constant 242 : i32
    %add3A_432 = vector.broadcast %add3A_431 : i32 to vector<16xi32>
    %add3A_433 = arith.addi %mul3A_7, %add3A_432 : vector<16xi32>
    %gather3A_434 = tpu.vector_load_idx %arg6[%add3A_433] : memref<768xi32, #tpu.memory_space<vmem>>[vector<16xi32>], vector<16xi32>,
    %mul3A_435 = arith.constant 3 : i32
    %mul3A_436 = vector.broadcast %mul3A_435 : i32 to vector<16xi32>
    %mul3A_437 = arith.muli %gather3A_434, %mul3A_436 : vector<16xi32>
    %add3A_438 = arith.constant 0 : i32
    %add3A_439 = vector.broadcast %add3A_438 : i32 to vector<16xi32>
    %add3A_440 = arith.addi %mul3A_437, %add3A_439 : vector<16xi32>
    %gather3A_441 = tpu.vector_load_idx %arg5[%add3A_440] : memref<12288xf32, #tpu.memory_space<vmem>>[vector<16xi32>], vector<16xf32>,
    %swap3A_442 = arith.constant 1616 : index
    %swap3A_443 = tpu.vector_load %arg7[%swap3A_442] {strides = array<i32>} : memref<2304xf32, #tpu.memory_space<vmem>>, vector<16xf32>,
    tpu.vector_store %arg7[%swap3A_442], %gather3A_441 {strides = array<i32>} : memref<2304xf32, #tpu.memory_space<vmem>>, vector<16xf32>,
    %add3A_444 = arith.constant 1 : i32
    %add3A_445 = vector.broadcast %add3A_444 : i32 to vector<16xi32>
    %add3A_446 = arith.addi %mul3A_437, %add3A_445 : vector<16xi32>
    %gather3A_447 = tpu.vector_load_idx %arg5[%add3A_446] : memref<12288xf32, #tpu.memory_space<vmem>>[vector<16xi32>], vector<16xf32>,
    %swap3A_448 = arith.constant 1872 : index
    %swap3A_449 = tpu.vector_load %arg7[%swap3A_448] {strides = array<i32>} : memref<2304xf32, #tpu.memory_space<vmem>>, vector<16xf32>,
    tpu.vector_store %arg7[%swap3A_448], %gather3A_447 {strides = array<i32>} : memref<2304xf32, #tpu.memory_space<vmem>>, vector<16xf32>,
    %add3A_450 = arith.constant 2 : i32
    %add3A_451 = vector.broadcast %add3A_450 : i32 to vector<16xi32>
    %add3A_452 = arith.addi %mul3A_437, %add3A_451 : vector<16xi32>
    %gather3A_453 = tpu.vector_load_idx %arg5[%add3A_452] : memref<12288xf32, #tpu.memory_space<vmem>>[vector<16xi32>], vector<16xf32>,
    %swap3A_454 = arith.constant 2128 : index
    %swap3A_455 = tpu.vector_load %arg7[%swap3A_454] {strides = array<i32>} : memref<2304xf32, #tpu.memory_space<vmem>>, vector<16xf32>,
    tpu.vector_store %arg7[%swap3A_454], %gather3A_453 {strides = array<i32>} : memref<2304xf32, #tpu.memory_space<vmem>>, vector<16xf32>,
    %add3A_456 = arith.constant 288 : i32
    %add3A_457 = vector.broadcast %add3A_456 : i32 to vector<16xi32>
    %add3A_458 = arith.addi %mul3A_7, %add3A_457 : vector<16xi32>
    %gather3A_459 = tpu.vector_load_idx %arg6[%add3A_458] : memref<768xi32, #tpu.memory_space<vmem>>[vector<16xi32>], vector<16xi32>,
    %mul3A_460 = arith.constant 3 : i32
    %mul3A_461 = vector.broadcast %mul3A_460 : i32 to vector<16xi32>
    %mul3A_462 = arith.muli %gather3A_459, %mul3A_461 : vector<16xi32>
    %add3A_463 = arith.constant 0 : i32
    %add3A_464 = vector.broadcast %add3A_463 : i32 to vector<16xi32>
    %add3A_465 = arith.addi %mul3A_462, %add3A_464 : vector<16xi32>
    %gather3A_466 = tpu.vector_load_idx %arg5[%add3A_465] : memref<12288xf32, #tpu.memory_space<vmem>>[vector<16xi32>], vector<16xf32>,
    %swap3A_467 = arith.constant 96 : index
    %swap3A_468 = tpu.vector_load %arg7[%swap3A_467] {strides = array<i32>} : memref<2304xf32, #tpu.memory_space<vmem>>, vector<16xf32>,
    tpu.vector_store %arg7[%swap3A_467], %gather3A_466 {strides = array<i32>} : memref<2304xf32, #tpu.memory_space<vmem>>, vector<16xf32>,
    %add3A_469 = arith.constant 1 : i32
    %add3A_470 = vector.broadcast %add3A_469 : i32 to vector<16xi32>
    %add3A_471 = arith.addi %mul3A_462, %add3A_470 : vector<16xi32>
    %gather3A_472 = tpu.vector_load_idx %arg5[%add3A_471] : memref<12288xf32, #tpu.memory_space<vmem>>[vector<16xi32>], vector<16xf32>,
    %swap3A_473 = arith.constant 352 : index
    %swap3A_474 = tpu.vector_load %arg7[%swap3A_473] {strides = array<i32>} : memref<2304xf32, #tpu.memory_space<vmem>>, vector<16xf32>,
    tpu.vector_store %arg7[%swap3A_473], %gather3A_472 {strides = array<i32>} : memref<2304xf32, #tpu.memory_space<vmem>>, vector<16xf32>,
    %add3A_475 = arith.constant 2 : i32
    %add3A_476 = vector.broadcast %add3A_475 : i32 to vector<16xi32>
    %add3A_477 = arith.addi %mul3A_462, %add3A_476 : vector<16xi32>
    %gather3A_478 = tpu.vector_load_idx %arg5[%add3A_477] : memref<12288xf32, #tpu.memory_space<vmem>>[vector<16xi32>], vector<16xf32>,
    %swap3A_479 = arith.constant 608 : index
    %swap3A_480 = tpu.vector_load %arg7[%swap3A_479] {strides = array<i32>} : memref<2304xf32, #tpu.memory_space<vmem>>, vector<16xf32>,
    tpu.vector_store %arg7[%swap3A_479], %gather3A_478 {strides = array<i32>} : memref<2304xf32, #tpu.memory_space<vmem>>, vector<16xf32>,
    %add3A_481 = arith.constant 289 : i32
    %add3A_482 = vector.broadcast %add3A_481 : i32 to vector<16xi32>
    %add3A_483 = arith.addi %mul3A_7, %add3A_482 : vector<16xi32>
    %gather3A_484 = tpu.vector_load_idx %arg6[%add3A_483] : memref<768xi32, #tpu.memory_space<vmem>>[vector<16xi32>], vector<16xi32>,
    %mul3A_485 = arith.constant 3 : i32
    %mul3A_486 = vector.broadcast %mul3A_485 : i32 to vector<16xi32>
    %mul3A_487 = arith.muli %gather3A_484, %mul3A_486 : vector<16xi32>
    %add3A_488 = arith.constant 0 : i32
    %add3A_489 = vector.broadcast %add3A_488 : i32 to vector<16xi32>
    %add3A_490 = arith.addi %mul3A_487, %add3A_489 : vector<16xi32>
    %gather3A_491 = tpu.vector_load_idx %arg5[%add3A_490] : memref<12288xf32, #tpu.memory_space<vmem>>[vector<16xi32>], vector<16xf32>,
    %swap3A_492 = arith.constant 864 : index
    %swap3A_493 = tpu.vector_load %arg7[%swap3A_492] {strides = array<i32>} : memref<2304xf32, #tpu.memory_space<vmem>>, vector<16xf32>,
    tpu.vector_store %arg7[%swap3A_492], %gather3A_491 {strides = array<i32>} : memref<2304xf32, #tpu.memory_space<vmem>>, vector<16xf32>,
    %add3A_494 = arith.constant 1 : i32
    %add3A_495 = vector.broadcast %add3A_494 : i32 to vector<16xi32>
    %add3A_496 = arith.addi %mul3A_487, %add3A_495 : vector<16xi32>
    %gather3A_497 = tpu.vector_load_idx %arg5[%add3A_496] : memref<12288xf32, #tpu.memory_space<vmem>>[vector<16xi32>], vector<16xf32>,
    %swap3A_498 = arith.constant 1120 : index
    %swap3A_499 = tpu.vector_load %arg7[%swap3A_498] {strides = array<i32>} : memref<2304xf32, #tpu.memory_space<vmem>>, vector<16xf32>,
    tpu.vector_store %arg7[%swap3A_498], %gather3A_497 {strides = array<i32>} : memref<2304xf32, #tpu.memory_space<vmem>>, vector<16xf32>,
    %add3A_500 = arith.constant 2 : i32
    %add3A_501 = vector.broadcast %add3A_500 : i32 to vector<16xi32>
    %add3A_502 = arith.addi %mul3A_487, %add3A_501 : vector<16xi32>
    %gather3A_503 = tpu.vector_load_idx %arg5[%add3A_502] : memref<12288xf32, #tpu.memory_space<vmem>>[vector<16xi32>], vector<16xf32>,
    %swap3A_504 = arith.constant 1376 : index
    %swap3A_505 = tpu.vector_load %arg7[%swap3A_504] {strides = array<i32>} : memref<2304xf32, #tpu.memory_space<vmem>>, vector<16xf32>,
    tpu.vector_store %arg7[%swap3A_504], %gather3A_503 {strides = array<i32>} : memref<2304xf32, #tpu.memory_space<vmem>>, vector<16xf32>,
    %add3A_506 = arith.constant 290 : i32
    %add3A_507 = vector.broadcast %add3A_506 : i32 to vector<16xi32>
    %add3A_508 = arith.addi %mul3A_7, %add3A_507 : vector<16xi32>
    %gather3A_509 = tpu.vector_load_idx %arg6[%add3A_508] : memref<768xi32, #tpu.memory_space<vmem>>[vector<16xi32>], vector<16xi32>,
    %mul3A_510 = arith.constant 3 : i32
    %mul3A_511 = vector.broadcast %mul3A_510 : i32 to vector<16xi32>
    %mul3A_512 = arith.muli %gather3A_509, %mul3A_511 : vector<16xi32>
    %add3A_513 = arith.constant 0 : i32
    %add3A_514 = vector.broadcast %add3A_513 : i32 to vector<16xi32>
    %add3A_515 = arith.addi %mul3A_512, %add3A_514 : vector<16xi32>
    %gather3A_516 = tpu.vector_load_idx %arg5[%add3A_515] : memref<12288xf32, #tpu.memory_space<vmem>>[vector<16xi32>], vector<16xf32>,
    %swap3A_517 = arith.constant 1632 : index
    %swap3A_518 = tpu.vector_load %arg7[%swap3A_517] {strides = array<i32>} : memref<2304xf32, #tpu.memory_space<vmem>>, vector<16xf32>,
    tpu.vector_store %arg7[%swap3A_517], %gather3A_516 {strides = array<i32>} : memref<2304xf32, #tpu.memory_space<vmem>>, vector<16xf32>,
    %add3A_519 = arith.constant 1 : i32
    %add3A_520 = vector.broadcast %add3A_519 : i32 to vector<16xi32>
    %add3A_521 = arith.addi %mul3A_512, %add3A_520 : vector<16xi32>
    %gather3A_522 = tpu.vector_load_idx %arg5[%add3A_521] : memref<12288xf32, #tpu.memory_space<vmem>>[vector<16xi32>], vector<16xf32>,
    %swap3A_523 = arith.constant 1888 : index
    %swap3A_524 = tpu.vector_load %arg7[%swap3A_523] {strides = array<i32>} : memref<2304xf32, #tpu.memory_space<vmem>>, vector<16xf32>,
    tpu.vector_store %arg7[%swap3A_523], %gather3A_522 {strides = array<i32>} : memref<2304xf32, #tpu.memory_space<vmem>>, vector<16xf32>,
    %add3A_525 = arith.constant 2 : i32
    %add3A_526 = vector.broadcast %add3A_525 : i32 to vector<16xi32>
    %add3A_527 = arith.addi %mul3A_512, %add3A_526 : vector<16xi32>
    %gather3A_528 = tpu.vector_load_idx %arg5[%add3A_527] : memref<12288xf32, #tpu.memory_space<vmem>>[vector<16xi32>], vector<16xf32>,
    %swap3A_529 = arith.constant 2144 : index
    %swap3A_530 = tpu.vector_load %arg7[%swap3A_529] {strides = array<i32>} : memref<2304xf32, #tpu.memory_space<vmem>>, vector<16xf32>,
    tpu.vector_store %arg7[%swap3A_529], %gather3A_528 {strides = array<i32>} : memref<2304xf32, #tpu.memory_space<vmem>>, vector<16xf32>,
    %add3A_531 = arith.constant 336 : i32
    %add3A_532 = vector.broadcast %add3A_531 : i32 to vector<16xi32>
    %add3A_533 = arith.addi %mul3A_7, %add3A_532 : vector<16xi32>
    %gather3A_534 = tpu.vector_load_idx %arg6[%add3A_533] : memref<768xi32, #tpu.memory_space<vmem>>[vector<16xi32>], vector<16xi32>,
    %mul3A_535 = arith.constant 3 : i32
    %mul3A_536 = vector.broadcast %mul3A_535 : i32 to vector<16xi32>
    %mul3A_537 = arith.muli %gather3A_534, %mul3A_536 : vector<16xi32>
    %add3A_538 = arith.constant 0 : i32
    %add3A_539 = vector.broadcast %add3A_538 : i32 to vector<16xi32>
    %add3A_540 = arith.addi %mul3A_537, %add3A_539 : vector<16xi32>
    %gather3A_541 = tpu.vector_load_idx %arg5[%add3A_540] : memref<12288xf32, #tpu.memory_space<vmem>>[vector<16xi32>], vector<16xf32>,
    %swap3A_542 = arith.constant 112 : index
    %swap3A_543 = tpu.vector_load %arg7[%swap3A_542] {strides = array<i32>} : memref<2304xf32, #tpu.memory_space<vmem>>, vector<16xf32>,
    tpu.vector_store %arg7[%swap3A_542], %gather3A_541 {strides = array<i32>} : memref<2304xf32, #tpu.memory_space<vmem>>, vector<16xf32>,
    %add3A_544 = arith.constant 1 : i32
    %add3A_545 = vector.broadcast %add3A_544 : i32 to vector<16xi32>
    %add3A_546 = arith.addi %mul3A_537, %add3A_545 : vector<16xi32>
    %gather3A_547 = tpu.vector_load_idx %arg5[%add3A_546] : memref<12288xf32, #tpu.memory_space<vmem>>[vector<16xi32>], vector<16xf32>,
    %swap3A_548 = arith.constant 368 : index
    %swap3A_549 = tpu.vector_load %arg7[%swap3A_548] {strides = array<i32>} : memref<2304xf32, #tpu.memory_space<vmem>>, vector<16xf32>,
    tpu.vector_store %arg7[%swap3A_548], %gather3A_547 {strides = array<i32>} : memref<2304xf32, #tpu.memory_space<vmem>>, vector<16xf32>,
    %add3A_550 = arith.constant 2 : i32
    %add3A_551 = vector.broadcast %add3A_550 : i32 to vector<16xi32>
    %add3A_552 = arith.addi %mul3A_537, %add3A_551 : vector<16xi32>
    %gather3A_553 = tpu.vector_load_idx %arg5[%add3A_552] : memref<12288xf32, #tpu.memory_space<vmem>>[vector<16xi32>], vector<16xf32>,
    %swap3A_554 = arith.constant 624 : index
    %swap3A_555 = tpu.vector_load %arg7[%swap3A_554] {strides = array<i32>} : memref<2304xf32, #tpu.memory_space<vmem>>, vector<16xf32>,
    tpu.vector_store %arg7[%swap3A_554], %gather3A_553 {strides = array<i32>} : memref<2304xf32, #tpu.memory_space<vmem>>, vector<16xf32>,
    %add3A_556 = arith.constant 337 : i32
    %add3A_557 = vector.broadcast %add3A_556 : i32 to vector<16xi32>
    %add3A_558 = arith.addi %mul3A_7, %add3A_557 : vector<16xi32>
    %gather3A_559 = tpu.vector_load_idx %arg6[%add3A_558] : memref<768xi32, #tpu.memory_space<vmem>>[vector<16xi32>], vector<16xi32>,
    %mul3A_560 = arith.constant 3 : i32
    %mul3A_561 = vector.broadcast %mul3A_560 : i32 to vector<16xi32>
    %mul3A_562 = arith.muli %gather3A_559, %mul3A_561 : vector<16xi32>
    %add3A_563 = arith.constant 0 : i32
    %add3A_564 = vector.broadcast %add3A_563 : i32 to vector<16xi32>
    %add3A_565 = arith.addi %mul3A_562, %add3A_564 : vector<16xi32>
    %gather3A_566 = tpu.vector_load_idx %arg5[%add3A_565] : memref<12288xf32, #tpu.memory_space<vmem>>[vector<16xi32>], vector<16xf32>,
    %swap3A_567 = arith.constant 880 : index
    %swap3A_568 = tpu.vector_load %arg7[%swap3A_567] {strides = array<i32>} : memref<2304xf32, #tpu.memory_space<vmem>>, vector<16xf32>,
    tpu.vector_store %arg7[%swap3A_567], %gather3A_566 {strides = array<i32>} : memref<2304xf32, #tpu.memory_space<vmem>>, vector<16xf32>,
    %add3A_569 = arith.constant 1 : i32
    %add3A_570 = vector.broadcast %add3A_569 : i32 to vector<16xi32>
    %add3A_571 = arith.addi %mul3A_562, %add3A_570 : vector<16xi32>
    %gather3A_572 = tpu.vector_load_idx %arg5[%add3A_571] : memref<12288xf32, #tpu.memory_space<vmem>>[vector<16xi32>], vector<16xf32>,
    %swap3A_573 = arith.constant 1136 : index
    %swap3A_574 = tpu.vector_load %arg7[%swap3A_573] {strides = array<i32>} : memref<2304xf32, #tpu.memory_space<vmem>>, vector<16xf32>,
    tpu.vector_store %arg7[%swap3A_573], %gather3A_572 {strides = array<i32>} : memref<2304xf32, #tpu.memory_space<vmem>>, vector<16xf32>,
    %add3A_575 = arith.constant 2 : i32
    %add3A_576 = vector.broadcast %add3A_575 : i32 to vector<16xi32>
    %add3A_577 = arith.addi %mul3A_562, %add3A_576 : vector<16xi32>
    %gather3A_578 = tpu.vector_load_idx %arg5[%add3A_577] : memref<12288xf32, #tpu.memory_space<vmem>>[vector<16xi32>], vector<16xf32>,
    %swap3A_579 = arith.constant 1392 : index
    %swap3A_580 = tpu.vector_load %arg7[%swap3A_579] {strides = array<i32>} : memref<2304xf32, #tpu.memory_space<vmem>>, vector<16xf32>,
    tpu.vector_store %arg7[%swap3A_579], %gather3A_578 {strides = array<i32>} : memref<2304xf32, #tpu.memory_space<vmem>>, vector<16xf32>,
    %add3A_581 = arith.constant 338 : i32
    %add3A_582 = vector.broadcast %add3A_581 : i32 to vector<16xi32>
    %add3A_583 = arith.addi %mul3A_7, %add3A_582 : vector<16xi32>
    %gather3A_584 = tpu.vector_load_idx %arg6[%add3A_583] : memref<768xi32, #tpu.memory_space<vmem>>[vector<16xi32>], vector<16xi32>,
    %mul3A_585 = arith.constant 3 : i32
    %mul3A_586 = vector.broadcast %mul3A_585 : i32 to vector<16xi32>
    %mul3A_587 = arith.muli %gather3A_584, %mul3A_586 : vector<16xi32>
    %add3A_588 = arith.constant 0 : i32
    %add3A_589 = vector.broadcast %add3A_588 : i32 to vector<16xi32>
    %add3A_590 = arith.addi %mul3A_587, %add3A_589 : vector<16xi32>
    %gather3A_591 = tpu.vector_load_idx %arg5[%add3A_590] : memref<12288xf32, #tpu.memory_space<vmem>>[vector<16xi32>], vector<16xf32>,
    %swap3A_592 = arith.constant 1648 : index
    %swap3A_593 = tpu.vector_load %arg7[%swap3A_592] {strides = array<i32>} : memref<2304xf32, #tpu.memory_space<vmem>>, vector<16xf32>,
    tpu.vector_store %arg7[%swap3A_592], %gather3A_591 {strides = array<i32>} : memref<2304xf32, #tpu.memory_space<vmem>>, vector<16xf32>,
    %add3A_594 = arith.constant 1 : i32
    %add3A_595 = vector.broadcast %add3A_594 : i32 to vector<16xi32>
    %add3A_596 = arith.addi %mul3A_587, %add3A_595 : vector<16xi32>
    %gather3A_597 = tpu.vector_load_idx %arg5[%add3A_596] : memref<12288xf32, #tpu.memory_space<vmem>>[vector<16xi32>], vector<16xf32>,
    %swap3A_598 = arith.constant 1904 : index
    %swap3A_599 = tpu.vector_load %arg7[%swap3A_598] {strides = array<i32>} : memref<2304xf32, #tpu.memory_space<vmem>>, vector<16xf32>,
    tpu.vector_store %arg7[%swap3A_598], %gather3A_597 {strides = array<i32>} : memref<2304xf32, #tpu.memory_space<vmem>>, vector<16xf32>,
    %add3A_600 = arith.constant 2 : i32
    %add3A_601 = vector.broadcast %add3A_600 : i32 to vector<16xi32>
    %add3A_602 = arith.addi %mul3A_587, %add3A_601 : vector<16xi32>
    %gather3A_603 = tpu.vector_load_idx %arg5[%add3A_602] : memref<12288xf32, #tpu.memory_space<vmem>>[vector<16xi32>], vector<16xf32>,
    %swap3A_604 = arith.constant 2160 : index
    %swap3A_605 = tpu.vector_load %arg7[%swap3A_604] {strides = array<i32>} : memref<2304xf32, #tpu.memory_space<vmem>>, vector<16xf32>,
    tpu.vector_store %arg7[%swap3A_604], %gather3A_603 {strides = array<i32>} : memref<2304xf32, #tpu.memory_space<vmem>>, vector<16xf32>,
    %add3A_606 = arith.constant 384 : i32
    %add3A_607 = vector.broadcast %add3A_606 : i32 to vector<16xi32>
    %add3A_608 = arith.addi %mul3A_7, %add3A_607 : vector<16xi32>
    %gather3A_609 = tpu.vector_load_idx %arg6[%add3A_608] : memref<768xi32, #tpu.memory_space<vmem>>[vector<16xi32>], vector<16xi32>,
    %mul3A_610 = arith.constant 3 : i32
    %mul3A_611 = vector.broadcast %mul3A_610 : i32 to vector<16xi32>
    %mul3A_612 = arith.muli %gather3A_609, %mul3A_611 : vector<16xi32>
    %add3A_613 = arith.constant 0 : i32
    %add3A_614 = vector.broadcast %add3A_613 : i32 to vector<16xi32>
    %add3A_615 = arith.addi %mul3A_612, %add3A_614 : vector<16xi32>
    %gather3A_616 = tpu.vector_load_idx %arg5[%add3A_615] : memref<12288xf32, #tpu.memory_space<vmem>>[vector<16xi32>], vector<16xf32>,
    %swap3A_617 = arith.constant 128 : index
    %swap3A_618 = tpu.vector_load %arg7[%swap3A_617] {strides = array<i32>} : memref<2304xf32, #tpu.memory_space<vmem>>, vector<16xf32>,
    tpu.vector_store %arg7[%swap3A_617], %gather3A_616 {strides = array<i32>} : memref<2304xf32, #tpu.memory_space<vmem>>, vector<16xf32>,
    %add3A_619 = arith.constant 1 : i32
    %add3A_620 = vector.broadcast %add3A_619 : i32 to vector<16xi32>
    %add3A_621 = arith.addi %mul3A_612, %add3A_620 : vector<16xi32>
    %gather3A_622 = tpu.vector_load_idx %arg5[%add3A_621] : memref<12288xf32, #tpu.memory_space<vmem>>[vector<16xi32>], vector<16xf32>,
    %swap3A_623 = arith.constant 384 : index
    %swap3A_624 = tpu.vector_load %arg7[%swap3A_623] {strides = array<i32>} : memref<2304xf32, #tpu.memory_space<vmem>>, vector<16xf32>,
    tpu.vector_store %arg7[%swap3A_623], %gather3A_622 {strides = array<i32>} : memref<2304xf32, #tpu.memory_space<vmem>>, vector<16xf32>,
    %add3A_625 = arith.constant 2 : i32
    %add3A_626 = vector.broadcast %add3A_625 : i32 to vector<16xi32>
    %add3A_627 = arith.addi %mul3A_612, %add3A_626 : vector<16xi32>
    %gather3A_628 = tpu.vector_load_idx %arg5[%add3A_627] : memref<12288xf32, #tpu.memory_space<vmem>>[vector<16xi32>], vector<16xf32>,
    %swap3A_629 = arith.constant 640 : index
    %swap3A_630 = tpu.vector_load %arg7[%swap3A_629] {strides = array<i32>} : memref<2304xf32, #tpu.memory_space<vmem>>, vector<16xf32>,
    tpu.vector_store %arg7[%swap3A_629], %gather3A_628 {strides = array<i32>} : memref<2304xf32, #tpu.memory_space<vmem>>, vector<16xf32>,
    %add3A_631 = arith.constant 385 : i32
    %add3A_632 = vector.broadcast %add3A_631 : i32 to vector<16xi32>
    %add3A_633 = arith.addi %mul3A_7, %add3A_632 : vector<16xi32>
    %gather3A_634 = tpu.vector_load_idx %arg6[%add3A_633] : memref<768xi32, #tpu.memory_space<vmem>>[vector<16xi32>], vector<16xi32>,
    %mul3A_635 = arith.constant 3 : i32
    %mul3A_636 = vector.broadcast %mul3A_635 : i32 to vector<16xi32>
    %mul3A_637 = arith.muli %gather3A_634, %mul3A_636 : vector<16xi32>
    %add3A_638 = arith.constant 0 : i32
    %add3A_639 = vector.broadcast %add3A_638 : i32 to vector<16xi32>
    %add3A_640 = arith.addi %mul3A_637, %add3A_639 : vector<16xi32>
    %gather3A_641 = tpu.vector_load_idx %arg5[%add3A_640] : memref<12288xf32, #tpu.memory_space<vmem>>[vector<16xi32>], vector<16xf32>,
    %swap3A_642 = arith.constant 896 : index
    %swap3A_643 = tpu.vector_load %arg7[%swap3A_642] {strides = array<i32>} : memref<2304xf32, #tpu.memory_space<vmem>>, vector<16xf32>,
    tpu.vector_store %arg7[%swap3A_642], %gather3A_641 {strides = array<i32>} : memref<2304xf32, #tpu.memory_space<vmem>>, vector<16xf32>,
    %add3A_644 = arith.constant 1 : i32
    %add3A_645 = vector.broadcast %add3A_644 : i32 to vector<16xi32>
    %add3A_646 = arith.addi %mul3A_637, %add3A_645 : vector<16xi32>
    %gather3A_647 = tpu.vector_load_idx %arg5[%add3A_646] : memref<12288xf32, #tpu.memory_space<vmem>>[vector<16xi32>], vector<16xf32>,
    %swap3A_648 = arith.constant 1152 : index
    %swap3A_649 = tpu.vector_load %arg7[%swap3A_648] {strides = array<i32>} : memref<2304xf32, #tpu.memory_space<vmem>>, vector<16xf32>,
    tpu.vector_store %arg7[%swap3A_648], %gather3A_647 {strides = array<i32>} : memref<2304xf32, #tpu.memory_space<vmem>>, vector<16xf32>,
    %add3A_650 = arith.constant 2 : i32
    %add3A_651 = vector.broadcast %add3A_650 : i32 to vector<16xi32>
    %add3A_652 = arith.addi %mul3A_637, %add3A_651 : vector<16xi32>
    %gather3A_653 = tpu.vector_load_idx %arg5[%add3A_652] : memref<12288xf32, #tpu.memory_space<vmem>>[vector<16xi32>], vector<16xf32>,
    %swap3A_654 = arith.constant 1408 : index
    %swap3A_655 = tpu.vector_load %arg7[%swap3A_654] {strides = array<i32>} : memref<2304xf32, #tpu.memory_space<vmem>>, vector<16xf32>,
    tpu.vector_store %arg7[%swap3A_654], %gather3A_653 {strides = array<i32>} : memref<2304xf32, #tpu.memory_space<vmem>>, vector<16xf32>,
    %add3A_656 = arith.constant 386 : i32
    %add3A_657 = vector.broadcast %add3A_656 : i32 to vector<16xi32>
    %add3A_658 = arith.addi %mul3A_7, %add3A_657 : vector<16xi32>
    %gather3A_659 = tpu.vector_load_idx %arg6[%add3A_658] : memref<768xi32, #tpu.memory_space<vmem>>[vector<16xi32>], vector<16xi32>,
    %mul3A_660 = arith.constant 3 : i32
    %mul3A_661 = vector.broadcast %mul3A_660 : i32 to vector<16xi32>
    %mul3A_662 = arith.muli %gather3A_659, %mul3A_661 : vector<16xi32>
    %add3A_663 = arith.constant 0 : i32
    %add3A_664 = vector.broadcast %add3A_663 : i32 to vector<16xi32>
    %add3A_665 = arith.addi %mul3A_662, %add3A_664 : vector<16xi32>
    %gather3A_666 = tpu.vector_load_idx %arg5[%add3A_665] : memref<12288xf32, #tpu.memory_space<vmem>>[vector<16xi32>], vector<16xf32>,
    %swap3A_667 = arith.constant 1664 : index
    %swap3A_668 = tpu.vector_load %arg7[%swap3A_667] {strides = array<i32>} : memref<2304xf32, #tpu.memory_space<vmem>>, vector<16xf32>,
    tpu.vector_store %arg7[%swap3A_667], %gather3A_666 {strides = array<i32>} : memref<2304xf32, #tpu.memory_space<vmem>>, vector<16xf32>,
    %add3A_669 = arith.constant 1 : i32
    %add3A_670 = vector.broadcast %add3A_669 : i32 to vector<16xi32>
    %add3A_671 = arith.addi %mul3A_662, %add3A_670 : vector<16xi32>
    %gather3A_672 = tpu.vector_load_idx %arg5[%add3A_671] : memref<12288xf32, #tpu.memory_space<vmem>>[vector<16xi32>], vector<16xf32>,
    %swap3A_673 = arith.constant 1920 : index
    %swap3A_674 = tpu.vector_load %arg7[%swap3A_673] {strides = array<i32>} : memref<2304xf32, #tpu.memory_space<vmem>>, vector<16xf32>,
    tpu.vector_store %arg7[%swap3A_673], %gather3A_672 {strides = array<i32>} : memref<2304xf32, #tpu.memory_space<vmem>>, vector<16xf32>,
    %add3A_675 = arith.constant 2 : i32
    %add3A_676 = vector.broadcast %add3A_675 : i32 to vector<16xi32>
    %add3A_677 = arith.addi %mul3A_662, %add3A_676 : vector<16xi32>
    %gather3A_678 = tpu.vector_load_idx %arg5[%add3A_677] : memref<12288xf32, #tpu.memory_space<vmem>>[vector<16xi32>], vector<16xf32>,
    %swap3A_679 = arith.constant 2176 : index
    %swap3A_680 = tpu.vector_load %arg7[%swap3A_679] {strides = array<i32>} : memref<2304xf32, #tpu.memory_space<vmem>>, vector<16xf32>,
    tpu.vector_store %arg7[%swap3A_679], %gather3A_678 {strides = array<i32>} : memref<2304xf32, #tpu.memory_space<vmem>>, vector<16xf32>,
    %add3A_681 = arith.constant 432 : i32
    %add3A_682 = vector.broadcast %add3A_681 : i32 to vector<16xi32>
    %add3A_683 = arith.addi %mul3A_7, %add3A_682 : vector<16xi32>
    %gather3A_684 = tpu.vector_load_idx %arg6[%add3A_683] : memref<768xi32, #tpu.memory_space<vmem>>[vector<16xi32>], vector<16xi32>,
    %mul3A_685 = arith.constant 3 : i32
    %mul3A_686 = vector.broadcast %mul3A_685 : i32 to vector<16xi32>
    %mul3A_687 = arith.muli %gather3A_684, %mul3A_686 : vector<16xi32>
    %add3A_688 = arith.constant 0 : i32
    %add3A_689 = vector.broadcast %add3A_688 : i32 to vector<16xi32>
    %add3A_690 = arith.addi %mul3A_687, %add3A_689 : vector<16xi32>
    %gather3A_691 = tpu.vector_load_idx %arg5[%add3A_690] : memref<12288xf32, #tpu.memory_space<vmem>>[vector<16xi32>], vector<16xf32>,
    %swap3A_692 = arith.constant 144 : index
    %swap3A_693 = tpu.vector_load %arg7[%swap3A_692] {strides = array<i32>} : memref<2304xf32, #tpu.memory_space<vmem>>, vector<16xf32>,
    tpu.vector_store %arg7[%swap3A_692], %gather3A_691 {strides = array<i32>} : memref<2304xf32, #tpu.memory_space<vmem>>, vector<16xf32>,
    %add3A_694 = arith.constant 1 : i32
    %add3A_695 = vector.broadcast %add3A_694 : i32 to vector<16xi32>
    %add3A_696 = arith.addi %mul3A_687, %add3A_695 : vector<16xi32>
    %gather3A_697 = tpu.vector_load_idx %arg5[%add3A_696] : memref<12288xf32, #tpu.memory_space<vmem>>[vector<16xi32>], vector<16xf32>,
    %swap3A_698 = arith.constant 400 : index
    %swap3A_699 = tpu.vector_load %arg7[%swap3A_698] {strides = array<i32>} : memref<2304xf32, #tpu.memory_space<vmem>>, vector<16xf32>,
    tpu.vector_store %arg7[%swap3A_698], %gather3A_697 {strides = array<i32>} : memref<2304xf32, #tpu.memory_space<vmem>>, vector<16xf32>,
    %add3A_700 = arith.constant 2 : i32
    %add3A_701 = vector.broadcast %add3A_700 : i32 to vector<16xi32>
    %add3A_702 = arith.addi %mul3A_687, %add3A_701 : vector<16xi32>
    %gather3A_703 = tpu.vector_load_idx %arg5[%add3A_702] : memref<12288xf32, #tpu.memory_space<vmem>>[vector<16xi32>], vector<16xf32>,
    %swap3A_704 = arith.constant 656 : index
    %swap3A_705 = tpu.vector_load %arg7[%swap3A_704] {strides = array<i32>} : memref<2304xf32, #tpu.memory_space<vmem>>, vector<16xf32>,
    tpu.vector_store %arg7[%swap3A_704], %gather3A_703 {strides = array<i32>} : memref<2304xf32, #tpu.memory_space<vmem>>, vector<16xf32>,
    %add3A_706 = arith.constant 433 : i32
    %add3A_707 = vector.broadcast %add3A_706 : i32 to vector<16xi32>
    %add3A_708 = arith.addi %mul3A_7, %add3A_707 : vector<16xi32>
    %gather3A_709 = tpu.vector_load_idx %arg6[%add3A_708] : memref<768xi32, #tpu.memory_space<vmem>>[vector<16xi32>], vector<16xi32>,
    %mul3A_710 = arith.constant 3 : i32
    %mul3A_711 = vector.broadcast %mul3A_710 : i32 to vector<16xi32>
    %mul3A_712 = arith.muli %gather3A_709, %mul3A_711 : vector<16xi32>
    %add3A_713 = arith.constant 0 : i32
    %add3A_714 = vector.broadcast %add3A_713 : i32 to vector<16xi32>
    %add3A_715 = arith.addi %mul3A_712, %add3A_714 : vector<16xi32>
    %gather3A_716 = tpu.vector_load_idx %arg5[%add3A_715] : memref<12288xf32, #tpu.memory_space<vmem>>[vector<16xi32>], vector<16xf32>,
    %swap3A_717 = arith.constant 912 : index
    %swap3A_718 = tpu.vector_load %arg7[%swap3A_717] {strides = array<i32>} : memref<2304xf32, #tpu.memory_space<vmem>>, vector<16xf32>,
    tpu.vector_store %arg7[%swap3A_717], %gather3A_716 {strides = array<i32>} : memref<2304xf32, #tpu.memory_space<vmem>>, vector<16xf32>,
    %add3A_719 = arith.constant 1 : i32
    %add3A_720 = vector.broadcast %add3A_719 : i32 to vector<16xi32>
    %add3A_721 = arith.addi %mul3A_712, %add3A_720 : vector<16xi32>
    %gather3A_722 = tpu.vector_load_idx %arg5[%add3A_721] : memref<12288xf32, #tpu.memory_space<vmem>>[vector<16xi32>], vector<16xf32>,
    %swap3A_723 = arith.constant 1168 : index
    %swap3A_724 = tpu.vector_load %arg7[%swap3A_723] {strides = array<i32>} : memref<2304xf32, #tpu.memory_space<vmem>>, vector<16xf32>,
    tpu.vector_store %arg7[%swap3A_723], %gather3A_722 {strides = array<i32>} : memref<2304xf32, #tpu.memory_space<vmem>>, vector<16xf32>,
    %add3A_725 = arith.constant 2 : i32
    %add3A_726 = vector.broadcast %add3A_725 : i32 to vector<16xi32>
    %add3A_727 = arith.addi %mul3A_712, %add3A_726 : vector<16xi32>
    %gather3A_728 = tpu.vector_load_idx %arg5[%add3A_727] : memref<12288xf32, #tpu.memory_space<vmem>>[vector<16xi32>], vector<16xf32>,
    %swap3A_729 = arith.constant 1424 : index
    %swap3A_730 = tpu.vector_load %arg7[%swap3A_729] {strides = array<i32>} : memref<2304xf32, #tpu.memory_space<vmem>>, vector<16xf32>,
    tpu.vector_store %arg7[%swap3A_729], %gather3A_728 {strides = array<i32>} : memref<2304xf32, #tpu.memory_space<vmem>>, vector<16xf32>,
    %add3A_731 = arith.constant 434 : i32
    %add3A_732 = vector.broadcast %add3A_731 : i32 to vector<16xi32>
    %add3A_733 = arith.addi %mul3A_7, %add3A_732 : vector<16xi32>
    %gather3A_734 = tpu.vector_load_idx %arg6[%add3A_733] : memref<768xi32, #tpu.memory_space<vmem>>[vector<16xi32>], vector<16xi32>,
    %mul3A_735 = arith.constant 3 : i32
    %mul3A_736 = vector.broadcast %mul3A_735 : i32 to vector<16xi32>
    %mul3A_737 = arith.muli %gather3A_734, %mul3A_736 : vector<16xi32>
    %add3A_738 = arith.constant 0 : i32
    %add3A_739 = vector.broadcast %add3A_738 : i32 to vector<16xi32>
    %add3A_740 = arith.addi %mul3A_737, %add3A_739 : vector<16xi32>
    %gather3A_741 = tpu.vector_load_idx %arg5[%add3A_740] : memref<12288xf32, #tpu.memory_space<vmem>>[vector<16xi32>], vector<16xf32>,
    %swap3A_742 = arith.constant 1680 : index
    %swap3A_743 = tpu.vector_load %arg7[%swap3A_742] {strides = array<i32>} : memref<2304xf32, #tpu.memory_space<vmem>>, vector<16xf32>,
    tpu.vector_store %arg7[%swap3A_742], %gather3A_741 {strides = array<i32>} : memref<2304xf32, #tpu.memory_space<vmem>>, vector<16xf32>,
    %add3A_744 = arith.constant 1 : i32
    %add3A_745 = vector.broadcast %add3A_744 : i32 to vector<16xi32>
    %add3A_746 = arith.addi %mul3A_737, %add3A_745 : vector<16xi32>
    %gather3A_747 = tpu.vector_load_idx %arg5[%add3A_746] : memref<12288xf32, #tpu.memory_space<vmem>>[vector<16xi32>], vector<16xf32>,
    %swap3A_748 = arith.constant 1936 : index
    %swap3A_749 = tpu.vector_load %arg7[%swap3A_748] {strides = array<i32>} : memref<2304xf32, #tpu.memory_space<vmem>>, vector<16xf32>,
    tpu.vector_store %arg7[%swap3A_748], %gather3A_747 {strides = array<i32>} : memref<2304xf32, #tpu.memory_space<vmem>>, vector<16xf32>,
    %add3A_750 = arith.constant 2 : i32
    %add3A_751 = vector.broadcast %add3A_750 : i32 to vector<16xi32>
    %add3A_752 = arith.addi %mul3A_737, %add3A_751 : vector<16xi32>
    %gather3A_753 = tpu.vector_load_idx %arg5[%add3A_752] : memref<12288xf32, #tpu.memory_space<vmem>>[vector<16xi32>], vector<16xf32>,
    %swap3A_754 = arith.constant 2192 : index
    %swap3A_755 = tpu.vector_load %arg7[%swap3A_754] {strides = array<i32>} : memref<2304xf32, #tpu.memory_space<vmem>>, vector<16xf32>,
    tpu.vector_store %arg7[%swap3A_754], %gather3A_753 {strides = array<i32>} : memref<2304xf32, #tpu.memory_space<vmem>>, vector<16xf32>,
    %add3A_756 = arith.constant 480 : i32
    %add3A_757 = vector.broadcast %add3A_756 : i32 to vector<16xi32>
    %add3A_758 = arith.addi %mul3A_7, %add3A_757 : vector<16xi32>
    %gather3A_759 = tpu.vector_load_idx %arg6[%add3A_758] : memref<768xi32, #tpu.memory_space<vmem>>[vector<16xi32>], vector<16xi32>,
    %mul3A_760 = arith.constant 3 : i32
    %mul3A_761 = vector.broadcast %mul3A_760 : i32 to vector<16xi32>
    %mul3A_762 = arith.muli %gather3A_759, %mul3A_761 : vector<16xi32>
    %add3A_763 = arith.constant 0 : i32
    %add3A_764 = vector.broadcast %add3A_763 : i32 to vector<16xi32>
    %add3A_765 = arith.addi %mul3A_762, %add3A_764 : vector<16xi32>
    %gather3A_766 = tpu.vector_load_idx %arg5[%add3A_765] : memref<12288xf32, #tpu.memory_space<vmem>>[vector<16xi32>], vector<16xf32>,
    %swap3A_767 = arith.constant 160 : index
    %swap3A_768 = tpu.vector_load %arg7[%swap3A_767] {strides = array<i32>} : memref<2304xf32, #tpu.memory_space<vmem>>, vector<16xf32>,
    tpu.vector_store %arg7[%swap3A_767], %gather3A_766 {strides = array<i32>} : memref<2304xf32, #tpu.memory_space<vmem>>, vector<16xf32>,
    %add3A_769 = arith.constant 1 : i32
    %add3A_770 = vector.broadcast %add3A_769 : i32 to vector<16xi32>
    %add3A_771 = arith.addi %mul3A_762, %add3A_770 : vector<16xi32>
    %gather3A_772 = tpu.vector_load_idx %arg5[%add3A_771] : memref<12288xf32, #tpu.memory_space<vmem>>[vector<16xi32>], vector<16xf32>,
    %swap3A_773 = arith.constant 416 : index
    %swap3A_774 = tpu.vector_load %arg7[%swap3A_773] {strides = array<i32>} : memref<2304xf32, #tpu.memory_space<vmem>>, vector<16xf32>,
    tpu.vector_store %arg7[%swap3A_773], %gather3A_772 {strides = array<i32>} : memref<2304xf32, #tpu.memory_space<vmem>>, vector<16xf32>,
    %add3A_775 = arith.constant 2 : i32
    %add3A_776 = vector.broadcast %add3A_775 : i32 to vector<16xi32>
    %add3A_777 = arith.addi %mul3A_762, %add3A_776 : vector<16xi32>
    %gather3A_778 = tpu.vector_load_idx %arg5[%add3A_777] : memref<12288xf32, #tpu.memory_space<vmem>>[vector<16xi32>], vector<16xf32>,
    %swap3A_779 = arith.constant 672 : index
    %swap3A_780 = tpu.vector_load %arg7[%swap3A_779] {strides = array<i32>} : memref<2304xf32, #tpu.memory_space<vmem>>, vector<16xf32>,
    tpu.vector_store %arg7[%swap3A_779], %gather3A_778 {strides = array<i32>} : memref<2304xf32, #tpu.memory_space<vmem>>, vector<16xf32>,
    %add3A_781 = arith.constant 481 : i32
    %add3A_782 = vector.broadcast %add3A_781 : i32 to vector<16xi32>
    %add3A_783 = arith.addi %mul3A_7, %add3A_782 : vector<16xi32>
    %gather3A_784 = tpu.vector_load_idx %arg6[%add3A_783] : memref<768xi32, #tpu.memory_space<vmem>>[vector<16xi32>], vector<16xi32>,
    %mul3A_785 = arith.constant 3 : i32
    %mul3A_786 = vector.broadcast %mul3A_785 : i32 to vector<16xi32>
    %mul3A_787 = arith.muli %gather3A_784, %mul3A_786 : vector<16xi32>
    %add3A_788 = arith.constant 0 : i32
    %add3A_789 = vector.broadcast %add3A_788 : i32 to vector<16xi32>
    %add3A_790 = arith.addi %mul3A_787, %add3A_789 : vector<16xi32>
    %gather3A_791 = tpu.vector_load_idx %arg5[%add3A_790] : memref<12288xf32, #tpu.memory_space<vmem>>[vector<16xi32>], vector<16xf32>,
    %swap3A_792 = arith.constant 928 : index
    %swap3A_793 = tpu.vector_load %arg7[%swap3A_792] {strides = array<i32>} : memref<2304xf32, #tpu.memory_space<vmem>>, vector<16xf32>,
    tpu.vector_store %arg7[%swap3A_792], %gather3A_791 {strides = array<i32>} : memref<2304xf32, #tpu.memory_space<vmem>>, vector<16xf32>,
    %add3A_794 = arith.constant 1 : i32
    %add3A_795 = vector.broadcast %add3A_794 : i32 to vector<16xi32>
    %add3A_796 = arith.addi %mul3A_787, %add3A_795 : vector<16xi32>
    %gather3A_797 = tpu.vector_load_idx %arg5[%add3A_796] : memref<12288xf32, #tpu.memory_space<vmem>>[vector<16xi32>], vector<16xf32>,
    %swap3A_798 = arith.constant 1184 : index
    %swap3A_799 = tpu.vector_load %arg7[%swap3A_798] {strides = array<i32>} : memref<2304xf32, #tpu.memory_space<vmem>>, vector<16xf32>,
    tpu.vector_store %arg7[%swap3A_798], %gather3A_797 {strides = array<i32>} : memref<2304xf32, #tpu.memory_space<vmem>>, vector<16xf32>,
    %add3A_800 = arith.constant 2 : i32
    %add3A_801 = vector.broadcast %add3A_800 : i32 to vector<16xi32>
    %add3A_802 = arith.addi %mul3A_787, %add3A_801 : vector<16xi32>
    %gather3A_803 = tpu.vector_load_idx %arg5[%add3A_802] : memref<12288xf32, #tpu.memory_space<vmem>>[vector<16xi32>], vector<16xf32>,
    %swap3A_804 = arith.constant 1440 : index
    %swap3A_805 = tpu.vector_load %arg7[%swap3A_804] {strides = array<i32>} : memref<2304xf32, #tpu.memory_space<vmem>>, vector<16xf32>,
    tpu.vector_store %arg7[%swap3A_804], %gather3A_803 {strides = array<i32>} : memref<2304xf32, #tpu.memory_space<vmem>>, vector<16xf32>,
    %add3A_806 = arith.constant 482 : i32
    %add3A_807 = vector.broadcast %add3A_806 : i32 to vector<16xi32>
    %add3A_808 = arith.addi %mul3A_7, %add3A_807 : vector<16xi32>
    %gather3A_809 = tpu.vector_load_idx %arg6[%add3A_808] : memref<768xi32, #tpu.memory_space<vmem>>[vector<16xi32>], vector<16xi32>,
    %mul3A_810 = arith.constant 3 : i32
    %mul3A_811 = vector.broadcast %mul3A_810 : i32 to vector<16xi32>
    %mul3A_812 = arith.muli %gather3A_809, %mul3A_811 : vector<16xi32>
    %add3A_813 = arith.constant 0 : i32
    %add3A_814 = vector.broadcast %add3A_813 : i32 to vector<16xi32>
    %add3A_815 = arith.addi %mul3A_812, %add3A_814 : vector<16xi32>
    %gather3A_816 = tpu.vector_load_idx %arg5[%add3A_815] : memref<12288xf32, #tpu.memory_space<vmem>>[vector<16xi32>], vector<16xf32>,
    %swap3A_817 = arith.constant 1696 : index
    %swap3A_818 = tpu.vector_load %arg7[%swap3A_817] {strides = array<i32>} : memref<2304xf32, #tpu.memory_space<vmem>>, vector<16xf32>,
    tpu.vector_store %arg7[%swap3A_817], %gather3A_816 {strides = array<i32>} : memref<2304xf32, #tpu.memory_space<vmem>>, vector<16xf32>,
    %add3A_819 = arith.constant 1 : i32
    %add3A_820 = vector.broadcast %add3A_819 : i32 to vector<16xi32>
    %add3A_821 = arith.addi %mul3A_812, %add3A_820 : vector<16xi32>
    %gather3A_822 = tpu.vector_load_idx %arg5[%add3A_821] : memref<12288xf32, #tpu.memory_space<vmem>>[vector<16xi32>], vector<16xf32>,
    %swap3A_823 = arith.constant 1952 : index
    %swap3A_824 = tpu.vector_load %arg7[%swap3A_823] {strides = array<i32>} : memref<2304xf32, #tpu.memory_space<vmem>>, vector<16xf32>,
    tpu.vector_store %arg7[%swap3A_823], %gather3A_822 {strides = array<i32>} : memref<2304xf32, #tpu.memory_space<vmem>>, vector<16xf32>,
    %add3A_825 = arith.constant 2 : i32
    %add3A_826 = vector.broadcast %add3A_825 : i32 to vector<16xi32>
    %add3A_827 = arith.addi %mul3A_812, %add3A_826 : vector<16xi32>
    %gather3A_828 = tpu.vector_load_idx %arg5[%add3A_827] : memref<12288xf32, #tpu.memory_space<vmem>>[vector<16xi32>], vector<16xf32>,
    %swap3A_829 = arith.constant 2208 : index
    %swap3A_830 = tpu.vector_load %arg7[%swap3A_829] {strides = array<i32>} : memref<2304xf32, #tpu.memory_space<vmem>>, vector<16xf32>,
    tpu.vector_store %arg7[%swap3A_829], %gather3A_828 {strides = array<i32>} : memref<2304xf32, #tpu.memory_space<vmem>>, vector<16xf32>,
    %add3A_831 = arith.constant 528 : i32
    %add3A_832 = vector.broadcast %add3A_831 : i32 to vector<16xi32>
    %add3A_833 = arith.addi %mul3A_7, %add3A_832 : vector<16xi32>
    %gather3A_834 = tpu.vector_load_idx %arg6[%add3A_833] : memref<768xi32, #tpu.memory_space<vmem>>[vector<16xi32>], vector<16xi32>,
    %mul3A_835 = arith.constant 3 : i32
    %mul3A_836 = vector.broadcast %mul3A_835 : i32 to vector<16xi32>
    %mul3A_837 = arith.muli %gather3A_834, %mul3A_836 : vector<16xi32>
    %add3A_838 = arith.constant 0 : i32
    %add3A_839 = vector.broadcast %add3A_838 : i32 to vector<16xi32>
    %add3A_840 = arith.addi %mul3A_837, %add3A_839 : vector<16xi32>
    %gather3A_841 = tpu.vector_load_idx %arg5[%add3A_840] : memref<12288xf32, #tpu.memory_space<vmem>>[vector<16xi32>], vector<16xf32>,
    %swap3A_842 = arith.constant 176 : index
    %swap3A_843 = tpu.vector_load %arg7[%swap3A_842] {strides = array<i32>} : memref<2304xf32, #tpu.memory_space<vmem>>, vector<16xf32>,
    tpu.vector_store %arg7[%swap3A_842], %gather3A_841 {strides = array<i32>} : memref<2304xf32, #tpu.memory_space<vmem>>, vector<16xf32>,
    %add3A_844 = arith.constant 1 : i32
    %add3A_845 = vector.broadcast %add3A_844 : i32 to vector<16xi32>
    %add3A_846 = arith.addi %mul3A_837, %add3A_845 : vector<16xi32>
    %gather3A_847 = tpu.vector_load_idx %arg5[%add3A_846] : memref<12288xf32, #tpu.memory_space<vmem>>[vector<16xi32>], vector<16xf32>,
    %swap3A_848 = arith.constant 432 : index
    %swap3A_849 = tpu.vector_load %arg7[%swap3A_848] {strides = array<i32>} : memref<2304xf32, #tpu.memory_space<vmem>>, vector<16xf32>,
    tpu.vector_store %arg7[%swap3A_848], %gather3A_847 {strides = array<i32>} : memref<2304xf32, #tpu.memory_space<vmem>>, vector<16xf32>,
    %add3A_850 = arith.constant 2 : i32
    %add3A_851 = vector.broadcast %add3A_850 : i32 to vector<16xi32>
    %add3A_852 = arith.addi %mul3A_837, %add3A_851 : vector<16xi32>
    %gather3A_853 = tpu.vector_load_idx %arg5[%add3A_852] : memref<12288xf32, #tpu.memory_space<vmem>>[vector<16xi32>], vector<16xf32>,
    %swap3A_854 = arith.constant 688 : index
    %swap3A_855 = tpu.vector_load %arg7[%swap3A_854] {strides = array<i32>} : memref<2304xf32, #tpu.memory_space<vmem>>, vector<16xf32>,
    tpu.vector_store %arg7[%swap3A_854], %gather3A_853 {strides = array<i32>} : memref<2304xf32, #tpu.memory_space<vmem>>, vector<16xf32>,
    %add3A_856 = arith.constant 529 : i32
    %add3A_857 = vector.broadcast %add3A_856 : i32 to vector<16xi32>
    %add3A_858 = arith.addi %mul3A_7, %add3A_857 : vector<16xi32>
    %gather3A_859 = tpu.vector_load_idx %arg6[%add3A_858] : memref<768xi32, #tpu.memory_space<vmem>>[vector<16xi32>], vector<16xi32>,
    %mul3A_860 = arith.constant 3 : i32
    %mul3A_861 = vector.broadcast %mul3A_860 : i32 to vector<16xi32>
    %mul3A_862 = arith.muli %gather3A_859, %mul3A_861 : vector<16xi32>
    %add3A_863 = arith.constant 0 : i32
    %add3A_864 = vector.broadcast %add3A_863 : i32 to vector<16xi32>
    %add3A_865 = arith.addi %mul3A_862, %add3A_864 : vector<16xi32>
    %gather3A_866 = tpu.vector_load_idx %arg5[%add3A_865] : memref<12288xf32, #tpu.memory_space<vmem>>[vector<16xi32>], vector<16xf32>,
    %swap3A_867 = arith.constant 944 : index
    %swap3A_868 = tpu.vector_load %arg7[%swap3A_867] {strides = array<i32>} : memref<2304xf32, #tpu.memory_space<vmem>>, vector<16xf32>,
    tpu.vector_store %arg7[%swap3A_867], %gather3A_866 {strides = array<i32>} : memref<2304xf32, #tpu.memory_space<vmem>>, vector<16xf32>,
    %add3A_869 = arith.constant 1 : i32
    %add3A_870 = vector.broadcast %add3A_869 : i32 to vector<16xi32>
    %add3A_871 = arith.addi %mul3A_862, %add3A_870 : vector<16xi32>
    %gather3A_872 = tpu.vector_load_idx %arg5[%add3A_871] : memref<12288xf32, #tpu.memory_space<vmem>>[vector<16xi32>], vector<16xf32>,
    %swap3A_873 = arith.constant 1200 : index
    %swap3A_874 = tpu.vector_load %arg7[%swap3A_873] {strides = array<i32>} : memref<2304xf32, #tpu.memory_space<vmem>>, vector<16xf32>,
    tpu.vector_store %arg7[%swap3A_873], %gather3A_872 {strides = array<i32>} : memref<2304xf32, #tpu.memory_space<vmem>>, vector<16xf32>,
    %add3A_875 = arith.constant 2 : i32
    %add3A_876 = vector.broadcast %add3A_875 : i32 to vector<16xi32>
    %add3A_877 = arith.addi %mul3A_862, %add3A_876 : vector<16xi32>
    %gather3A_878 = tpu.vector_load_idx %arg5[%add3A_877] : memref<12288xf32, #tpu.memory_space<vmem>>[vector<16xi32>], vector<16xf32>,
    %swap3A_879 = arith.constant 1456 : index
    %swap3A_880 = tpu.vector_load %arg7[%swap3A_879] {strides = array<i32>} : memref<2304xf32, #tpu.memory_space<vmem>>, vector<16xf32>,
    tpu.vector_store %arg7[%swap3A_879], %gather3A_878 {strides = array<i32>} : memref<2304xf32, #tpu.memory_space<vmem>>, vector<16xf32>,
    %add3A_881 = arith.constant 530 : i32
    %add3A_882 = vector.broadcast %add3A_881 : i32 to vector<16xi32>
    %add3A_883 = arith.addi %mul3A_7, %add3A_882 : vector<16xi32>
    %gather3A_884 = tpu.vector_load_idx %arg6[%add3A_883] : memref<768xi32, #tpu.memory_space<vmem>>[vector<16xi32>], vector<16xi32>,
    %mul3A_885 = arith.constant 3 : i32
    %mul3A_886 = vector.broadcast %mul3A_885 : i32 to vector<16xi32>
    %mul3A_887 = arith.muli %gather3A_884, %mul3A_886 : vector<16xi32>
    %add3A_888 = arith.constant 0 : i32
    %add3A_889 = vector.broadcast %add3A_888 : i32 to vector<16xi32>
    %add3A_890 = arith.addi %mul3A_887, %add3A_889 : vector<16xi32>
    %gather3A_891 = tpu.vector_load_idx %arg5[%add3A_890] : memref<12288xf32, #tpu.memory_space<vmem>>[vector<16xi32>], vector<16xf32>,
    %swap3A_892 = arith.constant 1712 : index
    %swap3A_893 = tpu.vector_load %arg7[%swap3A_892] {strides = array<i32>} : memref<2304xf32, #tpu.memory_space<vmem>>, vector<16xf32>,
    tpu.vector_store %arg7[%swap3A_892], %gather3A_891 {strides = array<i32>} : memref<2304xf32, #tpu.memory_space<vmem>>, vector<16xf32>,
    %add3A_894 = arith.constant 1 : i32
    %add3A_895 = vector.broadcast %add3A_894 : i32 to vector<16xi32>
    %add3A_896 = arith.addi %mul3A_887, %add3A_895 : vector<16xi32>
    %gather3A_897 = tpu.vector_load_idx %arg5[%add3A_896] : memref<12288xf32, #tpu.memory_space<vmem>>[vector<16xi32>], vector<16xf32>,
    %swap3A_898 = arith.constant 1968 : index
    %swap3A_899 = tpu.vector_load %arg7[%swap3A_898] {strides = array<i32>} : memref<2304xf32, #tpu.memory_space<vmem>>, vector<16xf32>,
    tpu.vector_store %arg7[%swap3A_898], %gather3A_897 {strides = array<i32>} : memref<2304xf32, #tpu.memory_space<vmem>>, vector<16xf32>,
    %add3A_900 = arith.constant 2 : i32
    %add3A_901 = vector.broadcast %add3A_900 : i32 to vector<16xi32>
    %add3A_902 = arith.addi %mul3A_887, %add3A_901 : vector<16xi32>
    %gather3A_903 = tpu.vector_load_idx %arg5[%add3A_902] : memref<12288xf32, #tpu.memory_space<vmem>>[vector<16xi32>], vector<16xf32>,
    %swap3A_904 = arith.constant 2224 : index
    %swap3A_905 = tpu.vector_load %arg7[%swap3A_904] {strides = array<i32>} : memref<2304xf32, #tpu.memory_space<vmem>>, vector<16xf32>,
    tpu.vector_store %arg7[%swap3A_904], %gather3A_903 {strides = array<i32>} : memref<2304xf32, #tpu.memory_space<vmem>>, vector<16xf32>,
    %add3A_906 = arith.constant 576 : i32
    %add3A_907 = vector.broadcast %add3A_906 : i32 to vector<16xi32>
    %add3A_908 = arith.addi %mul3A_7, %add3A_907 : vector<16xi32>
    %gather3A_909 = tpu.vector_load_idx %arg6[%add3A_908] : memref<768xi32, #tpu.memory_space<vmem>>[vector<16xi32>], vector<16xi32>,
    %mul3A_910 = arith.constant 3 : i32
    %mul3A_911 = vector.broadcast %mul3A_910 : i32 to vector<16xi32>
    %mul3A_912 = arith.muli %gather3A_909, %mul3A_911 : vector<16xi32>
    %add3A_913 = arith.constant 0 : i32
    %add3A_914 = vector.broadcast %add3A_913 : i32 to vector<16xi32>
    %add3A_915 = arith.addi %mul3A_912, %add3A_914 : vector<16xi32>
    %gather3A_916 = tpu.vector_load_idx %arg5[%add3A_915] : memref<12288xf32, #tpu.memory_space<vmem>>[vector<16xi32>], vector<16xf32>,
    %swap3A_917 = arith.constant 192 : index
    %swap3A_918 = tpu.vector_load %arg7[%swap3A_917] {strides = array<i32>} : memref<2304xf32, #tpu.memory_space<vmem>>, vector<16xf32>,
    tpu.vector_store %arg7[%swap3A_917], %gather3A_916 {strides = array<i32>} : memref<2304xf32, #tpu.memory_space<vmem>>, vector<16xf32>,
    %add3A_919 = arith.constant 1 : i32
    %add3A_920 = vector.broadcast %add3A_919 : i32 to vector<16xi32>
    %add3A_921 = arith.addi %mul3A_912, %add3A_920 : vector<16xi32>
    %gather3A_922 = tpu.vector_load_idx %arg5[%add3A_921] : memref<12288xf32, #tpu.memory_space<vmem>>[vector<16xi32>], vector<16xf32>,
    %swap3A_923 = arith.constant 448 : index
    %swap3A_924 = tpu.vector_load %arg7[%swap3A_923] {strides = array<i32>} : memref<2304xf32, #tpu.memory_space<vmem>>, vector<16xf32>,
    tpu.vector_store %arg7[%swap3A_923], %gather3A_922 {strides = array<i32>} : memref<2304xf32, #tpu.memory_space<vmem>>, vector<16xf32>,
    %add3A_925 = arith.constant 2 : i32
    %add3A_926 = vector.broadcast %add3A_925 : i32 to vector<16xi32>
    %add3A_927 = arith.addi %mul3A_912, %add3A_926 : vector<16xi32>
    %gather3A_928 = tpu.vector_load_idx %arg5[%add3A_927] : memref<12288xf32, #tpu.memory_space<vmem>>[vector<16xi32>], vector<16xf32>,
    %swap3A_929 = arith.constant 704 : index
    %swap3A_930 = tpu.vector_load %arg7[%swap3A_929] {strides = array<i32>} : memref<2304xf32, #tpu.memory_space<vmem>>, vector<16xf32>,
    tpu.vector_store %arg7[%swap3A_929], %gather3A_928 {strides = array<i32>} : memref<2304xf32, #tpu.memory_space<vmem>>, vector<16xf32>,
    %add3A_931 = arith.constant 577 : i32
    %add3A_932 = vector.broadcast %add3A_931 : i32 to vector<16xi32>
    %add3A_933 = arith.addi %mul3A_7, %add3A_932 : vector<16xi32>
    %gather3A_934 = tpu.vector_load_idx %arg6[%add3A_933] : memref<768xi32, #tpu.memory_space<vmem>>[vector<16xi32>], vector<16xi32>,
    %mul3A_935 = arith.constant 3 : i32
    %mul3A_936 = vector.broadcast %mul3A_935 : i32 to vector<16xi32>
    %mul3A_937 = arith.muli %gather3A_934, %mul3A_936 : vector<16xi32>
    %add3A_938 = arith.constant 0 : i32
    %add3A_939 = vector.broadcast %add3A_938 : i32 to vector<16xi32>
    %add3A_940 = arith.addi %mul3A_937, %add3A_939 : vector<16xi32>
    %gather3A_941 = tpu.vector_load_idx %arg5[%add3A_940] : memref<12288xf32, #tpu.memory_space<vmem>>[vector<16xi32>], vector<16xf32>,
    %swap3A_942 = arith.constant 960 : index
    %swap3A_943 = tpu.vector_load %arg7[%swap3A_942] {strides = array<i32>} : memref<2304xf32, #tpu.memory_space<vmem>>, vector<16xf32>,
    tpu.vector_store %arg7[%swap3A_942], %gather3A_941 {strides = array<i32>} : memref<2304xf32, #tpu.memory_space<vmem>>, vector<16xf32>,
    %add3A_944 = arith.constant 1 : i32
    %add3A_945 = vector.broadcast %add3A_944 : i32 to vector<16xi32>
    %add3A_946 = arith.addi %mul3A_937, %add3A_945 : vector<16xi32>
    %gather3A_947 = tpu.vector_load_idx %arg5[%add3A_946] : memref<12288xf32, #tpu.memory_space<vmem>>[vector<16xi32>], vector<16xf32>,
    %swap3A_948 = arith.constant 1216 : index
    %swap3A_949 = tpu.vector_load %arg7[%swap3A_948] {strides = array<i32>} : memref<2304xf32, #tpu.memory_space<vmem>>, vector<16xf32>,
    tpu.vector_store %arg7[%swap3A_948], %gather3A_947 {strides = array<i32>} : memref<2304xf32, #tpu.memory_space<vmem>>, vector<16xf32>,
    %add3A_950 = arith.constant 2 : i32
    %add3A_951 = vector.broadcast %add3A_950 : i32 to vector<16xi32>
    %add3A_952 = arith.addi %mul3A_937, %add3A_951 : vector<16xi32>
    %gather3A_953 = tpu.vector_load_idx %arg5[%add3A_952] : memref<12288xf32, #tpu.memory_space<vmem>>[vector<16xi32>], vector<16xf32>,
    %swap3A_954 = arith.constant 1472 : index
    %swap3A_955 = tpu.vector_load %arg7[%swap3A_954] {strides = array<i32>} : memref<2304xf32, #tpu.memory_space<vmem>>, vector<16xf32>,
    tpu.vector_store %arg7[%swap3A_954], %gather3A_953 {strides = array<i32>} : memref<2304xf32, #tpu.memory_space<vmem>>, vector<16xf32>,
    %add3A_956 = arith.constant 578 : i32
    %add3A_957 = vector.broadcast %add3A_956 : i32 to vector<16xi32>
    %add3A_958 = arith.addi %mul3A_7, %add3A_957 : vector<16xi32>
    %gather3A_959 = tpu.vector_load_idx %arg6[%add3A_958] : memref<768xi32, #tpu.memory_space<vmem>>[vector<16xi32>], vector<16xi32>,
    %mul3A_960 = arith.constant 3 : i32
    %mul3A_961 = vector.broadcast %mul3A_960 : i32 to vector<16xi32>
    %mul3A_962 = arith.muli %gather3A_959, %mul3A_961 : vector<16xi32>
    %add3A_963 = arith.constant 0 : i32
    %add3A_964 = vector.broadcast %add3A_963 : i32 to vector<16xi32>
    %add3A_965 = arith.addi %mul3A_962, %add3A_964 : vector<16xi32>
    %gather3A_966 = tpu.vector_load_idx %arg5[%add3A_965] : memref<12288xf32, #tpu.memory_space<vmem>>[vector<16xi32>], vector<16xf32>,
    %swap3A_967 = arith.constant 1728 : index
    %swap3A_968 = tpu.vector_load %arg7[%swap3A_967] {strides = array<i32>} : memref<2304xf32, #tpu.memory_space<vmem>>, vector<16xf32>,
    tpu.vector_store %arg7[%swap3A_967], %gather3A_966 {strides = array<i32>} : memref<2304xf32, #tpu.memory_space<vmem>>, vector<16xf32>,
    %add3A_969 = arith.constant 1 : i32
    %add3A_970 = vector.broadcast %add3A_969 : i32 to vector<16xi32>
    %add3A_971 = arith.addi %mul3A_962, %add3A_970 : vector<16xi32>
    %gather3A_972 = tpu.vector_load_idx %arg5[%add3A_971] : memref<12288xf32, #tpu.memory_space<vmem>>[vector<16xi32>], vector<16xf32>,
    %swap3A_973 = arith.constant 1984 : index
    %swap3A_974 = tpu.vector_load %arg7[%swap3A_973] {strides = array<i32>} : memref<2304xf32, #tpu.memory_space<vmem>>, vector<16xf32>,
    tpu.vector_store %arg7[%swap3A_973], %gather3A_972 {strides = array<i32>} : memref<2304xf32, #tpu.memory_space<vmem>>, vector<16xf32>,
    %add3A_975 = arith.constant 2 : i32
    %add3A_976 = vector.broadcast %add3A_975 : i32 to vector<16xi32>
    %add3A_977 = arith.addi %mul3A_962, %add3A_976 : vector<16xi32>
    %gather3A_978 = tpu.vector_load_idx %arg5[%add3A_977] : memref<12288xf32, #tpu.memory_space<vmem>>[vector<16xi32>], vector<16xf32>,
    %swap3A_979 = arith.constant 2240 : index
    %swap3A_980 = tpu.vector_load %arg7[%swap3A_979] {strides = array<i32>} : memref<2304xf32, #tpu.memory_space<vmem>>, vector<16xf32>,
    tpu.vector_store %arg7[%swap3A_979], %gather3A_978 {strides = array<i32>} : memref<2304xf32, #tpu.memory_space<vmem>>, vector<16xf32>,
    %add3A_981 = arith.constant 624 : i32
    %add3A_982 = vector.broadcast %add3A_981 : i32 to vector<16xi32>
    %add3A_983 = arith.addi %mul3A_7, %add3A_982 : vector<16xi32>
    %gather3A_984 = tpu.vector_load_idx %arg6[%add3A_983] : memref<768xi32, #tpu.memory_space<vmem>>[vector<16xi32>], vector<16xi32>,
    %mul3A_985 = arith.constant 3 : i32
    %mul3A_986 = vector.broadcast %mul3A_985 : i32 to vector<16xi32>
    %mul3A_987 = arith.muli %gather3A_984, %mul3A_986 : vector<16xi32>
    %add3A_988 = arith.constant 0 : i32
    %add3A_989 = vector.broadcast %add3A_988 : i32 to vector<16xi32>
    %add3A_990 = arith.addi %mul3A_987, %add3A_989 : vector<16xi32>
    %gather3A_991 = tpu.vector_load_idx %arg5[%add3A_990] : memref<12288xf32, #tpu.memory_space<vmem>>[vector<16xi32>], vector<16xf32>,
    %swap3A_992 = arith.constant 208 : index
    %swap3A_993 = tpu.vector_load %arg7[%swap3A_992] {strides = array<i32>} : memref<2304xf32, #tpu.memory_space<vmem>>, vector<16xf32>,
    tpu.vector_store %arg7[%swap3A_992], %gather3A_991 {strides = array<i32>} : memref<2304xf32, #tpu.memory_space<vmem>>, vector<16xf32>,
    %add3A_994 = arith.constant 1 : i32
    %add3A_995 = vector.broadcast %add3A_994 : i32 to vector<16xi32>
    %add3A_996 = arith.addi %mul3A_987, %add3A_995 : vector<16xi32>
    %gather3A_997 = tpu.vector_load_idx %arg5[%add3A_996] : memref<12288xf32, #tpu.memory_space<vmem>>[vector<16xi32>], vector<16xf32>,
    %swap3A_998 = arith.constant 464 : index
    %swap3A_999 = tpu.vector_load %arg7[%swap3A_998] {strides = array<i32>} : memref<2304xf32, #tpu.memory_space<vmem>>, vector<16xf32>,
    tpu.vector_store %arg7[%swap3A_998], %gather3A_997 {strides = array<i32>} : memref<2304xf32, #tpu.memory_space<vmem>>, vector<16xf32>,
    %add3A_1000 = arith.constant 2 : i32
    %add3A_1001 = vector.broadcast %add3A_1000 : i32 to vector<16xi32>
    %add3A_1002 = arith.addi %mul3A_987, %add3A_1001 : vector<16xi32>
    %gather3A_1003 = tpu.vector_load_idx %arg5[%add3A_1002] : memref<12288xf32, #tpu.memory_space<vmem>>[vector<16xi32>], vector<16xf32>,
    %swap3A_1004 = arith.constant 720 : index
    %swap3A_1005 = tpu.vector_load %arg7[%swap3A_1004] {strides = array<i32>} : memref<2304xf32, #tpu.memory_space<vmem>>, vector<16xf32>,
    tpu.vector_store %arg7[%swap3A_1004], %gather3A_1003 {strides = array<i32>} : memref<2304xf32, #tpu.memory_space<vmem>>, vector<16xf32>,
    %add3A_1006 = arith.constant 625 : i32
    %add3A_1007 = vector.broadcast %add3A_1006 : i32 to vector<16xi32>
    %add3A_1008 = arith.addi %mul3A_7, %add3A_1007 : vector<16xi32>
    %gather3A_1009 = tpu.vector_load_idx %arg6[%add3A_1008] : memref<768xi32, #tpu.memory_space<vmem>>[vector<16xi32>], vector<16xi32>,
    %mul3A_1010 = arith.constant 3 : i32
    %mul3A_1011 = vector.broadcast %mul3A_1010 : i32 to vector<16xi32>
    %mul3A_1012 = arith.muli %gather3A_1009, %mul3A_1011 : vector<16xi32>
    %add3A_1013 = arith.constant 0 : i32
    %add3A_1014 = vector.broadcast %add3A_1013 : i32 to vector<16xi32>
    %add3A_1015 = arith.addi %mul3A_1012, %add3A_1014 : vector<16xi32>
    %gather3A_1016 = tpu.vector_load_idx %arg5[%add3A_1015] : memref<12288xf32, #tpu.memory_space<vmem>>[vector<16xi32>], vector<16xf32>,
    %swap3A_1017 = arith.constant 976 : index
    %swap3A_1018 = tpu.vector_load %arg7[%swap3A_1017] {strides = array<i32>} : memref<2304xf32, #tpu.memory_space<vmem>>, vector<16xf32>,
    tpu.vector_store %arg7[%swap3A_1017], %gather3A_1016 {strides = array<i32>} : memref<2304xf32, #tpu.memory_space<vmem>>, vector<16xf32>,
    %add3A_1019 = arith.constant 1 : i32
    %add3A_1020 = vector.broadcast %add3A_1019 : i32 to vector<16xi32>
    %add3A_1021 = arith.addi %mul3A_1012, %add3A_1020 : vector<16xi32>
    %gather3A_1022 = tpu.vector_load_idx %arg5[%add3A_1021] : memref<12288xf32, #tpu.memory_space<vmem>>[vector<16xi32>], vector<16xf32>,
    %swap3A_1023 = arith.constant 1232 : index
    %swap3A_1024 = tpu.vector_load %arg7[%swap3A_1023] {strides = array<i32>} : memref<2304xf32, #tpu.memory_space<vmem>>, vector<16xf32>,
    tpu.vector_store %arg7[%swap3A_1023], %gather3A_1022 {strides = array<i32>} : memref<2304xf32, #tpu.memory_space<vmem>>, vector<16xf32>,
    %add3A_1025 = arith.constant 2 : i32
    %add3A_1026 = vector.broadcast %add3A_1025 : i32 to vector<16xi32>
    %add3A_1027 = arith.addi %mul3A_1012, %add3A_1026 : vector<16xi32>
    %gather3A_1028 = tpu.vector_load_idx %arg5[%add3A_1027] : memref<12288xf32, #tpu.memory_space<vmem>>[vector<16xi32>], vector<16xf32>,
    %swap3A_1029 = arith.constant 1488 : index
    %swap3A_1030 = tpu.vector_load %arg7[%swap3A_1029] {strides = array<i32>} : memref<2304xf32, #tpu.memory_space<vmem>>, vector<16xf32>,
    tpu.vector_store %arg7[%swap3A_1029], %gather3A_1028 {strides = array<i32>} : memref<2304xf32, #tpu.memory_space<vmem>>, vector<16xf32>,
    %add3A_1031 = arith.constant 626 : i32
    %add3A_1032 = vector.broadcast %add3A_1031 : i32 to vector<16xi32>
    %add3A_1033 = arith.addi %mul3A_7, %add3A_1032 : vector<16xi32>
    %gather3A_1034 = tpu.vector_load_idx %arg6[%add3A_1033] : memref<768xi32, #tpu.memory_space<vmem>>[vector<16xi32>], vector<16xi32>,
    %mul3A_1035 = arith.constant 3 : i32
    %mul3A_1036 = vector.broadcast %mul3A_1035 : i32 to vector<16xi32>
    %mul3A_1037 = arith.muli %gather3A_1034, %mul3A_1036 : vector<16xi32>
    %add3A_1038 = arith.constant 0 : i32
    %add3A_1039 = vector.broadcast %add3A_1038 : i32 to vector<16xi32>
    %add3A_1040 = arith.addi %mul3A_1037, %add3A_1039 : vector<16xi32>
    %gather3A_1041 = tpu.vector_load_idx %arg5[%add3A_1040] : memref<12288xf32, #tpu.memory_space<vmem>>[vector<16xi32>], vector<16xf32>,
    %swap3A_1042 = arith.constant 1744 : index
    %swap3A_1043 = tpu.vector_load %arg7[%swap3A_1042] {strides = array<i32>} : memref<2304xf32, #tpu.memory_space<vmem>>, vector<16xf32>,
    tpu.vector_store %arg7[%swap3A_1042], %gather3A_1041 {strides = array<i32>} : memref<2304xf32, #tpu.memory_space<vmem>>, vector<16xf32>,
    %add3A_1044 = arith.constant 1 : i32
    %add3A_1045 = vector.broadcast %add3A_1044 : i32 to vector<16xi32>
    %add3A_1046 = arith.addi %mul3A_1037, %add3A_1045 : vector<16xi32>
    %gather3A_1047 = tpu.vector_load_idx %arg5[%add3A_1046] : memref<12288xf32, #tpu.memory_space<vmem>>[vector<16xi32>], vector<16xf32>,
    %swap3A_1048 = arith.constant 2000 : index
    %swap3A_1049 = tpu.vector_load %arg7[%swap3A_1048] {strides = array<i32>} : memref<2304xf32, #tpu.memory_space<vmem>>, vector<16xf32>,
    tpu.vector_store %arg7[%swap3A_1048], %gather3A_1047 {strides = array<i32>} : memref<2304xf32, #tpu.memory_space<vmem>>, vector<16xf32>,
    %add3A_1050 = arith.constant 2 : i32
    %add3A_1051 = vector.broadcast %add3A_1050 : i32 to vector<16xi32>
    %add3A_1052 = arith.addi %mul3A_1037, %add3A_1051 : vector<16xi32>
    %gather3A_1053 = tpu.vector_load_idx %arg5[%add3A_1052] : memref<12288xf32, #tpu.memory_space<vmem>>[vector<16xi32>], vector<16xf32>,
    %swap3A_1054 = arith.constant 2256 : index
    %swap3A_1055 = tpu.vector_load %arg7[%swap3A_1054] {strides = array<i32>} : memref<2304xf32, #tpu.memory_space<vmem>>, vector<16xf32>,
    tpu.vector_store %arg7[%swap3A_1054], %gather3A_1053 {strides = array<i32>} : memref<2304xf32, #tpu.memory_space<vmem>>, vector<16xf32>,
    %add3A_1056 = arith.constant 672 : i32
    %add3A_1057 = vector.broadcast %add3A_1056 : i32 to vector<16xi32>
    %add3A_1058 = arith.addi %mul3A_7, %add3A_1057 : vector<16xi32>
    %gather3A_1059 = tpu.vector_load_idx %arg6[%add3A_1058] : memref<768xi32, #tpu.memory_space<vmem>>[vector<16xi32>], vector<16xi32>,
    %mul3A_1060 = arith.constant 3 : i32
    %mul3A_1061 = vector.broadcast %mul3A_1060 : i32 to vector<16xi32>
    %mul3A_1062 = arith.muli %gather3A_1059, %mul3A_1061 : vector<16xi32>
    %add3A_1063 = arith.constant 0 : i32
    %add3A_1064 = vector.broadcast %add3A_1063 : i32 to vector<16xi32>
    %add3A_1065 = arith.addi %mul3A_1062, %add3A_1064 : vector<16xi32>
    %gather3A_1066 = tpu.vector_load_idx %arg5[%add3A_1065] : memref<12288xf32, #tpu.memory_space<vmem>>[vector<16xi32>], vector<16xf32>,
    %swap3A_1067 = arith.constant 224 : index
    %swap3A_1068 = tpu.vector_load %arg7[%swap3A_1067] {strides = array<i32>} : memref<2304xf32, #tpu.memory_space<vmem>>, vector<16xf32>,
    tpu.vector_store %arg7[%swap3A_1067], %gather3A_1066 {strides = array<i32>} : memref<2304xf32, #tpu.memory_space<vmem>>, vector<16xf32>,
    %add3A_1069 = arith.constant 1 : i32
    %add3A_1070 = vector.broadcast %add3A_1069 : i32 to vector<16xi32>
    %add3A_1071 = arith.addi %mul3A_1062, %add3A_1070 : vector<16xi32>
    %gather3A_1072 = tpu.vector_load_idx %arg5[%add3A_1071] : memref<12288xf32, #tpu.memory_space<vmem>>[vector<16xi32>], vector<16xf32>,
    %swap3A_1073 = arith.constant 480 : index
    %swap3A_1074 = tpu.vector_load %arg7[%swap3A_1073] {strides = array<i32>} : memref<2304xf32, #tpu.memory_space<vmem>>, vector<16xf32>,
    tpu.vector_store %arg7[%swap3A_1073], %gather3A_1072 {strides = array<i32>} : memref<2304xf32, #tpu.memory_space<vmem>>, vector<16xf32>,
    %add3A_1075 = arith.constant 2 : i32
    %add3A_1076 = vector.broadcast %add3A_1075 : i32 to vector<16xi32>
    %add3A_1077 = arith.addi %mul3A_1062, %add3A_1076 : vector<16xi32>
    %gather3A_1078 = tpu.vector_load_idx %arg5[%add3A_1077] : memref<12288xf32, #tpu.memory_space<vmem>>[vector<16xi32>], vector<16xf32>,
    %swap3A_1079 = arith.constant 736 : index
    %swap3A_1080 = tpu.vector_load %arg7[%swap3A_1079] {strides = array<i32>} : memref<2304xf32, #tpu.memory_space<vmem>>, vector<16xf32>,
    tpu.vector_store %arg7[%swap3A_1079], %gather3A_1078 {strides = array<i32>} : memref<2304xf32, #tpu.memory_space<vmem>>, vector<16xf32>,
    %add3A_1081 = arith.constant 673 : i32
    %add3A_1082 = vector.broadcast %add3A_1081 : i32 to vector<16xi32>
    %add3A_1083 = arith.addi %mul3A_7, %add3A_1082 : vector<16xi32>
    %gather3A_1084 = tpu.vector_load_idx %arg6[%add3A_1083] : memref<768xi32, #tpu.memory_space<vmem>>[vector<16xi32>], vector<16xi32>,
    %mul3A_1085 = arith.constant 3 : i32
    %mul3A_1086 = vector.broadcast %mul3A_1085 : i32 to vector<16xi32>
    %mul3A_1087 = arith.muli %gather3A_1084, %mul3A_1086 : vector<16xi32>
    %add3A_1088 = arith.constant 0 : i32
    %add3A_1089 = vector.broadcast %add3A_1088 : i32 to vector<16xi32>
    %add3A_1090 = arith.addi %mul3A_1087, %add3A_1089 : vector<16xi32>
    %gather3A_1091 = tpu.vector_load_idx %arg5[%add3A_1090] : memref<12288xf32, #tpu.memory_space<vmem>>[vector<16xi32>], vector<16xf32>,
    %swap3A_1092 = arith.constant 992 : index
    %swap3A_1093 = tpu.vector_load %arg7[%swap3A_1092] {strides = array<i32>} : memref<2304xf32, #tpu.memory_space<vmem>>, vector<16xf32>,
    tpu.vector_store %arg7[%swap3A_1092], %gather3A_1091 {strides = array<i32>} : memref<2304xf32, #tpu.memory_space<vmem>>, vector<16xf32>,
    %add3A_1094 = arith.constant 1 : i32
    %add3A_1095 = vector.broadcast %add3A_1094 : i32 to vector<16xi32>
    %add3A_1096 = arith.addi %mul3A_1087, %add3A_1095 : vector<16xi32>
    %gather3A_1097 = tpu.vector_load_idx %arg5[%add3A_1096] : memref<12288xf32, #tpu.memory_space<vmem>>[vector<16xi32>], vector<16xf32>,
    %swap3A_1098 = arith.constant 1248 : index
    %swap3A_1099 = tpu.vector_load %arg7[%swap3A_1098] {strides = array<i32>} : memref<2304xf32, #tpu.memory_space<vmem>>, vector<16xf32>,
    tpu.vector_store %arg7[%swap3A_1098], %gather3A_1097 {strides = array<i32>} : memref<2304xf32, #tpu.memory_space<vmem>>, vector<16xf32>,
    %add3A_1100 = arith.constant 2 : i32
    %add3A_1101 = vector.broadcast %add3A_1100 : i32 to vector<16xi32>
    %add3A_1102 = arith.addi %mul3A_1087, %add3A_1101 : vector<16xi32>
    %gather3A_1103 = tpu.vector_load_idx %arg5[%add3A_1102] : memref<12288xf32, #tpu.memory_space<vmem>>[vector<16xi32>], vector<16xf32>,
    %swap3A_1104 = arith.constant 1504 : index
    %swap3A_1105 = tpu.vector_load %arg7[%swap3A_1104] {strides = array<i32>} : memref<2304xf32, #tpu.memory_space<vmem>>, vector<16xf32>,
    tpu.vector_store %arg7[%swap3A_1104], %gather3A_1103 {strides = array<i32>} : memref<2304xf32, #tpu.memory_space<vmem>>, vector<16xf32>,
    %add3A_1106 = arith.constant 674 : i32
    %add3A_1107 = vector.broadcast %add3A_1106 : i32 to vector<16xi32>
    %add3A_1108 = arith.addi %mul3A_7, %add3A_1107 : vector<16xi32>
    %gather3A_1109 = tpu.vector_load_idx %arg6[%add3A_1108] : memref<768xi32, #tpu.memory_space<vmem>>[vector<16xi32>], vector<16xi32>,
    %mul3A_1110 = arith.constant 3 : i32
    %mul3A_1111 = vector.broadcast %mul3A_1110 : i32 to vector<16xi32>
    %mul3A_1112 = arith.muli %gather3A_1109, %mul3A_1111 : vector<16xi32>
    %add3A_1113 = arith.constant 0 : i32
    %add3A_1114 = vector.broadcast %add3A_1113 : i32 to vector<16xi32>
    %add3A_1115 = arith.addi %mul3A_1112, %add3A_1114 : vector<16xi32>
    %gather3A_1116 = tpu.vector_load_idx %arg5[%add3A_1115] : memref<12288xf32, #tpu.memory_space<vmem>>[vector<16xi32>], vector<16xf32>,
    %swap3A_1117 = arith.constant 1760 : index
    %swap3A_1118 = tpu.vector_load %arg7[%swap3A_1117] {strides = array<i32>} : memref<2304xf32, #tpu.memory_space<vmem>>, vector<16xf32>,
    tpu.vector_store %arg7[%swap3A_1117], %gather3A_1116 {strides = array<i32>} : memref<2304xf32, #tpu.memory_space<vmem>>, vector<16xf32>,
    %add3A_1119 = arith.constant 1 : i32
    %add3A_1120 = vector.broadcast %add3A_1119 : i32 to vector<16xi32>
    %add3A_1121 = arith.addi %mul3A_1112, %add3A_1120 : vector<16xi32>
    %gather3A_1122 = tpu.vector_load_idx %arg5[%add3A_1121] : memref<12288xf32, #tpu.memory_space<vmem>>[vector<16xi32>], vector<16xf32>,
    %swap3A_1123 = arith.constant 2016 : index
    %swap3A_1124 = tpu.vector_load %arg7[%swap3A_1123] {strides = array<i32>} : memref<2304xf32, #tpu.memory_space<vmem>>, vector<16xf32>,
    tpu.vector_store %arg7[%swap3A_1123], %gather3A_1122 {strides = array<i32>} : memref<2304xf32, #tpu.memory_space<vmem>>, vector<16xf32>,
    %add3A_1125 = arith.constant 2 : i32
    %add3A_1126 = vector.broadcast %add3A_1125 : i32 to vector<16xi32>
    %add3A_1127 = arith.addi %mul3A_1112, %add3A_1126 : vector<16xi32>
    %gather3A_1128 = tpu.vector_load_idx %arg5[%add3A_1127] : memref<12288xf32, #tpu.memory_space<vmem>>[vector<16xi32>], vector<16xf32>,
    %swap3A_1129 = arith.constant 2272 : index
    %swap3A_1130 = tpu.vector_load %arg7[%swap3A_1129] {strides = array<i32>} : memref<2304xf32, #tpu.memory_space<vmem>>, vector<16xf32>,
    tpu.vector_store %arg7[%swap3A_1129], %gather3A_1128 {strides = array<i32>} : memref<2304xf32, #tpu.memory_space<vmem>>, vector<16xf32>,
    %add3A_1131 = arith.constant 720 : i32
    %add3A_1132 = vector.broadcast %add3A_1131 : i32 to vector<16xi32>
    %add3A_1133 = arith.addi %mul3A_7, %add3A_1132 : vector<16xi32>
    %gather3A_1134 = tpu.vector_load_idx %arg6[%add3A_1133] : memref<768xi32, #tpu.memory_space<vmem>>[vector<16xi32>], vector<16xi32>,
    %mul3A_1135 = arith.constant 3 : i32
    %mul3A_1136 = vector.broadcast %mul3A_1135 : i32 to vector<16xi32>
    %mul3A_1137 = arith.muli %gather3A_1134, %mul3A_1136 : vector<16xi32>
    %add3A_1138 = arith.constant 0 : i32
    %add3A_1139 = vector.broadcast %add3A_1138 : i32 to vector<16xi32>
    %add3A_1140 = arith.addi %mul3A_1137, %add3A_1139 : vector<16xi32>
    %gather3A_1141 = tpu.vector_load_idx %arg5[%add3A_1140] : memref<12288xf32, #tpu.memory_space<vmem>>[vector<16xi32>], vector<16xf32>,
    %swap3A_1142 = arith.constant 240 : index
    %swap3A_1143 = tpu.vector_load %arg7[%swap3A_1142] {strides = array<i32>} : memref<2304xf32, #tpu.memory_space<vmem>>, vector<16xf32>,
    tpu.vector_store %arg7[%swap3A_1142], %gather3A_1141 {strides = array<i32>} : memref<2304xf32, #tpu.memory_space<vmem>>, vector<16xf32>,
    %add3A_1144 = arith.constant 1 : i32
    %add3A_1145 = vector.broadcast %add3A_1144 : i32 to vector<16xi32>
    %add3A_1146 = arith.addi %mul3A_1137, %add3A_1145 : vector<16xi32>
    %gather3A_1147 = tpu.vector_load_idx %arg5[%add3A_1146] : memref<12288xf32, #tpu.memory_space<vmem>>[vector<16xi32>], vector<16xf32>,
    %swap3A_1148 = arith.constant 496 : index
    %swap3A_1149 = tpu.vector_load %arg7[%swap3A_1148] {strides = array<i32>} : memref<2304xf32, #tpu.memory_space<vmem>>, vector<16xf32>,
    tpu.vector_store %arg7[%swap3A_1148], %gather3A_1147 {strides = array<i32>} : memref<2304xf32, #tpu.memory_space<vmem>>, vector<16xf32>,
    %add3A_1150 = arith.constant 2 : i32
    %add3A_1151 = vector.broadcast %add3A_1150 : i32 to vector<16xi32>
    %add3A_1152 = arith.addi %mul3A_1137, %add3A_1151 : vector<16xi32>
    %gather3A_1153 = tpu.vector_load_idx %arg5[%add3A_1152] : memref<12288xf32, #tpu.memory_space<vmem>>[vector<16xi32>], vector<16xf32>,
    %swap3A_1154 = arith.constant 752 : index
    %swap3A_1155 = tpu.vector_load %arg7[%swap3A_1154] {strides = array<i32>} : memref<2304xf32, #tpu.memory_space<vmem>>, vector<16xf32>,
    tpu.vector_store %arg7[%swap3A_1154], %gather3A_1153 {strides = array<i32>} : memref<2304xf32, #tpu.memory_space<vmem>>, vector<16xf32>,
    %add3A_1156 = arith.constant 721 : i32
    %add3A_1157 = vector.broadcast %add3A_1156 : i32 to vector<16xi32>
    %add3A_1158 = arith.addi %mul3A_7, %add3A_1157 : vector<16xi32>
    %gather3A_1159 = tpu.vector_load_idx %arg6[%add3A_1158] : memref<768xi32, #tpu.memory_space<vmem>>[vector<16xi32>], vector<16xi32>,
    %mul3A_1160 = arith.constant 3 : i32
    %mul3A_1161 = vector.broadcast %mul3A_1160 : i32 to vector<16xi32>
    %mul3A_1162 = arith.muli %gather3A_1159, %mul3A_1161 : vector<16xi32>
    %add3A_1163 = arith.constant 0 : i32
    %add3A_1164 = vector.broadcast %add3A_1163 : i32 to vector<16xi32>
    %add3A_1165 = arith.addi %mul3A_1162, %add3A_1164 : vector<16xi32>
    %gather3A_1166 = tpu.vector_load_idx %arg5[%add3A_1165] : memref<12288xf32, #tpu.memory_space<vmem>>[vector<16xi32>], vector<16xf32>,
    %swap3A_1167 = arith.constant 1008 : index
    %swap3A_1168 = tpu.vector_load %arg7[%swap3A_1167] {strides = array<i32>} : memref<2304xf32, #tpu.memory_space<vmem>>, vector<16xf32>,
    tpu.vector_store %arg7[%swap3A_1167], %gather3A_1166 {strides = array<i32>} : memref<2304xf32, #tpu.memory_space<vmem>>, vector<16xf32>,
    %add3A_1169 = arith.constant 1 : i32
    %add3A_1170 = vector.broadcast %add3A_1169 : i32 to vector<16xi32>
    %add3A_1171 = arith.addi %mul3A_1162, %add3A_1170 : vector<16xi32>
    %gather3A_1172 = tpu.vector_load_idx %arg5[%add3A_1171] : memref<12288xf32, #tpu.memory_space<vmem>>[vector<16xi32>], vector<16xf32>,
    %swap3A_1173 = arith.constant 1264 : index
    %swap3A_1174 = tpu.vector_load %arg7[%swap3A_1173] {strides = array<i32>} : memref<2304xf32, #tpu.memory_space<vmem>>, vector<16xf32>,
    tpu.vector_store %arg7[%swap3A_1173], %gather3A_1172 {strides = array<i32>} : memref<2304xf32, #tpu.memory_space<vmem>>, vector<16xf32>,
    %add3A_1175 = arith.constant 2 : i32
    %add3A_1176 = vector.broadcast %add3A_1175 : i32 to vector<16xi32>
    %add3A_1177 = arith.addi %mul3A_1162, %add3A_1176 : vector<16xi32>
    %gather3A_1178 = tpu.vector_load_idx %arg5[%add3A_1177] : memref<12288xf32, #tpu.memory_space<vmem>>[vector<16xi32>], vector<16xf32>,
    %swap3A_1179 = arith.constant 1520 : index
    %swap3A_1180 = tpu.vector_load %arg7[%swap3A_1179] {strides = array<i32>} : memref<2304xf32, #tpu.memory_space<vmem>>, vector<16xf32>,
    tpu.vector_store %arg7[%swap3A_1179], %gather3A_1178 {strides = array<i32>} : memref<2304xf32, #tpu.memory_space<vmem>>, vector<16xf32>,
    %add3A_1181 = arith.constant 722 : i32
    %add3A_1182 = vector.broadcast %add3A_1181 : i32 to vector<16xi32>
    %add3A_1183 = arith.addi %mul3A_7, %add3A_1182 : vector<16xi32>
    %gather3A_1184 = tpu.vector_load_idx %arg6[%add3A_1183] : memref<768xi32, #tpu.memory_space<vmem>>[vector<16xi32>], vector<16xi32>,
    %mul3A_1185 = arith.constant 3 : i32
    %mul3A_1186 = vector.broadcast %mul3A_1185 : i32 to vector<16xi32>
    %mul3A_1187 = arith.muli %gather3A_1184, %mul3A_1186 : vector<16xi32>
    %add3A_1188 = arith.constant 0 : i32
    %add3A_1189 = vector.broadcast %add3A_1188 : i32 to vector<16xi32>
    %add3A_1190 = arith.addi %mul3A_1187, %add3A_1189 : vector<16xi32>
    %gather3A_1191 = tpu.vector_load_idx %arg5[%add3A_1190] : memref<12288xf32, #tpu.memory_space<vmem>>[vector<16xi32>], vector<16xf32>,
    %swap3A_1192 = arith.constant 1776 : index
    %swap3A_1193 = tpu.vector_load %arg7[%swap3A_1192] {strides = array<i32>} : memref<2304xf32, #tpu.memory_space<vmem>>, vector<16xf32>,
    tpu.vector_store %arg7[%swap3A_1192], %gather3A_1191 {strides = array<i32>} : memref<2304xf32, #tpu.memory_space<vmem>>, vector<16xf32>,
    %add3A_1194 = arith.constant 1 : i32
    %add3A_1195 = vector.broadcast %add3A_1194 : i32 to vector<16xi32>
    %add3A_1196 = arith.addi %mul3A_1187, %add3A_1195 : vector<16xi32>
    %gather3A_1197 = tpu.vector_load_idx %arg5[%add3A_1196] : memref<12288xf32, #tpu.memory_space<vmem>>[vector<16xi32>], vector<16xf32>,
    %swap3A_1198 = arith.constant 2032 : index
    %swap3A_1199 = tpu.vector_load %arg7[%swap3A_1198] {strides = array<i32>} : memref<2304xf32, #tpu.memory_space<vmem>>, vector<16xf32>,
    tpu.vector_store %arg7[%swap3A_1198], %gather3A_1197 {strides = array<i32>} : memref<2304xf32, #tpu.memory_space<vmem>>, vector<16xf32>,
    %add3A_1200 = arith.constant 2 : i32
    %add3A_1201 = vector.broadcast %add3A_1200 : i32 to vector<16xi32>
    %add3A_1202 = arith.addi %mul3A_1187, %add3A_1201 : vector<16xi32>
    %gather3A_1203 = tpu.vector_load_idx %arg5[%add3A_1202] : memref<12288xf32, #tpu.memory_space<vmem>>[vector<16xi32>], vector<16xf32>,
    %swap3A_1204 = arith.constant 2288 : index
    %swap3A_1205 = tpu.vector_load %arg7[%swap3A_1204] {strides = array<i32>} : memref<2304xf32, #tpu.memory_space<vmem>>, vector<16xf32>,
    tpu.vector_store %arg7[%swap3A_1204], %gather3A_1203 {strides = array<i32>} : memref<2304xf32, #tpu.memory_space<vmem>>, vector<16xf32>,
    %add3A_1206 = arith.constant 0 : i32
    %add3A_1207 = arith.addi %add3A_1206, %mul3A_2 : i32
    "tpu.region"() ({
      %run_scoped3A = tpu.sem_alloc : memref<!tpu.dma_semaphore, #tpu.memory_space<semaphore_mem>>
      %dma_start3A = arith.constant 0 : i32
      %dma_start3A_1224 = tpu.memref_slice %arg7[%dma_start3A] : memref<2304xf32, #tpu.memory_space<vmem>> -> memref<256xf32, #tpu.memory_space<vmem>>
      %dma_start3A_1225 = tpu.memref_slice %arg4[%add3A_1207] : memref<73728xf32, #tpu.memory_space<hbm>> -> memref<256xf32, #tpu.memory_space<hbm>>
      %dma_start3A_1226 = tpu.memref_slice %arg4[%add3A_1207] : memref<73728xf32, #tpu.memory_space<hbm>> -> memref<256xf32, #tpu.memory_space<hbm>>
      %dma_start3A_1227 = arith.constant 0 : i32
      %dma_start3A_1228 = tpu.memref_slice %arg7[%dma_start3A_1227] : memref<2304xf32, #tpu.memory_space<vmem>> -> memref<256xf32, #tpu.memory_space<vmem>>
      tpu.enqueue_dma source(%dma_start3A_1228 : memref<256xf32, #tpu.memory_space<vmem>>) target(%dma_start3A_1226 : memref<256xf32, #tpu.memory_space<hbm>>) target_semaphore(%run_scoped3A : memref<!tpu.dma_semaphore, #tpu.memory_space<semaphore_mem>>)
      %dma_wait3A = arith.constant 0 : i32
      %dma_wait3A_1229 = tpu.memref_slice %arg7[%dma_wait3A] : memref<2304xf32, #tpu.memory_space<vmem>> -> memref<256xf32, #tpu.memory_space<vmem>>
      %dma_wait3A_1230 = tpu.memref_slice %arg4[%add3A_1207] : memref<73728xf32, #tpu.memory_space<hbm>> -> memref<256xf32, #tpu.memory_space<hbm>>
      %dma_wait3A_1231 = tpu.memref_slice %arg4[%add3A_1207] : memref<73728xf32, #tpu.memory_space<hbm>> -> memref<256xf32, #tpu.memory_space<hbm>>
      %dma_wait3A_1232 = arith.constant 0 : i32
      %dma_wait3A_1233 = tpu.memref_slice %arg7[%dma_wait3A_1232] : memref<2304xf32, #tpu.memory_space<vmem>> -> memref<256xf32, #tpu.memory_space<vmem>>
      tpu.wait_dma2 semaphore(%run_scoped3A : memref<!tpu.dma_semaphore, #tpu.memory_space<semaphore_mem>>) src(%dma_wait3A_1233 : memref<256xf32, #tpu.memory_space<vmem>>) dst(%dma_wait3A_1231 : memref<256xf32, #tpu.memory_space<hbm>>)
      tpu.yield
    }) : () -> ()
    %add3A_1208 = arith.constant 8192 : i32
    %add3A_1209 = arith.addi %add3A_1208, %mul3A_2 : i32
    "tpu.region"() ({
      %run_scoped3A = tpu.sem_alloc : memref<!tpu.dma_semaphore, #tpu.memory_space<semaphore_mem>>
      %dma_start3A = arith.constant 256 : i32
      %dma_start3A_1224 = tpu.memref_slice %arg7[%dma_start3A] : memref<2304xf32, #tpu.memory_space<vmem>> -> memref<256xf32, #tpu.memory_space<vmem>>
      %dma_start3A_1225 = tpu.memref_slice %arg4[%add3A_1209] : memref<73728xf32, #tpu.memory_space<hbm>> -> memref<256xf32, #tpu.memory_space<hbm>>
      %dma_start3A_1226 = tpu.memref_slice %arg4[%add3A_1209] : memref<73728xf32, #tpu.memory_space<hbm>> -> memref<256xf32, #tpu.memory_space<hbm>>
      %dma_start3A_1227 = arith.constant 256 : i32
      %dma_start3A_1228 = tpu.memref_slice %arg7[%dma_start3A_1227] : memref<2304xf32, #tpu.memory_space<vmem>> -> memref<256xf32, #tpu.memory_space<vmem>>
      tpu.enqueue_dma source(%dma_start3A_1228 : memref<256xf32, #tpu.memory_space<vmem>>) target(%dma_start3A_1226 : memref<256xf32, #tpu.memory_space<hbm>>) target_semaphore(%run_scoped3A : memref<!tpu.dma_semaphore, #tpu.memory_space<semaphore_mem>>)
      %dma_wait3A = arith.constant 256 : i32
      %dma_wait3A_1229 = tpu.memref_slice %arg7[%dma_wait3A] : memref<2304xf32, #tpu.memory_space<vmem>> -> memref<256xf32, #tpu.memory_space<vmem>>
      %dma_wait3A_1230 = tpu.memref_slice %arg4[%add3A_1209] : memref<73728xf32, #tpu.memory_space<hbm>> -> memref<256xf32, #tpu.memory_space<hbm>>
      %dma_wait3A_1231 = tpu.memref_slice %arg4[%add3A_1209] : memref<73728xf32, #tpu.memory_space<hbm>> -> memref<256xf32, #tpu.memory_space<hbm>>
      %dma_wait3A_1232 = arith.constant 256 : i32
      %dma_wait3A_1233 = tpu.memref_slice %arg7[%dma_wait3A_1232] : memref<2304xf32, #tpu.memory_space<vmem>> -> memref<256xf32, #tpu.memory_space<vmem>>
      tpu.wait_dma2 semaphore(%run_scoped3A : memref<!tpu.dma_semaphore, #tpu.memory_space<semaphore_mem>>) src(%dma_wait3A_1233 : memref<256xf32, #tpu.memory_space<vmem>>) dst(%dma_wait3A_1231 : memref<256xf32, #tpu.memory_space<hbm>>)
      tpu.yield
    }) : () -> ()
    %add3A_1210 = arith.constant 16384 : i32
    %add3A_1211 = arith.addi %add3A_1210, %mul3A_2 : i32
    "tpu.region"() ({
      %run_scoped3A = tpu.sem_alloc : memref<!tpu.dma_semaphore, #tpu.memory_space<semaphore_mem>>
      %dma_start3A = arith.constant 512 : i32
      %dma_start3A_1224 = tpu.memref_slice %arg7[%dma_start3A] : memref<2304xf32, #tpu.memory_space<vmem>> -> memref<256xf32, #tpu.memory_space<vmem>>
      %dma_start3A_1225 = tpu.memref_slice %arg4[%add3A_1211] : memref<73728xf32, #tpu.memory_space<hbm>> -> memref<256xf32, #tpu.memory_space<hbm>>
      %dma_start3A_1226 = tpu.memref_slice %arg4[%add3A_1211] : memref<73728xf32, #tpu.memory_space<hbm>> -> memref<256xf32, #tpu.memory_space<hbm>>
      %dma_start3A_1227 = arith.constant 512 : i32
      %dma_start3A_1228 = tpu.memref_slice %arg7[%dma_start3A_1227] : memref<2304xf32, #tpu.memory_space<vmem>> -> memref<256xf32, #tpu.memory_space<vmem>>
      tpu.enqueue_dma source(%dma_start3A_1228 : memref<256xf32, #tpu.memory_space<vmem>>) target(%dma_start3A_1226 : memref<256xf32, #tpu.memory_space<hbm>>) target_semaphore(%run_scoped3A : memref<!tpu.dma_semaphore, #tpu.memory_space<semaphore_mem>>)
      %dma_wait3A = arith.constant 512 : i32
      %dma_wait3A_1229 = tpu.memref_slice %arg7[%dma_wait3A] : memref<2304xf32, #tpu.memory_space<vmem>> -> memref<256xf32, #tpu.memory_space<vmem>>
      %dma_wait3A_1230 = tpu.memref_slice %arg4[%add3A_1211] : memref<73728xf32, #tpu.memory_space<hbm>> -> memref<256xf32, #tpu.memory_space<hbm>>
      %dma_wait3A_1231 = tpu.memref_slice %arg4[%add3A_1211] : memref<73728xf32, #tpu.memory_space<hbm>> -> memref<256xf32, #tpu.memory_space<hbm>>
      %dma_wait3A_1232 = arith.constant 512 : i32
      %dma_wait3A_1233 = tpu.memref_slice %arg7[%dma_wait3A_1232] : memref<2304xf32, #tpu.memory_space<vmem>> -> memref<256xf32, #tpu.memory_space<vmem>>
      tpu.wait_dma2 semaphore(%run_scoped3A : memref<!tpu.dma_semaphore, #tpu.memory_space<semaphore_mem>>) src(%dma_wait3A_1233 : memref<256xf32, #tpu.memory_space<vmem>>) dst(%dma_wait3A_1231 : memref<256xf32, #tpu.memory_space<hbm>>)
      tpu.yield
    }) : () -> ()
    %add3A_1212 = arith.constant 24576 : i32
    %add3A_1213 = arith.addi %add3A_1212, %mul3A_2 : i32
    "tpu.region"() ({
      %run_scoped3A = tpu.sem_alloc : memref<!tpu.dma_semaphore, #tpu.memory_space<semaphore_mem>>
      %dma_start3A = arith.constant 768 : i32
      %dma_start3A_1224 = tpu.memref_slice %arg7[%dma_start3A] : memref<2304xf32, #tpu.memory_space<vmem>> -> memref<256xf32, #tpu.memory_space<vmem>>
      %dma_start3A_1225 = tpu.memref_slice %arg4[%add3A_1213] : memref<73728xf32, #tpu.memory_space<hbm>> -> memref<256xf32, #tpu.memory_space<hbm>>
      %dma_start3A_1226 = tpu.memref_slice %arg4[%add3A_1213] : memref<73728xf32, #tpu.memory_space<hbm>> -> memref<256xf32, #tpu.memory_space<hbm>>
      %dma_start3A_1227 = arith.constant 768 : i32
      %dma_start3A_1228 = tpu.memref_slice %arg7[%dma_start3A_1227] : memref<2304xf32, #tpu.memory_space<vmem>> -> memref<256xf32, #tpu.memory_space<vmem>>
      tpu.enqueue_dma source(%dma_start3A_1228 : memref<256xf32, #tpu.memory_space<vmem>>) target(%dma_start3A_1226 : memref<256xf32, #tpu.memory_space<hbm>>) target_semaphore(%run_scoped3A : memref<!tpu.dma_semaphore, #tpu.memory_space<semaphore_mem>>)
      %dma_wait3A = arith.constant 768 : i32
      %dma_wait3A_1229 = tpu.memref_slice %arg7[%dma_wait3A] : memref<2304xf32, #tpu.memory_space<vmem>> -> memref<256xf32, #tpu.memory_space<vmem>>
      %dma_wait3A_1230 = tpu.memref_slice %arg4[%add3A_1213] : memref<73728xf32, #tpu.memory_space<hbm>> -> memref<256xf32, #tpu.memory_space<hbm>>
      %dma_wait3A_1231 = tpu.memref_slice %arg4[%add3A_1213] : memref<73728xf32, #tpu.memory_space<hbm>> -> memref<256xf32, #tpu.memory_space<hbm>>
      %dma_wait3A_1232 = arith.constant 768 : i32
      %dma_wait3A_1233 = tpu.memref_slice %arg7[%dma_wait3A_1232] : memref<2304xf32, #tpu.memory_space<vmem>> -> memref<256xf32, #tpu.memory_space<vmem>>
      tpu.wait_dma2 semaphore(%run_scoped3A : memref<!tpu.dma_semaphore, #tpu.memory_space<semaphore_mem>>) src(%dma_wait3A_1233 : memref<256xf32, #tpu.memory_space<vmem>>) dst(%dma_wait3A_1231 : memref<256xf32, #tpu.memory_space<hbm>>)
      tpu.yield
    }) : () -> ()
    %add3A_1214 = arith.constant 32768 : i32
    %add3A_1215 = arith.addi %add3A_1214, %mul3A_2 : i32
    "tpu.region"() ({
      %run_scoped3A = tpu.sem_alloc : memref<!tpu.dma_semaphore, #tpu.memory_space<semaphore_mem>>
      %dma_start3A = arith.constant 1024 : i32
      %dma_start3A_1224 = tpu.memref_slice %arg7[%dma_start3A] : memref<2304xf32, #tpu.memory_space<vmem>> -> memref<256xf32, #tpu.memory_space<vmem>>
      %dma_start3A_1225 = tpu.memref_slice %arg4[%add3A_1215] : memref<73728xf32, #tpu.memory_space<hbm>> -> memref<256xf32, #tpu.memory_space<hbm>>
      %dma_start3A_1226 = tpu.memref_slice %arg4[%add3A_1215] : memref<73728xf32, #tpu.memory_space<hbm>> -> memref<256xf32, #tpu.memory_space<hbm>>
      %dma_start3A_1227 = arith.constant 1024 : i32
      %dma_start3A_1228 = tpu.memref_slice %arg7[%dma_start3A_1227] : memref<2304xf32, #tpu.memory_space<vmem>> -> memref<256xf32, #tpu.memory_space<vmem>>
      tpu.enqueue_dma source(%dma_start3A_1228 : memref<256xf32, #tpu.memory_space<vmem>>) target(%dma_start3A_1226 : memref<256xf32, #tpu.memory_space<hbm>>) target_semaphore(%run_scoped3A : memref<!tpu.dma_semaphore, #tpu.memory_space<semaphore_mem>>)
      %dma_wait3A = arith.constant 1024 : i32
      %dma_wait3A_1229 = tpu.memref_slice %arg7[%dma_wait3A] : memref<2304xf32, #tpu.memory_space<vmem>> -> memref<256xf32, #tpu.memory_space<vmem>>
      %dma_wait3A_1230 = tpu.memref_slice %arg4[%add3A_1215] : memref<73728xf32, #tpu.memory_space<hbm>> -> memref<256xf32, #tpu.memory_space<hbm>>
      %dma_wait3A_1231 = tpu.memref_slice %arg4[%add3A_1215] : memref<73728xf32, #tpu.memory_space<hbm>> -> memref<256xf32, #tpu.memory_space<hbm>>
      %dma_wait3A_1232 = arith.constant 1024 : i32
      %dma_wait3A_1233 = tpu.memref_slice %arg7[%dma_wait3A_1232] : memref<2304xf32, #tpu.memory_space<vmem>> -> memref<256xf32, #tpu.memory_space<vmem>>
      tpu.wait_dma2 semaphore(%run_scoped3A : memref<!tpu.dma_semaphore, #tpu.memory_space<semaphore_mem>>) src(%dma_wait3A_1233 : memref<256xf32, #tpu.memory_space<vmem>>) dst(%dma_wait3A_1231 : memref<256xf32, #tpu.memory_space<hbm>>)
      tpu.yield
    }) : () -> ()
    %add3A_1216 = arith.constant 40960 : i32
    %add3A_1217 = arith.addi %add3A_1216, %mul3A_2 : i32
    "tpu.region"() ({
      %run_scoped3A = tpu.sem_alloc : memref<!tpu.dma_semaphore, #tpu.memory_space<semaphore_mem>>
      %dma_start3A = arith.constant 1280 : i32
      %dma_start3A_1224 = tpu.memref_slice %arg7[%dma_start3A] : memref<2304xf32, #tpu.memory_space<vmem>> -> memref<256xf32, #tpu.memory_space<vmem>>
      %dma_start3A_1225 = tpu.memref_slice %arg4[%add3A_1217] : memref<73728xf32, #tpu.memory_space<hbm>> -> memref<256xf32, #tpu.memory_space<hbm>>
      %dma_start3A_1226 = tpu.memref_slice %arg4[%add3A_1217] : memref<73728xf32, #tpu.memory_space<hbm>> -> memref<256xf32, #tpu.memory_space<hbm>>
      %dma_start3A_1227 = arith.constant 1280 : i32
      %dma_start3A_1228 = tpu.memref_slice %arg7[%dma_start3A_1227] : memref<2304xf32, #tpu.memory_space<vmem>> -> memref<256xf32, #tpu.memory_space<vmem>>
      tpu.enqueue_dma source(%dma_start3A_1228 : memref<256xf32, #tpu.memory_space<vmem>>) target(%dma_start3A_1226 : memref<256xf32, #tpu.memory_space<hbm>>) target_semaphore(%run_scoped3A : memref<!tpu.dma_semaphore, #tpu.memory_space<semaphore_mem>>)
      %dma_wait3A = arith.constant 1280 : i32
      %dma_wait3A_1229 = tpu.memref_slice %arg7[%dma_wait3A] : memref<2304xf32, #tpu.memory_space<vmem>> -> memref<256xf32, #tpu.memory_space<vmem>>
      %dma_wait3A_1230 = tpu.memref_slice %arg4[%add3A_1217] : memref<73728xf32, #tpu.memory_space<hbm>> -> memref<256xf32, #tpu.memory_space<hbm>>
      %dma_wait3A_1231 = tpu.memref_slice %arg4[%add3A_1217] : memref<73728xf32, #tpu.memory_space<hbm>> -> memref<256xf32, #tpu.memory_space<hbm>>
      %dma_wait3A_1232 = arith.constant 1280 : i32
      %dma_wait3A_1233 = tpu.memref_slice %arg7[%dma_wait3A_1232] : memref<2304xf32, #tpu.memory_space<vmem>> -> memref<256xf32, #tpu.memory_space<vmem>>
      tpu.wait_dma2 semaphore(%run_scoped3A : memref<!tpu.dma_semaphore, #tpu.memory_space<semaphore_mem>>) src(%dma_wait3A_1233 : memref<256xf32, #tpu.memory_space<vmem>>) dst(%dma_wait3A_1231 : memref<256xf32, #tpu.memory_space<hbm>>)
      tpu.yield
    }) : () -> ()
    %add3A_1218 = arith.constant 49152 : i32
    %add3A_1219 = arith.addi %add3A_1218, %mul3A_2 : i32
    "tpu.region"() ({
      %run_scoped3A = tpu.sem_alloc : memref<!tpu.dma_semaphore, #tpu.memory_space<semaphore_mem>>
      %dma_start3A = arith.constant 1536 : i32
      %dma_start3A_1224 = tpu.memref_slice %arg7[%dma_start3A] : memref<2304xf32, #tpu.memory_space<vmem>> -> memref<256xf32, #tpu.memory_space<vmem>>
      %dma_start3A_1225 = tpu.memref_slice %arg4[%add3A_1219] : memref<73728xf32, #tpu.memory_space<hbm>> -> memref<256xf32, #tpu.memory_space<hbm>>
      %dma_start3A_1226 = tpu.memref_slice %arg4[%add3A_1219] : memref<73728xf32, #tpu.memory_space<hbm>> -> memref<256xf32, #tpu.memory_space<hbm>>
      %dma_start3A_1227 = arith.constant 1536 : i32
      %dma_start3A_1228 = tpu.memref_slice %arg7[%dma_start3A_1227] : memref<2304xf32, #tpu.memory_space<vmem>> -> memref<256xf32, #tpu.memory_space<vmem>>
      tpu.enqueue_dma source(%dma_start3A_1228 : memref<256xf32, #tpu.memory_space<vmem>>) target(%dma_start3A_1226 : memref<256xf32, #tpu.memory_space<hbm>>) target_semaphore(%run_scoped3A : memref<!tpu.dma_semaphore, #tpu.memory_space<semaphore_mem>>)
      %dma_wait3A = arith.constant 1536 : i32
      %dma_wait3A_1229 = tpu.memref_slice %arg7[%dma_wait3A] : memref<2304xf32, #tpu.memory_space<vmem>> -> memref<256xf32, #tpu.memory_space<vmem>>
      %dma_wait3A_1230 = tpu.memref_slice %arg4[%add3A_1219] : memref<73728xf32, #tpu.memory_space<hbm>> -> memref<256xf32, #tpu.memory_space<hbm>>
      %dma_wait3A_1231 = tpu.memref_slice %arg4[%add3A_1219] : memref<73728xf32, #tpu.memory_space<hbm>> -> memref<256xf32, #tpu.memory_space<hbm>>
      %dma_wait3A_1232 = arith.constant 1536 : i32
      %dma_wait3A_1233 = tpu.memref_slice %arg7[%dma_wait3A_1232] : memref<2304xf32, #tpu.memory_space<vmem>> -> memref<256xf32, #tpu.memory_space<vmem>>
      tpu.wait_dma2 semaphore(%run_scoped3A : memref<!tpu.dma_semaphore, #tpu.memory_space<semaphore_mem>>) src(%dma_wait3A_1233 : memref<256xf32, #tpu.memory_space<vmem>>) dst(%dma_wait3A_1231 : memref<256xf32, #tpu.memory_space<hbm>>)
      tpu.yield
    }) : () -> ()
    %add3A_1220 = arith.constant 57344 : i32
    %add3A_1221 = arith.addi %add3A_1220, %mul3A_2 : i32
    "tpu.region"() ({
      %run_scoped3A = tpu.sem_alloc : memref<!tpu.dma_semaphore, #tpu.memory_space<semaphore_mem>>
      %dma_start3A = arith.constant 1792 : i32
      %dma_start3A_1224 = tpu.memref_slice %arg7[%dma_start3A] : memref<2304xf32, #tpu.memory_space<vmem>> -> memref<256xf32, #tpu.memory_space<vmem>>
      %dma_start3A_1225 = tpu.memref_slice %arg4[%add3A_1221] : memref<73728xf32, #tpu.memory_space<hbm>> -> memref<256xf32, #tpu.memory_space<hbm>>
      %dma_start3A_1226 = tpu.memref_slice %arg4[%add3A_1221] : memref<73728xf32, #tpu.memory_space<hbm>> -> memref<256xf32, #tpu.memory_space<hbm>>
      %dma_start3A_1227 = arith.constant 1792 : i32
      %dma_start3A_1228 = tpu.memref_slice %arg7[%dma_start3A_1227] : memref<2304xf32, #tpu.memory_space<vmem>> -> memref<256xf32, #tpu.memory_space<vmem>>
      tpu.enqueue_dma source(%dma_start3A_1228 : memref<256xf32, #tpu.memory_space<vmem>>) target(%dma_start3A_1226 : memref<256xf32, #tpu.memory_space<hbm>>) target_semaphore(%run_scoped3A : memref<!tpu.dma_semaphore, #tpu.memory_space<semaphore_mem>>)
      %dma_wait3A = arith.constant 1792 : i32
      %dma_wait3A_1229 = tpu.memref_slice %arg7[%dma_wait3A] : memref<2304xf32, #tpu.memory_space<vmem>> -> memref<256xf32, #tpu.memory_space<vmem>>
      %dma_wait3A_1230 = tpu.memref_slice %arg4[%add3A_1221] : memref<73728xf32, #tpu.memory_space<hbm>> -> memref<256xf32, #tpu.memory_space<hbm>>
      %dma_wait3A_1231 = tpu.memref_slice %arg4[%add3A_1221] : memref<73728xf32, #tpu.memory_space<hbm>> -> memref<256xf32, #tpu.memory_space<hbm>>
      %dma_wait3A_1232 = arith.constant 1792 : i32
      %dma_wait3A_1233 = tpu.memref_slice %arg7[%dma_wait3A_1232] : memref<2304xf32, #tpu.memory_space<vmem>> -> memref<256xf32, #tpu.memory_space<vmem>>
      tpu.wait_dma2 semaphore(%run_scoped3A : memref<!tpu.dma_semaphore, #tpu.memory_space<semaphore_mem>>) src(%dma_wait3A_1233 : memref<256xf32, #tpu.memory_space<vmem>>) dst(%dma_wait3A_1231 : memref<256xf32, #tpu.memory_space<hbm>>)
      tpu.yield
    }) : () -> ()
    %add3A_1222 = arith.constant 65536 : i32
    %add3A_1223 = arith.addi %add3A_1222, %mul3A_2 : i32
    "tpu.region"() ({
      %run_scoped3A = tpu.sem_alloc : memref<!tpu.dma_semaphore, #tpu.memory_space<semaphore_mem>>
      %dma_start3A = arith.constant 2048 : i32
      %dma_start3A_1224 = tpu.memref_slice %arg7[%dma_start3A] : memref<2304xf32, #tpu.memory_space<vmem>> -> memref<256xf32, #tpu.memory_space<vmem>>
      %dma_start3A_1225 = tpu.memref_slice %arg4[%add3A_1223] : memref<73728xf32, #tpu.memory_space<hbm>> -> memref<256xf32, #tpu.memory_space<hbm>>
      %dma_start3A_1226 = tpu.memref_slice %arg4[%add3A_1223] : memref<73728xf32, #tpu.memory_space<hbm>> -> memref<256xf32, #tpu.memory_space<hbm>>
      %dma_start3A_1227 = arith.constant 2048 : i32
      %dma_start3A_1228 = tpu.memref_slice %arg7[%dma_start3A_1227] : memref<2304xf32, #tpu.memory_space<vmem>> -> memref<256xf32, #tpu.memory_space<vmem>>
      tpu.enqueue_dma source(%dma_start3A_1228 : memref<256xf32, #tpu.memory_space<vmem>>) target(%dma_start3A_1226 : memref<256xf32, #tpu.memory_space<hbm>>) target_semaphore(%run_scoped3A : memref<!tpu.dma_semaphore, #tpu.memory_space<semaphore_mem>>)
      %dma_wait3A = arith.constant 2048 : i32
      %dma_wait3A_1229 = tpu.memref_slice %arg7[%dma_wait3A] : memref<2304xf32, #tpu.memory_space<vmem>> -> memref<256xf32, #tpu.memory_space<vmem>>
      %dma_wait3A_1230 = tpu.memref_slice %arg4[%add3A_1223] : memref<73728xf32, #tpu.memory_space<hbm>> -> memref<256xf32, #tpu.memory_space<hbm>>
      %dma_wait3A_1231 = tpu.memref_slice %arg4[%add3A_1223] : memref<73728xf32, #tpu.memory_space<hbm>> -> memref<256xf32, #tpu.memory_space<hbm>>
      %dma_wait3A_1232 = arith.constant 2048 : i32
      %dma_wait3A_1233 = tpu.memref_slice %arg7[%dma_wait3A_1232] : memref<2304xf32, #tpu.memory_space<vmem>> -> memref<256xf32, #tpu.memory_space<vmem>>
      tpu.wait_dma2 semaphore(%run_scoped3A : memref<!tpu.dma_semaphore, #tpu.memory_space<semaphore_mem>>) src(%dma_wait3A_1233 : memref<256xf32, #tpu.memory_space<vmem>>) dst(%dma_wait3A_1231 : memref<256xf32, #tpu.memory_space<hbm>>)
      tpu.yield
    }) : () -> ()
    return
  }
}

module attributes {stable_mosaic.version = 14 : i64} {
  func.func @_tc_body(%arg0: i32, %arg1: i32, %arg2: memref<512x3xf32, #tpu.memory_space<vmem>>, %arg3: memref<9x512xf32, #tpu.memory_space<vmem>>, %arg4: memref<512x1xf32, #tpu.memory_space<vmem>>, %arg5: memref<512x1xi32, #tpu.memory_space<vmem>>, %arg6: memref<1x1xf32, #tpu.memory_space<smem>>, %arg7: memref<512x1xf32, #tpu.memory_space<vmem>>, %arg8: memref<512x1xi32, #tpu.memory_space<vmem>>, %arg9: memref<1xf32, #tpu.memory_space<smem>>) attributes {dimension_semantics = [#tpu.dimension_semantics<arbitrary>, #tpu.dimension_semantics<arbitrary>], iteration_bounds = array<i64: 13, 16>, scalar_prefetch = 0 : i64, scratch_operands = 3 : i64, tpu.core_type = #tpu.core_type<tc>, window_params = [{transform_indices = @transform_0, window_bounds = array<i64: 512, 3>}, {transform_indices = @transform_1, window_bounds = array<i64: 9, 512>}, {transform_indices = @transform_2, window_bounds = array<i64: 512, 1>}, {transform_indices = @transform_3, window_bounds = array<i64: 512, 1>}, {transform_indices = @transform_4, window_bounds = array<i64: 1, 1>}]} {
    %eq3A = arith.constant 0 : i32
    %eq3A_0 = arith.cmpi eq, %arg1, %eq3A : i32
    %convert_element_type3A = arith.extui %eq3A_0 : i1 to i32
    %cond3A = arith.constant 0 : i32
    %cond3A_1 = arith.cmpi ne, %convert_element_type3A, %cond3A : i32
    scf.if %cond3A_1 {
      %broadcast_in_dim3A_347 = arith.constant 0x7F800000 : f32
      %broadcast_in_dim3A_348 = vector.broadcast %broadcast_in_dim3A_347 : f32 to vector<512x1xf32>
      %swap3A_349 = arith.constant 0 : index
      %swap3A_350 = arith.constant 0 : index
      %swap3A_351 = vector.load %arg7[%swap3A_349, %swap3A_350] : memref<512x1xf32, #tpu.memory_space<vmem>>, vector<512x1xf32>
      tpu.vector_store %arg7[%swap3A_349, %swap3A_350], %broadcast_in_dim3A_348 {strides = array<i32>} : memref<512x1xf32, #tpu.memory_space<vmem>>, vector<512x1xf32>,
      %broadcast_in_dim3A_352 = arith.constant 0 : i32
      %broadcast_in_dim3A_353 = vector.broadcast %broadcast_in_dim3A_352 : i32 to vector<512x1xi32>
      %swap3A_354 = arith.constant 0 : index
      %swap3A_355 = arith.constant 0 : index
      %swap3A_356 = vector.load %arg8[%swap3A_354, %swap3A_355] : memref<512x1xi32, #tpu.memory_space<vmem>>, vector<512x1xi32>
      tpu.vector_store %arg8[%swap3A_354, %swap3A_355], %broadcast_in_dim3A_353 {strides = array<i32>} : memref<512x1xi32, #tpu.memory_space<vmem>>, vector<512x1xi32>,
    } else {
    }
    %get3A = arith.constant 0 : index
    %get3A_2 = arith.constant 0 : index
    %get3A_3 = vector.load %arg2[%get3A, %get3A_2] : memref<512x3xf32, #tpu.memory_space<vmem>>, vector<512x3xf32>
    %slice3A = vector.extract_strided_slice %get3A_3 {offsets = [0, 0], sizes = [512, 1], strides = [1, 1]} : vector<512x3xf32> to vector<512x1xf32>
    %slice3A_4 = vector.extract_strided_slice %get3A_3 {offsets = [0, 1], sizes = [512, 1], strides = [1, 1]} : vector<512x3xf32> to vector<512x1xf32>
    %slice3A_5 = vector.extract_strided_slice %get3A_3 {offsets = [0, 2], sizes = [512, 1], strides = [1, 1]} : vector<512x3xf32> to vector<512x1xf32>
    %get3A_6 = arith.constant 0 : index
    %get3A_7 = arith.constant 0 : index
    %get3A_8 = vector.load %arg3[%get3A_6, %get3A_7] : memref<9x512xf32, #tpu.memory_space<vmem>>, vector<1x512xf32>
    %get3A_9 = arith.constant 1 : index
    %get3A_10 = arith.constant 0 : index
    %get3A_11 = vector.load %arg3[%get3A_9, %get3A_10] : memref<9x512xf32, #tpu.memory_space<vmem>>, vector<1x512xf32>
    %get3A_12 = arith.constant 2 : index
    %get3A_13 = arith.constant 0 : index
    %get3A_14 = vector.load %arg3[%get3A_12, %get3A_13] : memref<9x512xf32, #tpu.memory_space<vmem>>, vector<1x512xf32>
    %get3A_15 = arith.constant 3 : index
    %get3A_16 = arith.constant 0 : index
    %get3A_17 = vector.load %arg3[%get3A_15, %get3A_16] : memref<9x512xf32, #tpu.memory_space<vmem>>, vector<1x512xf32>
    %get3A_18 = arith.constant 4 : index
    %get3A_19 = arith.constant 0 : index
    %get3A_20 = vector.load %arg3[%get3A_18, %get3A_19] : memref<9x512xf32, #tpu.memory_space<vmem>>, vector<1x512xf32>
    %get3A_21 = arith.constant 5 : index
    %get3A_22 = arith.constant 0 : index
    %get3A_23 = vector.load %arg3[%get3A_21, %get3A_22] : memref<9x512xf32, #tpu.memory_space<vmem>>, vector<1x512xf32>
    %get3A_24 = arith.constant 6 : index
    %get3A_25 = arith.constant 0 : index
    %get3A_26 = vector.load %arg3[%get3A_24, %get3A_25] : memref<9x512xf32, #tpu.memory_space<vmem>>, vector<1x512xf32>
    %get3A_27 = arith.constant 7 : index
    %get3A_28 = arith.constant 0 : index
    %get3A_29 = vector.load %arg3[%get3A_27, %get3A_28] : memref<9x512xf32, #tpu.memory_space<vmem>>, vector<1x512xf32>
    %get3A_30 = arith.constant 8 : index
    %get3A_31 = arith.constant 0 : index
    %get3A_32 = vector.load %arg3[%get3A_30, %get3A_31] : memref<9x512xf32, #tpu.memory_space<vmem>>, vector<1x512xf32>
    %sub3A = arith.subf %get3A_17, %get3A_8 : vector<1x512xf32>
    %sub3A_33 = arith.subf %get3A_20, %get3A_11 : vector<1x512xf32>
    %sub3A_34 = arith.subf %get3A_23, %get3A_14 : vector<1x512xf32>
    %sub3A_35 = arith.subf %get3A_26, %get3A_8 : vector<1x512xf32>
    %sub3A_36 = arith.subf %get3A_29, %get3A_11 : vector<1x512xf32>
    %sub3A_37 = arith.subf %get3A_32, %get3A_14 : vector<1x512xf32>
    %sub3A_38 = vector.broadcast %slice3A : vector<512x1xf32> to vector<512x512xf32>
    %sub3A_39 = vector.broadcast %get3A_8 : vector<1x512xf32> to vector<512x512xf32>
    %sub3A_40 = arith.subf %sub3A_38, %sub3A_39 : vector<512x512xf32>
    %sub3A_41 = vector.broadcast %slice3A_4 : vector<512x1xf32> to vector<512x512xf32>
    %sub3A_42 = vector.broadcast %get3A_11 : vector<1x512xf32> to vector<512x512xf32>
    %sub3A_43 = arith.subf %sub3A_41, %sub3A_42 : vector<512x512xf32>
    %sub3A_44 = vector.broadcast %slice3A_5 : vector<512x1xf32> to vector<512x512xf32>
    %sub3A_45 = vector.broadcast %get3A_14 : vector<1x512xf32> to vector<512x512xf32>
    %sub3A_46 = arith.subf %sub3A_44, %sub3A_45 : vector<512x512xf32>
    %mul3A = vector.broadcast %sub3A : vector<1x512xf32> to vector<512x512xf32>
    %mul3A_47 = arith.mulf %mul3A, %sub3A_40 : vector<512x512xf32>
    %mul3A_48 = vector.broadcast %sub3A_33 : vector<1x512xf32> to vector<512x512xf32>
    %mul3A_49 = arith.mulf %mul3A_48, %sub3A_43 : vector<512x512xf32>
    %add3A = arith.addf %mul3A_47, %mul3A_49 : vector<512x512xf32>
    %mul3A_50 = vector.broadcast %sub3A_34 : vector<1x512xf32> to vector<512x512xf32>
    %mul3A_51 = arith.mulf %mul3A_50, %sub3A_46 : vector<512x512xf32>
    %add3A_52 = arith.addf %add3A, %mul3A_51 : vector<512x512xf32>
    %mul3A_53 = vector.broadcast %sub3A_35 : vector<1x512xf32> to vector<512x512xf32>
    %mul3A_54 = arith.mulf %mul3A_53, %sub3A_40 : vector<512x512xf32>
    %mul3A_55 = vector.broadcast %sub3A_36 : vector<1x512xf32> to vector<512x512xf32>
    %mul3A_56 = arith.mulf %mul3A_55, %sub3A_43 : vector<512x512xf32>
    %add3A_57 = arith.addf %mul3A_54, %mul3A_56 : vector<512x512xf32>
    %mul3A_58 = vector.broadcast %sub3A_37 : vector<1x512xf32> to vector<512x512xf32>
    %mul3A_59 = arith.mulf %mul3A_58, %sub3A_46 : vector<512x512xf32>
    %add3A_60 = arith.addf %add3A_57, %mul3A_59 : vector<512x512xf32>
    %sub3A_61 = vector.broadcast %slice3A : vector<512x1xf32> to vector<512x512xf32>
    %sub3A_62 = vector.broadcast %get3A_17 : vector<1x512xf32> to vector<512x512xf32>
    %sub3A_63 = arith.subf %sub3A_61, %sub3A_62 : vector<512x512xf32>
    %sub3A_64 = vector.broadcast %slice3A_4 : vector<512x1xf32> to vector<512x512xf32>
    %sub3A_65 = vector.broadcast %get3A_20 : vector<1x512xf32> to vector<512x512xf32>
    %sub3A_66 = arith.subf %sub3A_64, %sub3A_65 : vector<512x512xf32>
    %sub3A_67 = vector.broadcast %slice3A_5 : vector<512x1xf32> to vector<512x512xf32>
    %sub3A_68 = vector.broadcast %get3A_23 : vector<1x512xf32> to vector<512x512xf32>
    %sub3A_69 = arith.subf %sub3A_67, %sub3A_68 : vector<512x512xf32>
    %mul3A_70 = vector.broadcast %sub3A : vector<1x512xf32> to vector<512x512xf32>
    %mul3A_71 = arith.mulf %mul3A_70, %sub3A_63 : vector<512x512xf32>
    %mul3A_72 = vector.broadcast %sub3A_33 : vector<1x512xf32> to vector<512x512xf32>
    %mul3A_73 = arith.mulf %mul3A_72, %sub3A_66 : vector<512x512xf32>
    %add3A_74 = arith.addf %mul3A_71, %mul3A_73 : vector<512x512xf32>
    %mul3A_75 = vector.broadcast %sub3A_34 : vector<1x512xf32> to vector<512x512xf32>
    %mul3A_76 = arith.mulf %mul3A_75, %sub3A_69 : vector<512x512xf32>
    %add3A_77 = arith.addf %add3A_74, %mul3A_76 : vector<512x512xf32>
    %mul3A_78 = vector.broadcast %sub3A_35 : vector<1x512xf32> to vector<512x512xf32>
    %mul3A_79 = arith.mulf %mul3A_78, %sub3A_63 : vector<512x512xf32>
    %mul3A_80 = vector.broadcast %sub3A_36 : vector<1x512xf32> to vector<512x512xf32>
    %mul3A_81 = arith.mulf %mul3A_80, %sub3A_66 : vector<512x512xf32>
    %add3A_82 = arith.addf %mul3A_79, %mul3A_81 : vector<512x512xf32>
    %mul3A_83 = vector.broadcast %sub3A_37 : vector<1x512xf32> to vector<512x512xf32>
    %mul3A_84 = arith.mulf %mul3A_83, %sub3A_69 : vector<512x512xf32>
    %add3A_85 = arith.addf %add3A_82, %mul3A_84 : vector<512x512xf32>
    %sub3A_86 = vector.broadcast %slice3A : vector<512x1xf32> to vector<512x512xf32>
    %sub3A_87 = vector.broadcast %get3A_26 : vector<1x512xf32> to vector<512x512xf32>
    %sub3A_88 = arith.subf %sub3A_86, %sub3A_87 : vector<512x512xf32>
    %sub3A_89 = vector.broadcast %slice3A_4 : vector<512x1xf32> to vector<512x512xf32>
    %sub3A_90 = vector.broadcast %get3A_29 : vector<1x512xf32> to vector<512x512xf32>
    %sub3A_91 = arith.subf %sub3A_89, %sub3A_90 : vector<512x512xf32>
    %sub3A_92 = vector.broadcast %slice3A_5 : vector<512x1xf32> to vector<512x512xf32>
    %sub3A_93 = vector.broadcast %get3A_32 : vector<1x512xf32> to vector<512x512xf32>
    %sub3A_94 = arith.subf %sub3A_92, %sub3A_93 : vector<512x512xf32>
    %mul3A_95 = vector.broadcast %sub3A : vector<1x512xf32> to vector<512x512xf32>
    %mul3A_96 = arith.mulf %mul3A_95, %sub3A_88 : vector<512x512xf32>
    %mul3A_97 = vector.broadcast %sub3A_33 : vector<1x512xf32> to vector<512x512xf32>
    %mul3A_98 = arith.mulf %mul3A_97, %sub3A_91 : vector<512x512xf32>
    %add3A_99 = arith.addf %mul3A_96, %mul3A_98 : vector<512x512xf32>
    %mul3A_100 = vector.broadcast %sub3A_34 : vector<1x512xf32> to vector<512x512xf32>
    %mul3A_101 = arith.mulf %mul3A_100, %sub3A_94 : vector<512x512xf32>
    %add3A_102 = arith.addf %add3A_99, %mul3A_101 : vector<512x512xf32>
    %mul3A_103 = vector.broadcast %sub3A_35 : vector<1x512xf32> to vector<512x512xf32>
    %mul3A_104 = arith.mulf %mul3A_103, %sub3A_88 : vector<512x512xf32>
    %mul3A_105 = vector.broadcast %sub3A_36 : vector<1x512xf32> to vector<512x512xf32>
    %mul3A_106 = arith.mulf %mul3A_105, %sub3A_91 : vector<512x512xf32>
    %add3A_107 = arith.addf %mul3A_104, %mul3A_106 : vector<512x512xf32>
    %mul3A_108 = vector.broadcast %sub3A_37 : vector<1x512xf32> to vector<512x512xf32>
    %mul3A_109 = arith.mulf %mul3A_108, %sub3A_94 : vector<512x512xf32>
    %add3A_110 = arith.addf %add3A_107, %mul3A_109 : vector<512x512xf32>
    %mul3A_111 = arith.mulf %add3A_52, %add3A_85 : vector<512x512xf32>
    %mul3A_112 = arith.mulf %add3A_77, %add3A_60 : vector<512x512xf32>
    %sub3A_113 = arith.subf %mul3A_111, %mul3A_112 : vector<512x512xf32>
    %mul3A_114 = arith.mulf %add3A_102, %add3A_60 : vector<512x512xf32>
    %mul3A_115 = arith.mulf %add3A_52, %add3A_110 : vector<512x512xf32>
    %sub3A_116 = arith.subf %mul3A_114, %mul3A_115 : vector<512x512xf32>
    %mul3A_117 = arith.mulf %add3A_77, %add3A_110 : vector<512x512xf32>
    %mul3A_118 = arith.mulf %add3A_102, %add3A_85 : vector<512x512xf32>
    %sub3A_119 = arith.subf %mul3A_117, %mul3A_118 : vector<512x512xf32>
    %sub3A_120 = arith.subf %add3A_52, %add3A_77 : vector<512x512xf32>
    %abs3A = math.absf %sub3A_120 : vector<512x512xf32>
    %lt3A = arith.constant 9.99999996E-13 : f32
    %lt3A_121 = vector.broadcast %lt3A : f32 to vector<512x512xf32>
    %lt3A_122 = arith.cmpf olt, %abs3A, %lt3A_121 : vector<512x512xf32>
    %jit3A = arith.constant 1.000000e+00 : f32
    %broadcast_in_dim3A = vector.broadcast %jit3A : f32 to vector<512x512xf32>
    %select_n3A = arith.select %lt3A_122, %broadcast_in_dim3A, %sub3A_120 : vector<512x512xi1>, vector<512x512xf32>
    %div3A = arith.divf %add3A_52, %select_n3A : vector<512x512xf32>
    %sub3A_123 = arith.subf %add3A_60, %add3A_110 : vector<512x512xf32>
    %abs3A_124 = math.absf %sub3A_123 : vector<512x512xf32>
    %lt3A_125 = arith.constant 9.99999996E-13 : f32
    %lt3A_126 = vector.broadcast %lt3A_125 : f32 to vector<512x512xf32>
    %lt3A_127 = arith.cmpf olt, %abs3A_124, %lt3A_126 : vector<512x512xf32>
    %jit3A_128 = arith.constant 1.000000e+00 : f32
    %broadcast_in_dim3A_129 = vector.broadcast %jit3A_128 : f32 to vector<512x512xf32>
    %select_n3A_130 = arith.select %lt3A_127, %broadcast_in_dim3A_129, %sub3A_123 : vector<512x512xi1>, vector<512x512xf32>
    %div3A_131 = arith.divf %add3A_60, %select_n3A_130 : vector<512x512xf32>
    %sub3A_132 = arith.subf %add3A_85, %add3A_77 : vector<512x512xf32>
    %sub3A_133 = arith.subf %add3A_102, %add3A_110 : vector<512x512xf32>
    %add3A_134 = arith.addf %sub3A_132, %sub3A_133 : vector<512x512xf32>
    %abs3A_135 = math.absf %add3A_134 : vector<512x512xf32>
    %lt3A_136 = arith.constant 9.99999996E-13 : f32
    %lt3A_137 = vector.broadcast %lt3A_136 : f32 to vector<512x512xf32>
    %lt3A_138 = arith.cmpf olt, %abs3A_135, %lt3A_137 : vector<512x512xf32>
    %jit3A_139 = arith.constant 1.000000e+00 : f32
    %broadcast_in_dim3A_140 = vector.broadcast %jit3A_139 : f32 to vector<512x512xf32>
    %select_n3A_141 = arith.select %lt3A_138, %broadcast_in_dim3A_140, %add3A_134 : vector<512x512xi1>, vector<512x512xf32>
    %div3A_142 = arith.divf %sub3A_132, %select_n3A_141 : vector<512x512xf32>
    %broadcast_in_dim3A_143 = arith.constant 1.000000e+00 : f32
    %broadcast_in_dim3A_144 = vector.broadcast %broadcast_in_dim3A_143 : f32 to vector<512x512xf32>
    %add3A_145 = arith.addf %sub3A_119, %sub3A_116 : vector<512x512xf32>
    %add3A_146 = arith.addf %add3A_145, %sub3A_113 : vector<512x512xf32>
    %abs3A_147 = math.absf %add3A_146 : vector<512x512xf32>
    %lt3A_148 = arith.constant 9.99999996E-13 : f32
    %lt3A_149 = vector.broadcast %lt3A_148 : f32 to vector<512x512xf32>
    %lt3A_150 = arith.cmpf olt, %abs3A_147, %lt3A_149 : vector<512x512xf32>
    %jit3A_151 = arith.constant 1.000000e+00 : f32
    %broadcast_in_dim3A_152 = vector.broadcast %jit3A_151 : f32 to vector<512x512xf32>
    %select_n3A_153 = arith.select %lt3A_150, %broadcast_in_dim3A_152, %add3A_146 : vector<512x512xi1>, vector<512x512xf32>
    %div3A_154 = arith.divf %broadcast_in_dim3A_144, %select_n3A_153 : vector<512x512xf32>
    %mul3A_155 = arith.mulf %sub3A_116, %div3A_154 : vector<512x512xf32>
    %mul3A_156 = arith.mulf %sub3A_113, %div3A_154 : vector<512x512xf32>
    %mul3A_157 = vector.broadcast %sub3A : vector<1x512xf32> to vector<512x512xf32>
    %mul3A_158 = arith.mulf %mul3A_157, %mul3A_155 : vector<512x512xf32>
    %add3A_159 = vector.broadcast %get3A_8 : vector<1x512xf32> to vector<512x512xf32>
    %add3A_160 = arith.addf %add3A_159, %mul3A_158 : vector<512x512xf32>
    %mul3A_161 = vector.broadcast %sub3A_35 : vector<1x512xf32> to vector<512x512xf32>
    %mul3A_162 = arith.mulf %mul3A_161, %mul3A_156 : vector<512x512xf32>
    %add3A_163 = arith.addf %add3A_160, %mul3A_162 : vector<512x512xf32>
    %mul3A_164 = vector.broadcast %sub3A_33 : vector<1x512xf32> to vector<512x512xf32>
    %mul3A_165 = arith.mulf %mul3A_164, %mul3A_155 : vector<512x512xf32>
    %add3A_166 = vector.broadcast %get3A_11 : vector<1x512xf32> to vector<512x512xf32>
    %add3A_167 = arith.addf %add3A_166, %mul3A_165 : vector<512x512xf32>
    %mul3A_168 = vector.broadcast %sub3A_36 : vector<1x512xf32> to vector<512x512xf32>
    %mul3A_169 = arith.mulf %mul3A_168, %mul3A_156 : vector<512x512xf32>
    %add3A_170 = arith.addf %add3A_167, %mul3A_169 : vector<512x512xf32>
    %mul3A_171 = vector.broadcast %sub3A_34 : vector<1x512xf32> to vector<512x512xf32>
    %mul3A_172 = arith.mulf %mul3A_171, %mul3A_155 : vector<512x512xf32>
    %add3A_173 = vector.broadcast %get3A_14 : vector<1x512xf32> to vector<512x512xf32>
    %add3A_174 = arith.addf %add3A_173, %mul3A_172 : vector<512x512xf32>
    %mul3A_175 = vector.broadcast %sub3A_37 : vector<1x512xf32> to vector<512x512xf32>
    %mul3A_176 = arith.mulf %mul3A_175, %mul3A_156 : vector<512x512xf32>
    %add3A_177 = arith.addf %add3A_174, %mul3A_176 : vector<512x512xf32>
    %le3A = arith.constant 0.000000e+00 : f32
    %le3A_178 = vector.broadcast %le3A : f32 to vector<512x512xf32>
    %le3A_179 = arith.cmpf ole, %sub3A_119, %le3A_178 : vector<512x512xf32>
    %ge3A = arith.constant 0.000000e+00 : f32
    %ge3A_180 = vector.broadcast %ge3A : f32 to vector<512x512xf32>
    %ge3A_181 = arith.cmpf oge, %sub3A_132, %ge3A_180 : vector<512x512xf32>
    %and3A = arith.andi %le3A_179, %ge3A_181 : vector<512x512xi1>
    %ge3A_182 = arith.constant 0.000000e+00 : f32
    %ge3A_183 = vector.broadcast %ge3A_182 : f32 to vector<512x512xf32>
    %ge3A_184 = arith.cmpf oge, %sub3A_133, %ge3A_183 : vector<512x512xf32>
    %and3A_185 = arith.andi %and3A, %ge3A_184 : vector<512x512xi1>
    %sub3A_186 = arith.subf %get3A_26, %get3A_17 : vector<1x512xf32>
    %mul3A_187 = vector.broadcast %sub3A_186 : vector<1x512xf32> to vector<512x512xf32>
    %mul3A_188 = arith.mulf %mul3A_187, %div3A_142 : vector<512x512xf32>
    %add3A_189 = vector.broadcast %get3A_17 : vector<1x512xf32> to vector<512x512xf32>
    %add3A_190 = arith.addf %add3A_189, %mul3A_188 : vector<512x512xf32>
    %select_n3A_191 = arith.select %and3A_185, %add3A_190, %add3A_163 : vector<512x512xi1>, vector<512x512xf32>
    %sub3A_192 = arith.subf %get3A_29, %get3A_20 : vector<1x512xf32>
    %mul3A_193 = vector.broadcast %sub3A_192 : vector<1x512xf32> to vector<512x512xf32>
    %mul3A_194 = arith.mulf %mul3A_193, %div3A_142 : vector<512x512xf32>
    %add3A_195 = vector.broadcast %get3A_20 : vector<1x512xf32> to vector<512x512xf32>
    %add3A_196 = arith.addf %add3A_195, %mul3A_194 : vector<512x512xf32>
    %select_n3A_197 = arith.select %and3A_185, %add3A_196, %add3A_170 : vector<512x512xi1>, vector<512x512xf32>
    %sub3A_198 = arith.subf %get3A_32, %get3A_23 : vector<1x512xf32>
    %mul3A_199 = vector.broadcast %sub3A_198 : vector<1x512xf32> to vector<512x512xf32>
    %mul3A_200 = arith.mulf %mul3A_199, %div3A_142 : vector<512x512xf32>
    %add3A_201 = vector.broadcast %get3A_23 : vector<1x512xf32> to vector<512x512xf32>
    %add3A_202 = arith.addf %add3A_201, %mul3A_200 : vector<512x512xf32>
    %select_n3A_203 = arith.select %and3A_185, %add3A_202, %add3A_177 : vector<512x512xi1>, vector<512x512xf32>
    %le3A_204 = arith.constant 0.000000e+00 : f32
    %le3A_205 = vector.broadcast %le3A_204 : f32 to vector<512x512xf32>
    %le3A_206 = arith.cmpf ole, %sub3A_116, %le3A_205 : vector<512x512xf32>
    %ge3A_207 = arith.constant 0.000000e+00 : f32
    %ge3A_208 = vector.broadcast %ge3A_207 : f32 to vector<512x512xf32>
    %ge3A_209 = arith.cmpf oge, %add3A_60, %ge3A_208 : vector<512x512xf32>
    %and3A_210 = arith.andi %le3A_206, %ge3A_209 : vector<512x512xi1>
    %le3A_211 = arith.constant 0.000000e+00 : f32
    %le3A_212 = vector.broadcast %le3A_211 : f32 to vector<512x512xf32>
    %le3A_213 = arith.cmpf ole, %add3A_110, %le3A_212 : vector<512x512xf32>
    %and3A_214 = arith.andi %and3A_210, %le3A_213 : vector<512x512xi1>
    %mul3A_215 = vector.broadcast %sub3A_35 : vector<1x512xf32> to vector<512x512xf32>
    %mul3A_216 = arith.mulf %mul3A_215, %div3A_131 : vector<512x512xf32>
    %add3A_217 = vector.broadcast %get3A_8 : vector<1x512xf32> to vector<512x512xf32>
    %add3A_218 = arith.addf %add3A_217, %mul3A_216 : vector<512x512xf32>
    %select_n3A_219 = arith.select %and3A_214, %add3A_218, %select_n3A_191 : vector<512x512xi1>, vector<512x512xf32>
    %mul3A_220 = vector.broadcast %sub3A_36 : vector<1x512xf32> to vector<512x512xf32>
    %mul3A_221 = arith.mulf %mul3A_220, %div3A_131 : vector<512x512xf32>
    %add3A_222 = vector.broadcast %get3A_11 : vector<1x512xf32> to vector<512x512xf32>
    %add3A_223 = arith.addf %add3A_222, %mul3A_221 : vector<512x512xf32>
    %select_n3A_224 = arith.select %and3A_214, %add3A_223, %select_n3A_197 : vector<512x512xi1>, vector<512x512xf32>
    %mul3A_225 = vector.broadcast %sub3A_37 : vector<1x512xf32> to vector<512x512xf32>
    %mul3A_226 = arith.mulf %mul3A_225, %div3A_131 : vector<512x512xf32>
    %add3A_227 = vector.broadcast %get3A_14 : vector<1x512xf32> to vector<512x512xf32>
    %add3A_228 = arith.addf %add3A_227, %mul3A_226 : vector<512x512xf32>
    %select_n3A_229 = arith.select %and3A_214, %add3A_228, %select_n3A_203 : vector<512x512xi1>, vector<512x512xf32>
    %le3A_230 = arith.constant 0.000000e+00 : f32
    %le3A_231 = vector.broadcast %le3A_230 : f32 to vector<512x512xf32>
    %le3A_232 = arith.cmpf ole, %sub3A_113, %le3A_231 : vector<512x512xf32>
    %ge3A_233 = arith.constant 0.000000e+00 : f32
    %ge3A_234 = vector.broadcast %ge3A_233 : f32 to vector<512x512xf32>
    %ge3A_235 = arith.cmpf oge, %add3A_52, %ge3A_234 : vector<512x512xf32>
    %and3A_236 = arith.andi %le3A_232, %ge3A_235 : vector<512x512xi1>
    %le3A_237 = arith.constant 0.000000e+00 : f32
    %le3A_238 = vector.broadcast %le3A_237 : f32 to vector<512x512xf32>
    %le3A_239 = arith.cmpf ole, %add3A_77, %le3A_238 : vector<512x512xf32>
    %and3A_240 = arith.andi %and3A_236, %le3A_239 : vector<512x512xi1>
    %mul3A_241 = vector.broadcast %sub3A : vector<1x512xf32> to vector<512x512xf32>
    %mul3A_242 = arith.mulf %mul3A_241, %div3A : vector<512x512xf32>
    %add3A_243 = vector.broadcast %get3A_8 : vector<1x512xf32> to vector<512x512xf32>
    %add3A_244 = arith.addf %add3A_243, %mul3A_242 : vector<512x512xf32>
    %select_n3A_245 = arith.select %and3A_240, %add3A_244, %select_n3A_219 : vector<512x512xi1>, vector<512x512xf32>
    %mul3A_246 = vector.broadcast %sub3A_33 : vector<1x512xf32> to vector<512x512xf32>
    %mul3A_247 = arith.mulf %mul3A_246, %div3A : vector<512x512xf32>
    %add3A_248 = vector.broadcast %get3A_11 : vector<1x512xf32> to vector<512x512xf32>
    %add3A_249 = arith.addf %add3A_248, %mul3A_247 : vector<512x512xf32>
    %select_n3A_250 = arith.select %and3A_240, %add3A_249, %select_n3A_224 : vector<512x512xi1>, vector<512x512xf32>
    %mul3A_251 = vector.broadcast %sub3A_34 : vector<1x512xf32> to vector<512x512xf32>
    %mul3A_252 = arith.mulf %mul3A_251, %div3A : vector<512x512xf32>
    %add3A_253 = vector.broadcast %get3A_14 : vector<1x512xf32> to vector<512x512xf32>
    %add3A_254 = arith.addf %add3A_253, %mul3A_252 : vector<512x512xf32>
    %select_n3A_255 = arith.select %and3A_240, %add3A_254, %select_n3A_229 : vector<512x512xi1>, vector<512x512xf32>
    %ge3A_256 = arith.constant 0.000000e+00 : f32
    %ge3A_257 = vector.broadcast %ge3A_256 : f32 to vector<512x512xf32>
    %ge3A_258 = arith.cmpf oge, %add3A_110, %ge3A_257 : vector<512x512xf32>
    %le3A_259 = arith.cmpf ole, %add3A_102, %add3A_110 : vector<512x512xf32>
    %and3A_260 = arith.andi %ge3A_258, %le3A_259 : vector<512x512xi1>
    %broadcast_in_dim3A_261 = vector.shape_cast %get3A_26 : vector<1x512xf32> to vector<1x512xf32>
    %broadcast_in_dim3A_262 = vector.broadcast %broadcast_in_dim3A_261 : vector<1x512xf32> to vector<512x512xf32>
    %select_n3A_263 = arith.select %and3A_260, %broadcast_in_dim3A_262, %select_n3A_245 : vector<512x512xi1>, vector<512x512xf32>
    %broadcast_in_dim3A_264 = vector.shape_cast %get3A_29 : vector<1x512xf32> to vector<1x512xf32>
    %broadcast_in_dim3A_265 = vector.broadcast %broadcast_in_dim3A_264 : vector<1x512xf32> to vector<512x512xf32>
    %select_n3A_266 = arith.select %and3A_260, %broadcast_in_dim3A_265, %select_n3A_250 : vector<512x512xi1>, vector<512x512xf32>
    %broadcast_in_dim3A_267 = vector.shape_cast %get3A_32 : vector<1x512xf32> to vector<1x512xf32>
    %broadcast_in_dim3A_268 = vector.broadcast %broadcast_in_dim3A_267 : vector<1x512xf32> to vector<512x512xf32>
    %select_n3A_269 = arith.select %and3A_260, %broadcast_in_dim3A_268, %select_n3A_255 : vector<512x512xi1>, vector<512x512xf32>
    %ge3A_270 = arith.constant 0.000000e+00 : f32
    %ge3A_271 = vector.broadcast %ge3A_270 : f32 to vector<512x512xf32>
    %ge3A_272 = arith.cmpf oge, %add3A_77, %ge3A_271 : vector<512x512xf32>
    %le3A_273 = arith.cmpf ole, %add3A_85, %add3A_77 : vector<512x512xf32>
    %and3A_274 = arith.andi %ge3A_272, %le3A_273 : vector<512x512xi1>
    %broadcast_in_dim3A_275 = vector.shape_cast %get3A_17 : vector<1x512xf32> to vector<1x512xf32>
    %broadcast_in_dim3A_276 = vector.broadcast %broadcast_in_dim3A_275 : vector<1x512xf32> to vector<512x512xf32>
    %select_n3A_277 = arith.select %and3A_274, %broadcast_in_dim3A_276, %select_n3A_263 : vector<512x512xi1>, vector<512x512xf32>
    %broadcast_in_dim3A_278 = vector.shape_cast %get3A_20 : vector<1x512xf32> to vector<1x512xf32>
    %broadcast_in_dim3A_279 = vector.broadcast %broadcast_in_dim3A_278 : vector<1x512xf32> to vector<512x512xf32>
    %select_n3A_280 = arith.select %and3A_274, %broadcast_in_dim3A_279, %select_n3A_266 : vector<512x512xi1>, vector<512x512xf32>
    %broadcast_in_dim3A_281 = vector.shape_cast %get3A_23 : vector<1x512xf32> to vector<1x512xf32>
    %broadcast_in_dim3A_282 = vector.broadcast %broadcast_in_dim3A_281 : vector<1x512xf32> to vector<512x512xf32>
    %select_n3A_283 = arith.select %and3A_274, %broadcast_in_dim3A_282, %select_n3A_269 : vector<512x512xi1>, vector<512x512xf32>
    %le3A_284 = arith.constant 0.000000e+00 : f32
    %le3A_285 = vector.broadcast %le3A_284 : f32 to vector<512x512xf32>
    %le3A_286 = arith.cmpf ole, %add3A_52, %le3A_285 : vector<512x512xf32>
    %le3A_287 = arith.constant 0.000000e+00 : f32
    %le3A_288 = vector.broadcast %le3A_287 : f32 to vector<512x512xf32>
    %le3A_289 = arith.cmpf ole, %add3A_60, %le3A_288 : vector<512x512xf32>
    %and3A_290 = arith.andi %le3A_286, %le3A_289 : vector<512x512xi1>
    %broadcast_in_dim3A_291 = vector.shape_cast %get3A_8 : vector<1x512xf32> to vector<1x512xf32>
    %broadcast_in_dim3A_292 = vector.broadcast %broadcast_in_dim3A_291 : vector<1x512xf32> to vector<512x512xf32>
    %select_n3A_293 = arith.select %and3A_290, %broadcast_in_dim3A_292, %select_n3A_277 : vector<512x512xi1>, vector<512x512xf32>
    %broadcast_in_dim3A_294 = vector.shape_cast %get3A_11 : vector<1x512xf32> to vector<1x512xf32>
    %broadcast_in_dim3A_295 = vector.broadcast %broadcast_in_dim3A_294 : vector<1x512xf32> to vector<512x512xf32>
    %select_n3A_296 = arith.select %and3A_290, %broadcast_in_dim3A_295, %select_n3A_280 : vector<512x512xi1>, vector<512x512xf32>
    %broadcast_in_dim3A_297 = vector.shape_cast %get3A_14 : vector<1x512xf32> to vector<1x512xf32>
    %broadcast_in_dim3A_298 = vector.broadcast %broadcast_in_dim3A_297 : vector<1x512xf32> to vector<512x512xf32>
    %select_n3A_299 = arith.select %and3A_290, %broadcast_in_dim3A_298, %select_n3A_283 : vector<512x512xi1>, vector<512x512xf32>
    %sub3A_300 = vector.broadcast %slice3A : vector<512x1xf32> to vector<512x512xf32>
    %sub3A_301 = arith.subf %sub3A_300, %select_n3A_293 : vector<512x512xf32>
    %sub3A_302 = vector.broadcast %slice3A_4 : vector<512x1xf32> to vector<512x512xf32>
    %sub3A_303 = arith.subf %sub3A_302, %select_n3A_296 : vector<512x512xf32>
    %sub3A_304 = vector.broadcast %slice3A_5 : vector<512x1xf32> to vector<512x512xf32>
    %sub3A_305 = arith.subf %sub3A_304, %select_n3A_299 : vector<512x512xf32>
    %mul3A_306 = arith.mulf %sub3A_301, %sub3A_301 : vector<512x512xf32>
    %mul3A_307 = arith.mulf %sub3A_303, %sub3A_303 : vector<512x512xf32>
    %add3A_308 = arith.addf %mul3A_306, %mul3A_307 : vector<512x512xf32>
    %mul3A_309 = arith.mulf %sub3A_305, %sub3A_305 : vector<512x512xf32>
    %add3A_310 = arith.addf %add3A_308, %mul3A_309 : vector<512x512xf32>
    %reduce_min3A = arith.constant dense<0x7F800000> : vector<512xf32>
    %reduce_min3A_311 = vector.multi_reduction <minimumf>, %add3A_310, %reduce_min3A [1] : vector<512x512xf32> to vector<512xf32>
    %broadcast_in_dim3A_312 = vector.shape_cast %reduce_min3A_311 : vector<512xf32> to vector<512x1xf32>
    %iota3A = tpu.iota {dimensions = array<i32: 1>} : vector<512x512xi32>
    %mul3A_313 = arith.constant 512 : i32
    %mul3A_314 = arith.muli %arg1, %mul3A_313 : i32
    %add3A_315 = vector.broadcast %mul3A_314 : i32 to vector<512x512xi32>
    %add3A_316 = arith.addi %iota3A, %add3A_315 : vector<512x512xi32>
    %eq3A_317 = vector.broadcast %broadcast_in_dim3A_312 : vector<512x1xf32> to vector<512x512xf32>
    %eq3A_318 = arith.cmpf oeq, %add3A_310, %eq3A_317 : vector<512x512xf32>
    %jit3A_319 = arith.constant 2147483647 : i32
    %broadcast_in_dim3A_320 = vector.broadcast %jit3A_319 : i32 to vector<512x512xi32>
    %select_n3A_321 = arith.select %eq3A_318, %add3A_316, %broadcast_in_dim3A_320 : vector<512x512xi1>, vector<512x512xi32>
    %reduce_min3A_322 = arith.constant dense<2147483647> : vector<512xi32>
    %reduce_min3A_323 = vector.multi_reduction <minsi>, %select_n3A_321, %reduce_min3A_322 [1] : vector<512x512xi32> to vector<512xi32>
    %broadcast_in_dim3A_324 = vector.shape_cast %reduce_min3A_323 : vector<512xi32> to vector<512x1xi32>
    %get3A_325 = arith.constant 0 : index
    %get3A_326 = arith.constant 0 : index
    %get3A_327 = vector.load %arg7[%get3A_325, %get3A_326] : memref<512x1xf32, #tpu.memory_space<vmem>>, vector<512x1xf32>
    %lt3A_328 = arith.cmpf olt, %broadcast_in_dim3A_312, %get3A_327 : vector<512x1xf32>
    %get3A_329 = arith.constant 0 : index
    %get3A_330 = arith.constant 0 : index
    %get3A_331 = vector.load %arg7[%get3A_329, %get3A_330] : memref<512x1xf32, #tpu.memory_space<vmem>>, vector<512x1xf32>
    %select_n3A_332 = arith.select %lt3A_328, %broadcast_in_dim3A_312, %get3A_331 : vector<512x1xi1>, vector<512x1xf32>
    %swap3A = arith.constant 0 : index
    %swap3A_333 = arith.constant 0 : index
    %swap3A_334 = vector.load %arg7[%swap3A, %swap3A_333] : memref<512x1xf32, #tpu.memory_space<vmem>>, vector<512x1xf32>
    tpu.vector_store %arg7[%swap3A, %swap3A_333], %select_n3A_332 {strides = array<i32>} : memref<512x1xf32, #tpu.memory_space<vmem>>, vector<512x1xf32>,
    %get3A_335 = arith.constant 0 : index
    %get3A_336 = arith.constant 0 : index
    %get3A_337 = vector.load %arg8[%get3A_335, %get3A_336] : memref<512x1xi32, #tpu.memory_space<vmem>>, vector<512x1xi32>
    %select_n3A_338 = arith.select %lt3A_328, %broadcast_in_dim3A_324, %get3A_337 : vector<512x1xi1>, vector<512x1xi32>
    %swap3A_339 = arith.constant 0 : index
    %swap3A_340 = arith.constant 0 : index
    %swap3A_341 = vector.load %arg8[%swap3A_339, %swap3A_340] : memref<512x1xi32, #tpu.memory_space<vmem>>, vector<512x1xi32>
    tpu.vector_store %arg8[%swap3A_339, %swap3A_340], %select_n3A_338 {strides = array<i32>} : memref<512x1xi32, #tpu.memory_space<vmem>>, vector<512x1xi32>,
    %eq3A_342 = arith.constant 15 : i32
    %eq3A_343 = arith.cmpi eq, %arg1, %eq3A_342 : i32
    %convert_element_type3A_344 = arith.extui %eq3A_343 : i1 to i32
    %cond3A_345 = arith.constant 0 : i32
    %cond3A_346 = arith.cmpi ne, %convert_element_type3A_344, %cond3A_345 : i32
    scf.if %cond3A_346 {
      %get3A_347 = arith.constant 0 : index
      %get3A_348 = arith.constant 0 : index
      %get3A_349 = vector.load %arg7[%get3A_347, %get3A_348] : memref<512x1xf32, #tpu.memory_space<vmem>>, vector<512x1xf32>
      %swap3A_350 = arith.constant 0 : index
      %swap3A_351 = arith.constant 0 : index
      %swap3A_352 = vector.load %arg4[%swap3A_350, %swap3A_351] : memref<512x1xf32, #tpu.memory_space<vmem>>, vector<512x1xf32>
      tpu.vector_store %arg4[%swap3A_350, %swap3A_351], %get3A_349 {strides = array<i32>} : memref<512x1xf32, #tpu.memory_space<vmem>>, vector<512x1xf32>,
      %get3A_353 = arith.constant 0 : index
      %get3A_354 = arith.constant 0 : index
      %get3A_355 = vector.load %arg8[%get3A_353, %get3A_354] : memref<512x1xi32, #tpu.memory_space<vmem>>, vector<512x1xi32>
      %swap3A_356 = arith.constant 0 : index
      %swap3A_357 = arith.constant 0 : index
      %swap3A_358 = vector.load %arg5[%swap3A_356, %swap3A_357] : memref<512x1xi32, #tpu.memory_space<vmem>>, vector<512x1xi32>
      tpu.vector_store %arg5[%swap3A_356, %swap3A_357], %get3A_355 {strides = array<i32>} : memref<512x1xi32, #tpu.memory_space<vmem>>, vector<512x1xi32>,
      %eq3A_359 = arith.constant 0 : i32
      %eq3A_360 = arith.cmpi eq, %arg0, %eq3A_359 : i32
      %convert_element_type3A_361 = arith.extui %eq3A_360 : i1 to i32
      %cond3A_362 = arith.constant 0 : i32
      %cond3A_363 = arith.cmpi ne, %convert_element_type3A_361, %cond3A_362 : i32
      scf.if %cond3A_363 {
        %swap3A_381 = arith.constant 0.000000e+00 : f32
        %swap3A_382 = arith.constant 0 : index
        %swap3A_383 = memref.load %arg9[%swap3A_382] : memref<1xf32, #tpu.memory_space<smem>>
        memref.store %swap3A_381, %arg9[%swap3A_382] : memref<1xf32, #tpu.memory_space<smem>>
      } else {
      }
      %get3A_364 = arith.constant 0 : index
      %get3A_365 = memref.load %arg9[%get3A_364] : memref<1xf32, #tpu.memory_space<smem>>
      %get3A_366 = arith.constant 0 : index
      %get3A_367 = arith.constant 0 : index
      %get3A_368 = vector.load %arg7[%get3A_366, %get3A_367] : memref<512x1xf32, #tpu.memory_space<vmem>>, vector<512x1xf32>
      %reduce_sum3A = vector.shape_cast %get3A_368 : vector<512x1xf32> to vector<1x512x1xf32>
      %reduce_sum3A_369 = arith.constant dense<0.000000e+00> : vector<1xf32>
      %reduce_sum3A_370 = vector.multi_reduction <add>, %reduce_sum3A, %reduce_sum3A_369 [1, 2] : vector<1x512x1xf32> to vector<1xf32>
      %reduce_sum3A_371 = vector.shape_cast %reduce_sum3A_370 : vector<1xf32> to vector<1x1x1xf32>
      %reduce_sum3A_372 = vector.extract %reduce_sum3A_371[0, 0, 0] : f32 from vector<1x1x1xf32>
      %add3A_373 = arith.addf %get3A_365, %reduce_sum3A_372 : f32
      %swap3A_374 = arith.constant 0 : index
      %swap3A_375 = memref.load %arg9[%swap3A_374] : memref<1xf32, #tpu.memory_space<smem>>
      memref.store %add3A_373, %arg9[%swap3A_374] : memref<1xf32, #tpu.memory_space<smem>>
      %eq3A_376 = arith.constant 12 : i32
      %eq3A_377 = arith.cmpi eq, %arg0, %eq3A_376 : i32
      %convert_element_type3A_378 = arith.extui %eq3A_377 : i1 to i32
      %cond3A_379 = arith.constant 0 : i32
      %cond3A_380 = arith.cmpi ne, %convert_element_type3A_378, %cond3A_379 : i32
      scf.if %cond3A_380 {
        %get3A_381 = arith.constant 0 : index
        %get3A_382 = memref.load %arg9[%get3A_381] : memref<1xf32, #tpu.memory_space<smem>>
        %swap3A_383 = arith.constant 0 : index
        %swap3A_384 = arith.constant 0 : index
        %swap3A_385 = memref.load %arg6[%swap3A_383, %swap3A_384] : memref<1x1xf32, #tpu.memory_space<smem>>
        memref.store %get3A_382, %arg6[%swap3A_383, %swap3A_384] : memref<1x1xf32, #tpu.memory_space<smem>>
      } else {
      }
    } else {
    }
    return
  }
  func.func @transform_0(%arg0: i32, %arg1: i32) -> (i32, i32) {
    %c0_i32 = arith.constant 0 : i32
    %c0_i32_0 = arith.constant 0 : i32
    return %arg0, %c0_i32 : i32, i32
  }
  func.func @transform_1(%arg0: i32, %arg1: i32) -> (i32, i32) {
    %c0_i32 = arith.constant 0 : i32
    %c0_i32_0 = arith.constant 0 : i32
    return %c0_i32, %arg1 : i32, i32
  }
  func.func @transform_2(%arg0: i32, %arg1: i32) -> (i32, i32) {
    %c0_i32 = arith.constant 0 : i32
    %c0_i32_0 = arith.constant 0 : i32
    return %arg0, %c0_i32 : i32, i32
  }
  func.func @transform_3(%arg0: i32, %arg1: i32) -> (i32, i32) {
    %c0_i32 = arith.constant 0 : i32
    %c0_i32_0 = arith.constant 0 : i32
    return %arg0, %c0_i32 : i32, i32
  }
  func.func @transform_4(%arg0: i32, %arg1: i32) -> (i32, i32) {
    %c0_i32 = arith.constant 0 : i32
    %c0_i32_0 = arith.constant 0 : i32
    %c0_i32_1 = arith.constant 0 : i32
    return %c0_i32, %c0_i32_0 : i32, i32
  }
}

</mosaic_0001>

<sc_bundles>
// kernel: kernel.5.cloned.1.call-start
scs
__scs_entry_jumppad:
0x0: {  	(pc) =	sbr.rel $0x88, $3  }
0x1: {  	(tag) =	ssettag $0x0;
	lr =	simm.s32 $0x1  }
0x2: {  	[smem:$0x3F9E] =	sst lr;
	_ =	strace $0xD0000000  }
0x3: {  	_ = 	snop  }
0x4: {  	_ = 	snop  }
0x5: {  	_ = 	snop  }
0x6: {  	_ = 	snop  }
0x7: {  	_ = 	snop  }
__scs_overlays_trampoline_lowered:
0x8: {  	[smem:$0x3FAD] =	sst s0  }
0x9: {  	[smem:$0x3FAE] =	sst s1  }
0xa: {  	[smem:$0x3FAF] =	sst s2  }
0xb: {  	[smem:$0x3FB0] =	sst s3  }
0xc: {  	[smem:$0x3FB1] =	sst s4  }
0xd: {  	[smem:$0x3FB2] =	sst s5  }
0xe: {  	[smem:$0x3FB3] =	sst s6  }
0xf: {  	[smem:$0x3FB4] =	sst s7  }
0x10: {  	[smem:$0x3FB5] =	sst s8  }
0x11: {  	[smem:$0x3FB6] =	sst s9;
	s0 =	simm.s32 @!p0 $0x0  }
0x12: {  	s1 =	sld [smem:$0x3F9C];
	s0 =	simm.s32 @p0 $0x1  }
0x13: {  	[smem:$0x3FB7] =	sst s0;
	s0 =	simm.s32 @!p1 $0x0  }
0x14: {  	s2 =	sld [smem:$0x3F9B];
	s0 =	simm.s32 @p1 $0x1  }
0x15: {  	[smem:$0x3FB8] =	sst s0;
	s0 =	simm.s32 @!p2 $0x0  }
0x16: {  	s3 =	sld [smem:$0x3FDB];
	s0 =	simm.s32 @p2 $0x1  }
0x17: {  	s4 =	simm.s32 $0x1BF5;
	[smem:$0x3FBA] =	sst s0  }
0x18: {  	s0 =	sld [smem:$0x3F9D];
	_ =	swait.ge [sflag:s4], $0x0  }
0x19: {  	s7 =	sld [smem:$0x3F9E]  }
0x1a: {  	s8 =	sadd.s32 $0xFFFFE003, lr  }
0x1b: {  	s9 =	sadd.s32 $0xFFFFFEF7, lr;
	s5 =	simm.s32 $0xFFFFFFFF;
	p2 =	slt.u32 s8, $0xFFFFF086  }
0x1c: {  	p1 =	slt.u32 s9, $0xF7A;
	s5 =	simm.s32 @!p2 $0x0  }
0x1d: {  	s5 =	simm.s32 @p1 $0x1;
	p0 =	seq.s32 s7, s2  }
0x1e: {  	s7 =	smul.u32 @!p0 $0xF7A, s2;
	p2 =	seq.s32 @!p0 s5, $0x0  }
0x1f: {  	s9 =	smul.u32 $0xF7A, s1;
	s8 =	simm.s32 @!p0 $0x1BF5;
	p2 =	por !p2, p0  }
0x20: {  	[sflag:s8] =	ssyncset.s32 @!p0 $0xFFFFF086;
	s6 =	sadd.s32 @!p0 s3, s7;
	s7 =	simm.s32 @!p0 $0x108  }
0x21: {  	s3 =	sadd.s32 s3, s9;
	s6 =	sadd.s32 @!p0 $0x88, s6;
	s7 =	simm.s32 @p2 $0x1082  }
0x22: {  	[simem:s7], [sflag:s8] =	dma.local @!p0 [hbm:s6], $0xF7A  }
0x23: {  	s9 =	sor.u32 $0xD0000000, s2;
	s6 =	simm.s32 $0x108;
	_ =	swait.ge @!p0 [sflag:s8], $0x0  }
0x24: {  	s3 =	sadd.s32 $0x88, s3;
	s6 =	simm.s32 @!p1 $0x1082;
	[sflag:s4] =	ssyncset.s32 $0xFFFFF086  }
0x25: {  	[simem:s6], [sflag:s4] =	dma.local [hbm:s3], $0xF7A  }
0x26: {  	[smem:$0x3F9E] =	sst s1;
	(tag) =	ssettag s2;
	_ =	strace s9  }
0x27: {  	s1 =	sld [smem:$0x3FAE]  }
0x28: {  	s2 =	sld [smem:$0x3FAF]  }
0x29: {  	s4 =	sld [smem:$0x3FB1]  }
0x2a: {  	p0 =	seq.s32 s5, $0x0;
	s5 =	sld [smem:$0x3FB2]  }
0x2b: {  	s6 =	sld [smem:$0x3FB3]  }
0x2c: {  	s7 =	sld [smem:$0x3FB4]  }
0x2d: {  	s3 =	simm.s32 $0x108;
	s8 =	sld [smem:$0x3FB5]  }
0x2e: {  	s3 =	simm.s32 @!p0 $0x1082;
	s9 =	sld [smem:$0x3FB6]  }
0x2f: {  	lr =	sadd.s32 s0, s3;
	s0 =	sld [smem:$0x3FAD]  }
0x30: {  	s3 =	sld [smem:$0x3FB0]  }
0x31: {  	[smem:$0x3FB9] =	sst s10  }
0x32: {  	s10 =	sld [smem:$0x3FB7];
	_ =	sdelay $0x3  }
0x33: {  	p0 =	seq.s32 s10, $0x1;
	s10 =	sld [smem:$0x3FB9];
	_ =	sdelay $0x3  }
0x34: {  	[smem:$0x3FB9] =	sst s10  }
0x35: {  	s10 =	sld [smem:$0x3FB8];
	_ =	sdelay $0x3  }
0x36: {  	p1 =	seq.s32 s10, $0x1;
	s10 =	sld [smem:$0x3FB9];
	_ =	sdelay $0x3  }
0x37: {  	[smem:$0x3FB9] =	sst s10  }
0x38: {  	s10 =	sld [smem:$0x3FBA]  }
0x39: {  	_ = 	snop;
	(pc) =	sbr.ind lr, $3  }
0x3a: {  	_ = 	snop  }
0x3b: {  	_ = 	snop  }
0x3c: {  	p2 =	seq.s32 s10, $0x1;
	s10 =	sld [smem:$0x3FB9]  }
0x3d: {  	_ =	shalt  }
0x3e: {  	_ =	shalt  }
0x3f: {  	_ =	shalt  }
0x40: {  	_ =	shalt  }
0x41: {  	_ =	shalt  }
0x42: {  	_ =	shalt  }
0x43: {  	_ =	shalt  }
0x44: {  	_ =	shalt  }
0x45: {  	_ =	shalt  }
0x46: {  	_ =	shalt  }
0x47: {  	_ =	shalt  }
0x48: {  	_ =	shalt  }
0x49: {  	_ =	shalt  }
0x4a: {  	_ =	shalt  }
0x4b: {  	_ =	shalt  }
0x4c: {  	_ =	shalt  }
0x4d: {  	_ =	shalt  }
0x4e: {  	_ =	shalt  }
0x4f: {  	_ =	shalt  }
0x50: {  	_ =	shalt  }
0x51: {  	_ =	shalt  }
0x52: {  	_ =	shalt  }
0x53: {  	_ =	shalt  }
0x54: {  	_ =	shalt  }
0x55: {  	_ =	shalt  }
0x56: {  	_ =	shalt  }
0x57: {  	_ =	shalt  }
0x58: {  	_ =	shalt  }
0x59: {  	_ =	shalt  }
0x5a: {  	_ =	shalt  }
0x5b: {  	_ =	shalt  }
0x5c: {  	_ =	shalt  }
0x5d: {  	_ =	shalt  }
0x5e: {  	_ =	shalt  }
0x5f: {  	_ =	shalt  }
0x60: {  	_ =	shalt  }
0x61: {  	_ =	shalt  }
0x62: {  	_ =	shalt  }
0x63: {  	_ =	shalt  }
0x64: {  	_ =	shalt  }
0x65: {  	_ =	shalt  }
0x66: {  	_ =	shalt  }
0x67: {  	_ =	shalt  }
0x68: {  	_ =	shalt  }
0x69: {  	_ =	shalt  }
0x6a: {  	_ =	shalt  }
0x6b: {  	_ =	shalt  }
0x6c: {  	_ =	shalt  }
0x6d: {  	_ =	shalt  }
0x6e: {  	_ =	shalt  }
0x6f: {  	_ =	shalt  }
0x70: {  	_ =	shalt  }
0x71: {  	_ =	shalt  }
0x72: {  	_ =	shalt  }
0x73: {  	_ =	shalt  }
0x74: {  	_ =	shalt  }
0x75: {  	_ =	shalt  }
0x76: {  	_ =	shalt  }
0x77: {  	_ =	shalt  }
0x78: {  	_ =	shalt  }
0x79: {  	_ =	shalt  }
0x7a: {  	_ =	shalt  }
0x7b: {  	_ =	shalt  }
0x7c: {  	_ =	shalt  }
0x7d: {  	_ =	shalt  }
0x7e: {  	_ =	shalt  }
0x7f: {  	_ =	shalt  }
0x80: {  	_ =	shalt  }
0x81: {  	_ =	shalt  }
0x82: {  	_ =	shalt  }
0x83: {  	_ =	shalt  }
0x84: {  	_ =	shalt  }
0x85: {  	_ =	shalt  }
0x86: {  	_ =	shalt  }
0x87: {  	_ =	shalt  }
.Lfunc_end0:
.L_simem_size_0:
called_computation_lowered:
.L_overlay_start_0:
0x88: {  	s2 =	sld [smem:$0x3FD9]  }
0x89: {  	s3 =	sld [smem:$0x3FFE];
	_ =	sdelay $0x1  }
0x8a: {  	s1 =	srdreg.scid  }
0x8b: {  	s0 =	sand.u32 $0x1, s1  }
0x8c: {  	s16 =	sshll.u32 s0, $0xA;
	s2 =	sadd.s32 s3, s2  }
0x8d: {  	s2 =	sadd.s32 s2, s16  }
0x8e: {  	[smem:$0x3FC5] =	sst s2  }
0x8f: {  	_ = 	snop  }
0x90: {  	(tm) =	ssettm $0x1  }
0x91: {  	s17 =	sld [smem:$0x3FFB];
	_ =	sdelay $0x3  }
0x92: {  	_ =	strace s17  }
0x93: {  	s2 =	sld [smem:$0x3FFC];
	_ =	sdelay $0x3  }
0x94: {  	_ =	strace s2  }
0x95: {  	s2 =	sld [smem:$0x3FFD];
	_ =	sdelay $0x3  }
0x96: {  	_ =	strace s2  }
0x97: {  	_ =	strace $0x8FFFFFFF  }
0x98: {  	s18 =	sld [smem:$0x3FDB];
	_ =	sdelay $0x1  }
0x99: {  	s19 =	simm.s32 $_scs_section_size  }
0x9a: {  	s4 =	simm.s32 $_size__tile_overlayer_lowered;
	s5 =	simm.s32 $_tile_overlayer_lowered  }
0x9b: {  	s22 =	simm.s32 $0x1BFF;
	s21 =	sshll.u32 s5, $0x1;
	s2 =	sadd.s32 s19, s18  }
0x9c: {  	s6 =	simm.s32 $0x0;
	s20 =	sshll.u32 s4, $0x1;
	s4 =	sadd.s32 s21, s2  }
0x9d: {  	[timem:s6], [sflag:s22] =	dma.local [hbm:s4], s20  }
0x9e: {  	_ =	swait.ge [sflag:s22], s20  }
0x9f: {  	s3 =	ssub.s32 $0x0, s20;
	[sflag:s22] =	ssyncset.done $0x0  }
0xa0: {  	[sflag:s22] =	ssyncadd.s32 s3;
	_ =	sdelay $0x1  }
0xa1: {  	s23 =	simm.s32 $0x1B8B  }
0xa2: {  	_ =	swait.ge [sflag:s23], $0x1  }
0xa3: {  	[sflag:s23] =	ssyncset.done $0x0  }
0xa4: {  	s25 =	simm.s32 $0x1B8E;
	s24 =	sld [smem:$0x3FFE];
	[sflag:s23] =	ssyncadd.s32 $0xFFFFFFFF  }
0xa5: {  	s26 =	simm.s32 $execute0_lowered;
	[smem:$0x3FD2] =	sst s25  }
0xa6: {  	s4 =	sshll.u32 s26, $0x1;
	_ =	strace $0x80000046;
	[dreg:$0x1] =	wrdreg $0xFFFFFFFF  }
0xa7: {  	s28 =	simm.s32 $_size_execute0_lowered;
	s2 =	sadd.s32 s2, s4;
	[dreg:$0x0] =	wrdreg $0x0  }
0xa8: {  	s4 =	sshll.u32 s28, $0x1;
	[dreg:$0x2] =	wrdreg s2  }
0xa9: {  	[dreg:$0x3] =	wrdreg s4  }
0xaa: {  	[dreg:$0x4] =	wrdreg $0xC0  }
0xab: {  	_ =	task [dreg:s6], $0x5FFFF  }
0xac: {  	[dreg:$0x1] =	wrdreg $0xFFFFFFFF  }
0xad: {  	[dreg:$0x0] =	wrdreg $0x60  }
0xae: {  	[dreg:$0x2] =	wrdreg s24  }
0xaf: {  	[dreg:$0x3] =	wrdreg $0x9  }
0xb0: {  	_ =	task.clear_ibuf [dreg:s6], $0x4FFFF;
	_ =	strace $0x90000046  }
0xb1: {  	s29 =	simm.s32 $0x9;
	_ =	strace $0x80000048  }
0xb2: {  	_ =	swait.ge [sflag:s29], $0x1  }
0xb3: {  	[sflag:s29] =	ssyncadd.s32 $0xFFFFFFFF  }
0xb4: {  	_ =	strace $0x90000048  }
0xb5: {  	_ =	sfence  }
0xb6: {  	s30 =	sld [smem:$0x0];
	_ =	sdelay $0x2  }
0xb7: {  	s31 =	sshll.u32 s1, $0xD;
	s1 =	sshrl.u32 s1, $0x2  }
0xb8: {  	s3 =	sand.u32 $0x4000, s31;
	s1 =	sadd.s32 s1, s30  }
0xb9: {  	s0 =	sor.u32 s3, s0;
	s1 =	sshll.u32 s1, $0x11  }
0xba: {  	s0 =	sor.u32 s1, s0  }
0xbb: {  	s0 =	sadd.s32 $0x8F2B, s0  }
0xbc: {  	[sflag:s0] =	ssyncadd.remote.s32 $0x1  }
0xbd: {  	_ =	sfence.sel $0xFFFF  }
0xbe: {  	[dreg:$0x0] =	wrdreg $0xFFFFFFFF;
	(pc) =	sbr.abs _section_cstart, $3  }
0xbf: {  	[dreg:$0x1] =	wrdreg $0xFFFFFFFF  }
0xc0: {  	_ =	task.clear_ibuf [dreg:s6], $0x2FFFF;
	_ =	strace $0x9FFFFFFF  }
0xc1: {  	(tm) =	ssettm $0x7FFFFFFF  }
tec
execute0_lowered:
.L_overlay_start_1:
0x0: {  	(tag) =	ssettag $0x1  }
0x1: {  	v0 =	vlaneseq.u32  }
0x2: {  	v0 =	vmul.u32 $0x3, v0;
	_ =	sdelay $0x1  }
0x3: {  	v1 =	vadd.s32 $0x1, v0;
	v2 =	vadd.s32 $0x2, v0  }
0x4: {  	v3 =	vadd.s32 $0x30, v0;
	v4 =	vadd.s32 $0x31, v0;
	v5 =	vadd.s32 $0x32, v0  }
0x5: {  	s1 =	srdreg.scid;
	v6 =	vadd.s32 $0x60, v0;
	v7 =	vadd.s32 $0x61, v0;
	v8 =	vadd.s32 $0x62, v0  }
0x6: {  	s0 =	stileid.u32;
	s4 =	rddreg [dreg:$0x0];
	s2 =	simm.s32 $0x0;
	v9 =	vadd.s32 $0x90, v0;
	v10 =	vadd.s32 $0x91, v0;
	v11 =	vadd.s32 $0x92, v0  }
0x7: {  	s15 =	simm.s32 $0x1;
	s16 =	simm.s32 $0x3000;
	s17 =	simm.s32 $0x3300;
	v12 =	vor.u32 $0xC0, v0;
	v13 =	vadd.s32 $0xC1, v0;
	v14 =	vadd.s32 $0xC2, v0  }
0x8: {  	s18 =	simm.s32 $0x3400;
	s19 =	simm.s32 $0x3500;
	s20 =	simm.s32 $0x3600;
	v15 =	vadd.s32 $0xF0, v0;
	v16 =	vadd.s32 $0xF1, v0;
	v17 =	vadd.s32 $0xF2, v0  }
0x9: {  	s21 =	simm.s32 $0x3700;
	s22 =	simm.s32 $0x3800;
	s23 =	simm.s32 $0x3900;
	v18 =	vadd.s32 $0x120, v0;
	v19 =	vadd.s32 $0x121, v0;
	v20 =	vadd.s32 $0x122, v0  }
0xa: {  	s24 =	simm.s32 $0x3A00;
	s5 =	sand.u32 $0x1, s1;
	s1 =	rddreg [dreg:$0x1];
	v21 =	vadd.s32 $0x150, v0;
	v22 =	vadd.s32 $0x151, v0;
	v23 =	vadd.s32 $0x152, v0  }
0xb: {  	s25 =	simm.s32 $0x3B00;
	s3 =	sshll.u32 s0, $0x1;
	[smem:$0x7FF] =	sst s2;
	v24 =	vor.u32 $0x180, v0;
	v25 =	vadd.s32 $0x181, v0;
	v26 =	vadd.s32 $0x182, v0  }
0xc: {  	s6 =	sor.u32 s5, s3;
	_ =	strace $0x80000047;
	s5 =	ssub.s32 $0x2, s5;
	v27 =	vadd.s32 $0x1B0, v0;
	v28 =	vadd.s32 $0x1B1, v0;
	v29 =	vadd.s32 $0x1B2, v0  }
0xd: {  	s7 =	smul.u32 $0x60, s6;
	s6 =	sshll.u32 s6, $0x5;
	s8 =	sshrl.u32 s5, $0x1;
	v30 =	vadd.s32 $0x1E0, v0;
	v31 =	vadd.s32 $0x1E1, v0;
	v32 =	vadd.s32 $0x1E2, v0  }
0xe: {  	s3 =	sadd.s32 $0xA00, s4;
	v33 =	vadd.s32 $0x210, v0;
	v34 =	vadd.s32 $0x211, v0;
	v35 =	vadd.s32 $0x212, v0;
	s13 =	sadd.s32 s6, s4;
	s14 =	ssub.s32 s5, s8  }
0xf: {  	v36 =	vor.u32 $0x240, v0;
	v37 =	vadd.s32 $0x241, v0;
	v38 =	vadd.s32 $0x242, v0;
	s7 =	sadd.s32 s7, s4;
	s5 =	sadd.s32 $0x1C00, s13;
	s6 =	sadd.s32 $0x2000, s13  }
0x10: {  	v39 =	vadd.s32 $0x270, v0;
	v40 =	vadd.s32 $0x271, v0;
	v41 =	vadd.s32 $0x272, v0;
	s8 =	sadd.s32 $0x2800, s13;
	s9 =	sadd.s32 $0x2C00, s13;
	s10 =	sadd.s32 $0x3000, s13  }
0x11: {  	v42 =	vadd.s32 $0x2A0, v0;
	v43 =	vadd.s32 $0x2A1, v0;
	v44 =	vadd.s32 $0x2A2, v0;
	s11 =	sadd.s32 $0x3400, s13;
	s12 =	sadd.s32 $0x3800, s13;
	s14 =	smax.u32 s14, $0x1  }
0x12: {  	v45 =	vadd.s32 $0x2D0, v0;
	v46 =	vadd.s32 $0x2D1, v0;
	v47 =	vadd.s32 $0x2D2, v0;
	s4 =	sadd.s32 $0x1000, s7;
	s7 =	sadd.s32 $0x2400, s13;
	s13 =	sadd.s32 $0x3C00, s13  }
.LBB2_1:
0x13: {  	[tilespmem:s2], [sflag:$0x1] =	stream.linear.gather [hbm4b:s3+s2], $0x3000, $0x38;
	[tilespmem:$0x3C00] =	vst v63  }
0x14: {  	_ =	swait.ge [sflag:s15], $0x3000  }
0x15: {  	[sflag:s15] =	ssyncset.done $0x0  }
0x16: {  	[sflag:s15] =	ssyncadd.s32 $0xFFFFD000  }
0x17: {  	[tilespmem:s16], [sflag:$0x1] =	stream.linear.gather [hbm4b:s4+s2], $0x300, $0x38;
	[tilespmem:$0x3C00] =	vst v63  }
0x18: {  	_ =	swait.ge [sflag:s15], $0x300  }
0x19: {  	[sflag:s15] =	ssyncset.done $0x0  }
0x1a: {  	[sflag:s15] =	ssyncadd.s32 $0xFFFFFD00  }
0x1b: {  	v48 =	vld.idx.msk [tilespmem:v0+s16+$0x0], $0xffff;
	_ =	sdelay $0x4  }
0x1c: {  	v48 =	vmul.u32 $0x3, v48;
	_ =	sdelay $0x5  }
0x1d: {  	v49 =	vld.idx.msk [tilespmem:v48+s2+$0x0], $0xffff  }
0x1e: {  	v50 =	vadd.s32 $0x1, v48;
	_ =	sdelay $0x3  }
0x1f: {  	[tilespmem:$0x3300] =	vst v49  }
0x20: {  	v49 =	vld.idx.msk [tilespmem:v50+s2+$0x0], $0xffff  }
0x21: {  	v48 =	vadd.s32 $0x2, v48;
	_ =	sdelay $0x3  }
0x22: {  	[tilespmem:$0x3400] =	vst v49  }
0x23: {  	v48 =	vld.idx.msk [tilespmem:v48+s2+$0x0], $0xffff;
	_ =	sdelay $0x4  }
0x24: {  	[tilespmem:$0x3500] =	vst v48  }
0x25: {  	v48 =	vld.idx.msk [tilespmem:v1+s16+$0x0], $0xffff;
	_ =	sdelay $0x4  }
0x26: {  	v48 =	vmul.u32 $0x3, v48;
	_ =	sdelay $0x5  }
0x27: {  	v49 =	vld.idx.msk [tilespmem:v48+s2+$0x0], $0xffff  }
0x28: {  	v53 =	vadd.s32 $0x1, v48;
	_ =	sdelay $0x3  }
0x29: {  	[tilespmem:$0x3600] =	vst v49  }
0x2a: {  	v49 =	vld.idx.msk [tilespmem:v53+s2+$0x0], $0xffff  }
0x2b: {  	v48 =	vadd.s32 $0x2, v48;
	_ =	sdelay $0x3  }
0x2c: {  	[tilespmem:$0x3700] =	vst v49  }
0x2d: {  	v48 =	vld.idx.msk [tilespmem:v48+s2+$0x0], $0xffff;
	_ =	sdelay $0x4  }
0x2e: {  	[tilespmem:$0x3800] =	vst v48  }
0x2f: {  	v48 =	vld.idx.msk [tilespmem:v2+s16+$0x0], $0xffff;
	_ =	sdelay $0x4  }
0x30: {  	v48 =	vmul.u32 $0x3, v48;
	_ =	sdelay $0x5  }
0x31: {  	v49 =	vld.idx.msk [tilespmem:v48+s2+$0x0], $0xffff  }
0x32: {  	v54 =	vadd.s32 $0x1, v48;
	_ =	sdelay $0x3  }
0x33: {  	[tilespmem:$0x3900] =	vst v49  }
0x34: {  	v49 =	vld.idx.msk [tilespmem:v54+s2+$0x0], $0xffff  }
0x35: {  	v48 =	vadd.s32 $0x2, v48;
	_ =	sdelay $0x3  }
0x36: {  	[tilespmem:$0x3A00] =	vst v49  }
0x37: {  	v48 =	vld.idx.msk [tilespmem:v48+s2+$0x0], $0xffff;
	_ =	sdelay $0x4  }
0x38: {  	[tilespmem:$0x3B00] =	vst v48  }
0x39: {  	v48 =	vld.idx.msk [tilespmem:v3+s16+$0x0], $0xffff;
	_ =	sdelay $0x4  }
0x3a: {  	v48 =	vmul.u32 $0x3, v48;
	_ =	sdelay $0x5  }
0x3b: {  	v49 =	vld.idx.msk [tilespmem:v48+s2+$0x0], $0xffff  }
0x3c: {  	v55 =	vadd.s32 $0x1, v48;
	_ =	sdelay $0x3  }
0x3d: {  	[tilespmem:$0x3310] =	vst v49  }
0x3e: {  	v49 =	vld.idx.msk [tilespmem:v55+s2+$0x0], $0xffff  }
0x3f: {  	v48 =	vadd.s32 $0x2, v48;
	_ =	sdelay $0x3  }
0x40: {  	[tilespmem:$0x3410] =	vst v49  }
0x41: {  	v48 =	vld.idx.msk [tilespmem:v48+s2+$0x0], $0xffff;
	_ =	sdelay $0x4  }
0x42: {  	[tilespmem:$0x3510] =	vst v48  }
0x43: {  	v48 =	vld.idx.msk [tilespmem:v4+s16+$0x0], $0xffff;
	_ =	sdelay $0x4  }
0x44: {  	v48 =	vmul.u32 $0x3, v48;
	_ =	sdelay $0x5  }
0x45: {  	v49 =	vld.idx.msk [tilespmem:v48+s2+$0x0], $0xffff  }
0x46: {  	v56 =	vadd.s32 $0x1, v48;
	_ =	sdelay $0x3  }
0x47: {  	[tilespmem:$0x3610] =	vst v49  }
0x48: {  	v49 =	vld.idx.msk [tilespmem:v56+s2+$0x0], $0xffff  }
0x49: {  	v48 =	vadd.s32 $0x2, v48;
	_ =	sdelay $0x3  }
0x4a: {  	[tilespmem:$0x3710] =	vst v49  }
0x4b: {  	v48 =	vld.idx.msk [tilespmem:v48+s2+$0x0], $0xffff;
	_ =	sdelay $0x4  }
0x4c: {  	[tilespmem:$0x3810] =	vst v48  }
0x4d: {  	v48 =	vld.idx.msk [tilespmem:v5+s16+$0x0], $0xffff;
	_ =	sdelay $0x4  }
0x4e: {  	v48 =	vmul.u32 $0x3, v48;
	_ =	sdelay $0x5  }
0x4f: {  	v49 =	vld.idx.msk [tilespmem:v48+s2+$0x0], $0xffff  }
0x50: {  	v57 =	vadd.s32 $0x1, v48;
	_ =	sdelay $0x3  }
0x51: {  	[tilespmem:$0x3910] =	vst v49  }
0x52: {  	v49 =	vld.idx.msk [tilespmem:v57+s2+$0x0], $0xffff  }
0x53: {  	v48 =	vadd.s32 $0x2, v48;
	_ =	sdelay $0x3  }
0x54: {  	[tilespmem:$0x3A10] =	vst v49  }
0x55: {  	v48 =	vld.idx.msk [tilespmem:v48+s2+$0x0], $0xffff;
	_ =	sdelay $0x4  }
0x56: {  	[tilespmem:$0x3B10] =	vst v48  }
0x57: {  	v48 =	vld.idx.msk [tilespmem:v6+s16+$0x0], $0xffff;
	_ =	sdelay $0x4  }
0x58: {  	v48 =	vmul.u32 $0x3, v48;
	_ =	sdelay $0x5  }
0x59: {  	v49 =	vld.idx.msk [tilespmem:v48+s2+$0x0], $0xffff  }
0x5a: {  	v58 =	vadd.s32 $0x1, v48;
	_ =	sdelay $0x3  }
0x5b: {  	[tilespmem:$0x3320] =	vst v49  }
0x5c: {  	v49 =	vld.idx.msk [tilespmem:v58+s2+$0x0], $0xffff  }
0x5d: {  	v48 =	vadd.s32 $0x2, v48;
	_ =	sdelay $0x3  }
0x5e: {  	[tilespmem:$0x3420] =	vst v49  }
0x5f: {  	v48 =	vld.idx.msk [tilespmem:v48+s2+$0x0], $0xffff;
	_ =	sdelay $0x4  }
0x60: {  	[tilespmem:$0x3520] =	vst v48  }
0x61: {  	v48 =	vld.idx.msk [tilespmem:v7+s16+$0x0], $0xffff;
	_ =	sdelay $0x4  }
0x62: {  	v48 =	vmul.u32 $0x3, v48;
	_ =	sdelay $0x5  }
0x63: {  	v49 =	vld.idx.msk [tilespmem:v48+s2+$0x0], $0xffff  }
0x64: {  	v59 =	vadd.s32 $0x1, v48;
	_ =	sdelay $0x3  }
0x65: {  	[tilespmem:$0x3620] =	vst v49  }
0x66: {  	v49 =	vld.idx.msk [tilespmem:v59+s2+$0x0], $0xffff  }
0x67: {  	v48 =	vadd.s32 $0x2, v48;
	_ =	sdelay $0x3  }
0x68: {  	[tilespmem:$0x3720] =	vst v49  }
0x69: {  	v48 =	vld.idx.msk [tilespmem:v48+s2+$0x0], $0xffff;
	_ =	sdelay $0x4  }
0x6a: {  	[tilespmem:$0x3820] =	vst v48  }
0x6b: {  	v48 =	vld.idx.msk [tilespmem:v8+s16+$0x0], $0xffff;
	_ =	sdelay $0x4  }
0x6c: {  	v48 =	vmul.u32 $0x3, v48;
	_ =	sdelay $0x5  }
0x6d: {  	v49 =	vld.idx.msk [tilespmem:v48+s2+$0x0], $0xffff  }
0x6e: {  	v60 =	vadd.s32 $0x1, v48;
	_ =	sdelay $0x3  }
0x6f: {  	[tilespmem:$0x3920] =	vst v49  }
0x70: {  	v49 =	vld.idx.msk [tilespmem:v60+s2+$0x0], $0xffff  }
0x71: {  	v48 =	vadd.s32 $0x2, v48;
	_ =	sdelay $0x3  }
0x72: {  	[tilespmem:$0x3A20] =	vst v49  }
0x73: {  	v48 =	vld.idx.msk [tilespmem:v48+s2+$0x0], $0xffff;
	_ =	sdelay $0x4  }
0x74: {  	[tilespmem:$0x3B20] =	vst v48  }
0x75: {  	v48 =	vld.idx.msk [tilespmem:v9+s16+$0x0], $0xffff;
	_ =	sdelay $0x4  }
0x76: {  	v48 =	vmul.u32 $0x3, v48;
	_ =	sdelay $0x5  }
0x77: {  	v49 =	vld.idx.msk [tilespmem:v48+s2+$0x0], $0xffff  }
0x78: {  	v61 =	vadd.s32 $0x1, v48;
	_ =	sdelay $0x3  }
0x79: {  	[tilespmem:$0x3330] =	vst v49  }
0x7a: {  	v49 =	vld.idx.msk [tilespmem:v61+s2+$0x0], $0xffff  }
0x7b: {  	v48 =	vadd.s32 $0x2, v48;
	_ =	sdelay $0x3  }
0x7c: {  	[tilespmem:$0x3430] =	vst v49  }
0x7d: {  	v48 =	vld.idx.msk [tilespmem:v48+s2+$0x0], $0xffff;
	_ =	sdelay $0x4  }
0x7e: {  	[tilespmem:$0x3530] =	vst v48  }
0x7f: {  	v48 =	vld.idx.msk [tilespmem:v10+s16+$0x0], $0xffff;
	_ =	sdelay $0x4  }
0x80: {  	v48 =	vmul.u32 $0x3, v48;
	_ =	sdelay $0x5  }
0x81: {  	v49 =	vld.idx.msk [tilespmem:v48+s2+$0x0], $0xffff  }
0x82: {  	v62 =	vadd.s32 $0x1, v48;
	_ =	sdelay $0x3  }
0x83: {  	[tilespmem:$0x3630] =	vst v49  }
0x84: {  	v49 =	vld.idx.msk [tilespmem:v62+s2+$0x0], $0xffff  }
0x85: {  	v48 =	vadd.s32 $0x2, v48;
	_ =	sdelay $0x3  }
0x86: {  	[tilespmem:$0x3730] =	vst v49  }
0x87: {  	v48 =	vld.idx.msk [tilespmem:v48+s2+$0x0], $0xffff;
	_ =	sdelay $0x4  }
0x88: {  	[tilespmem:$0x3830] =	vst v48  }
0x89: {  	v48 =	vld.idx.msk [tilespmem:v11+s16+$0x0], $0xffff;
	_ =	sdelay $0x4  }
0x8a: {  	v48 =	vmul.u32 $0x3, v48;
	_ =	sdelay $0x5  }
0x8b: {  	v49 =	vld.idx.msk [tilespmem:v48+s2+$0x0], $0xffff  }
0x8c: {  	v63 =	vadd.s32 $0x1, v48;
	_ =	sdelay $0x3  }
0x8d: {  	[tilespmem:$0x3930] =	vst v49  }
0x8e: {  	v49 =	vld.idx.msk [tilespmem:v63+s2+$0x0], $0xffff  }
0x8f: {  	v48 =	vadd.s32 $0x2, v48;
	_ =	sdelay $0x3  }
0x90: {  	[tilespmem:$0x3A30] =	vst v49  }
0x91: {  	v48 =	vld.idx.msk [tilespmem:v48+s2+$0x0], $0xffff;
	_ =	sdelay $0x4  }
0x92: {  	[tilespmem:$0x3B30] =	vst v48  }
0x93: {  	v48 =	vld.idx.msk [tilespmem:v12+s16+$0x0], $0xffff;
	_ =	sdelay $0x4  }
0x94: {  	v48 =	vmul.u32 $0x3, v48;
	_ =	sdelay $0x5  }
0x95: {  	v49 =	vld.idx.msk [tilespmem:v48+s2+$0x0], $0xffff  }
0x96: {  	v52 =	vadd.s32 $0x1, v48;
	_ =	sdelay $0x3  }
0x97: {  	[tilespmem:$0x3340] =	vst v49  }
0x98: {  	v49 =	vld.idx.msk [tilespmem:v52+s2+$0x0], $0xffff  }
0x99: {  	v48 =	vadd.s32 $0x2, v48;
	_ =	sdelay $0x3  }
0x9a: {  	[tilespmem:$0x3440] =	vst v49  }
0x9b: {  	v48 =	vld.idx.msk [tilespmem:v48+s2+$0x0], $0xffff;
	_ =	sdelay $0x4  }
0x9c: {  	[tilespmem:$0x3540] =	vst v48  }
0x9d: {  	v48 =	vld.idx.msk [tilespmem:v13+s16+$0x0], $0xffff;
	_ =	sdelay $0x4  }
0x9e: {  	v48 =	vmul.u32 $0x3, v48;
	_ =	sdelay $0x5  }
0x9f: {  	v49 =	vld.idx.msk [tilespmem:v48+s2+$0x0], $0xffff  }
0xa0: {  	v53 =	vadd.s32 $0x1, v48;
	_ =	sdelay $0x3  }
0xa1: {  	[tilespmem:$0x3640] =	vst v49  }
0xa2: {  	v49 =	vld.idx.msk [tilespmem:v53+s2+$0x0], $0xffff  }
0xa3: {  	v48 =	vadd.s32 $0x2, v48;
	_ =	sdelay $0x3  }
0xa4: {  	[tilespmem:$0x3740] =	vst v49  }
0xa5: {  	v48 =	vld.idx.msk [tilespmem:v48+s2+$0x0], $0xffff;
	_ =	sdelay $0x4  }
0xa6: {  	[tilespmem:$0x3840] =	vst v48  }
0xa7: {  	v48 =	vld.idx.msk [tilespmem:v14+s16+$0x0], $0xffff;
	_ =	sdelay $0x4  }
0xa8: {  	v48 =	vmul.u32 $0x3, v48;
	_ =	sdelay $0x5  }
0xa9: {  	v49 =	vld.idx.msk [tilespmem:v48+s2+$0x0], $0xffff  }
0xaa: {  	v54 =	vadd.s32 $0x1, v48;
	_ =	sdelay $0x3  }
0xab: {  	[tilespmem:$0x3940] =	vst v49  }
0xac: {  	v49 =	vld.idx.msk [tilespmem:v54+s2+$0x0], $0xffff  }
0xad: {  	v48 =	vadd.s32 $0x2, v48;
	_ =	sdelay $0x3  }
0xae: {  	[tilespmem:$0x3A40] =	vst v49  }
0xaf: {  	v48 =	vld.idx.msk [tilespmem:v48+s2+$0x0], $0xffff;
	_ =	sdelay $0x4  }
0xb0: {  	[tilespmem:$0x3B40] =	vst v48  }
0xb1: {  	v48 =	vld.idx.msk [tilespmem:v15+s16+$0x0], $0xffff;
	_ =	sdelay $0x4  }
0xb2: {  	v48 =	vmul.u32 $0x3, v48;
	_ =	sdelay $0x5  }
0xb3: {  	v49 =	vld.idx.msk [tilespmem:v48+s2+$0x0], $0xffff  }
0xb4: {  	v55 =	vadd.s32 $0x1, v48;
	_ =	sdelay $0x3  }
0xb5: {  	[tilespmem:$0x3350] =	vst v49  }
0xb6: {  	v49 =	vld.idx.msk [tilespmem:v55+s2+$0x0], $0xffff  }
0xb7: {  	v48 =	vadd.s32 $0x2, v48;
	_ =	sdelay $0x3  }
0xb8: {  	[tilespmem:$0x3450] =	vst v49  }
0xb9: {  	v48 =	vld.idx.msk [tilespmem:v48+s2+$0x0], $0xffff;
	_ =	sdelay $0x4  }
0xba: {  	[tilespmem:$0x3550] =	vst v48  }
0xbb: {  	v48 =	vld.idx.msk [tilespmem:v16+s16+$0x0], $0xffff;
	_ =	sdelay $0x4  }
0xbc: {  	v48 =	vmul.u32 $0x3, v48;
	_ =	sdelay $0x5  }
0xbd: {  	v49 =	vld.idx.msk [tilespmem:v48+s2+$0x0], $0xffff  }
0xbe: {  	v56 =	vadd.s32 $0x1, v48;
	_ =	sdelay $0x3  }
0xbf: {  	[tilespmem:$0x3650] =	vst v49  }
0xc0: {  	v49 =	vld.idx.msk [tilespmem:v56+s2+$0x0], $0xffff  }
0xc1: {  	v48 =	vadd.s32 $0x2, v48;
	_ =	sdelay $0x3  }
0xc2: {  	[tilespmem:$0x3750] =	vst v49  }
0xc3: {  	v48 =	vld.idx.msk [tilespmem:v48+s2+$0x0], $0xffff;
	_ =	sdelay $0x4  }
0xc4: {  	[tilespmem:$0x3850] =	vst v48  }
0xc5: {  	v48 =	vld.idx.msk [tilespmem:v17+s16+$0x0], $0xffff;
	_ =	sdelay $0x4  }
0xc6: {  	v48 =	vmul.u32 $0x3, v48;
	_ =	sdelay $0x5  }
0xc7: {  	v49 =	vld.idx.msk [tilespmem:v48+s2+$0x0], $0xffff  }
0xc8: {  	v57 =	vadd.s32 $0x1, v48;
	_ =	sdelay $0x3  }
0xc9: {  	[tilespmem:$0x3950] =	vst v49  }
0xca: {  	v49 =	vld.idx.msk [tilespmem:v57+s2+$0x0], $0xffff  }
0xcb: {  	v48 =	vadd.s32 $0x2, v48;
	_ =	sdelay $0x3  }
0xcc: {  	[tilespmem:$0x3A50] =	vst v49  }
0xcd: {  	v48 =	vld.idx.msk [tilespmem:v48+s2+$0x0], $0xffff;
	_ =	sdelay $0x4  }
0xce: {  	[tilespmem:$0x3B50] =	vst v48  }
0xcf: {  	v48 =	vld.idx.msk [tilespmem:v18+s16+$0x0], $0xffff;
	_ =	sdelay $0x4  }
0xd0: {  	v48 =	vmul.u32 $0x3, v48;
	_ =	sdelay $0x5  }
0xd1: {  	v49 =	vld.idx.msk [tilespmem:v48+s2+$0x0], $0xffff  }
0xd2: {  	v58 =	vadd.s32 $0x1, v48;
	_ =	sdelay $0x3  }
0xd3: {  	[tilespmem:$0x3360] =	vst v49  }
0xd4: {  	v49 =	vld.idx.msk [tilespmem:v58+s2+$0x0], $0xffff  }
0xd5: {  	v48 =	vadd.s32 $0x2, v48;
	_ =	sdelay $0x3  }
0xd6: {  	[tilespmem:$0x3460] =	vst v49  }
0xd7: {  	v48 =	vld.idx.msk [tilespmem:v48+s2+$0x0], $0xffff;
	_ =	sdelay $0x4  }
0xd8: {  	[tilespmem:$0x3560] =	vst v48  }
0xd9: {  	v48 =	vld.idx.msk [tilespmem:v19+s16+$0x0], $0xffff;
	_ =	sdelay $0x4  }
0xda: {  	v48 =	vmul.u32 $0x3, v48;
	_ =	sdelay $0x5  }
0xdb: {  	v49 =	vld.idx.msk [tilespmem:v48+s2+$0x0], $0xffff  }
0xdc: {  	v59 =	vadd.s32 $0x1, v48;
	_ =	sdelay $0x3  }
0xdd: {  	[tilespmem:$0x3660] =	vst v49  }
0xde: {  	v49 =	vld.idx.msk [tilespmem:v59+s2+$0x0], $0xffff  }
0xdf: {  	v48 =	vadd.s32 $0x2, v48;
	_ =	sdelay $0x3  }
0xe0: {  	[tilespmem:$0x3760] =	vst v49  }
0xe1: {  	v48 =	vld.idx.msk [tilespmem:v48+s2+$0x0], $0xffff;
	_ =	sdelay $0x4  }
0xe2: {  	[tilespmem:$0x3860] =	vst v48  }
0xe3: {  	v48 =	vld.idx.msk [tilespmem:v20+s16+$0x0], $0xffff;
	_ =	sdelay $0x4  }
0xe4: {  	v48 =	vmul.u32 $0x3, v48;
	_ =	sdelay $0x5  }
0xe5: {  	v49 =	vld.idx.msk [tilespmem:v48+s2+$0x0], $0xffff  }
0xe6: {  	v60 =	vadd.s32 $0x1, v48;
	_ =	sdelay $0x3  }
0xe7: {  	[tilespmem:$0x3960] =	vst v49  }
0xe8: {  	v49 =	vld.idx.msk [tilespmem:v60+s2+$0x0], $0xffff  }
0xe9: {  	v48 =	vadd.s32 $0x2, v48;
	_ =	sdelay $0x3  }
0xea: {  	[tilespmem:$0x3A60] =	vst v49  }
0xeb: {  	v48 =	vld.idx.msk [tilespmem:v48+s2+$0x0], $0xffff;
	_ =	sdelay $0x4  }
0xec: {  	[tilespmem:$0x3B60] =	vst v48  }
0xed: {  	v48 =	vld.idx.msk [tilespmem:v21+s16+$0x0], $0xffff;
	_ =	sdelay $0x4  }
0xee: {  	v48 =	vmul.u32 $0x3, v48;
	_ =	sdelay $0x5  }
0xef: {  	v49 =	vld.idx.msk [tilespmem:v48+s2+$0x0], $0xffff  }
0xf0: {  	v61 =	vadd.s32 $0x1, v48;
	_ =	sdelay $0x3  }
0xf1: {  	[tilespmem:$0x3370] =	vst v49  }
0xf2: {  	v49 =	vld.idx.msk [tilespmem:v61+s2+$0x0], $0xffff  }
0xf3: {  	v48 =	vadd.s32 $0x2, v48;
	_ =	sdelay $0x3  }
0xf4: {  	[tilespmem:$0x3470] =	vst v49  }
0xf5: {  	v48 =	vld.idx.msk [tilespmem:v48+s2+$0x0], $0xffff;
	_ =	sdelay $0x4  }
0xf6: {  	[tilespmem:$0x3570] =	vst v48  }
0xf7: {  	v48 =	vld.idx.msk [tilespmem:v22+s16+$0x0], $0xffff;
	_ =	sdelay $0x4  }
0xf8: {  	v48 =	vmul.u32 $0x3, v48;
	_ =	sdelay $0x5  }
0xf9: {  	v49 =	vld.idx.msk [tilespmem:v48+s2+$0x0], $0xffff  }
0xfa: {  	v62 =	vadd.s32 $0x1, v48;
	_ =	sdelay $0x3  }
0xfb: {  	[tilespmem:$0x3670] =	vst v49  }
0xfc: {  	v49 =	vld.idx.msk [tilespmem:v62+s2+$0x0], $0xffff  }
0xfd: {  	v48 =	vadd.s32 $0x2, v48;
	_ =	sdelay $0x3  }
0xfe: {  	[tilespmem:$0x3770] =	vst v49  }
0xff: {  	v48 =	vld.idx.msk [tilespmem:v48+s2+$0x0], $0xffff;
	_ =	sdelay $0x4  }
0x100: {  	[tilespmem:$0x3870] =	vst v48  }
0x101: {  	v48 =	vld.idx.msk [tilespmem:v23+s16+$0x0], $0xffff;
	_ =	sdelay $0x4  }
0x102: {  	v48 =	vmul.u32 $0x3, v48;
	_ =	sdelay $0x5  }
0x103: {  	v49 =	vld.idx.msk [tilespmem:v48+s2+$0x0], $0xffff  }
0x104: {  	v63 =	vadd.s32 $0x1, v48;
	_ =	sdelay $0x3  }
0x105: {  	[tilespmem:$0x3970] =	vst v49  }
0x106: {  	v49 =	vld.idx.msk [tilespmem:v63+s2+$0x0], $0xffff  }
0x107: {  	v48 =	vadd.s32 $0x2, v48;
	_ =	sdelay $0x3  }
0x108: {  	[tilespmem:$0x3A70] =	vst v49  }
0x109: {  	v48 =	vld.idx.msk [tilespmem:v48+s2+$0x0], $0xffff;
	_ =	sdelay $0x4  }
0x10a: {  	[tilespmem:$0x3B70] =	vst v48  }
0x10b: {  	v48 =	vld.idx.msk [tilespmem:v24+s16+$0x0], $0xffff;
	_ =	sdelay $0x4  }
0x10c: {  	v48 =	vmul.u32 $0x3, v48;
	_ =	sdelay $0x5  }
0x10d: {  	v49 =	vld.idx.msk [tilespmem:v48+s2+$0x0], $0xffff  }
0x10e: {  	v52 =	vadd.s32 $0x1, v48;
	_ =	sdelay $0x3  }
0x10f: {  	[tilespmem:$0x3380] =	vst v49  }
0x110: {  	v49 =	vld.idx.msk [tilespmem:v52+s2+$0x0], $0xffff  }
0x111: {  	v48 =	vadd.s32 $0x2, v48;
	_ =	sdelay $0x3  }
0x112: {  	[tilespmem:$0x3480] =	vst v49  }
0x113: {  	v48 =	vld.idx.msk [tilespmem:v48+s2+$0x0], $0xffff;
	_ =	sdelay $0x4  }
0x114: {  	[tilespmem:$0x3580] =	vst v48  }
0x115: {  	v48 =	vld.idx.msk [tilespmem:v25+s16+$0x0], $0xffff;
	_ =	sdelay $0x4  }
0x116: {  	v48 =	vmul.u32 $0x3, v48;
	_ =	sdelay $0x5  }
0x117: {  	v49 =	vld.idx.msk [tilespmem:v48+s2+$0x0], $0xffff  }
0x118: {  	v53 =	vadd.s32 $0x1, v48;
	_ =	sdelay $0x3  }
0x119: {  	[tilespmem:$0x3680] =	vst v49  }
0x11a: {  	v49 =	vld.idx.msk [tilespmem:v53+s2+$0x0], $0xffff  }
0x11b: {  	v48 =	vadd.s32 $0x2, v48;
	_ =	sdelay $0x3  }
0x11c: {  	[tilespmem:$0x3780] =	vst v49  }
0x11d: {  	v48 =	vld.idx.msk [tilespmem:v48+s2+$0x0], $0xffff;
	_ =	sdelay $0x4  }
0x11e: {  	[tilespmem:$0x3880] =	vst v48  }
0x11f: {  	v48 =	vld.idx.msk [tilespmem:v26+s16+$0x0], $0xffff;
	_ =	sdelay $0x4  }
0x120: {  	v48 =	vmul.u32 $0x3, v48;
	_ =	sdelay $0x5  }
0x121: {  	v49 =	vld.idx.msk [tilespmem:v48+s2+$0x0], $0xffff  }
0x122: {  	v54 =	vadd.s32 $0x1, v48;
	_ =	sdelay $0x3  }
0x123: {  	[tilespmem:$0x3980] =	vst v49  }
0x124: {  	v49 =	vld.idx.msk [tilespmem:v54+s2+$0x0], $0xffff  }
0x125: {  	v48 =	vadd.s32 $0x2, v48;
	_ =	sdelay $0x3  }
0x126: {  	[tilespmem:$0x3A80] =	vst v49  }
0x127: {  	v48 =	vld.idx.msk [tilespmem:v48+s2+$0x0], $0xffff;
	_ =	sdelay $0x4  }
0x128: {  	[tilespmem:$0x3B80] =	vst v48  }
0x129: {  	v48 =	vld.idx.msk [tilespmem:v27+s16+$0x0], $0xffff;
	_ =	sdelay $0x4  }
0x12a: {  	v48 =	vmul.u32 $0x3, v48;
	_ =	sdelay $0x5  }
0x12b: {  	v49 =	vld.idx.msk [tilespmem:v48+s2+$0x0], $0xffff  }
0x12c: {  	v55 =	vadd.s32 $0x1, v48;
	_ =	sdelay $0x3  }
0x12d: {  	[tilespmem:$0x3390] =	vst v49  }
0x12e: {  	v49 =	vld.idx.msk [tilespmem:v55+s2+$0x0], $0xffff  }
0x12f: {  	v48 =	vadd.s32 $0x2, v48;
	_ =	sdelay $0x3  }
0x130: {  	[tilespmem:$0x3490] =	vst v49  }
0x131: {  	v48 =	vld.idx.msk [tilespmem:v48+s2+$0x0], $0xffff;
	_ =	sdelay $0x4  }
0x132: {  	[tilespmem:$0x3590] =	vst v48  }
0x133: {  	v48 =	vld.idx.msk [tilespmem:v28+s16+$0x0], $0xffff;
	_ =	sdelay $0x4  }
0x134: {  	v48 =	vmul.u32 $0x3, v48;
	_ =	sdelay $0x5  }
0x135: {  	v49 =	vld.idx.msk [tilespmem:v48+s2+$0x0], $0xffff  }
0x136: {  	v56 =	vadd.s32 $0x1, v48;
	_ =	sdelay $0x3  }
0x137: {  	[tilespmem:$0x3690] =	vst v49  }
0x138: {  	v49 =	vld.idx.msk [tilespmem:v56+s2+$0x0], $0xffff  }
0x139: {  	v48 =	vadd.s32 $0x2, v48;
	_ =	sdelay $0x3  }
0x13a: {  	[tilespmem:$0x3790] =	vst v49  }
0x13b: {  	v48 =	vld.idx.msk [tilespmem:v48+s2+$0x0], $0xffff;
	_ =	sdelay $0x4  }
0x13c: {  	[tilespmem:$0x3890] =	vst v48  }
0x13d: {  	v48 =	vld.idx.msk [tilespmem:v29+s16+$0x0], $0xffff;
	_ =	sdelay $0x4  }
0x13e: {  	v48 =	vmul.u32 $0x3, v48;
	_ =	sdelay $0x5  }
0x13f: {  	v49 =	vld.idx.msk [tilespmem:v48+s2+$0x0], $0xffff  }
0x140: {  	v57 =	vadd.s32 $0x1, v48;
	_ =	sdelay $0x3  }
0x141: {  	[tilespmem:$0x3990] =	vst v49  }
0x142: {  	v49 =	vld.idx.msk [tilespmem:v57+s2+$0x0], $0xffff  }
0x143: {  	v48 =	vadd.s32 $0x2, v48;
	_ =	sdelay $0x3  }
0x144: {  	[tilespmem:$0x3A90] =	vst v49  }
0x145: {  	v48 =	vld.idx.msk [tilespmem:v48+s2+$0x0], $0xffff;
	_ =	sdelay $0x4  }
0x146: {  	[tilespmem:$0x3B90] =	vst v48  }
0x147: {  	v48 =	vld.idx.msk [tilespmem:v30+s16+$0x0], $0xffff;
	_ =	sdelay $0x4  }
0x148: {  	v48 =	vmul.u32 $0x3, v48;
	_ =	sdelay $0x5  }
0x149: {  	v49 =	vld.idx.msk [tilespmem:v48+s2+$0x0], $0xffff  }
0x14a: {  	v58 =	vadd.s32 $0x1, v48;
	_ =	sdelay $0x3  }
0x14b: {  	[tilespmem:$0x33A0] =	vst v49  }
0x14c: {  	v49 =	vld.idx.msk [tilespmem:v58+s2+$0x0], $0xffff  }
0x14d: {  	v48 =	vadd.s32 $0x2, v48;
	_ =	sdelay $0x3  }
0x14e: {  	[tilespmem:$0x34A0] =	vst v49  }
0x14f: {  	v48 =	vld.idx.msk [tilespmem:v48+s2+$0x0], $0xffff;
	_ =	sdelay $0x4  }
0x150: {  	[tilespmem:$0x35A0] =	vst v48  }
0x151: {  	v48 =	vld.idx.msk [tilespmem:v31+s16+$0x0], $0xffff;
	_ =	sdelay $0x4  }
0x152: {  	v48 =	vmul.u32 $0x3, v48;
	_ =	sdelay $0x5  }
0x153: {  	v49 =	vld.idx.msk [tilespmem:v48+s2+$0x0], $0xffff  }
0x154: {  	v59 =	vadd.s32 $0x1, v48;
	_ =	sdelay $0x3  }
0x155: {  	[tilespmem:$0x36A0] =	vst v49  }
0x156: {  	v49 =	vld.idx.msk [tilespmem:v59+s2+$0x0], $0xffff  }
0x157: {  	v48 =	vadd.s32 $0x2, v48;
	_ =	sdelay $0x3  }
0x158: {  	[tilespmem:$0x37A0] =	vst v49  }
0x159: {  	v48 =	vld.idx.msk [tilespmem:v48+s2+$0x0], $0xffff;
	_ =	sdelay $0x4  }
0x15a: {  	[tilespmem:$0x38A0] =	vst v48  }
0x15b: {  	v48 =	vld.idx.msk [tilespmem:v32+s16+$0x0], $0xffff;
	_ =	sdelay $0x4  }
0x15c: {  	v48 =	vmul.u32 $0x3, v48;
	_ =	sdelay $0x5  }
0x15d: {  	v49 =	vld.idx.msk [tilespmem:v48+s2+$0x0], $0xffff  }
0x15e: {  	v60 =	vadd.s32 $0x1, v48;
	_ =	sdelay $0x3  }
0x15f: {  	[tilespmem:$0x39A0] =	vst v49  }
0x160: {  	v49 =	vld.idx.msk [tilespmem:v60+s2+$0x0], $0xffff  }
0x161: {  	v48 =	vadd.s32 $0x2, v48;
	_ =	sdelay $0x3  }
0x162: {  	[tilespmem:$0x3AA0] =	vst v49  }
0x163: {  	v48 =	vld.idx.msk [tilespmem:v48+s2+$0x0], $0xffff;
	_ =	sdelay $0x4  }
0x164: {  	[tilespmem:$0x3BA0] =	vst v48  }
0x165: {  	v48 =	vld.idx.msk [tilespmem:v33+s16+$0x0], $0xffff;
	_ =	sdelay $0x4  }
0x166: {  	v48 =	vmul.u32 $0x3, v48;
	_ =	sdelay $0x5  }
0x167: {  	v49 =	vld.idx.msk [tilespmem:v48+s2+$0x0], $0xffff  }
0x168: {  	v61 =	vadd.s32 $0x1, v48;
	_ =	sdelay $0x3  }
0x169: {  	[tilespmem:$0x33B0] =	vst v49  }
0x16a: {  	v49 =	vld.idx.msk [tilespmem:v61+s2+$0x0], $0xffff  }
0x16b: {  	v48 =	vadd.s32 $0x2, v48;
	_ =	sdelay $0x3  }
0x16c: {  	[tilespmem:$0x34B0] =	vst v49  }
0x16d: {  	v48 =	vld.idx.msk [tilespmem:v48+s2+$0x0], $0xffff;
	_ =	sdelay $0x4  }
0x16e: {  	[tilespmem:$0x35B0] =	vst v48  }
0x16f: {  	v48 =	vld.idx.msk [tilespmem:v34+s16+$0x0], $0xffff;
	_ =	sdelay $0x4  }
0x170: {  	v48 =	vmul.u32 $0x3, v48;
	_ =	sdelay $0x5  }
0x171: {  	v49 =	vld.idx.msk [tilespmem:v48+s2+$0x0], $0xffff  }
0x172: {  	v62 =	vadd.s32 $0x1, v48;
	_ =	sdelay $0x3  }
0x173: {  	[tilespmem:$0x36B0] =	vst v49  }
0x174: {  	v49 =	vld.idx.msk [tilespmem:v62+s2+$0x0], $0xffff  }
0x175: {  	v48 =	vadd.s32 $0x2, v48;
	_ =	sdelay $0x3  }
0x176: {  	[tilespmem:$0x37B0] =	vst v49  }
0x177: {  	v48 =	vld.idx.msk [tilespmem:v48+s2+$0x0], $0xffff;
	_ =	sdelay $0x4  }
0x178: {  	[tilespmem:$0x38B0] =	vst v48  }
0x179: {  	v48 =	vld.idx.msk [tilespmem:v35+s16+$0x0], $0xffff;
	_ =	sdelay $0x4  }
0x17a: {  	v48 =	vmul.u32 $0x3, v48;
	_ =	sdelay $0x5  }
0x17b: {  	v49 =	vld.idx.msk [tilespmem:v48+s2+$0x0], $0xffff  }
0x17c: {  	v63 =	vadd.s32 $0x1, v48;
	_ =	sdelay $0x3  }
0x17d: {  	[tilespmem:$0x39B0] =	vst v49  }
0x17e: {  	v49 =	vld.idx.msk [tilespmem:v63+s2+$0x0], $0xffff  }
0x17f: {  	v48 =	vadd.s32 $0x2, v48;
	_ =	sdelay $0x3  }
0x180: {  	[tilespmem:$0x3AB0] =	vst v49  }
0x181: {  	v48 =	vld.idx.msk [tilespmem:v48+s2+$0x0], $0xffff;
	_ =	sdelay $0x4  }
0x182: {  	[tilespmem:$0x3BB0] =	vst v48  }
0x183: {  	v48 =	vld.idx.msk [tilespmem:v36+s16+$0x0], $0xffff;
	_ =	sdelay $0x4  }
0x184: {  	v48 =	vmul.u32 $0x3, v48;
	_ =	sdelay $0x5  }
0x185: {  	v49 =	vld.idx.msk [tilespmem:v48+s2+$0x0], $0xffff  }
0x186: {  	v52 =	vadd.s32 $0x1, v48;
	_ =	sdelay $0x3  }
0x187: {  	[tilespmem:$0x33C0] =	vst v49  }
0x188: {  	v49 =	vld.idx.msk [tilespmem:v52+s2+$0x0], $0xffff  }
0x189: {  	v48 =	vadd.s32 $0x2, v48;
	_ =	sdelay $0x3  }
0x18a: {  	[tilespmem:$0x34C0] =	vst v49  }
0x18b: {  	v48 =	vld.idx.msk [tilespmem:v48+s2+$0x0], $0xffff;
	_ =	sdelay $0x4  }
0x18c: {  	[tilespmem:$0x35C0] =	vst v48  }
0x18d: {  	v48 =	vld.idx.msk [tilespmem:v37+s16+$0x0], $0xffff;
	_ =	sdelay $0x4  }
0x18e: {  	v48 =	vmul.u32 $0x3, v48;
	_ =	sdelay $0x5  }
0x18f: {  	v49 =	vld.idx.msk [tilespmem:v48+s2+$0x0], $0xffff  }
0x190: {  	v53 =	vadd.s32 $0x1, v48;
	_ =	sdelay $0x3  }
0x191: {  	[tilespmem:$0x36C0] =	vst v49  }
0x192: {  	v49 =	vld.idx.msk [tilespmem:v53+s2+$0x0], $0xffff  }
0x193: {  	v48 =	vadd.s32 $0x2, v48;
	_ =	sdelay $0x3  }
0x194: {  	[tilespmem:$0x37C0] =	vst v49  }
0x195: {  	v48 =	vld.idx.msk [tilespmem:v48+s2+$0x0], $0xffff;
	_ =	sdelay $0x4  }
0x196: {  	[tilespmem:$0x38C0] =	vst v48  }
0x197: {  	v48 =	vld.idx.msk [tilespmem:v38+s16+$0x0], $0xffff;
	_ =	sdelay $0x4  }
0x198: {  	v48 =	vmul.u32 $0x3, v48;
	_ =	sdelay $0x5  }
0x199: {  	v49 =	vld.idx.msk [tilespmem:v48+s2+$0x0], $0xffff  }
0x19a: {  	v54 =	vadd.s32 $0x1, v48;
	_ =	sdelay $0x3  }
0x19b: {  	[tilespmem:$0x39C0] =	vst v49  }
0x19c: {  	v49 =	vld.idx.msk [tilespmem:v54+s2+$0x0], $0xffff  }
0x19d: {  	v48 =	vadd.s32 $0x2, v48;
	_ =	sdelay $0x3  }
0x19e: {  	[tilespmem:$0x3AC0] =	vst v49  }
0x19f: {  	v48 =	vld.idx.msk [tilespmem:v48+s2+$0x0], $0xffff;
	_ =	sdelay $0x4  }
0x1a0: {  	[tilespmem:$0x3BC0] =	vst v48  }
0x1a1: {  	v48 =	vld.idx.msk [tilespmem:v39+s16+$0x0], $0xffff;
	_ =	sdelay $0x4  }
0x1a2: {  	v48 =	vmul.u32 $0x3, v48;
	_ =	sdelay $0x5  }
0x1a3: {  	v49 =	vld.idx.msk [tilespmem:v48+s2+$0x0], $0xffff  }
0x1a4: {  	v55 =	vadd.s32 $0x1, v48;
	_ =	sdelay $0x3  }
0x1a5: {  	[tilespmem:$0x33D0] =	vst v49  }
0x1a6: {  	v49 =	vld.idx.msk [tilespmem:v55+s2+$0x0], $0xffff  }
0x1a7: {  	v48 =	vadd.s32 $0x2, v48;
	_ =	sdelay $0x3  }
0x1a8: {  	[tilespmem:$0x34D0] =	vst v49  }
0x1a9: {  	v48 =	vld.idx.msk [tilespmem:v48+s2+$0x0], $0xffff;
	_ =	sdelay $0x4  }
0x1aa: {  	[tilespmem:$0x35D0] =	vst v48  }
0x1ab: {  	v48 =	vld.idx.msk [tilespmem:v40+s16+$0x0], $0xffff;
	_ =	sdelay $0x4  }
0x1ac: {  	v48 =	vmul.u32 $0x3, v48;
	_ =	sdelay $0x5  }
0x1ad: {  	v49 =	vld.idx.msk [tilespmem:v48+s2+$0x0], $0xffff  }
0x1ae: {  	v56 =	vadd.s32 $0x1, v48;
	_ =	sdelay $0x3  }
0x1af: {  	[tilespmem:$0x36D0] =	vst v49  }
0x1b0: {  	v49 =	vld.idx.msk [tilespmem:v56+s2+$0x0], $0xffff  }
0x1b1: {  	v48 =	vadd.s32 $0x2, v48;
	_ =	sdelay $0x3  }
0x1b2: {  	[tilespmem:$0x37D0] =	vst v49  }
0x1b3: {  	v48 =	vld.idx.msk [tilespmem:v48+s2+$0x0], $0xffff;
	_ =	sdelay $0x4  }
0x1b4: {  	[tilespmem:$0x38D0] =	vst v48  }
0x1b5: {  	v48 =	vld.idx.msk [tilespmem:v41+s16+$0x0], $0xffff;
	_ =	sdelay $0x4  }
0x1b6: {  	v48 =	vmul.u32 $0x3, v48;
	_ =	sdelay $0x5  }
0x1b7: {  	v49 =	vld.idx.msk [tilespmem:v48+s2+$0x0], $0xffff  }
0x1b8: {  	v57 =	vadd.s32 $0x1, v48;
	_ =	sdelay $0x3  }
0x1b9: {  	[tilespmem:$0x39D0] =	vst v49  }
0x1ba: {  	v49 =	vld.idx.msk [tilespmem:v57+s2+$0x0], $0xffff  }
0x1bb: {  	v48 =	vadd.s32 $0x2, v48;
	_ =	sdelay $0x3  }
0x1bc: {  	[tilespmem:$0x3AD0] =	vst v49  }
0x1bd: {  	v48 =	vld.idx.msk [tilespmem:v48+s2+$0x0], $0xffff;
	_ =	sdelay $0x4  }
0x1be: {  	[tilespmem:$0x3BD0] =	vst v48  }
0x1bf: {  	v48 =	vld.idx.msk [tilespmem:v42+s16+$0x0], $0xffff;
	_ =	sdelay $0x4  }
0x1c0: {  	v48 =	vmul.u32 $0x3, v48;
	_ =	sdelay $0x5  }
0x1c1: {  	v49 =	vld.idx.msk [tilespmem:v48+s2+$0x0], $0xffff  }
0x1c2: {  	v58 =	vadd.s32 $0x1, v48;
	_ =	sdelay $0x3  }
0x1c3: {  	[tilespmem:$0x33E0] =	vst v49  }
0x1c4: {  	v49 =	vld.idx.msk [tilespmem:v58+s2+$0x0], $0xffff  }
0x1c5: {  	v48 =	vadd.s32 $0x2, v48;
	_ =	sdelay $0x3  }
0x1c6: {  	[tilespmem:$0x34E0] =	vst v49  }
0x1c7: {  	v48 =	vld.idx.msk [tilespmem:v48+s2+$0x0], $0xffff;
	_ =	sdelay $0x4  }
0x1c8: {  	[tilespmem:$0x35E0] =	vst v48  }
0x1c9: {  	v48 =	vld.idx.msk [tilespmem:v43+s16+$0x0], $0xffff;
	_ =	sdelay $0x4  }
0x1ca: {  	v48 =	vmul.u32 $0x3, v48;
	_ =	sdelay $0x5  }
0x1cb: {  	v49 =	vld.idx.msk [tilespmem:v48+s2+$0x0], $0xffff  }
0x1cc: {  	v59 =	vadd.s32 $0x1, v48;
	_ =	sdelay $0x3  }
0x1cd: {  	[tilespmem:$0x36E0] =	vst v49  }
0x1ce: {  	v49 =	vld.idx.msk [tilespmem:v59+s2+$0x0], $0xffff  }
0x1cf: {  	v48 =	vadd.s32 $0x2, v48;
	_ =	sdelay $0x3  }
0x1d0: {  	[tilespmem:$0x37E0] =	vst v49  }
0x1d1: {  	v48 =	vld.idx.msk [tilespmem:v48+s2+$0x0], $0xffff;
	_ =	sdelay $0x4  }
0x1d2: {  	[tilespmem:$0x38E0] =	vst v48  }
0x1d3: {  	v48 =	vld.idx.msk [tilespmem:v44+s16+$0x0], $0xffff;
	_ =	sdelay $0x4  }
0x1d4: {  	v48 =	vmul.u32 $0x3, v48;
	_ =	sdelay $0x5  }
0x1d5: {  	v49 =	vld.idx.msk [tilespmem:v48+s2+$0x0], $0xffff  }
0x1d6: {  	v60 =	vadd.s32 $0x1, v48;
	_ =	sdelay $0x3  }
0x1d7: {  	[tilespmem:$0x39E0] =	vst v49  }
0x1d8: {  	v49 =	vld.idx.msk [tilespmem:v60+s2+$0x0], $0xffff  }
0x1d9: {  	v48 =	vadd.s32 $0x2, v48;
	_ =	sdelay $0x3  }
0x1da: {  	[tilespmem:$0x3AE0] =	vst v49  }
0x1db: {  	v48 =	vld.idx.msk [tilespmem:v48+s2+$0x0], $0xffff;
	_ =	sdelay $0x4  }
0x1dc: {  	[tilespmem:$0x3BE0] =	vst v48  }
0x1dd: {  	v48 =	vld.idx.msk [tilespmem:v45+s16+$0x0], $0xffff;
	_ =	sdelay $0x4  }
0x1de: {  	v48 =	vmul.u32 $0x3, v48;
	_ =	sdelay $0x5  }
0x1df: {  	v49 =	vld.idx.msk [tilespmem:v48+s2+$0x0], $0xffff  }
0x1e0: {  	v61 =	vadd.s32 $0x1, v48;
	_ =	sdelay $0x3  }
0x1e1: {  	[tilespmem:$0x33F0] =	vst v49  }
0x1e2: {  	v49 =	vld.idx.msk [tilespmem:v61+s2+$0x0], $0xffff  }
0x1e3: {  	v48 =	vadd.s32 $0x2, v48;
	_ =	sdelay $0x3  }
0x1e4: {  	[tilespmem:$0x34F0] =	vst v49  }
0x1e5: {  	v48 =	vld.idx.msk [tilespmem:v48+s2+$0x0], $0xffff;
	_ =	sdelay $0x4  }
0x1e6: {  	[tilespmem:$0x35F0] =	vst v48  }
0x1e7: {  	v48 =	vld.idx.msk [tilespmem:v46+s16+$0x0], $0xffff;
	_ =	sdelay $0x4  }
0x1e8: {  	v48 =	vmul.u32 $0x3, v48;
	_ =	sdelay $0x5  }
0x1e9: {  	v49 =	vld.idx.msk [tilespmem:v48+s2+$0x0], $0xffff  }
0x1ea: {  	v62 =	vadd.s32 $0x1, v48;
	_ =	sdelay $0x3  }
0x1eb: {  	[tilespmem:$0x36F0] =	vst v49  }
0x1ec: {  	v49 =	vld.idx.msk [tilespmem:v62+s2+$0x0], $0xffff  }
0x1ed: {  	v48 =	vadd.s32 $0x2, v48;
	_ =	sdelay $0x3  }
0x1ee: {  	[tilespmem:$0x37F0] =	vst v49  }
0x1ef: {  	v48 =	vld.idx.msk [tilespmem:v48+s2+$0x0], $0xffff;
	_ =	sdelay $0x4  }
0x1f0: {  	[tilespmem:$0x38F0] =	vst v48  }
0x1f1: {  	v48 =	vld.idx.msk [tilespmem:v47+s16+$0x0], $0xffff;
	_ =	sdelay $0x4  }
0x1f2: {  	v48 =	vmul.u32 $0x3, v48;
	_ =	sdelay $0x5  }
0x1f3: {  	v49 =	vld.idx.msk [tilespmem:v48+s2+$0x0], $0xffff  }
0x1f4: {  	v63 =	vadd.s32 $0x1, v48;
	_ =	sdelay $0x3  }
0x1f5: {  	[tilespmem:$0x39F0] =	vst v49  }
0x1f6: {  	v49 =	vld.idx.msk [tilespmem:v63+s2+$0x0], $0xffff  }
0x1f7: {  	v48 =	vadd.s32 $0x2, v48;
	_ =	sdelay $0x3  }
0x1f8: {  	[tilespmem:$0x3AF0] =	vst v49  }
0x1f9: {  	v48 =	vld.idx.msk [tilespmem:v48+s2+$0x0], $0xffff;
	_ =	sdelay $0x4  }
0x1fa: {  	[tilespmem:$0x3BF0] =	vst v48  }
0x1fb: {  	[hbm4b:s5+s2] =	stream.linear.scatter [tilespmem:s17], [sflag:$0x1], $0x100, $0x38;
	[tilespmem:$0x3C00] =	vst v63  }
0x1fc: {  	_ =	swait.ge [sflag:s15], $0x100  }
0x1fd: {  	[sflag:s15] =	ssyncset.done $0x0  }
0x1fe: {  	[sflag:s15] =	ssyncadd.s32 $0xFFFFFF00  }
0x1ff: {  	[hbm4b:s6+s2] =	stream.linear.scatter [tilespmem:s18], [sflag:$0x1], $0x100, $0x38;
	[tilespmem:$0x3C00] =	vst v63  }
0x200: {  	_ =	swait.ge [sflag:s15], $0x100  }
0x201: {  	[sflag:s15] =	ssyncset.done $0x0  }
0x202: {  	[sflag:s15] =	ssyncadd.s32 $0xFFFFFF00  }
0x203: {  	[hbm4b:s7+s2] =	stream.linear.scatter [tilespmem:s19], [sflag:$0x1], $0x100, $0x38;
	[tilespmem:$0x3C00] =	vst v63  }
0x204: {  	_ =	swait.ge [sflag:s15], $0x100  }
0x205: {  	[sflag:s15] =	ssyncset.done $0x0  }
0x206: {  	[sflag:s15] =	ssyncadd.s32 $0xFFFFFF00  }
0x207: {  	[hbm4b:s8+s2] =	stream.linear.scatter [tilespmem:s20], [sflag:$0x1], $0x100, $0x38;
	[tilespmem:$0x3C00] =	vst v63  }
0x208: {  	_ =	swait.ge [sflag:s15], $0x100  }
0x209: {  	[sflag:s15] =	ssyncset.done $0x0  }
0x20a: {  	[sflag:s15] =	ssyncadd.s32 $0xFFFFFF00  }
0x20b: {  	[hbm4b:s9+s2] =	stream.linear.scatter [tilespmem:s21], [sflag:$0x1], $0x100, $0x38;
	[tilespmem:$0x3C00] =	vst v63  }
0x20c: {  	_ =	swait.ge [sflag:s15], $0x100  }
0x20d: {  	[sflag:s15] =	ssyncset.done $0x0  }
0x20e: {  	[sflag:s15] =	ssyncadd.s32 $0xFFFFFF00  }
0x20f: {  	[hbm4b:s10+s2] =	stream.linear.scatter [tilespmem:s22], [sflag:$0x1], $0x100, $0x38;
	[tilespmem:$0x3C00] =	vst v63  }
0x210: {  	_ =	swait.ge [sflag:s15], $0x100  }
0x211: {  	[sflag:s15] =	ssyncset.done $0x0  }
0x212: {  	[sflag:s15] =	ssyncadd.s32 $0xFFFFFF00  }
0x213: {  	[hbm4b:s11+s2] =	stream.linear.scatter [tilespmem:s23], [sflag:$0x1], $0x100, $0x38;
	[tilespmem:$0x3C00] =	vst v63  }
0x214: {  	_ =	swait.ge [sflag:s15], $0x100  }
0x215: {  	[sflag:s15] =	ssyncset.done $0x0  }
0x216: {  	[sflag:s15] =	ssyncadd.s32 $0xFFFFFF00  }
0x217: {  	[hbm4b:s12+s2] =	stream.linear.scatter [tilespmem:s24], [sflag:$0x1], $0x100, $0x38;
	[tilespmem:$0x3C00] =	vst v63  }
0x218: {  	_ =	swait.ge [sflag:s15], $0x100  }
0x219: {  	p0 =	sne.s32 s14, $0x1;
	[sflag:s15] =	ssyncset.done $0x0  }
.Ltmp0:
0x21a: {  	[sflag:s15] =	ssyncadd.s32 $0xFFFFFF00;
	(pc) =	sbr.rel @p0 .LBB2_1-.Ltmp0, $4  }
0x21b: {  	[hbm4b:s13+s2] =	stream.linear.scatter [tilespmem:s25], [sflag:$0x1], $0x100, $0x38;
	[tilespmem:$0x3C00] =	vst v63  }
0x21c: {  	_ =	swait.ge [sflag:s15], $0x100  }
0x21d: {  	[sflag:s15] =	ssyncset.done $0x0  }
0x21e: {  	s14 =	sadd.s32 $0xFFFFFFFF, s14;
	[sflag:s15] =	ssyncadd.s32 $0xFFFFFF00  }
0x21f: {  	_ =	sfence.sel $0x180000  }
0x220: {  	[bflag:$0x0] =	sbarrier.arrive $0xFFFF  }
0x221: {  	p0 =	sne.s32 s0, $0x0;
	_ =	strace $0x90000047  }
0x222: {  	s0 =	sadd.s32 @!p0 $0x100000, s1;
	[bflag:$0x2] =	sbarrier.arrive $0xFFFF  }
0x223: {  	[sflag:s0] =	ssyncadd.tile.s32 @!p0 $0x1;
	_ =	shalt  }
.Lfunc_end2:
_tile_overlayer_lowered:
.L_overlay_start_2:
0x224: {  	(tag) =	ssettag $0x2  }
0x225: {  	s0 =	rddreg [dreg:$0x0];
	s2 =	stileid.u32  }
0x226: {  	s1 =	rddreg [dreg:$0x1];
	p0 =	sne.s32 s2, $0x0  }
0x227: {  	s3 =	rddreg [dreg:$0x2];
	[bflag:$0x3] =	sbarrier.arrive $0xFFFF;
	s2 =	simm.s32 @!p0 $0x1C01  }
0x228: {  	[timem:s3], [sflag:s2] =	dma.local @!p0 [hbm:s0], s1  }
0x229: {  	s0 =	simm.s32 @!p0 $0x1  }
0x22a: {  	_ =	swait.ge @!p0 [sflag:s0], s1  }
0x22b: {  	s1 =	ssub.s32 @!p0 $0x0, s1;
	[sflag:s0] =	ssyncset.done @!p0 $0x0  }
0x22c: {  	[sflag:s0] =	ssyncadd.s32 @!p0 s1  }
0x22d: {  	[bflag:$0x3] =	sbarrier.arrive $0xFFFF  }
0x22e: {  	_ =	shalt  }

// kernel: kernel.8.cloned.1.call-start
scs
__scs_entry_jumppad:
0x0: {  	(pc) =	sbr.rel $0x88, $3  }
0x1: {  	(tag) =	ssettag $0x0;
	lr =	simm.s32 $0x1  }
0x2: {  	[smem:$0x3F9E] =	sst lr;
	_ =	strace $0xD0000000  }
0x3: {  	_ = 	snop  }
0x4: {  	_ = 	snop  }
0x5: {  	_ = 	snop  }
0x6: {  	_ = 	snop  }
0x7: {  	_ = 	snop  }
__scs_overlays_trampoline_lowered:
0x8: {  	[smem:$0x3FAD] =	sst s0  }
0x9: {  	[smem:$0x3FAE] =	sst s1  }
0xa: {  	[smem:$0x3FAF] =	sst s2  }
0xb: {  	[smem:$0x3FB0] =	sst s3  }
0xc: {  	[smem:$0x3FB1] =	sst s4  }
0xd: {  	[smem:$0x3FB2] =	sst s5  }
0xe: {  	[smem:$0x3FB3] =	sst s6  }
0xf: {  	[smem:$0x3FB4] =	sst s7  }
0x10: {  	[smem:$0x3FB5] =	sst s8  }
0x11: {  	[smem:$0x3FB6] =	sst s9;
	s0 =	simm.s32 @!p0 $0x0  }
0x12: {  	s1 =	sld [smem:$0x3F9C];
	s0 =	simm.s32 @p0 $0x1  }
0x13: {  	[smem:$0x3FB7] =	sst s0;
	s0 =	simm.s32 @!p1 $0x0  }
0x14: {  	s2 =	sld [smem:$0x3F9B];
	s0 =	simm.s32 @p1 $0x1  }
0x15: {  	[smem:$0x3FB8] =	sst s0;
	s0 =	simm.s32 @!p2 $0x0  }
0x16: {  	s3 =	sld [smem:$0x3FDB];
	s0 =	simm.s32 @p2 $0x1  }
0x17: {  	s4 =	simm.s32 $0x1BF5;
	[smem:$0x3FBA] =	sst s0  }
0x18: {  	s0 =	sld [smem:$0x3F9D];
	_ =	swait.ge [sflag:s4], $0x0  }
0x19: {  	s7 =	sld [smem:$0x3F9E]  }
0x1a: {  	s8 =	sadd.s32 $0xFFFFE003, lr  }
0x1b: {  	s9 =	sadd.s32 $0xFFFFFEF7, lr;
	s5 =	simm.s32 $0xFFFFFFFF;
	p2 =	slt.u32 s8, $0xFFFFF086  }
0x1c: {  	p1 =	slt.u32 s9, $0xF7A;
	s5 =	simm.s32 @!p2 $0x0  }
0x1d: {  	s5 =	simm.s32 @p1 $0x1;
	p0 =	seq.s32 s7, s2  }
0x1e: {  	s7 =	smul.u32 @!p0 $0xF7A, s2;
	p2 =	seq.s32 @!p0 s5, $0x0  }
0x1f: {  	s9 =	smul.u32 $0xF7A, s1;
	s8 =	simm.s32 @!p0 $0x1BF5;
	p2 =	por !p2, p0  }
0x20: {  	[sflag:s8] =	ssyncset.s32 @!p0 $0xFFFFF086;
	s6 =	sadd.s32 @!p0 s3, s7;
	s7 =	simm.s32 @!p0 $0x108  }
0x21: {  	s3 =	sadd.s32 s3, s9;
	s6 =	sadd.s32 @!p0 $0x88, s6;
	s7 =	simm.s32 @p2 $0x1082  }
0x22: {  	[simem:s7], [sflag:s8] =	dma.local @!p0 [hbm:s6], $0xF7A  }
0x23: {  	s9 =	sor.u32 $0xD0000000, s2;
	s6 =	simm.s32 $0x108;
	_ =	swait.ge @!p0 [sflag:s8], $0x0  }
0x24: {  	s3 =	sadd.s32 $0x88, s3;
	s6 =	simm.s32 @!p1 $0x1082;
	[sflag:s4] =	ssyncset.s32 $0xFFFFF086  }
0x25: {  	[simem:s6], [sflag:s4] =	dma.local [hbm:s3], $0xF7A  }
0x26: {  	[smem:$0x3F9E] =	sst s1;
	(tag) =	ssettag s2;
	_ =	strace s9  }
0x27: {  	s1 =	sld [smem:$0x3FAE]  }
0x28: {  	s2 =	sld [smem:$0x3FAF]  }
0x29: {  	s4 =	sld [smem:$0x3FB1]  }
0x2a: {  	p0 =	seq.s32 s5, $0x0;
	s5 =	sld [smem:$0x3FB2]  }
0x2b: {  	s6 =	sld [smem:$0x3FB3]  }
0x2c: {  	s7 =	sld [smem:$0x3FB4]  }
0x2d: {  	s3 =	simm.s32 $0x108;
	s8 =	sld [smem:$0x3FB5]  }
0x2e: {  	s3 =	simm.s32 @!p0 $0x1082;
	s9 =	sld [smem:$0x3FB6]  }
0x2f: {  	lr =	sadd.s32 s0, s3;
	s0 =	sld [smem:$0x3FAD]  }
0x30: {  	s3 =	sld [smem:$0x3FB0]  }
0x31: {  	[smem:$0x3FB9] =	sst s10  }
0x32: {  	s10 =	sld [smem:$0x3FB7];
	_ =	sdelay $0x3  }
0x33: {  	p0 =	seq.s32 s10, $0x1;
	s10 =	sld [smem:$0x3FB9];
	_ =	sdelay $0x3  }
0x34: {  	[smem:$0x3FB9] =	sst s10  }
0x35: {  	s10 =	sld [smem:$0x3FB8];
	_ =	sdelay $0x3  }
0x36: {  	p1 =	seq.s32 s10, $0x1;
	s10 =	sld [smem:$0x3FB9];
	_ =	sdelay $0x3  }
0x37: {  	[smem:$0x3FB9] =	sst s10  }
0x38: {  	s10 =	sld [smem:$0x3FBA]  }
0x39: {  	_ = 	snop;
	(pc) =	sbr.ind lr, $3  }
0x3a: {  	_ = 	snop  }
0x3b: {  	_ = 	snop  }
0x3c: {  	p2 =	seq.s32 s10, $0x1;
	s10 =	sld [smem:$0x3FB9]  }
0x3d: {  	_ =	shalt  }
0x3e: {  	_ =	shalt  }
0x3f: {  	_ =	shalt  }
0x40: {  	_ =	shalt  }
0x41: {  	_ =	shalt  }
0x42: {  	_ =	shalt  }
0x43: {  	_ =	shalt  }
0x44: {  	_ =	shalt  }
0x45: {  	_ =	shalt  }
0x46: {  	_ =	shalt  }
0x47: {  	_ =	shalt  }
0x48: {  	_ =	shalt  }
0x49: {  	_ =	shalt  }
0x4a: {  	_ =	shalt  }
0x4b: {  	_ =	shalt  }
0x4c: {  	_ =	shalt  }
0x4d: {  	_ =	shalt  }
0x4e: {  	_ =	shalt  }
0x4f: {  	_ =	shalt  }
0x50: {  	_ =	shalt  }
0x51: {  	_ =	shalt  }
0x52: {  	_ =	shalt  }
0x53: {  	_ =	shalt  }
0x54: {  	_ =	shalt  }
0x55: {  	_ =	shalt  }
0x56: {  	_ =	shalt  }
0x57: {  	_ =	shalt  }
0x58: {  	_ =	shalt  }
0x59: {  	_ =	shalt  }
0x5a: {  	_ =	shalt  }
0x5b: {  	_ =	shalt  }
0x5c: {  	_ =	shalt  }
0x5d: {  	_ =	shalt  }
0x5e: {  	_ =	shalt  }
0x5f: {  	_ =	shalt  }
0x60: {  	_ =	shalt  }
0x61: {  	_ =	shalt  }
0x62: {  	_ =	shalt  }
0x63: {  	_ =	shalt  }
0x64: {  	_ =	shalt  }
0x65: {  	_ =	shalt  }
0x66: {  	_ =	shalt  }
0x67: {  	_ =	shalt  }
0x68: {  	_ =	shalt  }
0x69: {  	_ =	shalt  }
0x6a: {  	_ =	shalt  }
0x6b: {  	_ =	shalt  }
0x6c: {  	_ =	shalt  }
0x6d: {  	_ =	shalt  }
0x6e: {  	_ =	shalt  }
0x6f: {  	_ =	shalt  }
0x70: {  	_ =	shalt  }
0x71: {  	_ =	shalt  }
0x72: {  	_ =	shalt  }
0x73: {  	_ =	shalt  }
0x74: {  	_ =	shalt  }
0x75: {  	_ =	shalt  }
0x76: {  	_ =	shalt  }
0x77: {  	_ =	shalt  }
0x78: {  	_ =	shalt  }
0x79: {  	_ =	shalt  }
0x7a: {  	_ =	shalt  }
0x7b: {  	_ =	shalt  }
0x7c: {  	_ =	shalt  }
0x7d: {  	_ =	shalt  }
0x7e: {  	_ =	shalt  }
0x7f: {  	_ =	shalt  }
0x80: {  	_ =	shalt  }
0x81: {  	_ =	shalt  }
0x82: {  	_ =	shalt  }
0x83: {  	_ =	shalt  }
0x84: {  	_ =	shalt  }
0x85: {  	_ =	shalt  }
0x86: {  	_ =	shalt  }
0x87: {  	_ =	shalt  }
.Lfunc_end0:
.L_simem_size_0:
called_computation.1_lowered:
.L_overlay_start_0:
0x88: {  	s2 =	sld [smem:$0x3FD9]  }
0x89: {  	s3 =	sld [smem:$0x3FFE];
	_ =	sdelay $0x1  }
0x8a: {  	s1 =	srdreg.scid  }
0x8b: {  	s0 =	sand.u32 $0x1, s1  }
0x8c: {  	s14 =	sshll.u32 s0, $0xA;
	s2 =	sadd.s32 s3, s2  }
0x8d: {  	s2 =	sadd.s32 s2, s14  }
0x8e: {  	[smem:$0x3FC5] =	sst s2  }
0x8f: {  	_ = 	snop  }
0x90: {  	s2 =	sld [smem:$0x3FD0];
	_ =	sdelay $0x2  }
0x91: {  	s15 =	simm.s32 $0xA;
	s4 =	simm.s32 $0x10  }
0x92: {  	[smem:s4], [sflag:s15] =	dma.local [hbm:s2], $0x1  }
0x93: {  	_ =	swait.eq [sflag:s15], $0x1  }
0x94: {  	[sflag:s15] =	ssyncset.done $0x0  }
0x95: {  	[sflag:s15] =	ssyncadd.s32 $0xFFFFFFFF  }
0x96: {  	s16 =	sld [smem:$0x12];
	(tm) =	ssettm $0x1  }
0x97: {  	s17 =	sld [smem:$0x3FFB];
	_ =	sdelay $0x3  }
0x98: {  	_ =	strace s17  }
0x99: {  	s3 =	sld [smem:$0x3FFC];
	_ =	sdelay $0x3  }
0x9a: {  	_ =	strace s3  }
0x9b: {  	s3 =	sld [smem:$0x3FFD];
	_ =	sdelay $0x3  }
0x9c: {  	_ =	strace s3  }
0x9d: {  	_ =	strace $0x8FFFFFFF  }
0x9e: {  	s18 =	sld [smem:$0x3FDB];
	_ =	sdelay $0x1  }
0x9f: {  	s19 =	simm.s32 $_scs_section_size  }
0xa0: {  	s5 =	simm.s32 $_size__tile_overlayer_lowered;
	s6 =	simm.s32 $_tile_overlayer_lowered  }
0xa1: {  	s22 =	simm.s32 $0x1BFF;
	s21 =	sshll.u32 s6, $0x1;
	s3 =	sadd.s32 s19, s18  }
0xa2: {  	s7 =	simm.s32 $0x0;
	s20 =	sshll.u32 s5, $0x1;
	s5 =	sadd.s32 s21, s3  }
0xa3: {  	[timem:s7], [sflag:s22] =	dma.local [hbm:s5], s20  }
0xa4: {  	_ =	swait.ge [sflag:s22], s20  }
0xa5: {  	s4 =	ssub.s32 $0x0, s20;
	[sflag:s22] =	ssyncset.done $0x0  }
0xa6: {  	[sflag:s22] =	ssyncadd.s32 s4;
	_ =	sdelay $0x1  }
0xa7: {  	s23 =	simm.s32 $0x1B8B  }
0xa8: {  	_ =	swait.ge [sflag:s23], $0x1  }
0xa9: {  	[sflag:s23] =	ssyncset.done $0x0  }
0xaa: {  	s25 =	simm.s32 $0x1B8E;
	s24 =	sld [smem:$0x3FFE];
	[sflag:s23] =	ssyncadd.s32 $0xFFFFFFFF  }
0xab: {  	s26 =	simm.s32 $execute0_lowered;
	[smem:$0x3FD2] =	sst s25  }
0xac: {  	s5 =	sshll.u32 s26, $0x1;
	_ =	strace $0x80000049;
	[dreg:$0x1] =	wrdreg $0xFFFFFFFF  }
0xad: {  	s28 =	simm.s32 $_size_execute0_lowered;
	s3 =	sadd.s32 s3, s5;
	[dreg:$0x0] =	wrdreg $0x0  }
0xae: {  	s5 =	sshll.u32 s28, $0x1;
	[dreg:$0x2] =	wrdreg s3  }
0xaf: {  	[dreg:$0x3] =	wrdreg s5  }
0xb0: {  	[dreg:$0x4] =	wrdreg $0xC0  }
0xb1: {  	_ =	task [dreg:s7], $0x5FFFF  }
0xb2: {  	[dreg:$0x1] =	wrdreg $0xFFFFFFFF  }
0xb3: {  	[dreg:$0x0] =	wrdreg $0x60  }
0xb4: {  	[dreg:$0x2] =	wrdreg s24  }
0xb5: {  	[dreg:$0x3] =	wrdreg s16  }
0xb6: {  	[dreg:$0x4] =	wrdreg $0x9  }
0xb7: {  	_ =	task.clear_ibuf [dreg:s7], $0x5FFFF;
	_ =	strace $0x90000049  }
0xb8: {  	s29 =	simm.s32 $0x9;
	_ =	strace $0x8000004B  }
0xb9: {  	_ =	swait.ge [sflag:s29], $0x1  }
0xba: {  	[sflag:s29] =	ssyncadd.s32 $0xFFFFFFFF  }
0xbb: {  	_ =	strace $0x9000004B  }
0xbc: {  	_ =	sfence  }
0xbd: {  	s30 =	sld [smem:$0x0];
	_ =	sdelay $0x2  }
0xbe: {  	s31 =	sshll.u32 s1, $0xD;
	s1 =	sshrl.u32 s1, $0x2  }
0xbf: {  	s3 =	sand.u32 $0x4000, s31;
	s1 =	sadd.s32 s1, s30  }
0xc0: {  	s0 =	sor.u32 s3, s0;
	s1 =	sshll.u32 s1, $0x11  }
0xc1: {  	s0 =	sor.u32 s1, s0  }
0xc2: {  	s0 =	sadd.s32 $0x8F2B, s0  }
0xc3: {  	[sflag:s0] =	ssyncadd.remote.s32 $0x1  }
0xc4: {  	_ =	sfence.sel $0xFFFF  }
0xc5: {  	[dreg:$0x0] =	wrdreg $0xFFFFFFFF;
	(pc) =	sbr.abs _section_cstart, $3  }
0xc6: {  	[dreg:$0x1] =	wrdreg $0xFFFFFFFF  }
0xc7: {  	_ =	task.clear_ibuf [dreg:s7], $0x2FFFF;
	_ =	strace $0x9FFFFFFF  }
0xc8: {  	(tm) =	ssettm $0x7FFFFFFF  }
0xc9: {  	_ =	shalt  }
tec
execute0_lowered:
.L_overlay_start_1:
0x0: {  	(tag) =	ssettag $0x1  }
0x1: {  	s4 =	rddreg [dreg:$0x0]  }
0x2: {  	s1 =	srdreg.scid;
	s0 =	stileid.u32  }
0x3: {  	s5 =	rddreg [dreg:$0x1];
	s2 =	simm.s32 $0x0;
	s10 =	simm.s32 $0x12100  }
0x4: {  	s11 =	simm.s32 $0x12180;
	s3 =	sand.u32 $0x1, s1;
	s6 =	sshll.u32 s0, $0x1  }
0x5: {  	s12 =	simm.s32 $0x0;
	s1 =	rddreg [dreg:$0x2];
	s6 =	sor.u32 s3, s6  }
0x6: {  	[smem:$0x7FF] =	sst s2;
	s8 =	ssub.s32 $0x2, s3;
	s7 =	smul.u32 $0x6, s6  }
0x7: {  	v0 =	vlaneseq.u32;
	_ =	strace $0x8000004A;
	s9 =	sshrl.u32 s8, $0x1;
	s6 =	smul.u32 $0x12, s6  }
0x8: {  	v0 =	vmul.u32 $0x3, v0;
	s3 =	sadd.s32 $0x1C00, s4;
	s8 =	ssub.s32 s8, s9;
	s7 =	sadd.s32 s7, s4  }
0x9: {  	s9 =	simm.s32 $0x12000;
	s4 =	sadd.s32 s5, s6;
	s5 =	sadd.s32 $0xA00, s7  }
0xa: {  	[tilespmem:$0x1FFF0] =	vst v0;
	s6 =	sadd.s32 $0xC00, s7;
	s7 =	smax.u32 s8, $0x1;
	s8 =	simm.s32 $0x1  }
.LBB2_1:
0xb: {  	[tilespmem:s2], [sflag:$0x1] =	stream.linear.gather [hbm4b:s3+s2], $0x12000, $0x38;
	[tilespmem:$0x12200] =	vst v63  }
0xc: {  	_ =	swait.ge [sflag:s8], $0x12000  }
0xd: {  	[sflag:s8] =	ssyncset.done $0x0  }
0xe: {  	[sflag:s8] =	ssyncadd.s32 $0xFFFEE000  }
0xf: {  	[tilespmem:s9], [sflag:$0x1] =	stream.linear.gather [hbm4b:s4+s2], $0x90, $0x38;
	[tilespmem:$0x12200] =	vst v63  }
0x10: {  	_ =	swait.ge [sflag:s8], $0x90  }
0x11: {  	[sflag:s8] =	ssyncset.done $0x0  }
0x12: {  	s13 =	simm.s32 $0x0;
	[sflag:s8] =	ssyncadd.s32 $0xFFFFFF70  }
.LBB2_2:
0x13: {  	v1 =	vld [tilespmem:$0x1FFF0];
	_ =	sdelay $0x2  }
0x14: {  	s14 =	smul.u32 $0x30, s13;
	_ =	sdelay $0x1  }
0x15: {  	v0 =	vadd.s32 s14, v1;
	_ =	sdelay $0x3  }
0x16: {  	s15 =	sor.u32 $0x1, s14  }
0x17: {  	v3 =	vadd.s32 s15, v1;
	v0 =	vld.idx.msk [tilespmem:v0+s9+$0x0], $0xffff;
	_ =	sdelay $0x3  }
0x18: {  	s14 =	sor.u32 $0x2, s14  }
0x19: {  	v6 =	vadd.s32 s14, v1;
	[tilespmem:$0x1FFC0] =	vst v0;
	v0 =	vld.idx.msk [tilespmem:v3+s9+$0x0], $0xffff;
	_ =	sdelay $0x4  }
0x1a: {  	[tilespmem:$0x1FFD0] =	vst v0;
	v0 =	vld.idx.msk [tilespmem:v6+s9+$0x0], $0xffff;
	_ =	sdelay $0x2  }
0x1b: {  	v2 =	vimm.f32 $+Inf;
	v10 =	vimm.s32 $0x0;
	v4 =	vimm.s32 $0x0  }
0x1c: {  	v5 =	vimm.s32 $0x0;
	v7 =	vimm.s32 $0x0;
	v8 =	vimm.f32 $+Inf  }
0x1d: {  	v9 =	vimm.f32 $+Inf;
	s14 =	simm.s32 $0x800;
	v3 =	vimm.s32 $0x0;
	v6 =	vimm.f32 $+Inf;
	[tilespmem:$0x1FFE0] =	vst v0  }
.LBB2_3:
0x1e: {  	_ = 	snop  }
0x1f: {  	v0 =	vand.u32 $0xFFFFFFFC, v10  }
0x20: {  	v13 =	vadd.s32 $0x2000, v0  }
0x21: {  	v14 =	vld.idx.msk [tilespmem:v10+s2+$0x0], $0xffff;
	v16 =	vadd.s32 $0x4000, v0  }
0x22: {  	[tilespmem:$0x1FF90] =	vst v2;
	v2 =	vld [tilespmem:$0x1FFC0];
	v17 =	vadd.s32 $0x6000, v0  }
0x23: {  	v1 =	vld [tilespmem:$0x1FFD0];
	v19 =	vadd.s32 $0x8000, v0  }
0x24: {  	[tilespmem:$0x1FF40] =	vst v6;
	v6 =	vld [tilespmem:$0x1FFE0];
	v20 =	vadd.s32 $0xA000, v0  }
0x25: {  	v58 =	vadd.s32 $0xC000, v0;
	v15 =	vld.idx.msk [tilespmem:v13+s2+$0x0], $0xffff  }
0x26: {  	v21 =	vadd.s32 $0xE000, v0;
	v16 =	vld.idx.msk [tilespmem:v16+s2+$0x0], $0xffff  }
0x27: {  	v0 =	vadd.s32 $0x10000, v0;
	v18 =	vld.idx.msk [tilespmem:v17+s2+$0x0], $0xffff  }
0x28: {  	v19 =	vld.idx.msk [tilespmem:v19+s2+$0x0], $0xffff  }
0x29: {  	v17 =	vld.idx.msk [tilespmem:v20+s2+$0x0], $0xffff  }
0x2a: {  	v24 =	vld.idx.msk [tilespmem:v58+s2+$0x0], $0xffff  }
0x2b: {  	v25 =	vld.idx.msk [tilespmem:v21+s2+$0x0], $0xffff  }
0x2c: {  	v20 =	vld.idx.msk [tilespmem:v0+s2+$0x0], $0xffff  }
0x2d: {  	v0 =	vsub.f32 v2, v14;
	v30 =	vsub.f32 v18, v14  }
0x2e: {  	v32 =	vsub.f32 v19, v15;
	v59 =	vsub.f32 v1, v15  }
0x2f: {  	v34 =	vsub.f32 v17, v16;
	v48 =	vsub.f32 v24, v14  }
0x30: {  	v60 =	vsub.f32 v6, v16;
	v51 =	vsub.f32 v25, v15  }
0x31: {  	v47 =	vsub.f32 v20, v16;
	v27 =	vsub.f32 v2, v18;
	v22 =	vmul.f32 v30, v0  }
0x32: {  	v28 =	vsub.f32 v1, v19;
	v23 =	vmul.f32 v32, v59;
	v61 =	vmul.f32 v34, v60  }
0x33: {  	v62 =	vsub.f32 v6, v17;
	v0 =	vmul.f32 v48, v0;
	v13 =	vmul.f32 v51, v59  }
0x34: {  	v31 =	vsub.f32 v2, v24;
	v21 =	vmul.f32 v47, v60;
	v63 =	vmul.f32 v27, v30  }
0x35: {  	v33 =	vsub.f32 v1, v25;
	v12 =	vmul.f32 v28, v32;
	v29 =	vmul.f32 v62, v34  }
0x36: {  	v37 =	vmul.f32 v51, v28;
	v38 =	vmul.f32 v31, v30;
	v0 =	vadd.f32 v13, v0  }
0x37: {  	v40 =	vsub.f32 v6, v20;
	v39 =	vmul.f32 v33, v32;
	v31 =	vmul.f32 v31, v48  }
0x38: {  	v33 =	vmul.f32 v33, v51;
	v36 =	vadd.f32 v21, v0;
	v0 =	vmul.f32 v48, v27  }
0x39: {  	v41 =	vmul.f32 v47, v62;
	v22 =	vadd.f32 v23, v22;
	v13 =	vadd.f32 v12, v63  }
0x3a: {  	v43 =	vmul.f32 v40, v34;
	v42 =	vadd.f32 v39, v38;
	v0 =	vadd.f32 v37, v0  }
0x3b: {  	v28 =	vmul.f32 v40, v47;
	v44 =	vadd.f32 v33, v31;
	v26 =	vadd.f32 v61, v22  }
0x3c: {  	v37 =	vadd.f32 v29, v13;
	v39 =	vadd.f32 v41, v0  }
0x3d: {  	v41 =	vadd.f32 v43, v42;
	v43 =	vadd.f32 v28, v44  }
0x3e: {  	v13 =	vmul.f32 v36, v37;
	v0 =	vmul.f32 v39, v26  }
0x3f: {  	v45 =	vmul.f32 v36, v41;
	v46 =	vmul.f32 v43, v26  }
0x40: {  	v49 =	vmul.f32 v43, v37;
	v50 =	vmul.f32 v39, v41  }
0x41: {  	v54 =	vsub.f32 v0, v13;
	v38 =	vsub.f32 v45, v46  }
0x42: {  	v28 =	vsub.f32 v49, v50;
	v0 =	vsub.f32 v26, v37  }
0x43: {  	v29 =	vsub.f32 v39, v37;
	v31 =	vsub.f32 v41, v43  }
0x44: {  	v53 =	vsub.f32 v36, v43;
	v52 =	vand.u32 $0x7FFFFFFF, v0;
	v22 =	vadd.f32 v38, v28  }
0x45: {  	v55 =	vadd.f32 v31, v29;
	vm0 =	vlt.f32 v52, $9.999999960e-13  }
0x46: {  	v56 =	vand.u32 $0x7FFFFFFF, v53;
	v0 =	vsel vm0, $0x3F800000, v0;
	v22 =	vadd.f32 v22, v54  }
0x47: {  	vm4 =	vlt.f32 v56, $9.999999960e-13;
	(erf) = vrcp.f32 v0;
	v0 =	vand.u32 $0x7FFFFFFF, v55  }
0x48: {  	v21 =	vsel vm4, $0x3F800000, v53;
	vm5 =	vlt.f32 v0, $9.999999960e-13;
	v0 =	vand.u32 $0x7FFFFFFF, v22  }
0x49: {  	(erf) = vrcp.f32 v21;
	v13 =	vsel vm5, $0x3F800000, v55;
	vm6 =	vlt.f32 v0, $9.999999960e-13  }
0x4a: {  	(erf) = vrcp.f32 v13;
	v0 =	vsel vm6, $0x3F800000, v22  }
0x4b: {  	[tilespmem:$0x1FF50] =	vst v7;
	(erf) = vrcp.f32 v0  }
0x4c: {  	[tilespmem:$0x1FF80] =	vst v3;
	v3 =	vor.u32 $0x1, v10;
	v7 =	vor.u32 $0x2, v10;
	v40 =	vadd.s32 $0x2001, v10  }
0x4d: {  	v63 =	vadd.s32 $0xC001, v10;
	v12 =	vadd.s32 $0xE001, v10;
	vm9 =	vge.f32 v36, $0.0e+00  }
0x4e: {  	v42 =	vadd.s32 $0x4001, v10;
	vm10 =	vle.f32 v43, $0.0e+00;
	v45 =	vadd.s32 $0x6001, v10  }
0x4f: {  	v49 =	vadd.s32 $0x8001, v10;
	vm1 =	vge.f32 v29, $0.0e+00;
	vm2 =	vge.f32 v31, $0.0e+00  }
0x50: {  	v56 =	vsub.f32 v25, v19;
	vm1 =	vmand vm1, vm2;
	vm7 =	vle.f32 v28, $0.0e+00  }
0x51: {  	vm8 =	vle.f32 v38, $0.0e+00;
	vm15 =	vle.f32 v54, $0.0e+00;
	vm4 =	vle.f32 v37, $0.0e+00;
	v0 =	vpop (erf)  }
0x52: {  	v52 =	vadd.s32 $0xA001, v10;
	vm0 =	vmand vm1, vm7;
	vm1 =	vmand vm8, vm10;
	v35 =	vpop (erf)  }
0x53: {  	vm7 =	vle.f32 v41, v43;
	vm8 =	vge.f32 v37, $0.0e+00;
	v55 =	vsub.f32 v24, v18;
	v57 =	vpop (erf)  }
0x54: {  	v0 =	vmul.f32 v0, v26;
	v58 =	vpop (erf);
	v50 =	vmul.f32 v57, v29;
	v57 =	vsub.f32 v20, v17  }
0x55: {  	vm10 =	vle.f32 v26, $0.0e+00;
	v59 =	vmul.f32 v58, v38;
	v61 =	vmul.f32 v58, v54  }
0x56: {  	v11 =	vld.idx.msk [tilespmem:v63+s2+$0x0], $0xffff;
	vm5 =	vge.f32 v26, $0.0e+00;
	v55 =	vmul.f32 v50, v55;
	v58 =	vmul.f32 v50, v57  }
0x57: {  	v28 =	vld.idx.msk [tilespmem:v49+s2+$0x0], $0xffff;
	v13 =	vadd.s32 $0x10001, v10;
	v60 =	vmul.f32 v59, v30;
	v62 =	vmul.f32 v59, v32  }
0x58: {  	v21 =	vld.idx.msk [tilespmem:v3+s2+$0x0], $0xffff;
	vm6 =	vge.f32 v43, $0.0e+00;
	v44 =	vmul.f32 v61, v48;
	v23 =	vmul.f32 v59, v34  }
0x59: {  	v29 =	vld.idx.msk [tilespmem:v52+s2+$0x0], $0xffff;
	v46 =	vmul.f32 v61, v51;
	v59 =	vadd.f32 v55, v18;
	v22 =	vadd.f32 v62, v15  }
0x5a: {  	v55 =	vmul.f32 v35, v36;
	v27 =	vadd.f32 v60, v14;
	v53 =	vadd.f32 v23, v16;
	v23 =	vld.idx.msk [tilespmem:v40+s2+$0x0], $0xffff  }
0x5b: {  	v56 =	vmul.f32 v50, v56;
	v33 =	vmul.f32 v61, v47;
	v46 =	vadd.f32 v22, v46;
	v22 =	vld.idx.msk [tilespmem:v42+s2+$0x0], $0xffff  }
0x5c: {  	v49 =	vadd.f32 v58, v17;
	v47 =	vmul.f32 v55, v47;
	v44 =	vadd.f32 v27, v44;
	v27 =	vld.idx.msk [tilespmem:v45+s2+$0x0], $0xffff  }
0x5d: {  	v54 =	vadd.s32 $0x4002, v10;
	v60 =	vadd.f32 v56, v19;
	v61 =	vadd.f32 v53, v33;
	v33 =	vld.idx.msk [tilespmem:v12+s2+$0x0], $0xffff  }
0x5e: {  	v62 =	vsub.f32 v2, v21;
	v12 =	vld.idx.msk [tilespmem:v13+s2+$0x0], $0xffff;
	v47 =	vadd.f32 v47, v16;
	v56 =	vsel vm0, v59, v44  }
0x5f: {  	v57 =	vsel vm0, v60, v46;
	v59 =	vsel vm0, v49, v61;
	v46 =	vsub.f32 v11, v21  }
0x60: {  	vm0 =	vmand vm1, vm9;
	vm1 =	vmand vm6, vm7;
	v44 =	vsub.f32 v28, v23  }
0x61: {  	vm9 =	vle.f32 v39, v37;
	v42 =	vsub.f32 v1, v23;
	v45 =	vsub.f32 v27, v21  }
0x62: {  	v60 =	vmul.f32 v46, v62;
	v40 =	vsub.f32 v29, v22;
	v49 =	vsub.f32 v6, v22  }
0x63: {  	v58 =	vmul.f32 v44, v42;
	v52 =	vsub.f32 v33, v23;
	v50 =	vsub.f32 v12, v22  }
0x64: {  	v35 =	vmovc v2;
	v61 =	vsub.f32 v2, v27;
	v2 =	vsub.f32 v2, v11;
	v63 =	vmul.f32 v45, v62  }
0x65: {  	[tilespmem:$0x1FFA0] =	vst v3;
	v3 =	vsub.f32 v1, v33;
	v13 =	vmul.f32 v40, v49;
	v42 =	vmul.f32 v52, v42  }
0x66: {  	v62 =	vsub.f32 v1, v28;
	v49 =	vmul.f32 v50, v49;
	v53 =	vadd.f32 v58, v63  }
0x67: {  	v42 =	vadd.f32 v42, v60;
	v58 =	vmul.f32 v61, v45;
	v60 =	vmul.f32 v2, v45  }
0x68: {  	v2 =	vmul.f32 v2, v46;
	v38 =	vadd.f32 v13, v53;
	v13 =	vmul.f32 v62, v44  }
0x69: {  	v53 =	vsub.f32 v6, v29;
	v42 =	vadd.f32 v49, v42;
	v49 =	vmul.f32 v46, v61  }
0x6a: {  	v61 =	vmul.f32 v52, v62;
	v58 =	vadd.f32 v13, v58;
	v13 =	vmul.f32 v3, v44  }
0x6b: {  	[tilespmem:$0x1FF60] =	vst v4;
	v4 =	vsub.f32 v6, v12;
	v63 =	vmul.f32 v53, v40;
	v3 =	vmul.f32 v3, v52  }
0x6c: {  	v49 =	vadd.f32 v61, v49;
	v53 =	vmul.f32 v50, v53;
	v60 =	vadd.f32 v13, v60  }
0x6d: {  	v13 =	vmul.f32 v4, v40;
	v2 =	vadd.f32 v3, v2;
	v3 =	vmul.f32 v4, v50  }
0x6e: {  	v4 =	vmul.f32 v55, v48;
	v48 =	vadd.f32 v63, v58;
	v49 =	vadd.f32 v53, v49  }
0x6f: {  	v58 =	vmul.f32 v55, v51;
	v51 =	vadd.f32 v13, v60;
	v53 =	vadd.f32 v3, v2  }
0x70: {  	v2 =	vmul.f32 v49, v38;
	v3 =	vmul.f32 v42, v48;
	v4 =	vadd.f32 v4, v14  }
0x71: {  	v62 =	vadd.f32 v58, v15;
	v60 =	vmul.f32 v42, v51;
	v13 =	vmul.f32 v53, v38  }
0x72: {  	[tilespmem:$0x1FF70] =	vst v5;
	v63 =	vmul.f32 v53, v48;
	v5 =	vmul.f32 v49, v51;
	v58 =	vsub.f32 v2, v3  }
0x73: {  	v47 =	vsel vm0, v47, v59;
	v61 =	vsub.f32 v42, v53;
	v2 =	vsub.f32 v60, v13  }
0x74: {  	v3 =	vsel vm0, v4, v56;
	v4 =	vsub.f32 v63, v5;
	v5 =	vsub.f32 v38, v48  }
0x75: {  	v55 =	vsub.f32 v49, v48;
	vm3 =	vle.f32 v48, $0.0e+00;
	v56 =	vsub.f32 v51, v53  }
0x76: {  	v31 =	vmovc v1;
	v1 =	vand.u32 $0x7FFFFFFF, v61;
	v13 =	vand.u32 $0x7FFFFFFF, v5;
	v63 =	vadd.f32 v2, v4  }
0x77: {  	vm12 =	vlt.f32 v1, $9.999999960e-13;
	vm11 =	vlt.f32 v13, $9.999999960e-13;
	v13 =	vadd.f32 v56, v55  }
0x78: {  	v5 =	vsel vm11, $0x3F800000, v5;
	v63 =	vadd.f32 v63, v58;
	vm11 =	vle.f32 v36, $0.0e+00  }
0x79: {  	v36 =	vadd.s32 $0xA002, v10;
	(erf) = vrcp.f32 v5;
	v1 =	vand.u32 $0x7FFFFFFF, v13  }
0x7a: {  	v5 =	vsel vm12, $0x3F800000, v61;
	v61 =	vadd.s32 $0xC002, v10;
	vm12 =	vle.f32 v4, $0.0e+00  }
0x7b: {  	vm13 =	vlt.f32 v1, $9.999999960e-13;
	v1 =	vand.u32 $0x7FFFFFFF, v63;
	(erf) = vrcp.f32 v5  }
0x7c: {  	v5 =	vsel vm13, $0x3F800000, v13;
	vm14 =	vlt.f32 v1, $9.999999960e-13;
	v1 =	vsel vm0, v62, v57  }
0x7d: {  	v13 =	vmul.f32 v0, v32;
	vm0 =	vmand vm15, vm4;
	v57 =	vadd.s32 $0x6002, v10  }
0x7e: {  	v32 =	vadd.s32 $0x8002, v10;
	v62 =	vsub.f32 v11, v27;
	vm13 =	vge.f32 v55, $0.0e+00  }
0x7f: {  	vm15 =	vle.f32 v2, $0.0e+00;
	(erf) = vrcp.f32 v5;
	v5 =	vsel vm14, $0x3F800000, v63  }
0x80: {  	vm4 =	vge.f32 v42, $0.0e+00;
	(erf) = vrcp.f32 v5;
	v5 =	vmul.f32 v0, v30  }
0x81: {  	vm0 =	vmand vm0, vm5;
	v0 =	vmul.f32 v0, v34;
	v30 =	vadd.f32 v13, v15  }
0x82: {  	v63 =	vadd.s32 $0xE002, v10;
	vm14 =	vge.f32 v56, $0.0e+00;
	v5 =	vadd.f32 v5, v14  }
0x83: {  	vm5 =	vle.f32 v53, $0.0e+00;
	v0 =	vadd.f32 v0, v16;
	v1 =	vsel vm0, v30, v1  }
0x84: {  	v13 =	vsub.f32 v33, v28;
	v1 =	vsel vm1, v25, v1;
	v3 =	vsel vm0, v5, v3  }
0x85: {  	v0 =	vsel vm0, v0, v47;
	vm0 =	vmand vm8, vm9;
	v47 =	vadd.s32 $0x2002, v10  }
0x86: {  	v3 =	vsel vm1, v24, v3;
	v0 =	vsel vm1, v20, v0;
	v1 =	vsel vm0, v19, v1  }
0x87: {  	vm1 =	vmand vm10, vm11;
	vm10 =	vle.f32 v58, $0.0e+00;
	vm11 =	vge.f32 v38, $0.0e+00;
	v5 =	vpop (erf)  }
0x88: {  	v25 =	vld.idx.msk [tilespmem:v32+s2+$0x0], $0xffff;
	v3 =	vsel vm0, v18, v3;
	v0 =	vsel vm0, v17, v0;
	v20 =	vsel vm1, v15, v1;
	v37 =	vpop (erf)  }
0x89: {  	v32 =	vld.idx.msk [tilespmem:v63+s2+$0x0], $0xffff;
	v15 =	vsub.f32 v12, v29;
	v19 =	vsel vm1, v14, v3;
	v0 =	vsel vm1, v16, v0;
	v39 =	vpop (erf)  }
0x8a: {  	v14 =	vadd.s32 $0x10002, v10;
	vm1 =	vmand vm13, vm14;
	vm13 =	vle.f32 v51, v53;
	v41 =	vpop (erf)  }
0x8b: {  	v26 =	vld.idx.msk [tilespmem:v36+s2+$0x0], $0xffff;
	vm14 =	vge.f32 v48, $0.0e+00;
	[tilespmem:$0x1FEF0] =	vst v0;
	v0 =	vmul.f32 v5, v38;
	v3 =	vmul.f32 v41, v2  }
0x8c: {  	v17 =	vld.idx.msk [tilespmem:v54+s2+$0x0], $0xffff;
	v5 =	vmul.f32 v37, v42;
	vm0 =	vmand vm1, vm12;
	v30 =	vmul.f32 v39, v55  }
0x8d: {  	vm1 =	vmand vm10, vm3;
	v1 =	vmul.f32 v41, v58;
	v43 =	vmul.f32 v3, v45  }
0x8e: {  	[tilespmem:$0x1FF30] =	vst v8;
	v8 =	vsub.f32 v31, v32;
	v4 =	vmul.f32 v30, v62;
	v59 =	vmul.f32 v3, v44  }
0x8f: {  	v24 =	vld.idx.msk [tilespmem:v57+s2+$0x0], $0xffff;
	v56 =	vmul.f32 v30, v13;
	v18 =	vmul.f32 v1, v46;
	v16 =	vadd.f32 v43, v21  }
0x90: {  	v3 =	vmul.f32 v3, v40;
	v37 =	vadd.f32 v59, v23;
	v59 =	vmul.f32 v30, v15;
	v30 =	vld.idx.msk [tilespmem:v61+s2+$0x0], $0xffff  }
0x91: {  	v41 =	vsub.f32 v26, v17;
	v60 =	vmul.f32 v1, v52;
	v34 =	vadd.f32 v16, v18;
	v18 =	vld.idx.msk [tilespmem:v7+s2+$0x0], $0xffff  }
0x92: {  	v2 =	vsub.f32 v6, v17;
	v1 =	vmul.f32 v1, v50;
	v3 =	vadd.f32 v3, v22;
	v16 =	vld.idx.msk [tilespmem:v47+s2+$0x0], $0xffff  }
0x93: {  	vm12 =	vge.f32 v53, $0.0e+00;
	v4 =	vadd.f32 v4, v27;
	v37 =	vadd.f32 v37, v60  }
0x94: {  	v44 =	vmul.f32 v0, v44;
	v60 =	vadd.f32 v56, v28;
	v1 =	vadd.f32 v3, v1  }
0x95: {  	v47 =	vsub.f32 v6, v26;
	v3 =	vsel vm0, v4, v34;
	v4 =	vadd.f32 v59, v29  }
0x96: {  	vm1 =	vmand vm1, vm11;
	v15 =	vmovc v6;
	v34 =	vld.idx.msk [tilespmem:v14+s2+$0x0], $0xffff;
	v59 =	vsub.f32 v35, v24;
	v6 =	vsub.f32 v35, v30  }
0x97: {  	v13 =	vmul.f32 v41, v2;
	v43 =	vsub.f32 v24, v18;
	v39 =	vsub.f32 v25, v16  }
0x98: {  	v1 =	vsel vm0, v4, v1;
	v4 =	vsub.f32 v35, v18;
	v61 =	vsub.f32 v31, v16  }
0x99: {  	v60 =	vsel vm0, v60, v37;
	v57 =	vsub.f32 v30, v18;
	v56 =	vsub.f32 v32, v16  }
0x9a: {  	vm0 =	vmand vm15, vm5;
	v62 =	vmul.f32 v43, v4;
	v63 =	vmul.f32 v39, v61  }
0x9b: {  	v55 =	vsub.f32 v34, v17;
	v4 =	vmul.f32 v57, v4;
	v14 =	vmul.f32 v56, v61  }
0x9c: {  	vm15 =	vle.f32 v49, v48;
	v61 =	vsub.f32 v31, v25;
	v37 =	vadd.f32 v63, v62  }
0x9d: {  	vm0 =	vmand vm0, vm4;
	v2 =	vmul.f32 v55, v2;
	v4 =	vadd.f32 v14, v4  }
0x9e: {  	v14 =	vmul.f32 v61, v39;
	v36 =	vadd.f32 v13, v37;
	v13 =	vmul.f32 v59, v43  }
0x9f: {  	v37 =	vadd.f32 v2, v4;
	v2 =	vmul.f32 v57, v59;
	v4 =	vmul.f32 v56, v61  }
0xa0: {  	v59 =	vmul.f32 v6, v43;
	v6 =	vmul.f32 v6, v57;
	v54 =	vadd.f32 v14, v13  }
0xa1: {  	v13 =	vmul.f32 v8, v39;
	v14 =	vsub.f32 v15, v34;
	v8 =	vmul.f32 v8, v56  }
0xa2: {  	v63 =	vmul.f32 v47, v41;
	v2 =	vadd.f32 v4, v2;
	v4 =	vmul.f32 v55, v47  }
0xa3: {  	v59 =	vadd.f32 v13, v59;
	v13 =	vmul.f32 v14, v41;
	v6 =	vadd.f32 v8, v6  }
0xa4: {  	v8 =	vmul.f32 v14, v55;
	v14 =	vmul.f32 v5, v46;
	v47 =	vadd.f32 v4, v2  }
0xa5: {  	v46 =	vadd.f32 v63, v54;
	v2 =	vmul.f32 v5, v52;
	v5 =	vmul.f32 v5, v50  }
0xa6: {  	v52 =	vadd.f32 v13, v59;
	v54 =	vadd.f32 v8, v6;
	v4 =	vmul.f32 v47, v36  }
0xa7: {  	v6 =	vmul.f32 v37, v46;
	v8 =	vadd.f32 v14, v21;
	v2 =	vadd.f32 v2, v23  }
0xa8: {  	v5 =	vadd.f32 v5, v22;
	v61 =	vmul.f32 v37, v52;
	v13 =	vmul.f32 v54, v36  }
0xa9: {  	[tilespmem:$0x1FF20] =	vst v9;
	v63 =	vmul.f32 v54, v46;
	v9 =	vmul.f32 v47, v52;
	v59 =	vsub.f32 v4, v6  }
0xaa: {  	v3 =	vsel vm0, v8, v3;
	v8 =	vsub.f32 v47, v46;
	v2 =	vsel vm0, v2, v60  }
0xab: {  	v1 =	vsel vm0, v5, v1;
	v4 =	vsub.f32 v61, v13;
	v6 =	vsub.f32 v63, v9  }
0xac: {  	vm0 =	vmand vm12, vm13;
	v9 =	vsub.f32 v36, v46;
	v61 =	vsub.f32 v52, v54  }
0xad: {  	v60 =	vadd.s32 $0x8003, v10;
	vm13 =	vge.f32 v37, $0.0e+00;
	v63 =	vsub.f32 v37, v54  }
0xae: {  	[tilespmem:$0x1FFB0] =	vst v7;
	v14 =	vand.u32 $0x7FFFFFFF, v9;
	v7 =	vadd.f32 v4, v6;
	v13 =	vadd.f32 v61, v8  }
0xaf: {  	vm10 =	vge.f32 v61, $0.0e+00;
	vm11 =	vle.f32 v6, $0.0e+00;
	v6 =	vsub.f32 v34, v26  }
0xb0: {  	vm12 =	vle.f32 v4, $0.0e+00;
	vm6 =	vlt.f32 v14, $9.999999960e-13;
	v14 =	vand.u32 $0x7FFFFFFF, v63  }
0xb1: {  	v9 =	vsel vm6, $0x3F800000, v9;
	v7 =	vadd.f32 v7, v59;
	vm7 =	vlt.f32 v14, $9.999999960e-13  }
0xb2: {  	vm6 =	vmand vm14, vm15;
	(erf) = vrcp.f32 v9;
	v9 =	vand.u32 $0x7FFFFFFF, v13  }
0xb3: {  	v62 =	vsel vm7, $0x3F800000, v63;
	vm8 =	vlt.f32 v9, $9.999999960e-13;
	v9 =	vand.u32 $0x7FFFFFFF, v7  }
0xb4: {  	(erf) = vrcp.f32 v62;
	v50 =	vsel vm8, $0x3F800000, v13;
	vm9 =	vlt.f32 v9, $9.999999960e-13  }
0xb5: {  	v9 =	vmul.f32 v0, v45;
	(erf) = vrcp.f32 v50;
	v7 =	vsel vm9, $0x3F800000, v7  }
0xb6: {  	vm14 =	vle.f32 v54, $0.0e+00;
	v0 =	vmul.f32 v0, v40;
	(erf) = vrcp.f32 v7  }
0xb7: {  	vm7 =	vle.f32 v38, $0.0e+00;
	v63 =	vadd.s32 $0x4003, v10;
	v7 =	vadd.f32 v9, v21  }
0xb8: {  	vm8 =	vle.f32 v42, $0.0e+00;
	v9 =	vadd.f32 v44, v23;
	v5 =	vadd.f32 v0, v22  }
0xb9: {  	v40 =	vadd.s32 $0xA003, v10;
	vm9 =	vge.f32 v8, $0.0e+00;
	v3 =	vsel vm1, v7, v3  }
0xba: {  	v2 =	vsel vm1, v9, v2;
	v1 =	vsel vm1, v5, v1;
	vm1 =	vmand vm12, vm14  }
0xbb: {  	vm12 =	vle.f32 v47, v46;
	v3 =	vsel vm0, v11, v3;
	v2 =	vsel vm0, v33, v2  }
0xbc: {  	v1 =	vsel vm0, v12, v1;
	vm0 =	vmand vm7, vm8;
	v3 =	vsel vm6, v27, v3;
	v14 =	vpop (erf)  }
0xbd: {  	v2 =	vsel vm6, v28, v2;
	v1 =	vsel vm6, v29, v1;
	v29 =	vld.idx.msk [tilespmem:v60+s2+$0x0], $0xffff;
	v60 =	vadd.s32 $0x10003, v10;
	v5 =	vpop (erf)  }
0xbe: {  	v0 =	vsel vm0, v21, v3;
	v21 =	vor.u32 $0x3, v10;
	v38 =	vsel vm0, v22, v1;
	v7 =	vpop (erf)  }
0xbf: {  	[tilespmem:$0x1FF00] =	vst v0;
	v0 =	vsel vm0, v23, v2;
	v1 =	vmul.f32 v5, v37;
	v5 =	vadd.s32 $0x6003, v10;
	v9 =	vpop (erf)  }
0xc0: {  	v53 =	vmul.f32 v9, v4;
	v2 =	vmul.f32 v9, v59;
	v9 =	vadd.s32 $0x2003, v10  }
0xc1: {  	vm14 =	vle.f32 v36, $0.0e+00;
	vm1 =	vmand vm1, vm13;
	vm7 =	vle.f32 v59, $0.0e+00  }
0xc2: {  	vm8 =	vle.f32 v46, $0.0e+00;
	v7 =	vmul.f32 v7, v8;
	v42 =	vld.idx.msk [tilespmem:v60+s2+$0x0], $0xffff;
	v3 =	vmul.f32 v53, v43  }
0xc3: {  	vm13 =	vge.f32 v46, $0.0e+00;
	v22 =	vld.idx.msk [tilespmem:v21+s2+$0x0], $0xffff;
	v58 =	vmul.f32 v2, v57;
	v62 =	vmul.f32 v53, v39  }
0xc4: {  	v27 =	vmul.f32 v53, v41;
	v13 =	vmul.f32 v2, v56;
	v28 =	vld.idx.msk [tilespmem:v5+s2+$0x0], $0xffff;
	v5 =	vadd.s32 $0xE003, v10  }
0xc5: {  	v53 =	vsub.f32 v30, v24;
	v3 =	vadd.f32 v3, v18;
	v23 =	vld.idx.msk [tilespmem:v9+s2+$0x0], $0xffff;
	v9 =	vadd.s32 $0xC003, v10  }
0xc6: {  	v2 =	vmul.f32 v2, v55;
	v12 =	vadd.f32 v62, v16;
	v27 =	vadd.f32 v27, v17  }
0xc7: {  	v33 =	vld.idx.msk [tilespmem:v40+s2+$0x0], $0xffff;
	vm0 =	vmand vm9, vm10;
	v3 =	vadd.f32 v3, v58;
	v58 =	vsub.f32 v32, v25  }
0xc8: {  	vm9 =	vge.f32 v36, $0.0e+00;
	v8 =	vmul.f32 v7, v53;
	v2 =	vadd.f32 v27, v2;
	v27 =	vld.idx.msk [tilespmem:v63+s2+$0x0], $0xffff  }
0xc9: {  	v11 =	vsub.f32 v15, v42;
	v62 =	vadd.f32 v12, v13;
	v44 =	vld.idx.msk [tilespmem:v5+s2+$0x0], $0xffff;
	v63 =	vmul.f32 v7, v58  }
0xca: {  	vm10 =	vge.f32 v54, $0.0e+00;
	v8 =	vadd.f32 v8, v24;
	v45 =	vsub.f32 v28, v22;
	v40 =	vld.idx.msk [tilespmem:v9+s2+$0x0], $0xffff  }
0xcb: {  	v5 =	vmul.f32 v7, v6;
	v6 =	vsub.f32 v35, v22;
	v9 =	vadd.f32 v63, v25  }
0xcc: {  	vm0 =	vmand vm0, vm11;
	v48 =	vsub.f32 v29, v23;
	v7 =	vsub.f32 v31, v23  }
0xcd: {  	v5 =	vadd.f32 v5, v26;
	v12 =	vmul.f32 v45, v6;
	v50 =	vsub.f32 v33, v27  }
0xce: {  	v13 =	vsel vm0, v9, v62;
	v9 =	vsub.f32 v15, v27;
	v58 =	vmul.f32 v48, v7  }
0xcf: {  	vm11 =	vle.f32 v52, v54;
	v61 =	vsub.f32 v44, v23;
	v63 =	vsub.f32 v40, v22  }
0xd0: {  	v53 =	vsub.f32 v42, v27;
	v4 =	vadd.f32 v58, v12;
	v62 =	vmul.f32 v50, v9  }
0xd1: {  	v7 =	vmul.f32 v61, v7;
	v58 =	vsub.f32 v35, v28;
	v6 =	vmul.f32 v63, v6  }
0xd2: {  	v3 =	vsel vm0, v8, v3;
	v49 =	vadd.f32 v62, v4;
	v4 =	vsub.f32 v31, v29  }
0xd3: {  	[tilespmem:$0x1FF10] =	vst v0;
	v0 =	vsub.f32 v31, v44;
	v6 =	vadd.f32 v7, v6;
	v7 =	vmul.f32 v53, v9  }
0xd4: {  	v62 =	vsub.f32 v35, v40;
	v12 =	vmul.f32 v4, v48;
	v9 =	vmul.f32 v58, v45  }
0xd5: {  	v2 =	vsel vm0, v5, v2;
	v60 =	vmul.f32 v11, v50;
	v51 =	vadd.f32 v7, v6  }
0xd6: {  	v7 =	vadd.f32 v12, v9;
	v9 =	vmul.f32 v62, v45;
	v12 =	vmul.f32 v0, v48  }
0xd7: {  	vm0 =	vmand vm7, vm8;
	v62 =	vmul.f32 v62, v63;
	v0 =	vmul.f32 v0, v61  }
0xd8: {  	v4 =	vmul.f32 v61, v4;
	v58 =	vmul.f32 v63, v58;
	v6 =	vsub.f32 v15, v33  }
0xd9: {  	v11 =	vmul.f32 v11, v53;
	v9 =	vadd.f32 v12, v9;
	v0 =	vadd.f32 v0, v62  }
0xda: {  	v4 =	vadd.f32 v4, v58;
	v12 =	vmul.f32 v6, v50;
	v6 =	vmul.f32 v53, v6  }
0xdb: {  	v58 =	vmul.f32 v1, v57;
	v60 =	vadd.f32 v60, v9;
	v62 =	vadd.f32 v11, v0  }
0xdc: {  	vm0 =	vmand vm0, vm9;
	v57 =	vadd.f32 v12, v7;
	v8 =	vadd.f32 v6, v4  }
0xdd: {  	v4 =	vadd.f32 v58, v18;
	v6 =	vmul.f32 v51, v60;
	v7 =	vmul.f32 v62, v49  }
0xde: {  	vm9 =	vge.f32 v51, $0.0e+00;
	v9 =	vmul.f32 v62, v57;
	v11 =	vmul.f32 v8, v60  }
0xdf: {  	v3 =	vsel vm1, v4, v3;
	v4 =	vmul.f32 v1, v56;
	v12 =	vsub.f32 v51, v62  }
0xe0: {  	v1 =	vmul.f32 v1, v55;
	v55 =	vsub.f32 v8, v57;
	v56 =	vsub.f32 v60, v62  }
0xe1: {  	v5 =	vmul.f32 v8, v49;
	v6 =	vsub.f32 v6, v7;
	v7 =	vsub.f32 v9, v11  }
0xe2: {  	v9 =	vmul.f32 v51, v57;
	v11 =	vsub.f32 v49, v57;
	v0 =	vadd.f32 v56, v55  }
0xe3: {  	vm8 =	vle.f32 v62, $0.0e+00;
	v4 =	vadd.f32 v4, v16;
	v1 =	vadd.f32 v1, v17  }
0xe4: {  	v5 =	vsub.f32 v5, v9;
	v9 =	vand.u32 $0x7FFFFFFF, v11;
	v58 =	vadd.f32 v6, v7  }
0xe5: {  	v4 =	vsel vm1, v4, v13;
	v1 =	vsel vm1, v1, v2;
	vm1 =	vmand vm10, vm11  }
0xe6: {  	vm7 =	vle.f32 v6, $0.0e+00;
	vm15 =	vlt.f32 v9, $9.999999960e-13;
	v9 =	vand.u32 $0x7FFFFFFF, v12  }
0xe7: {  	vm11 =	vle.f32 v57, $0.0e+00;
	vm4 =	vlt.f32 v9, $9.999999960e-13;
	v9 =	vsel vm15, $0x3F800000, v11  }
0xe8: {  	v11 =	vadd.f32 v58, v5;
	v58 =	vand.u32 $0x7FFFFFFF, v0;
	vm15 =	vle.f32 v37, $0.0e+00  }
0xe9: {  	vm10 =	vle.f32 v5, $0.0e+00;
	(erf) = vrcp.f32 v9;
	v9 =	vsel vm4, $0x3F800000, v12  }
0xea: {  	vm5 =	vlt.f32 v58, $9.999999960e-13;
	(erf) = vrcp.f32 v9;
	v9 =	vand.u32 $0x7FFFFFFF, v11  }
0xeb: {  	v0 =	vsel vm5, $0x3F800000, v0;
	vm6 =	vlt.f32 v9, $9.999999960e-13;
	v9 =	vmul.f32 v14, v36  }
0xec: {  	v58 =	vsub.f32 v31, v20;
	(erf) = vrcp.f32 v0;
	v0 =	vsel vm6, $0x3F800000, v11  }
0xed: {  	vm4 =	vle.f32 v7, $0.0e+00;
	(erf) = vrcp.f32 v0;
	v0 =	vmul.f32 v9, v43  }
0xee: {  	v7 =	vsub.f32 v40, v28;
	vm5 =	vge.f32 v55, $0.0e+00;
	v11 =	vmul.f32 v9, v39  }
0xef: {  	v9 =	vmul.f32 v9, v41;
	v41 =	vsub.f32 v44, v29;
	v0 =	vadd.f32 v0, v18  }
0xf0: {  	vm6 =	vge.f32 v56, $0.0e+00;
	v2 =	vadd.f32 v11, v16;
	v11 =	vsub.f32 v35, v19  }
0xf1: {  	v43 =	vsub.f32 v42, v33;
	v0 =	vsel vm0, v0, v3;
	v3 =	vadd.f32 v9, v17  }
0xf2: {  	v2 =	vsel vm0, v2, v4;
	v4 =	vmul.f32 v11, v11;
	v11 =	vmul.f32 v58, v58  }
0xf3: {  	v0 =	vsel vm1, v30, v0;
	v2 =	vsel vm1, v32, v2;
	v1 =	vsel vm0, v3, v1  }
0xf4: {  	v9 =	vpop (erf);
	v4 =	vadd.f32 v11, v4;
	vm0 =	vmand vm13, vm12;
	vm12 =	vge.f32 v49, $0.0e+00  }
0xf5: {  	v59 =	vpop (erf);
	vm13 =	vge.f32 v62, $0.0e+00;
	v1 =	vsel vm1, v34, v1;
	v0 =	vsel vm0, v24, v0  }
0xf6: {  	v2 =	vsel vm0, v25, v2;
	v13 =	vmul.f32 v59, v51;
	vm1 =	vmand vm5, vm6  }
0xf7: {  	v1 =	vsel vm0, v26, v1;
	vm0 =	vmand vm14, vm15;
	vm14 =	vle.f32 v60, v62  }
0xf8: {  	v3 =	vpop (erf);
	v0 =	vsel vm0, v18, v0;
	v2 =	vsel vm0, v16, v2;
	v1 =	vsel vm0, v17, v1  }
0xf9: {  	v3 =	vmul.f32 v3, v55;
	vm0 =	vmand vm1, vm4;
	v46 =	vmul.f32 v13, v63  }
0xfa: {  	v30 =	vpop (erf);
	v47 =	vmul.f32 v13, v61;
	vm1 =	vmand vm7, vm8;
	vm15 =	vmand vm13, vm14  }
0xfb: {  	vm8 =	vge.f32 v57, $0.0e+00;
	vm4 =	vle.f32 v51, $0.0e+00;
	v11 =	vmul.f32 v30, v6  }
0xfc: {  	v59 =	vld [tilespmem:$0x1FF10];
	v12 =	vmul.f32 v30, v5;
	vm1 =	vmand vm1, vm9;
	v5 =	vmul.f32 v9, v49  }
0xfd: {  	v9 =	vmul.f32 v13, v53;
	vm9 =	vle.f32 v8, v57;
	v0 =	vsub.f32 v35, v0  }
0xfe: {  	v54 =	vmovc v15;
	v2 =	vsub.f32 v31, v2;
	v7 =	vmul.f32 v3, v7;
	v32 =	vmul.f32 v11, v45  }
0xff: {  	v1 =	vsub.f32 v54, v1;
	v34 =	vmul.f32 v11, v48;
	v11 =	vmul.f32 v11, v50  }
0x100: {  	v52 =	vadd.f32 v47, v23;
	v36 =	vmul.f32 v12, v63;
	v37 =	vmul.f32 v12, v61  }
0x101: {  	v12 =	vmul.f32 v12, v53;
	v56 =	vmul.f32 v5, v45;
	v61 =	vsub.f32 v31, v59  }
0x102: {  	v58 =	vmul.f32 v5, v48;
	v63 =	vsub.f32 v54, v38;
	v9 =	vadd.f32 v9, v27  }
0x103: {  	v5 =	vmul.f32 v5, v50;
	v6 =	vadd.f32 v7, v28;
	v11 =	vadd.f32 v11, v27  }
0x104: {  	v0 =	vmul.f32 v0, v0;
	v14 =	vadd.f32 v32, v22;
	v19 =	vadd.f32 v34, v23  }
0x105: {  	v13 =	vadd.f32 v56, v22;
	v11 =	vadd.f32 v11, v12;
	v12 =	vmul.f32 v3, v41  }
0x106: {  	v55 =	vld [tilespmem:$0x1FF00];
	v5 =	vadd.f32 v5, v27;
	v14 =	vadd.f32 v14, v36;
	v3 =	vmul.f32 v3, v43  }
0x107: {  	v2 =	vmul.f32 v2, v2;
	v39 =	vadd.f32 v19, v37;
	v7 =	vadd.f32 v12, v29  }
0x108: {  	v16 =	vmul.f32 v61, v61;
	v3 =	vadd.f32 v3, v33;
	v12 =	vadd.f32 v46, v22  }
0x109: {  	v8 =	vmul.f32 v63, v63;
	v6 =	vsel vm0, v6, v14;
	v14 =	vadd.f32 v58, v23  }
0x10a: {  	v7 =	vsel vm0, v7, v39;
	v3 =	vsel vm0, v3, v11;
	v6 =	vsel vm1, v12, v6  }
0x10b: {  	vm0 =	vmand vm10, vm11;
	v12 =	vsub.f32 v35, v55;
	vm10 =	vle.f32 v49, $0.0e+00  }
0x10c: {  	v11 =	vld [tilespmem:$0x1FEF0];
	v7 =	vsel vm1, v52, v7;
	vm0 =	vmand vm0, vm12;
	v3 =	vsel vm1, v9, v3  }
0x10d: {  	vm1 =	vmand vm8, vm9;
	vm11 =	vmand vm10, vm4;
	v12 =	vmul.f32 v12, v12  }
0x10e: {  	v6 =	vsel vm0, v13, v6;
	v7 =	vsel vm0, v14, v7;
	v3 =	vsel vm0, v5, v3  }
0x10f: {  	v6 =	vsel vm15, v40, v6;
	v7 =	vsel vm15, v44, v7;
	v3 =	vsel vm15, v42, v3  }
0x110: {  	v5 =	vadd.f32 v16, v12;
	v6 =	vsel vm1, v28, v6;
	v7 =	vsel vm1, v29, v7  }
0x111: {  	v11 =	vsub.f32 v15, v11;
	v6 =	vsel vm11, v22, v6;
	v7 =	vsel vm11, v23, v7  }
0x112: {  	v9 =	vld [tilespmem:$0x1FF20];
	v3 =	vsel vm1, v33, v3;
	v6 =	vsub.f32 v35, v6;
	v7 =	vsub.f32 v31, v7  }
0x113: {  	v0 =	vadd.f32 v2, v0;
	v3 =	vsel vm11, v27, v3;
	v11 =	vmul.f32 v11, v11  }
0x114: {  	v2 =	vadd.f32 v5, v8;
	v8 =	vld [tilespmem:$0x1FF30];
	v6 =	vmul.f32 v6, v6;
	v7 =	vmul.f32 v7, v7  }
0x115: {  	v3 =	vsub.f32 v54, v3;
	v4 =	vadd.f32 v4, v11;
	v11 =	vld [tilespmem:$0x1FFA0]  }
0x116: {  	v5 =	vadd.f32 v7, v6;
	v6 =	vld [tilespmem:$0x1FF40]  }
0x117: {  	v1 =	vmul.f32 v1, v1;
	v3 =	vmul.f32 v3, v3;
	v7 =	vld [tilespmem:$0x1FF50];
	vm12 =	vlt.f32 v4, v9  }
0x118: {  	v9 =	vsel vm12, v4, v9;
	v4 =	vld [tilespmem:$0x1FF60]  }
0x119: {  	v0 =	vadd.f32 v0, v1;
	v1 =	vadd.f32 v5, v3;
	v5 =	vld [tilespmem:$0x1FF70]  }
0x11a: {  	vm13 =	vlt.f32 v2, v8;
	v3 =	vld [tilespmem:$0x1FF80]  }
0x11b: {  	v8 =	vsel vm13, v2, v8;
	v2 =	vld [tilespmem:$0x1FF90];
	vm14 =	vlt.f32 v0, v6  }
0x11c: {  	p0 =	sne.s32 s14, $0x1;
	v6 =	vsel vm14, v0, v6;
	v0 =	vld [tilespmem:$0x1FFB0]  }
.Ltmp0:
0x11d: {  	_ = 	snop;
	(pc) =	sbr.rel @p0 .LBB2_3-.Ltmp0, $4  }
0x11e: {  	_ = 	snop  }
0x11f: {  	v7 =	vsel vm12, v10, v7  }
0x120: {  	v10 =	vadd.s32 $0x4, v10;
	v5 =	vsel vm13, v11, v5;
	vm15 =	vlt.f32 v1, v2  }
0x121: {  	s14 =	sadd.s32 $0xFFFFFFFF, s14;
	v2 =	vsel vm15, v1, v2;
	v4 =	vsel vm15, v21, v4;
	v3 =	vsel vm14, v0, v3  }
0x122: {  	vm0 =	vlt.f32 v8, v9;
	vm1 =	veq.f32 v8, v9;
	vm2 =	vlt.s32 v5, v7  }
0x123: {  	vm11 =	veq.f32 v2, v6;
	vm3 =	vlt.s32 v4, v3;
	vm1 =	vmand vm1, vm2  }
0x124: {  	vm13 =	vlt.f32 v2, v6;
	vm12 =	vmand vm11, vm3;
	vm0 =	vmor vm0, vm1  }
0x125: {  	vm1 =	vmor vm13, vm12;
	v0 =	vsel vm0, v8, v9  }
0x126: {  	s14 =	sshll.u32 s13, $0x4;
	s13 =	sadd.s32 $0x1, s13;
	v1 =	vsel vm0, v5, v7;
	v62 =	vsel vm1, v2, v6;
	v63 =	vsel vm1, v4, v3  }
0x127: {  	p0 =	sne.s32 s13, $0x3;
	vm14 =	veq.f32 v62, v0;
	vm1 =	vlt.s32 v63, v1  }
.Ltmp1:
0x128: {  	vm15 =	vlt.f32 v62, v0;
	vm0 =	vmand vm14, vm1;
	(pc) =	sbr.rel @p0 .LBB2_2-.Ltmp1, $4  }
0x129: {  	vm0 =	vmor vm15, vm0  }
0x12a: {  	v0 =	vsel vm0, v62, v0  }
0x12b: {  	v1 =	vsel vm0, v63, v1;
	[tilespmem:s14+$0x12100] =	vst v0  }
0x12c: {  	[tilespmem:s14+$0x12180] =	vst v1  }
0x12d: {  	[hbm4b:s5+s2] =	stream.linear.scatter [tilespmem:s10], [sflag:$0x1], $0x30, $0x38;
	[tilespmem:$0x12200] =	vst v63  }
0x12e: {  	s12 =	sadd.s32 $0x1, s12;
	_ =	swait.ge [sflag:s8], $0x30  }
0x12f: {  	p0 =	sne.s32 s12, s7;
	[sflag:s8] =	ssyncset.done $0x0  }
.Ltmp2:
0x130: {  	[sflag:s8] =	ssyncadd.s32 $0xFFFFFFD0;
	(pc) =	sbr.rel @p0 .LBB2_1-.Ltmp2, $4  }
0x131: {  	[hbm4b:s6+s2] =	stream.linear.scatter [tilespmem:s11], [sflag:$0x1], $0x30, $0x38;
	[tilespmem:$0x12200] =	vst v63  }
0x132: {  	_ =	swait.ge [sflag:s8], $0x30  }
0x133: {  	[sflag:s8] =	ssyncset.done $0x0  }
0x134: {  	[sflag:s8] =	ssyncadd.s32 $0xFFFFFFD0  }
0x135: {  	_ =	sfence.sel $0x180000  }
0x136: {  	[bflag:$0x0] =	sbarrier.arrive $0xFFFF  }
0x137: {  	p0 =	sne.s32 s0, $0x0;
	_ =	strace $0x9000004A  }
0x138: {  	s0 =	sadd.s32 @!p0 $0x100000, s1;
	[bflag:$0x2] =	sbarrier.arrive $0xFFFF  }
0x139: {  	[sflag:s0] =	ssyncadd.tile.s32 @!p0 $0x1;
	_ =	shalt  }
.Lfunc_end2:
_tile_overlayer_lowered:
.L_overlay_start_2:
0x13a: {  	(tag) =	ssettag $0x2  }
0x13b: {  	s0 =	rddreg [dreg:$0x0];
	s2 =	stileid.u32  }
0x13c: {  	s1 =	rddreg [dreg:$0x1];
	p0 =	sne.s32 s2, $0x0  }
0x13d: {  	s3 =	rddreg [dreg:$0x2];
	[bflag:$0x3] =	sbarrier.arrive $0xFFFF;
	s2 =	simm.s32 @!p0 $0x1C01  }
0x13e: {  	[timem:s3], [sflag:s2] =	dma.local @!p0 [hbm:s0], s1  }
0x13f: {  	s0 =	simm.s32 @!p0 $0x1  }
0x140: {  	_ =	swait.ge @!p0 [sflag:s0], s1  }
0x141: {  	s1 =	ssub.s32 @!p0 $0x0, s1;
	[sflag:s0] =	ssyncset.done @!p0 $0x0  }
0x142: {  	[sflag:s0] =	ssyncadd.s32 @!p0 s1  }
0x143: {  	[bflag:$0x3] =	sbarrier.arrive $0xFFFF  }
0x144: {  	_ =	shalt  }

</sc_bundles>
